<compile_context>
chip_gen: v7x
topology: tpu7x:2x2x1
jax: 0.10.2.dev20260603
libtpu: 0.0.44.dev20260713+nightly
codegen_flags: <defaults>
</compile_context>

<pallas_src>
import functools

import jax
import jax.numpy as jnp
from jax import lax
from jax.experimental import pallas as pl
from jax.experimental.pallas import tpu as pltpu
from jax.experimental.pallas import tpu_sc as plsc

NC = 2
NS = 16
L = 16
NW = NC * NS

B = 320000
D = 128
W = D // 2
V = 10000
C = 80
BPW = B // NW
NCHUNK = BPW // C

_mesh = plsc.VectorSubcoreMesh(core_axis_name="c", subcore_axis_name="s")


@functools.partial(
    pl.kernel,
    mesh=_mesh,
    out_type=jax.ShapeDtypeStruct((B,), jnp.float32),
    compiler_params=pltpu.CompilerParams(
        needs_layout_passes=False, use_tc_tiling_on_sc=False),
    scratch_types=[
        pltpu.VMEM_SHARED((V, W), jnp.int32),
        pltpu.VMEM_SHARED((V, W), jnp.int32),
        pltpu.VMEM((C,), jnp.int32),
        pltpu.VMEM((C,), jnp.int32),
        pltpu.VMEM((C,), jnp.int32),
        pltpu.VMEM((C,), jnp.int32),
        pltpu.VMEM((C, W), jnp.int32),
        pltpu.VMEM((C, W), jnp.int32),
        pltpu.VMEM((C, W), jnp.int32),
        pltpu.VMEM((C, W), jnp.int32),
        pltpu.VMEM((C,), jnp.float32),
        pltpu.VMEM((C,), jnp.float32),
        pltpu.VMEM((L, L + 1), jnp.float32),
        pltpu.SemaphoreType.DMA,
        pltpu.SemaphoreType.DMA,
        pltpu.SemaphoreType.DMA,
        pltpu.SemaphoreType.DMA,
        pltpu.SemaphoreType.DMA,
        pltpu.SemaphoreType.DMA,
        pltpu.SemaphoreType.DMA,
    ],
)
def _decode(xu_hbm, xm_hbm, ui_hbm, mi_hbm, out_hbm,
            su, sm, ui0, ui1, mi0, mi1, u0, u1, m0, m1, o0, o1, p_v,
            ss, si0, si1, sg0, sg1, so0, so1):
    ui = (ui0, ui1)
    mi = (mi0, mi1)
    uv = (u0, u1)
    mv = (m0, m1)
    ov = (o0, o1)
    si = (si0, si1)
    sg = (sg0, sg1)
    so = (so0, so1)

    sid = lax.axis_index("s")
    wid = sid * NC + lax.axis_index("c")
    base = wid * BPW

    @pl.when(sid == 0)
    def _():
        cp_u = pltpu.async_copy(xu_hbm, su, ss)
        cp_m = pltpu.async_copy(xm_hbm, sm, ss)
        cp_u.wait()
        cp_m.wait()

    plsc.subcore_barrier()

    def fire_idx(c, b):
        off = base + c * C
        pltpu.async_copy(ui_hbm.at[pl.ds(off, C)], ui[b], si[b])
        pltpu.async_copy(mi_hbm.at[pl.ds(off, C)], mi[b], si[b])

    def wait_idx(b):
        pltpu.make_async_copy(ui_hbm.at[pl.ds(0, C)], ui[b], si[b]).wait()
        pltpu.make_async_copy(mi_hbm.at[pl.ds(0, C)], mi[b], si[b]).wait()

    def fire_gather(b):
        pltpu.async_copy(su.at[ui[b]], uv[b], sg[b])
        pltpu.async_copy(sm.at[mi[b]], mv[b], sg[b])

    def wait_gather(b):
        pltpu.make_async_copy(su.at[ui[b]], uv[b], sg[b]).wait()
        pltpu.make_async_copy(sm.at[mi[b]], mv[b], sg[b]).wait()

    def fire_out(c, b):
        off = base + c * C
        pltpu.async_copy(ov[b], out_hbm.at[pl.ds(off, C)], so[b])

    def wait_out(b):
        pltpu.make_async_copy(ov[b], out_hbm.at[pl.ds(0, C)], so[b]).wait()

    lanes = lax.iota(jnp.int32, L)
    NJ = W // L

    def compute(b):
        u_v, m_v, o_v = uv[b], mv[b], ov[b]

        def edge_loads(e):
            return ([u_v[e, pl.ds(j * L, L)] for j in range(NJ)]
                    + [m_v[e, pl.ds(j * L, L)] for j in range(NJ)])

        def edge_sum(vals):
            prods = []
            for j in range(NJ):
                ub = plsc.bitcast(vals[j], jnp.bfloat16)
                mb = plsc.bitcast(vals[NJ + j], jnp.bfloat16)
                prods.append(ub * mb)
            halves = []
            for j in range(NJ // 2):
                lo, hi = plsc.unpack(prods[2 * j] + prods[2 * j + 1],
                                     format=plsc.PackFormat.INTERLEAVED)
                halves.append(lo)
                halves.append(hi)
            while len(halves) > 1:
                halves = [a + c for a, c in zip(halves[::2], halves[1::2])]
            return halves[0]

        def group_body(g, carry):
            e0 = g * L
            vals = edge_loads(e0)
            for k in range(L):
                nxt = edge_loads(e0 + k + 1) if k + 1 < L else None
                p_v[k, pl.ds(0, L)] = edge_sum(vals)
                vals = nxt
            cols = [
                plsc.load_gather(p_v, [lanes, jnp.full((L,), col, jnp.int32)])
                for col in range(L)
            ]
            while len(cols) > 1:
                cols = [a + c for a, c in zip(cols[::2], cols[1::2])]
            o_v[pl.ds(e0, L)] = cols[0]
            return carry

        lax.fori_loop(0, C // L, group_body, 0)

    fire_idx(0, 0)
    fire_idx(1, 1)
    wait_idx(0)
    fire_gather(0)

    def super_body(it, carry):
        for b in (0, 1):
            c = 2 * it + b
            nb = 1 - b
            wait_idx(nb)
            fire_gather(nb)
            wait_gather(b)
            fire_idx(jnp.minimum(c + 2, NCHUNK - 1), b)
            @pl.when(it > 0)
            def _():
                wait_out(b)
            compute(b)
            fire_out(c, b)
        return carry

    lax.fori_loop(0, (NCHUNK - 1) // 2, super_body, 0)

    wait_idx(1)
    wait_gather(0)
    wait_out(0)
    compute(0)
    fire_out(NCHUNK - 1, 0)
    wait_out(1)
    wait_out(0)


def kernel(x_user, x_movie, edge_label_index):
    idx = edge_label_index.astype(jnp.int32)
    xu = lax.bitcast_convert_type(
        x_user.astype(jnp.bfloat16).reshape(-1, W, 2), jnp.int32)
    xm = lax.bitcast_convert_type(
        x_movie.astype(jnp.bfloat16).reshape(-1, W, 2), jnp.int32)
    return _decode(xu, xm, idx[0], idx[1])

# --- scband reference (transcript-rebuilt; emitter-appended) ---
"""Pipeline reference for scband-inner-product-decoder-21818433863798 (READ-ONLY COPY).

The authoritative reference and input builder live on the scoring server;
editing this copy changes nothing except your own understanding.
"""

import jax, jax.numpy as jnp
import numpy as np


def setup_inputs(seed: int = 0) -> dict:
    key = jax.random.key(seed)
    k1, k2, k3 = jax.random.split(key, 3)
    x_user = jax.random.normal(k1, (10000, 128), dtype=jnp.float32)
    x_movie = jax.random.normal(k2, (10000, 128), dtype=jnp.float32)
    edge_label_index = jax.random.randint(k3, (2, 320000), 0, 10000, dtype=jnp.int64)
    return {"x_user": x_user, "x_movie": x_movie, "edge_label_index": edge_label_index}


def reference(x_user, x_movie, edge_label_index):
    # x_dict['user'][edge_label_index[0]] -> gather rows of user embeddings
    x_src = jnp.take(x_user, edge_label_index[0], axis=0)
    # x_dict['movie'][edge_label_index[1]] -> gather rows of movie embeddings
    x_dst = jnp.take(x_movie, edge_label_index[1], axis=0)
    # inner product per edge
    return (x_src * x_dst).sum(axis=-1)

if __name__ == "__main__":
    import jax
    _d = setup_inputs()
    print(jax.jit(kernel)(*tuple(_d.values())))

</pallas_src>

<mosaic_0001>
#map = affine_map<(d0, d1) -> (0, 0)>
#map1 = affine_map<(d0, d1) -> (0)>
module attributes {stable_mosaic.version = 14 : i64} {
  func.func @_decode(%arg0: i32, %arg1: i32, %arg2: memref<10000x64xi32, #tpu.memory_space<hbm>>, %arg3: memref<10000x64xi32, #tpu.memory_space<hbm>>, %arg4: memref<320000xi32, #tpu.memory_space<hbm>>, %arg5: memref<320000xi32, #tpu.memory_space<hbm>>, %arg6: memref<320000xf32, #tpu.memory_space<hbm>>, %arg7: memref<10000x64xi32, #tpu.memory_space<vmem_shared>>, %arg8: memref<10000x64xi32, #tpu.memory_space<vmem_shared>>, %arg9: memref<80xi32, #tpu.memory_space<vmem>>, %arg10: memref<80xi32, #tpu.memory_space<vmem>>, %arg11: memref<80xi32, #tpu.memory_space<vmem>>, %arg12: memref<80xi32, #tpu.memory_space<vmem>>, %arg13: memref<80x64xi32, #tpu.memory_space<vmem>>, %arg14: memref<80x64xi32, #tpu.memory_space<vmem>>, %arg15: memref<80x64xi32, #tpu.memory_space<vmem>>, %arg16: memref<80x64xi32, #tpu.memory_space<vmem>>, %arg17: memref<80xf32, #tpu.memory_space<vmem>>, %arg18: memref<80xf32, #tpu.memory_space<vmem>>, %arg19: memref<16x17xf32, #tpu.memory_space<vmem>>, %arg20: memref<!tpu.dma_semaphore, #tpu.memory_space<semaphore_mem>>, %arg21: memref<!tpu.dma_semaphore, #tpu.memory_space<semaphore_mem>>, %arg22: memref<!tpu.dma_semaphore, #tpu.memory_space<semaphore_mem>>, %arg23: memref<!tpu.dma_semaphore, #tpu.memory_space<semaphore_mem>>, %arg24: memref<!tpu.dma_semaphore, #tpu.memory_space<semaphore_mem>>, %arg25: memref<!tpu.dma_semaphore, #tpu.memory_space<semaphore_mem>>, %arg26: memref<!tpu.dma_semaphore, #tpu.memory_space<semaphore_mem>>) attributes {dimension_semantics = [#tpu.dimension_semantics<core_parallel>, #tpu.dimension_semantics<subcore_parallel>], iteration_bounds = array<i64: 2, 16>, scalar_prefetch = 0 : i64, scratch_operands = 20 : i64, tpu.core_type = #tpu.core_type<sc_vector_subcore>, window_params = [{transform_indices = #map}, {transform_indices = #map}, {transform_indices = #map1}, {transform_indices = #map1}, {transform_indices = #map1}]} {
    %mul3A = arith.constant 2 : i32
    %mul3A_0 = arith.muli %arg1, %mul3A : i32
    %add3A = arith.addi %mul3A_0, %arg0 : i32
    %mul3A_1 = arith.constant 10000 : i32
    %mul3A_2 = arith.muli %add3A, %mul3A_1 : i32
    %eq3A = arith.constant 0 : i32
    %eq3A_3 = arith.cmpi eq, %arg1, %eq3A : i32
    %convert_element_type3A = arith.extui %eq3A_3 : i1 to i32
    %cond3A = arith.constant 0 : i32
    %cond3A_4 = arith.cmpi ne, %convert_element_type3A, %cond3A : i32
    scf.if %cond3A_4 {
      tpu.enqueue_dma source(%arg2 : memref<10000x64xi32, #tpu.memory_space<hbm>>) target(%arg7 : memref<10000x64xi32, #tpu.memory_space<vmem_shared>>) target_semaphore(%arg20 : memref<!tpu.dma_semaphore, #tpu.memory_space<semaphore_mem>>)
      tpu.enqueue_dma source(%arg3 : memref<10000x64xi32, #tpu.memory_space<hbm>>) target(%arg8 : memref<10000x64xi32, #tpu.memory_space<vmem_shared>>) target_semaphore(%arg20 : memref<!tpu.dma_semaphore, #tpu.memory_space<semaphore_mem>>)
      tpu.wait_dma2 semaphore(%arg20 : memref<!tpu.dma_semaphore, #tpu.memory_space<semaphore_mem>>) src(%arg2 : memref<10000x64xi32, #tpu.memory_space<hbm>>) dst(%arg7 : memref<10000x64xi32, #tpu.memory_space<vmem_shared>>)
      tpu.wait_dma2 semaphore(%arg20 : memref<!tpu.dma_semaphore, #tpu.memory_space<semaphore_mem>>) src(%arg3 : memref<10000x64xi32, #tpu.memory_space<hbm>>) dst(%arg8 : memref<10000x64xi32, #tpu.memory_space<vmem_shared>>)
    } else {
    }
    %barrier3A = arith.constant 0 : index
    tpu.barrier barrier_id(%barrier3A)
    %iota3A = tpu.iota {dimensions = array<i32: 0>} : vector<16xi32>
    %add3A_5 = arith.constant 0 : i32
    %add3A_6 = arith.addi %mul3A_2, %add3A_5 : i32
    %dma_start3A = tpu.memref_slice %arg4[%add3A_6] : memref<320000xi32, #tpu.memory_space<hbm>> -> memref<80xi32, #tpu.memory_space<hbm>>
    %dma_start3A_7 = tpu.memref_slice %arg4[%add3A_6] : memref<320000xi32, #tpu.memory_space<hbm>> -> memref<80xi32, #tpu.memory_space<hbm>>
    tpu.enqueue_dma source(%dma_start3A_7 : memref<80xi32, #tpu.memory_space<hbm>>) target(%arg9 : memref<80xi32, #tpu.memory_space<vmem>>) target_semaphore(%arg21 : memref<!tpu.dma_semaphore, #tpu.memory_space<semaphore_mem>>)
    %dma_start3A_8 = tpu.memref_slice %arg5[%add3A_6] : memref<320000xi32, #tpu.memory_space<hbm>> -> memref<80xi32, #tpu.memory_space<hbm>>
    %dma_start3A_9 = tpu.memref_slice %arg5[%add3A_6] : memref<320000xi32, #tpu.memory_space<hbm>> -> memref<80xi32, #tpu.memory_space<hbm>>
    tpu.enqueue_dma source(%dma_start3A_9 : memref<80xi32, #tpu.memory_space<hbm>>) target(%arg11 : memref<80xi32, #tpu.memory_space<vmem>>) target_semaphore(%arg21 : memref<!tpu.dma_semaphore, #tpu.memory_space<semaphore_mem>>)
    %add3A_10 = arith.constant 80 : i32
    %add3A_11 = arith.addi %mul3A_2, %add3A_10 : i32
    %dma_start3A_12 = tpu.memref_slice %arg4[%add3A_11] : memref<320000xi32, #tpu.memory_space<hbm>> -> memref<80xi32, #tpu.memory_space<hbm>>
    %dma_start3A_13 = tpu.memref_slice %arg4[%add3A_11] : memref<320000xi32, #tpu.memory_space<hbm>> -> memref<80xi32, #tpu.memory_space<hbm>>
    tpu.enqueue_dma source(%dma_start3A_13 : memref<80xi32, #tpu.memory_space<hbm>>) target(%arg10 : memref<80xi32, #tpu.memory_space<vmem>>) target_semaphore(%arg22 : memref<!tpu.dma_semaphore, #tpu.memory_space<semaphore_mem>>)
    %dma_start3A_14 = tpu.memref_slice %arg5[%add3A_11] : memref<320000xi32, #tpu.memory_space<hbm>> -> memref<80xi32, #tpu.memory_space<hbm>>
    %dma_start3A_15 = tpu.memref_slice %arg5[%add3A_11] : memref<320000xi32, #tpu.memory_space<hbm>> -> memref<80xi32, #tpu.memory_space<hbm>>
    tpu.enqueue_dma source(%dma_start3A_15 : memref<80xi32, #tpu.memory_space<hbm>>) target(%arg12 : memref<80xi32, #tpu.memory_space<vmem>>) target_semaphore(%arg22 : memref<!tpu.dma_semaphore, #tpu.memory_space<semaphore_mem>>)
    %dma_wait3A = arith.constant 0 : i32
    %dma_wait3A_16 = tpu.memref_slice %arg4[%dma_wait3A] : memref<320000xi32, #tpu.memory_space<hbm>> -> memref<80xi32, #tpu.memory_space<hbm>>
    %dma_wait3A_17 = arith.constant 0 : i32
    %dma_wait3A_18 = tpu.memref_slice %arg4[%dma_wait3A_17] : memref<320000xi32, #tpu.memory_space<hbm>> -> memref<80xi32, #tpu.memory_space<hbm>>
    tpu.wait_dma2 semaphore(%arg21 : memref<!tpu.dma_semaphore, #tpu.memory_space<semaphore_mem>>) src(%dma_wait3A_18 : memref<80xi32, #tpu.memory_space<hbm>>) dst(%arg9 : memref<80xi32, #tpu.memory_space<vmem>>)
    %dma_wait3A_19 = arith.constant 0 : i32
    %dma_wait3A_20 = tpu.memref_slice %arg5[%dma_wait3A_19] : memref<320000xi32, #tpu.memory_space<hbm>> -> memref<80xi32, #tpu.memory_space<hbm>>
    %dma_wait3A_21 = arith.constant 0 : i32
    %dma_wait3A_22 = tpu.memref_slice %arg5[%dma_wait3A_21] : memref<320000xi32, #tpu.memory_space<hbm>> -> memref<80xi32, #tpu.memory_space<hbm>>
    tpu.wait_dma2 semaphore(%arg21 : memref<!tpu.dma_semaphore, #tpu.memory_space<semaphore_mem>>) src(%dma_wait3A_22 : memref<80xi32, #tpu.memory_space<hbm>>) dst(%arg11 : memref<80xi32, #tpu.memory_space<vmem>>)
    %dma_start3A_23 = arith.constant 0 : i32
    %dma_start3A_24 = arith.constant 0 : i32
    %dma_start3A_25 = tpu.memref_slice %arg7[%dma_start3A_23, %dma_start3A_24] : memref<10000x64xi32, #tpu.memory_space<vmem_shared>> -> memref<10000x64xi32, #tpu.memory_space<vmem_shared>>
    tpu.enqueue_indirect_dma source(%dma_start3A_25 : memref<10000x64xi32, #tpu.memory_space<vmem_shared>>) target(%arg13 : memref<80x64xi32, #tpu.memory_space<vmem>>) offsets(%arg9 : memref<80xi32, #tpu.memory_space<vmem>>) semaphore(%arg23 : memref<!tpu.dma_semaphore, #tpu.memory_space<semaphore_mem>>)
    %dma_start3A_26 = arith.constant 0 : i32
    %dma_start3A_27 = arith.constant 0 : i32
    %dma_start3A_28 = tpu.memref_slice %arg8[%dma_start3A_26, %dma_start3A_27] : memref<10000x64xi32, #tpu.memory_space<vmem_shared>> -> memref<10000x64xi32, #tpu.memory_space<vmem_shared>>
    tpu.enqueue_indirect_dma source(%dma_start3A_28 : memref<10000x64xi32, #tpu.memory_space<vmem_shared>>) target(%arg15 : memref<80x64xi32, #tpu.memory_space<vmem>>) offsets(%arg11 : memref<80xi32, #tpu.memory_space<vmem>>) semaphore(%arg23 : memref<!tpu.dma_semaphore, #tpu.memory_space<semaphore_mem>>)
    %scan3A = arith.constant 0 : i32
    %scan3A_29 = arith.constant 0 : i32
    %scan3A_30 = arith.constant 62 : i32
    %scan3A_31 = arith.addi %scan3A_29, %scan3A_30 : i32
    %scan3A_32 = arith.constant 1 : i32
    scf.for %scan3A_70 = %scan3A_29 to %scan3A_31 step %scan3A_32  : i32 {
      %mul3A_71 = arith.constant 2 : i32
      %mul3A_72 = arith.muli %mul3A_71, %scan3A_70 : i32
      %add3A_73 = arith.constant 0 : i32
      %add3A_74 = arith.addi %mul3A_72, %add3A_73 : i32
      %dma_wait3A_75 = arith.constant 0 : i32
      %dma_wait3A_76 = tpu.memref_slice %arg4[%dma_wait3A_75] : memref<320000xi32, #tpu.memory_space<hbm>> -> memref<80xi32, #tpu.memory_space<hbm>>
      %dma_wait3A_77 = arith.constant 0 : i32
      %dma_wait3A_78 = tpu.memref_slice %arg4[%dma_wait3A_77] : memref<320000xi32, #tpu.memory_space<hbm>> -> memref<80xi32, #tpu.memory_space<hbm>>
      tpu.wait_dma2 semaphore(%arg22 : memref<!tpu.dma_semaphore, #tpu.memory_space<semaphore_mem>>) src(%dma_wait3A_78 : memref<80xi32, #tpu.memory_space<hbm>>) dst(%arg10 : memref<80xi32, #tpu.memory_space<vmem>>)
      %dma_wait3A_79 = arith.constant 0 : i32
      %dma_wait3A_80 = tpu.memref_slice %arg5[%dma_wait3A_79] : memref<320000xi32, #tpu.memory_space<hbm>> -> memref<80xi32, #tpu.memory_space<hbm>>
      %dma_wait3A_81 = arith.constant 0 : i32
      %dma_wait3A_82 = tpu.memref_slice %arg5[%dma_wait3A_81] : memref<320000xi32, #tpu.memory_space<hbm>> -> memref<80xi32, #tpu.memory_space<hbm>>
      tpu.wait_dma2 semaphore(%arg22 : memref<!tpu.dma_semaphore, #tpu.memory_space<semaphore_mem>>) src(%dma_wait3A_82 : memref<80xi32, #tpu.memory_space<hbm>>) dst(%arg12 : memref<80xi32, #tpu.memory_space<vmem>>)
      %dma_start3A_83 = arith.constant 0 : i32
      %dma_start3A_84 = arith.constant 0 : i32
      %dma_start3A_85 = tpu.memref_slice %arg7[%dma_start3A_83, %dma_start3A_84] : memref<10000x64xi32, #tpu.memory_space<vmem_shared>> -> memref<10000x64xi32, #tpu.memory_space<vmem_shared>>
      tpu.enqueue_indirect_dma source(%dma_start3A_85 : memref<10000x64xi32, #tpu.memory_space<vmem_shared>>) target(%arg14 : memref<80x64xi32, #tpu.memory_space<vmem>>) offsets(%arg10 : memref<80xi32, #tpu.memory_space<vmem>>) semaphore(%arg24 : memref<!tpu.dma_semaphore, #tpu.memory_space<semaphore_mem>>)
      %dma_start3A_86 = arith.constant 0 : i32
      %dma_start3A_87 = arith.constant 0 : i32
      %dma_start3A_88 = tpu.memref_slice %arg8[%dma_start3A_86, %dma_start3A_87] : memref<10000x64xi32, #tpu.memory_space<vmem_shared>> -> memref<10000x64xi32, #tpu.memory_space<vmem_shared>>
      tpu.enqueue_indirect_dma source(%dma_start3A_88 : memref<10000x64xi32, #tpu.memory_space<vmem_shared>>) target(%arg16 : memref<80x64xi32, #tpu.memory_space<vmem>>) offsets(%arg12 : memref<80xi32, #tpu.memory_space<vmem>>) semaphore(%arg24 : memref<!tpu.dma_semaphore, #tpu.memory_space<semaphore_mem>>)
      %dma_wait3A_89 = arith.constant 0 : i32
      %dma_wait3A_90 = arith.constant 0 : i32
      %dma_wait3A_91 = tpu.memref_slice %arg7[%dma_wait3A_89, %dma_wait3A_90] : memref<10000x64xi32, #tpu.memory_space<vmem_shared>> -> memref<10000x64xi32, #tpu.memory_space<vmem_shared>>
      tpu.wait_indirect_dma semaphore(%arg23 : memref<!tpu.dma_semaphore, #tpu.memory_space<semaphore_mem>>) src(%dma_wait3A_91 : memref<10000x64xi32, #tpu.memory_space<vmem_shared>>) dst(%arg13 : memref<80x64xi32, #tpu.memory_space<vmem>>)
      %dma_wait3A_92 = arith.constant 0 : i32
      %dma_wait3A_93 = arith.constant 0 : i32
      %dma_wait3A_94 = tpu.memref_slice %arg8[%dma_wait3A_92, %dma_wait3A_93] : memref<10000x64xi32, #tpu.memory_space<vmem_shared>> -> memref<10000x64xi32, #tpu.memory_space<vmem_shared>>
      tpu.wait_indirect_dma semaphore(%arg23 : memref<!tpu.dma_semaphore, #tpu.memory_space<semaphore_mem>>) src(%dma_wait3A_94 : memref<10000x64xi32, #tpu.memory_space<vmem_shared>>) dst(%arg15 : memref<80x64xi32, #tpu.memory_space<vmem>>)
      %add3A_95 = arith.constant 2 : i32
      %add3A_96 = arith.addi %add3A_74, %add3A_95 : i32
      %min3A = arith.constant 124 : i32
      %min3A_97 = arith.minsi %add3A_96, %min3A : i32
      %mul3A_98 = arith.constant 80 : i32
      %mul3A_99 = arith.muli %min3A_97, %mul3A_98 : i32
      %add3A_100 = arith.addi %mul3A_2, %mul3A_99 : i32
      %dma_start3A_101 = tpu.memref_slice %arg4[%add3A_100] : memref<320000xi32, #tpu.memory_space<hbm>> -> memref<80xi32, #tpu.memory_space<hbm>>
      %dma_start3A_102 = tpu.memref_slice %arg4[%add3A_100] : memref<320000xi32, #tpu.memory_space<hbm>> -> memref<80xi32, #tpu.memory_space<hbm>>
      tpu.enqueue_dma source(%dma_start3A_102 : memref<80xi32, #tpu.memory_space<hbm>>) target(%arg9 : memref<80xi32, #tpu.memory_space<vmem>>) target_semaphore(%arg21 : memref<!tpu.dma_semaphore, #tpu.memory_space<semaphore_mem>>)
      %dma_start3A_103 = tpu.memref_slice %arg5[%add3A_100] : memref<320000xi32, #tpu.memory_space<hbm>> -> memref<80xi32, #tpu.memory_space<hbm>>
      %dma_start3A_104 = tpu.memref_slice %arg5[%add3A_100] : memref<320000xi32, #tpu.memory_space<hbm>> -> memref<80xi32, #tpu.memory_space<hbm>>
      tpu.enqueue_dma source(%dma_start3A_104 : memref<80xi32, #tpu.memory_space<hbm>>) target(%arg11 : memref<80xi32, #tpu.memory_space<vmem>>) target_semaphore(%arg21 : memref<!tpu.dma_semaphore, #tpu.memory_space<semaphore_mem>>)
      %gt3A = arith.constant 0 : i32
      %gt3A_105 = arith.cmpi sgt, %scan3A_70, %gt3A : i32
      %convert_element_type3A_106 = arith.extui %gt3A_105 : i1 to i32
      %cond3A_107 = arith.constant 0 : i32
      %cond3A_108 = arith.cmpi ne, %convert_element_type3A_106, %cond3A_107 : i32
      scf.if %cond3A_108 {
        %dma_wait3A_171 = arith.constant 0 : i32
        %dma_wait3A_172 = tpu.memref_slice %arg6[%dma_wait3A_171] : memref<320000xf32, #tpu.memory_space<hbm>> -> memref<80xf32, #tpu.memory_space<hbm>>
        %dma_wait3A_173 = arith.constant 0 : i32
        %dma_wait3A_174 = tpu.memref_slice %arg6[%dma_wait3A_173] : memref<320000xf32, #tpu.memory_space<hbm>> -> memref<80xf32, #tpu.memory_space<hbm>>
        tpu.wait_dma2 semaphore(%arg25 : memref<!tpu.dma_semaphore, #tpu.memory_space<semaphore_mem>>) src(%arg17 : memref<80xf32, #tpu.memory_space<vmem>>) dst(%dma_wait3A_174 : memref<80xf32, #tpu.memory_space<hbm>>)
      } else {
      }
      %scan3A_109 = arith.constant 0 : i32
      %scan3A_110 = arith.constant 0 : i32
      %scan3A_111 = arith.constant 5 : i32
      %scan3A_112 = arith.addi %scan3A_110, %scan3A_111 : i32
      %scan3A_113 = arith.constant 1 : i32
      scf.for %scan3A_171 = %scan3A_110 to %scan3A_112 step %scan3A_113  : i32 {
        %mul3A_172 = arith.constant 16 : i32
        %mul3A_173 = arith.muli %scan3A_171, %mul3A_172 : i32
        %get3A = arith.index_cast %mul3A_173 : i32 to index
        %get3A_174 = arith.constant 0 : index
        %get3A_175 = tpu.vector_load %arg13[%get3A, %get3A_174] {strides = array<i32>} : memref<80x64xi32, #tpu.memory_space<vmem>>, vector<16xi32>,
        %get3A_176 = arith.index_cast %mul3A_173 : i32 to index
        %get3A_177 = arith.constant 16 : index
        %get3A_178 = tpu.vector_load %arg13[%get3A_176, %get3A_177] {strides = array<i32>} : memref<80x64xi32, #tpu.memory_space<vmem>>, vector<16xi32>,
        %get3A_179 = arith.index_cast %mul3A_173 : i32 to index
        %get3A_180 = arith.constant 32 : index
        %get3A_181 = tpu.vector_load %arg13[%get3A_179, %get3A_180] {strides = array<i32>} : memref<80x64xi32, #tpu.memory_space<vmem>>, vector<16xi32>,
        %get3A_182 = arith.index_cast %mul3A_173 : i32 to index
        %get3A_183 = arith.constant 48 : index
        %get3A_184 = tpu.vector_load %arg13[%get3A_182, %get3A_183] {strides = array<i32>} : memref<80x64xi32, #tpu.memory_space<vmem>>, vector<16xi32>,
        %get3A_185 = arith.index_cast %mul3A_173 : i32 to index
        %get3A_186 = arith.constant 0 : index
        %get3A_187 = tpu.vector_load %arg15[%get3A_185, %get3A_186] {strides = array<i32>} : memref<80x64xi32, #tpu.memory_space<vmem>>, vector<16xi32>,
        %get3A_188 = arith.index_cast %mul3A_173 : i32 to index
        %get3A_189 = arith.constant 16 : index
        %get3A_190 = tpu.vector_load %arg15[%get3A_188, %get3A_189] {strides = array<i32>} : memref<80x64xi32, #tpu.memory_space<vmem>>, vector<16xi32>,
        %get3A_191 = arith.index_cast %mul3A_173 : i32 to index
        %get3A_192 = arith.constant 32 : index
        %get3A_193 = tpu.vector_load %arg15[%get3A_191, %get3A_192] {strides = array<i32>} : memref<80x64xi32, #tpu.memory_space<vmem>>, vector<16xi32>,
        %get3A_194 = arith.index_cast %mul3A_173 : i32 to index
        %get3A_195 = arith.constant 48 : index
        %get3A_196 = tpu.vector_load %arg15[%get3A_194, %get3A_195] {strides = array<i32>} : memref<80x64xi32, #tpu.memory_space<vmem>>, vector<16xi32>,
        %add3A_197 = arith.constant 0 : i32
        %add3A_198 = arith.addi %mul3A_173, %add3A_197 : i32
        %add3A_199 = arith.constant 1 : i32
        %add3A_200 = arith.addi %add3A_198, %add3A_199 : i32
        %get3A_201 = arith.index_cast %add3A_200 : i32 to index
        %get3A_202 = arith.constant 0 : index
        %get3A_203 = tpu.vector_load %arg13[%get3A_201, %get3A_202] {strides = array<i32>} : memref<80x64xi32, #tpu.memory_space<vmem>>, vector<16xi32>,
        %get3A_204 = arith.index_cast %add3A_200 : i32 to index
        %get3A_205 = arith.constant 16 : index
        %get3A_206 = tpu.vector_load %arg13[%get3A_204, %get3A_205] {strides = array<i32>} : memref<80x64xi32, #tpu.memory_space<vmem>>, vector<16xi32>,
        %get3A_207 = arith.index_cast %add3A_200 : i32 to index
        %get3A_208 = arith.constant 32 : index
        %get3A_209 = tpu.vector_load %arg13[%get3A_207, %get3A_208] {strides = array<i32>} : memref<80x64xi32, #tpu.memory_space<vmem>>, vector<16xi32>,
        %get3A_210 = arith.index_cast %add3A_200 : i32 to index
        %get3A_211 = arith.constant 48 : index
        %get3A_212 = tpu.vector_load %arg13[%get3A_210, %get3A_211] {strides = array<i32>} : memref<80x64xi32, #tpu.memory_space<vmem>>, vector<16xi32>,
        %get3A_213 = arith.index_cast %add3A_200 : i32 to index
        %get3A_214 = arith.constant 0 : index
        %get3A_215 = tpu.vector_load %arg15[%get3A_213, %get3A_214] {strides = array<i32>} : memref<80x64xi32, #tpu.memory_space<vmem>>, vector<16xi32>,
        %get3A_216 = arith.index_cast %add3A_200 : i32 to index
        %get3A_217 = arith.constant 16 : index
        %get3A_218 = tpu.vector_load %arg15[%get3A_216, %get3A_217] {strides = array<i32>} : memref<80x64xi32, #tpu.memory_space<vmem>>, vector<16xi32>,
        %get3A_219 = arith.index_cast %add3A_200 : i32 to index
        %get3A_220 = arith.constant 32 : index
        %get3A_221 = tpu.vector_load %arg15[%get3A_219, %get3A_220] {strides = array<i32>} : memref<80x64xi32, #tpu.memory_space<vmem>>, vector<16xi32>,
        %get3A_222 = arith.index_cast %add3A_200 : i32 to index
        %get3A_223 = arith.constant 48 : index
        %get3A_224 = tpu.vector_load %arg15[%get3A_222, %get3A_223] {strides = array<i32>} : memref<80x64xi32, #tpu.memory_space<vmem>>, vector<16xi32>,
        %bitcast3A = vector.bitcast %get3A_175 : vector<16xi32> to vector<32xbf16>
        %bitcast3A_225 = vector.bitcast %get3A_187 : vector<16xi32> to vector<32xbf16>
        %mul3A_226 = arith.mulf %bitcast3A, %bitcast3A_225 : vector<32xbf16>
        %bitcast3A_227 = vector.bitcast %get3A_178 : vector<16xi32> to vector<32xbf16>
        %bitcast3A_228 = vector.bitcast %get3A_190 : vector<16xi32> to vector<32xbf16>
        %mul3A_229 = arith.mulf %bitcast3A_227, %bitcast3A_228 : vector<32xbf16>
        %bitcast3A_230 = vector.bitcast %get3A_181 : vector<16xi32> to vector<32xbf16>
        %bitcast3A_231 = vector.bitcast %get3A_193 : vector<16xi32> to vector<32xbf16>
        %mul3A_232 = arith.mulf %bitcast3A_230, %bitcast3A_231 : vector<32xbf16>
        %bitcast3A_233 = vector.bitcast %get3A_184 : vector<16xi32> to vector<32xbf16>
        %bitcast3A_234 = vector.bitcast %get3A_196 : vector<16xi32> to vector<32xbf16>
        %mul3A_235 = arith.mulf %bitcast3A_233, %bitcast3A_234 : vector<32xbf16>
        %add3A_236 = arith.addf %mul3A_226, %mul3A_229 : vector<32xbf16>
        %unpack3A = tpu.unpack_subelements %add3A_236, 0 {pack_format = #tpu.pack_format<interleaved>} : vector<32xbf16> -> vector<16xf32>
        %unpack3A_237 = tpu.unpack_subelements %add3A_236, 1 {pack_format = #tpu.pack_format<interleaved>} : vector<32xbf16> -> vector<16xf32>
        %add3A_238 = arith.addf %mul3A_232, %mul3A_235 : vector<32xbf16>
        %unpack3A_239 = tpu.unpack_subelements %add3A_238, 0 {pack_format = #tpu.pack_format<interleaved>} : vector<32xbf16> -> vector<16xf32>
        %unpack3A_240 = tpu.unpack_subelements %add3A_238, 1 {pack_format = #tpu.pack_format<interleaved>} : vector<32xbf16> -> vector<16xf32>
        %add3A_241 = arith.addf %unpack3A, %unpack3A_237 : vector<16xf32>
        %add3A_242 = arith.addf %unpack3A_239, %unpack3A_240 : vector<16xf32>
        %add3A_243 = arith.addf %add3A_241, %add3A_242 : vector<16xf32>
        %swap3A = arith.constant 0 : i32
        %swap3A_244 = arith.index_cast %swap3A : i32 to index
        %swap3A_245 = arith.constant 0 : index
        %swap3A_246 = tpu.vector_load %arg19[%swap3A_244, %swap3A_245] {strides = array<i32>} : memref<16x17xf32, #tpu.memory_space<vmem>>, vector<16xf32>,
        tpu.vector_store %arg19[%swap3A_244, %swap3A_245], %add3A_243 {strides = array<i32>} : memref<16x17xf32, #tpu.memory_space<vmem>>, vector<16xf32>,
        %add3A_247 = arith.constant 1 : i32
        %add3A_248 = arith.addi %mul3A_173, %add3A_247 : i32
        %add3A_249 = arith.constant 1 : i32
        %add3A_250 = arith.addi %add3A_248, %add3A_249 : i32
        %get3A_251 = arith.index_cast %add3A_250 : i32 to index
        %get3A_252 = arith.constant 0 : index
        %get3A_253 = tpu.vector_load %arg13[%get3A_251, %get3A_252] {strides = array<i32>} : memref<80x64xi32, #tpu.memory_space<vmem>>, vector<16xi32>,
        %get3A_254 = arith.index_cast %add3A_250 : i32 to index
        %get3A_255 = arith.constant 16 : index
        %get3A_256 = tpu.vector_load %arg13[%get3A_254, %get3A_255] {strides = array<i32>} : memref<80x64xi32, #tpu.memory_space<vmem>>, vector<16xi32>,
        %get3A_257 = arith.index_cast %add3A_250 : i32 to index
        %get3A_258 = arith.constant 32 : index
        %get3A_259 = tpu.vector_load %arg13[%get3A_257, %get3A_258] {strides = array<i32>} : memref<80x64xi32, #tpu.memory_space<vmem>>, vector<16xi32>,
        %get3A_260 = arith.index_cast %add3A_250 : i32 to index
        %get3A_261 = arith.constant 48 : index
        %get3A_262 = tpu.vector_load %arg13[%get3A_260, %get3A_261] {strides = array<i32>} : memref<80x64xi32, #tpu.memory_space<vmem>>, vector<16xi32>,
        %get3A_263 = arith.index_cast %add3A_250 : i32 to index
        %get3A_264 = arith.constant 0 : index
        %get3A_265 = tpu.vector_load %arg15[%get3A_263, %get3A_264] {strides = array<i32>} : memref<80x64xi32, #tpu.memory_space<vmem>>, vector<16xi32>,
        %get3A_266 = arith.index_cast %add3A_250 : i32 to index
        %get3A_267 = arith.constant 16 : index
        %get3A_268 = tpu.vector_load %arg15[%get3A_266, %get3A_267] {strides = array<i32>} : memref<80x64xi32, #tpu.memory_space<vmem>>, vector<16xi32>,
        %get3A_269 = arith.index_cast %add3A_250 : i32 to index
        %get3A_270 = arith.constant 32 : index
        %get3A_271 = tpu.vector_load %arg15[%get3A_269, %get3A_270] {strides = array<i32>} : memref<80x64xi32, #tpu.memory_space<vmem>>, vector<16xi32>,
        %get3A_272 = arith.index_cast %add3A_250 : i32 to index
        %get3A_273 = arith.constant 48 : index
        %get3A_274 = tpu.vector_load %arg15[%get3A_272, %get3A_273] {strides = array<i32>} : memref<80x64xi32, #tpu.memory_space<vmem>>, vector<16xi32>,
        %bitcast3A_275 = vector.bitcast %get3A_203 : vector<16xi32> to vector<32xbf16>
        %bitcast3A_276 = vector.bitcast %get3A_215 : vector<16xi32> to vector<32xbf16>
        %mul3A_277 = arith.mulf %bitcast3A_275, %bitcast3A_276 : vector<32xbf16>
        %bitcast3A_278 = vector.bitcast %get3A_206 : vector<16xi32> to vector<32xbf16>
        %bitcast3A_279 = vector.bitcast %get3A_218 : vector<16xi32> to vector<32xbf16>
        %mul3A_280 = arith.mulf %bitcast3A_278, %bitcast3A_279 : vector<32xbf16>
        %bitcast3A_281 = vector.bitcast %get3A_209 : vector<16xi32> to vector<32xbf16>
        %bitcast3A_282 = vector.bitcast %get3A_221 : vector<16xi32> to vector<32xbf16>
        %mul3A_283 = arith.mulf %bitcast3A_281, %bitcast3A_282 : vector<32xbf16>
        %bitcast3A_284 = vector.bitcast %get3A_212 : vector<16xi32> to vector<32xbf16>
        %bitcast3A_285 = vector.bitcast %get3A_224 : vector<16xi32> to vector<32xbf16>
        %mul3A_286 = arith.mulf %bitcast3A_284, %bitcast3A_285 : vector<32xbf16>
        %add3A_287 = arith.addf %mul3A_277, %mul3A_280 : vector<32xbf16>
        %unpack3A_288 = tpu.unpack_subelements %add3A_287, 0 {pack_format = #tpu.pack_format<interleaved>} : vector<32xbf16> -> vector<16xf32>
        %unpack3A_289 = tpu.unpack_subelements %add3A_287, 1 {pack_format = #tpu.pack_format<interleaved>} : vector<32xbf16> -> vector<16xf32>
        %add3A_290 = arith.addf %mul3A_283, %mul3A_286 : vector<32xbf16>
        %unpack3A_291 = tpu.unpack_subelements %add3A_290, 0 {pack_format = #tpu.pack_format<interleaved>} : vector<32xbf16> -> vector<16xf32>
        %unpack3A_292 = tpu.unpack_subelements %add3A_290, 1 {pack_format = #tpu.pack_format<interleaved>} : vector<32xbf16> -> vector<16xf32>
        %add3A_293 = arith.addf %unpack3A_288, %unpack3A_289 : vector<16xf32>
        %add3A_294 = arith.addf %unpack3A_291, %unpack3A_292 : vector<16xf32>
        %add3A_295 = arith.addf %add3A_293, %add3A_294 : vector<16xf32>
        %swap3A_296 = arith.constant 1 : i32
        %swap3A_297 = arith.index_cast %swap3A_296 : i32 to index
        %swap3A_298 = arith.constant 0 : index
        %swap3A_299 = tpu.vector_load %arg19[%swap3A_297, %swap3A_298] {strides = array<i32>} : memref<16x17xf32, #tpu.memory_space<vmem>>, vector<16xf32>,
        tpu.vector_store %arg19[%swap3A_297, %swap3A_298], %add3A_295 {strides = array<i32>} : memref<16x17xf32, #tpu.memory_space<vmem>>, vector<16xf32>,
        %add3A_300 = arith.constant 2 : i32
        %add3A_301 = arith.addi %mul3A_173, %add3A_300 : i32
        %add3A_302 = arith.constant 1 : i32
        %add3A_303 = arith.addi %add3A_301, %add3A_302 : i32
        %get3A_304 = arith.index_cast %add3A_303 : i32 to index
        %get3A_305 = arith.constant 0 : index
        %get3A_306 = tpu.vector_load %arg13[%get3A_304, %get3A_305] {strides = array<i32>} : memref<80x64xi32, #tpu.memory_space<vmem>>, vector<16xi32>,
        %get3A_307 = arith.index_cast %add3A_303 : i32 to index
        %get3A_308 = arith.constant 16 : index
        %get3A_309 = tpu.vector_load %arg13[%get3A_307, %get3A_308] {strides = array<i32>} : memref<80x64xi32, #tpu.memory_space<vmem>>, vector<16xi32>,
        %get3A_310 = arith.index_cast %add3A_303 : i32 to index
        %get3A_311 = arith.constant 32 : index
        %get3A_312 = tpu.vector_load %arg13[%get3A_310, %get3A_311] {strides = array<i32>} : memref<80x64xi32, #tpu.memory_space<vmem>>, vector<16xi32>,
        %get3A_313 = arith.index_cast %add3A_303 : i32 to index
        %get3A_314 = arith.constant 48 : index
        %get3A_315 = tpu.vector_load %arg13[%get3A_313, %get3A_314] {strides = array<i32>} : memref<80x64xi32, #tpu.memory_space<vmem>>, vector<16xi32>,
        %get3A_316 = arith.index_cast %add3A_303 : i32 to index
        %get3A_317 = arith.constant 0 : index
        %get3A_318 = tpu.vector_load %arg15[%get3A_316, %get3A_317] {strides = array<i32>} : memref<80x64xi32, #tpu.memory_space<vmem>>, vector<16xi32>,
        %get3A_319 = arith.index_cast %add3A_303 : i32 to index
        %get3A_320 = arith.constant 16 : index
        %get3A_321 = tpu.vector_load %arg15[%get3A_319, %get3A_320] {strides = array<i32>} : memref<80x64xi32, #tpu.memory_space<vmem>>, vector<16xi32>,
        %get3A_322 = arith.index_cast %add3A_303 : i32 to index
        %get3A_323 = arith.constant 32 : index
        %get3A_324 = tpu.vector_load %arg15[%get3A_322, %get3A_323] {strides = array<i32>} : memref<80x64xi32, #tpu.memory_space<vmem>>, vector<16xi32>,
        %get3A_325 = arith.index_cast %add3A_303 : i32 to index
        %get3A_326 = arith.constant 48 : index
        %get3A_327 = tpu.vector_load %arg15[%get3A_325, %get3A_326] {strides = array<i32>} : memref<80x64xi32, #tpu.memory_space<vmem>>, vector<16xi32>,
        %bitcast3A_328 = vector.bitcast %get3A_253 : vector<16xi32> to vector<32xbf16>
        %bitcast3A_329 = vector.bitcast %get3A_265 : vector<16xi32> to vector<32xbf16>
        %mul3A_330 = arith.mulf %bitcast3A_328, %bitcast3A_329 : vector<32xbf16>
        %bitcast3A_331 = vector.bitcast %get3A_256 : vector<16xi32> to vector<32xbf16>
        %bitcast3A_332 = vector.bitcast %get3A_268 : vector<16xi32> to vector<32xbf16>
        %mul3A_333 = arith.mulf %bitcast3A_331, %bitcast3A_332 : vector<32xbf16>
        %bitcast3A_334 = vector.bitcast %get3A_259 : vector<16xi32> to vector<32xbf16>
        %bitcast3A_335 = vector.bitcast %get3A_271 : vector<16xi32> to vector<32xbf16>
        %mul3A_336 = arith.mulf %bitcast3A_334, %bitcast3A_335 : vector<32xbf16>
        %bitcast3A_337 = vector.bitcast %get3A_262 : vector<16xi32> to vector<32xbf16>
        %bitcast3A_338 = vector.bitcast %get3A_274 : vector<16xi32> to vector<32xbf16>
        %mul3A_339 = arith.mulf %bitcast3A_337, %bitcast3A_338 : vector<32xbf16>
        %add3A_340 = arith.addf %mul3A_330, %mul3A_333 : vector<32xbf16>
        %unpack3A_341 = tpu.unpack_subelements %add3A_340, 0 {pack_format = #tpu.pack_format<interleaved>} : vector<32xbf16> -> vector<16xf32>
        %unpack3A_342 = tpu.unpack_subelements %add3A_340, 1 {pack_format = #tpu.pack_format<interleaved>} : vector<32xbf16> -> vector<16xf32>
        %add3A_343 = arith.addf %mul3A_336, %mul3A_339 : vector<32xbf16>
        %unpack3A_344 = tpu.unpack_subelements %add3A_343, 0 {pack_format = #tpu.pack_format<interleaved>} : vector<32xbf16> -> vector<16xf32>
        %unpack3A_345 = tpu.unpack_subelements %add3A_343, 1 {pack_format = #tpu.pack_format<interleaved>} : vector<32xbf16> -> vector<16xf32>
        %add3A_346 = arith.addf %unpack3A_341, %unpack3A_342 : vector<16xf32>
        %add3A_347 = arith.addf %unpack3A_344, %unpack3A_345 : vector<16xf32>
        %add3A_348 = arith.addf %add3A_346, %add3A_347 : vector<16xf32>
        %swap3A_349 = arith.constant 2 : i32
        %swap3A_350 = arith.index_cast %swap3A_349 : i32 to index
        %swap3A_351 = arith.constant 0 : index
        %swap3A_352 = tpu.vector_load %arg19[%swap3A_350, %swap3A_351] {strides = array<i32>} : memref<16x17xf32, #tpu.memory_space<vmem>>, vector<16xf32>,
        tpu.vector_store %arg19[%swap3A_350, %swap3A_351], %add3A_348 {strides = array<i32>} : memref<16x17xf32, #tpu.memory_space<vmem>>, vector<16xf32>,
        %add3A_353 = arith.constant 3 : i32
        %add3A_354 = arith.addi %mul3A_173, %add3A_353 : i32
        %add3A_355 = arith.constant 1 : i32
        %add3A_356 = arith.addi %add3A_354, %add3A_355 : i32
        %get3A_357 = arith.index_cast %add3A_356 : i32 to index
        %get3A_358 = arith.constant 0 : index
        %get3A_359 = tpu.vector_load %arg13[%get3A_357, %get3A_358] {strides = array<i32>} : memref<80x64xi32, #tpu.memory_space<vmem>>, vector<16xi32>,
        %get3A_360 = arith.index_cast %add3A_356 : i32 to index
        %get3A_361 = arith.constant 16 : index
        %get3A_362 = tpu.vector_load %arg13[%get3A_360, %get3A_361] {strides = array<i32>} : memref<80x64xi32, #tpu.memory_space<vmem>>, vector<16xi32>,
        %get3A_363 = arith.index_cast %add3A_356 : i32 to index
        %get3A_364 = arith.constant 32 : index
        %get3A_365 = tpu.vector_load %arg13[%get3A_363, %get3A_364] {strides = array<i32>} : memref<80x64xi32, #tpu.memory_space<vmem>>, vector<16xi32>,
        %get3A_366 = arith.index_cast %add3A_356 : i32 to index
        %get3A_367 = arith.constant 48 : index
        %get3A_368 = tpu.vector_load %arg13[%get3A_366, %get3A_367] {strides = array<i32>} : memref<80x64xi32, #tpu.memory_space<vmem>>, vector<16xi32>,
        %get3A_369 = arith.index_cast %add3A_356 : i32 to index
        %get3A_370 = arith.constant 0 : index
        %get3A_371 = tpu.vector_load %arg15[%get3A_369, %get3A_370] {strides = array<i32>} : memref<80x64xi32, #tpu.memory_space<vmem>>, vector<16xi32>,
        %get3A_372 = arith.index_cast %add3A_356 : i32 to index
        %get3A_373 = arith.constant 16 : index
        %get3A_374 = tpu.vector_load %arg15[%get3A_372, %get3A_373] {strides = array<i32>} : memref<80x64xi32, #tpu.memory_space<vmem>>, vector<16xi32>,
        %get3A_375 = arith.index_cast %add3A_356 : i32 to index
        %get3A_376 = arith.constant 32 : index
        %get3A_377 = tpu.vector_load %arg15[%get3A_375, %get3A_376] {strides = array<i32>} : memref<80x64xi32, #tpu.memory_space<vmem>>, vector<16xi32>,
        %get3A_378 = arith.index_cast %add3A_356 : i32 to index
        %get3A_379 = arith.constant 48 : index
        %get3A_380 = tpu.vector_load %arg15[%get3A_378, %get3A_379] {strides = array<i32>} : memref<80x64xi32, #tpu.memory_space<vmem>>, vector<16xi32>,
        %bitcast3A_381 = vector.bitcast %get3A_306 : vector<16xi32> to vector<32xbf16>
        %bitcast3A_382 = vector.bitcast %get3A_318 : vector<16xi32> to vector<32xbf16>
        %mul3A_383 = arith.mulf %bitcast3A_381, %bitcast3A_382 : vector<32xbf16>
        %bitcast3A_384 = vector.bitcast %get3A_309 : vector<16xi32> to vector<32xbf16>
        %bitcast3A_385 = vector.bitcast %get3A_321 : vector<16xi32> to vector<32xbf16>
        %mul3A_386 = arith.mulf %bitcast3A_384, %bitcast3A_385 : vector<32xbf16>
        %bitcast3A_387 = vector.bitcast %get3A_312 : vector<16xi32> to vector<32xbf16>
        %bitcast3A_388 = vector.bitcast %get3A_324 : vector<16xi32> to vector<32xbf16>
        %mul3A_389 = arith.mulf %bitcast3A_387, %bitcast3A_388 : vector<32xbf16>
        %bitcast3A_390 = vector.bitcast %get3A_315 : vector<16xi32> to vector<32xbf16>
        %bitcast3A_391 = vector.bitcast %get3A_327 : vector<16xi32> to vector<32xbf16>
        %mul3A_392 = arith.mulf %bitcast3A_390, %bitcast3A_391 : vector<32xbf16>
        %add3A_393 = arith.addf %mul3A_383, %mul3A_386 : vector<32xbf16>
        %unpack3A_394 = tpu.unpack_subelements %add3A_393, 0 {pack_format = #tpu.pack_format<interleaved>} : vector<32xbf16> -> vector<16xf32>
        %unpack3A_395 = tpu.unpack_subelements %add3A_393, 1 {pack_format = #tpu.pack_format<interleaved>} : vector<32xbf16> -> vector<16xf32>
        %add3A_396 = arith.addf %mul3A_389, %mul3A_392 : vector<32xbf16>
        %unpack3A_397 = tpu.unpack_subelements %add3A_396, 0 {pack_format = #tpu.pack_format<interleaved>} : vector<32xbf16> -> vector<16xf32>
        %unpack3A_398 = tpu.unpack_subelements %add3A_396, 1 {pack_format = #tpu.pack_format<interleaved>} : vector<32xbf16> -> vector<16xf32>
        %add3A_399 = arith.addf %unpack3A_394, %unpack3A_395 : vector<16xf32>
        %add3A_400 = arith.addf %unpack3A_397, %unpack3A_398 : vector<16xf32>
        %add3A_401 = arith.addf %add3A_399, %add3A_400 : vector<16xf32>
        %swap3A_402 = arith.constant 3 : i32
        %swap3A_403 = arith.index_cast %swap3A_402 : i32 to index
        %swap3A_404 = arith.constant 0 : index
        %swap3A_405 = tpu.vector_load %arg19[%swap3A_403, %swap3A_404] {strides = array<i32>} : memref<16x17xf32, #tpu.memory_space<vmem>>, vector<16xf32>,
        tpu.vector_store %arg19[%swap3A_403, %swap3A_404], %add3A_401 {strides = array<i32>} : memref<16x17xf32, #tpu.memory_space<vmem>>, vector<16xf32>,
        %add3A_406 = arith.constant 4 : i32
        %add3A_407 = arith.addi %mul3A_173, %add3A_406 : i32
        %add3A_408 = arith.constant 1 : i32
        %add3A_409 = arith.addi %add3A_407, %add3A_408 : i32
        %get3A_410 = arith.index_cast %add3A_409 : i32 to index
        %get3A_411 = arith.constant 0 : index
        %get3A_412 = tpu.vector_load %arg13[%get3A_410, %get3A_411] {strides = array<i32>} : memref<80x64xi32, #tpu.memory_space<vmem>>, vector<16xi32>,
        %get3A_413 = arith.index_cast %add3A_409 : i32 to index
        %get3A_414 = arith.constant 16 : index
        %get3A_415 = tpu.vector_load %arg13[%get3A_413, %get3A_414] {strides = array<i32>} : memref<80x64xi32, #tpu.memory_space<vmem>>, vector<16xi32>,
        %get3A_416 = arith.index_cast %add3A_409 : i32 to index
        %get3A_417 = arith.constant 32 : index
        %get3A_418 = tpu.vector_load %arg13[%get3A_416, %get3A_417] {strides = array<i32>} : memref<80x64xi32, #tpu.memory_space<vmem>>, vector<16xi32>,
        %get3A_419 = arith.index_cast %add3A_409 : i32 to index
        %get3A_420 = arith.constant 48 : index
        %get3A_421 = tpu.vector_load %arg13[%get3A_419, %get3A_420] {strides = array<i32>} : memref<80x64xi32, #tpu.memory_space<vmem>>, vector<16xi32>,
        %get3A_422 = arith.index_cast %add3A_409 : i32 to index
        %get3A_423 = arith.constant 0 : index
        %get3A_424 = tpu.vector_load %arg15[%get3A_422, %get3A_423] {strides = array<i32>} : memref<80x64xi32, #tpu.memory_space<vmem>>, vector<16xi32>,
        %get3A_425 = arith.index_cast %add3A_409 : i32 to index
        %get3A_426 = arith.constant 16 : index
        %get3A_427 = tpu.vector_load %arg15[%get3A_425, %get3A_426] {strides = array<i32>} : memref<80x64xi32, #tpu.memory_space<vmem>>, vector<16xi32>,
        %get3A_428 = arith.index_cast %add3A_409 : i32 to index
        %get3A_429 = arith.constant 32 : index
        %get3A_430 = tpu.vector_load %arg15[%get3A_428, %get3A_429] {strides = array<i32>} : memref<80x64xi32, #tpu.memory_space<vmem>>, vector<16xi32>,
        %get3A_431 = arith.index_cast %add3A_409 : i32 to index
        %get3A_432 = arith.constant 48 : index
        %get3A_433 = tpu.vector_load %arg15[%get3A_431, %get3A_432] {strides = array<i32>} : memref<80x64xi32, #tpu.memory_space<vmem>>, vector<16xi32>,
        %bitcast3A_434 = vector.bitcast %get3A_359 : vector<16xi32> to vector<32xbf16>
        %bitcast3A_435 = vector.bitcast %get3A_371 : vector<16xi32> to vector<32xbf16>
        %mul3A_436 = arith.mulf %bitcast3A_434, %bitcast3A_435 : vector<32xbf16>
        %bitcast3A_437 = vector.bitcast %get3A_362 : vector<16xi32> to vector<32xbf16>
        %bitcast3A_438 = vector.bitcast %get3A_374 : vector<16xi32> to vector<32xbf16>
        %mul3A_439 = arith.mulf %bitcast3A_437, %bitcast3A_438 : vector<32xbf16>
        %bitcast3A_440 = vector.bitcast %get3A_365 : vector<16xi32> to vector<32xbf16>
        %bitcast3A_441 = vector.bitcast %get3A_377 : vector<16xi32> to vector<32xbf16>
        %mul3A_442 = arith.mulf %bitcast3A_440, %bitcast3A_441 : vector<32xbf16>
        %bitcast3A_443 = vector.bitcast %get3A_368 : vector<16xi32> to vector<32xbf16>
        %bitcast3A_444 = vector.bitcast %get3A_380 : vector<16xi32> to vector<32xbf16>
        %mul3A_445 = arith.mulf %bitcast3A_443, %bitcast3A_444 : vector<32xbf16>
        %add3A_446 = arith.addf %mul3A_436, %mul3A_439 : vector<32xbf16>
        %unpack3A_447 = tpu.unpack_subelements %add3A_446, 0 {pack_format = #tpu.pack_format<interleaved>} : vector<32xbf16> -> vector<16xf32>
        %unpack3A_448 = tpu.unpack_subelements %add3A_446, 1 {pack_format = #tpu.pack_format<interleaved>} : vector<32xbf16> -> vector<16xf32>
        %add3A_449 = arith.addf %mul3A_442, %mul3A_445 : vector<32xbf16>
        %unpack3A_450 = tpu.unpack_subelements %add3A_449, 0 {pack_format = #tpu.pack_format<interleaved>} : vector<32xbf16> -> vector<16xf32>
        %unpack3A_451 = tpu.unpack_subelements %add3A_449, 1 {pack_format = #tpu.pack_format<interleaved>} : vector<32xbf16> -> vector<16xf32>
        %add3A_452 = arith.addf %unpack3A_447, %unpack3A_448 : vector<16xf32>
        %add3A_453 = arith.addf %unpack3A_450, %unpack3A_451 : vector<16xf32>
        %add3A_454 = arith.addf %add3A_452, %add3A_453 : vector<16xf32>
        %swap3A_455 = arith.constant 4 : i32
        %swap3A_456 = arith.index_cast %swap3A_455 : i32 to index
        %swap3A_457 = arith.constant 0 : index
        %swap3A_458 = tpu.vector_load %arg19[%swap3A_456, %swap3A_457] {strides = array<i32>} : memref<16x17xf32, #tpu.memory_space<vmem>>, vector<16xf32>,
        tpu.vector_store %arg19[%swap3A_456, %swap3A_457], %add3A_454 {strides = array<i32>} : memref<16x17xf32, #tpu.memory_space<vmem>>, vector<16xf32>,
        %add3A_459 = arith.constant 5 : i32
        %add3A_460 = arith.addi %mul3A_173, %add3A_459 : i32
        %add3A_461 = arith.constant 1 : i32
        %add3A_462 = arith.addi %add3A_460, %add3A_461 : i32
        %get3A_463 = arith.index_cast %add3A_462 : i32 to index
        %get3A_464 = arith.constant 0 : index
        %get3A_465 = tpu.vector_load %arg13[%get3A_463, %get3A_464] {strides = array<i32>} : memref<80x64xi32, #tpu.memory_space<vmem>>, vector<16xi32>,
        %get3A_466 = arith.index_cast %add3A_462 : i32 to index
        %get3A_467 = arith.constant 16 : index
        %get3A_468 = tpu.vector_load %arg13[%get3A_466, %get3A_467] {strides = array<i32>} : memref<80x64xi32, #tpu.memory_space<vmem>>, vector<16xi32>,
        %get3A_469 = arith.index_cast %add3A_462 : i32 to index
        %get3A_470 = arith.constant 32 : index
        %get3A_471 = tpu.vector_load %arg13[%get3A_469, %get3A_470] {strides = array<i32>} : memref<80x64xi32, #tpu.memory_space<vmem>>, vector<16xi32>,
        %get3A_472 = arith.index_cast %add3A_462 : i32 to index
        %get3A_473 = arith.constant 48 : index
        %get3A_474 = tpu.vector_load %arg13[%get3A_472, %get3A_473] {strides = array<i32>} : memref<80x64xi32, #tpu.memory_space<vmem>>, vector<16xi32>,
        %get3A_475 = arith.index_cast %add3A_462 : i32 to index
        %get3A_476 = arith.constant 0 : index
        %get3A_477 = tpu.vector_load %arg15[%get3A_475, %get3A_476] {strides = array<i32>} : memref<80x64xi32, #tpu.memory_space<vmem>>, vector<16xi32>,
        %get3A_478 = arith.index_cast %add3A_462 : i32 to index
        %get3A_479 = arith.constant 16 : index
        %get3A_480 = tpu.vector_load %arg15[%get3A_478, %get3A_479] {strides = array<i32>} : memref<80x64xi32, #tpu.memory_space<vmem>>, vector<16xi32>,
        %get3A_481 = arith.index_cast %add3A_462 : i32 to index
        %get3A_482 = arith.constant 32 : index
        %get3A_483 = tpu.vector_load %arg15[%get3A_481, %get3A_482] {strides = array<i32>} : memref<80x64xi32, #tpu.memory_space<vmem>>, vector<16xi32>,
        %get3A_484 = arith.index_cast %add3A_462 : i32 to index
        %get3A_485 = arith.constant 48 : index
        %get3A_486 = tpu.vector_load %arg15[%get3A_484, %get3A_485] {strides = array<i32>} : memref<80x64xi32, #tpu.memory_space<vmem>>, vector<16xi32>,
        %bitcast3A_487 = vector.bitcast %get3A_412 : vector<16xi32> to vector<32xbf16>
        %bitcast3A_488 = vector.bitcast %get3A_424 : vector<16xi32> to vector<32xbf16>
        %mul3A_489 = arith.mulf %bitcast3A_487, %bitcast3A_488 : vector<32xbf16>
        %bitcast3A_490 = vector.bitcast %get3A_415 : vector<16xi32> to vector<32xbf16>
        %bitcast3A_491 = vector.bitcast %get3A_427 : vector<16xi32> to vector<32xbf16>
        %mul3A_492 = arith.mulf %bitcast3A_490, %bitcast3A_491 : vector<32xbf16>
        %bitcast3A_493 = vector.bitcast %get3A_418 : vector<16xi32> to vector<32xbf16>
        %bitcast3A_494 = vector.bitcast %get3A_430 : vector<16xi32> to vector<32xbf16>
        %mul3A_495 = arith.mulf %bitcast3A_493, %bitcast3A_494 : vector<32xbf16>
        %bitcast3A_496 = vector.bitcast %get3A_421 : vector<16xi32> to vector<32xbf16>
        %bitcast3A_497 = vector.bitcast %get3A_433 : vector<16xi32> to vector<32xbf16>
        %mul3A_498 = arith.mulf %bitcast3A_496, %bitcast3A_497 : vector<32xbf16>
        %add3A_499 = arith.addf %mul3A_489, %mul3A_492 : vector<32xbf16>
        %unpack3A_500 = tpu.unpack_subelements %add3A_499, 0 {pack_format = #tpu.pack_format<interleaved>} : vector<32xbf16> -> vector<16xf32>
        %unpack3A_501 = tpu.unpack_subelements %add3A_499, 1 {pack_format = #tpu.pack_format<interleaved>} : vector<32xbf16> -> vector<16xf32>
        %add3A_502 = arith.addf %mul3A_495, %mul3A_498 : vector<32xbf16>
        %unpack3A_503 = tpu.unpack_subelements %add3A_502, 0 {pack_format = #tpu.pack_format<interleaved>} : vector<32xbf16> -> vector<16xf32>
        %unpack3A_504 = tpu.unpack_subelements %add3A_502, 1 {pack_format = #tpu.pack_format<interleaved>} : vector<32xbf16> -> vector<16xf32>
        %add3A_505 = arith.addf %unpack3A_500, %unpack3A_501 : vector<16xf32>
        %add3A_506 = arith.addf %unpack3A_503, %unpack3A_504 : vector<16xf32>
        %add3A_507 = arith.addf %add3A_505, %add3A_506 : vector<16xf32>
        %swap3A_508 = arith.constant 5 : i32
        %swap3A_509 = arith.index_cast %swap3A_508 : i32 to index
        %swap3A_510 = arith.constant 0 : index
        %swap3A_511 = tpu.vector_load %arg19[%swap3A_509, %swap3A_510] {strides = array<i32>} : memref<16x17xf32, #tpu.memory_space<vmem>>, vector<16xf32>,
        tpu.vector_store %arg19[%swap3A_509, %swap3A_510], %add3A_507 {strides = array<i32>} : memref<16x17xf32, #tpu.memory_space<vmem>>, vector<16xf32>,
        %add3A_512 = arith.constant 6 : i32
        %add3A_513 = arith.addi %mul3A_173, %add3A_512 : i32
        %add3A_514 = arith.constant 1 : i32
        %add3A_515 = arith.addi %add3A_513, %add3A_514 : i32
        %get3A_516 = arith.index_cast %add3A_515 : i32 to index
        %get3A_517 = arith.constant 0 : index
        %get3A_518 = tpu.vector_load %arg13[%get3A_516, %get3A_517] {strides = array<i32>} : memref<80x64xi32, #tpu.memory_space<vmem>>, vector<16xi32>,
        %get3A_519 = arith.index_cast %add3A_515 : i32 to index
        %get3A_520 = arith.constant 16 : index
        %get3A_521 = tpu.vector_load %arg13[%get3A_519, %get3A_520] {strides = array<i32>} : memref<80x64xi32, #tpu.memory_space<vmem>>, vector<16xi32>,
        %get3A_522 = arith.index_cast %add3A_515 : i32 to index
        %get3A_523 = arith.constant 32 : index
        %get3A_524 = tpu.vector_load %arg13[%get3A_522, %get3A_523] {strides = array<i32>} : memref<80x64xi32, #tpu.memory_space<vmem>>, vector<16xi32>,
        %get3A_525 = arith.index_cast %add3A_515 : i32 to index
        %get3A_526 = arith.constant 48 : index
        %get3A_527 = tpu.vector_load %arg13[%get3A_525, %get3A_526] {strides = array<i32>} : memref<80x64xi32, #tpu.memory_space<vmem>>, vector<16xi32>,
        %get3A_528 = arith.index_cast %add3A_515 : i32 to index
        %get3A_529 = arith.constant 0 : index
        %get3A_530 = tpu.vector_load %arg15[%get3A_528, %get3A_529] {strides = array<i32>} : memref<80x64xi32, #tpu.memory_space<vmem>>, vector<16xi32>,
        %get3A_531 = arith.index_cast %add3A_515 : i32 to index
        %get3A_532 = arith.constant 16 : index
        %get3A_533 = tpu.vector_load %arg15[%get3A_531, %get3A_532] {strides = array<i32>} : memref<80x64xi32, #tpu.memory_space<vmem>>, vector<16xi32>,
        %get3A_534 = arith.index_cast %add3A_515 : i32 to index
        %get3A_535 = arith.constant 32 : index
        %get3A_536 = tpu.vector_load %arg15[%get3A_534, %get3A_535] {strides = array<i32>} : memref<80x64xi32, #tpu.memory_space<vmem>>, vector<16xi32>,
        %get3A_537 = arith.index_cast %add3A_515 : i32 to index
        %get3A_538 = arith.constant 48 : index
        %get3A_539 = tpu.vector_load %arg15[%get3A_537, %get3A_538] {strides = array<i32>} : memref<80x64xi32, #tpu.memory_space<vmem>>, vector<16xi32>,
        %bitcast3A_540 = vector.bitcast %get3A_465 : vector<16xi32> to vector<32xbf16>
        %bitcast3A_541 = vector.bitcast %get3A_477 : vector<16xi32> to vector<32xbf16>
        %mul3A_542 = arith.mulf %bitcast3A_540, %bitcast3A_541 : vector<32xbf16>
        %bitcast3A_543 = vector.bitcast %get3A_468 : vector<16xi32> to vector<32xbf16>
        %bitcast3A_544 = vector.bitcast %get3A_480 : vector<16xi32> to vector<32xbf16>
        %mul3A_545 = arith.mulf %bitcast3A_543, %bitcast3A_544 : vector<32xbf16>
        %bitcast3A_546 = vector.bitcast %get3A_471 : vector<16xi32> to vector<32xbf16>
        %bitcast3A_547 = vector.bitcast %get3A_483 : vector<16xi32> to vector<32xbf16>
        %mul3A_548 = arith.mulf %bitcast3A_546, %bitcast3A_547 : vector<32xbf16>
        %bitcast3A_549 = vector.bitcast %get3A_474 : vector<16xi32> to vector<32xbf16>
        %bitcast3A_550 = vector.bitcast %get3A_486 : vector<16xi32> to vector<32xbf16>
        %mul3A_551 = arith.mulf %bitcast3A_549, %bitcast3A_550 : vector<32xbf16>
        %add3A_552 = arith.addf %mul3A_542, %mul3A_545 : vector<32xbf16>
        %unpack3A_553 = tpu.unpack_subelements %add3A_552, 0 {pack_format = #tpu.pack_format<interleaved>} : vector<32xbf16> -> vector<16xf32>
        %unpack3A_554 = tpu.unpack_subelements %add3A_552, 1 {pack_format = #tpu.pack_format<interleaved>} : vector<32xbf16> -> vector<16xf32>
        %add3A_555 = arith.addf %mul3A_548, %mul3A_551 : vector<32xbf16>
        %unpack3A_556 = tpu.unpack_subelements %add3A_555, 0 {pack_format = #tpu.pack_format<interleaved>} : vector<32xbf16> -> vector<16xf32>
        %unpack3A_557 = tpu.unpack_subelements %add3A_555, 1 {pack_format = #tpu.pack_format<interleaved>} : vector<32xbf16> -> vector<16xf32>
        %add3A_558 = arith.addf %unpack3A_553, %unpack3A_554 : vector<16xf32>
        %add3A_559 = arith.addf %unpack3A_556, %unpack3A_557 : vector<16xf32>
        %add3A_560 = arith.addf %add3A_558, %add3A_559 : vector<16xf32>
        %swap3A_561 = arith.constant 6 : i32
        %swap3A_562 = arith.index_cast %swap3A_561 : i32 to index
        %swap3A_563 = arith.constant 0 : index
        %swap3A_564 = tpu.vector_load %arg19[%swap3A_562, %swap3A_563] {strides = array<i32>} : memref<16x17xf32, #tpu.memory_space<vmem>>, vector<16xf32>,
        tpu.vector_store %arg19[%swap3A_562, %swap3A_563], %add3A_560 {strides = array<i32>} : memref<16x17xf32, #tpu.memory_space<vmem>>, vector<16xf32>,
        %add3A_565 = arith.constant 7 : i32
        %add3A_566 = arith.addi %mul3A_173, %add3A_565 : i32
        %add3A_567 = arith.constant 1 : i32
        %add3A_568 = arith.addi %add3A_566, %add3A_567 : i32
        %get3A_569 = arith.index_cast %add3A_568 : i32 to index
        %get3A_570 = arith.constant 0 : index
        %get3A_571 = tpu.vector_load %arg13[%get3A_569, %get3A_570] {strides = array<i32>} : memref<80x64xi32, #tpu.memory_space<vmem>>, vector<16xi32>,
        %get3A_572 = arith.index_cast %add3A_568 : i32 to index
        %get3A_573 = arith.constant 16 : index
        %get3A_574 = tpu.vector_load %arg13[%get3A_572, %get3A_573] {strides = array<i32>} : memref<80x64xi32, #tpu.memory_space<vmem>>, vector<16xi32>,
        %get3A_575 = arith.index_cast %add3A_568 : i32 to index
        %get3A_576 = arith.constant 32 : index
        %get3A_577 = tpu.vector_load %arg13[%get3A_575, %get3A_576] {strides = array<i32>} : memref<80x64xi32, #tpu.memory_space<vmem>>, vector<16xi32>,
        %get3A_578 = arith.index_cast %add3A_568 : i32 to index
        %get3A_579 = arith.constant 48 : index
        %get3A_580 = tpu.vector_load %arg13[%get3A_578, %get3A_579] {strides = array<i32>} : memref<80x64xi32, #tpu.memory_space<vmem>>, vector<16xi32>,
        %get3A_581 = arith.index_cast %add3A_568 : i32 to index
        %get3A_582 = arith.constant 0 : index
        %get3A_583 = tpu.vector_load %arg15[%get3A_581, %get3A_582] {strides = array<i32>} : memref<80x64xi32, #tpu.memory_space<vmem>>, vector<16xi32>,
        %get3A_584 = arith.index_cast %add3A_568 : i32 to index
        %get3A_585 = arith.constant 16 : index
        %get3A_586 = tpu.vector_load %arg15[%get3A_584, %get3A_585] {strides = array<i32>} : memref<80x64xi32, #tpu.memory_space<vmem>>, vector<16xi32>,
        %get3A_587 = arith.index_cast %add3A_568 : i32 to index
        %get3A_588 = arith.constant 32 : index
        %get3A_589 = tpu.vector_load %arg15[%get3A_587, %get3A_588] {strides = array<i32>} : memref<80x64xi32, #tpu.memory_space<vmem>>, vector<16xi32>,
        %get3A_590 = arith.index_cast %add3A_568 : i32 to index
        %get3A_591 = arith.constant 48 : index
        %get3A_592 = tpu.vector_load %arg15[%get3A_590, %get3A_591] {strides = array<i32>} : memref<80x64xi32, #tpu.memory_space<vmem>>, vector<16xi32>,
        %bitcast3A_593 = vector.bitcast %get3A_518 : vector<16xi32> to vector<32xbf16>
        %bitcast3A_594 = vector.bitcast %get3A_530 : vector<16xi32> to vector<32xbf16>
        %mul3A_595 = arith.mulf %bitcast3A_593, %bitcast3A_594 : vector<32xbf16>
        %bitcast3A_596 = vector.bitcast %get3A_521 : vector<16xi32> to vector<32xbf16>
        %bitcast3A_597 = vector.bitcast %get3A_533 : vector<16xi32> to vector<32xbf16>
        %mul3A_598 = arith.mulf %bitcast3A_596, %bitcast3A_597 : vector<32xbf16>
        %bitcast3A_599 = vector.bitcast %get3A_524 : vector<16xi32> to vector<32xbf16>
        %bitcast3A_600 = vector.bitcast %get3A_536 : vector<16xi32> to vector<32xbf16>
        %mul3A_601 = arith.mulf %bitcast3A_599, %bitcast3A_600 : vector<32xbf16>
        %bitcast3A_602 = vector.bitcast %get3A_527 : vector<16xi32> to vector<32xbf16>
        %bitcast3A_603 = vector.bitcast %get3A_539 : vector<16xi32> to vector<32xbf16>
        %mul3A_604 = arith.mulf %bitcast3A_602, %bitcast3A_603 : vector<32xbf16>
        %add3A_605 = arith.addf %mul3A_595, %mul3A_598 : vector<32xbf16>
        %unpack3A_606 = tpu.unpack_subelements %add3A_605, 0 {pack_format = #tpu.pack_format<interleaved>} : vector<32xbf16> -> vector<16xf32>
        %unpack3A_607 = tpu.unpack_subelements %add3A_605, 1 {pack_format = #tpu.pack_format<interleaved>} : vector<32xbf16> -> vector<16xf32>
        %add3A_608 = arith.addf %mul3A_601, %mul3A_604 : vector<32xbf16>
        %unpack3A_609 = tpu.unpack_subelements %add3A_608, 0 {pack_format = #tpu.pack_format<interleaved>} : vector<32xbf16> -> vector<16xf32>
        %unpack3A_610 = tpu.unpack_subelements %add3A_608, 1 {pack_format = #tpu.pack_format<interleaved>} : vector<32xbf16> -> vector<16xf32>
        %add3A_611 = arith.addf %unpack3A_606, %unpack3A_607 : vector<16xf32>
        %add3A_612 = arith.addf %unpack3A_609, %unpack3A_610 : vector<16xf32>
        %add3A_613 = arith.addf %add3A_611, %add3A_612 : vector<16xf32>
        %swap3A_614 = arith.constant 7 : i32
        %swap3A_615 = arith.index_cast %swap3A_614 : i32 to index
        %swap3A_616 = arith.constant 0 : index
        %swap3A_617 = tpu.vector_load %arg19[%swap3A_615, %swap3A_616] {strides = array<i32>} : memref<16x17xf32, #tpu.memory_space<vmem>>, vector<16xf32>,
        tpu.vector_store %arg19[%swap3A_615, %swap3A_616], %add3A_613 {strides = array<i32>} : memref<16x17xf32, #tpu.memory_space<vmem>>, vector<16xf32>,
        %add3A_618 = arith.constant 8 : i32
        %add3A_619 = arith.addi %mul3A_173, %add3A_618 : i32
        %add3A_620 = arith.constant 1 : i32
        %add3A_621 = arith.addi %add3A_619, %add3A_620 : i32
        %get3A_622 = arith.index_cast %add3A_621 : i32 to index
        %get3A_623 = arith.constant 0 : index
        %get3A_624 = tpu.vector_load %arg13[%get3A_622, %get3A_623] {strides = array<i32>} : memref<80x64xi32, #tpu.memory_space<vmem>>, vector<16xi32>,
        %get3A_625 = arith.index_cast %add3A_621 : i32 to index
        %get3A_626 = arith.constant 16 : index
        %get3A_627 = tpu.vector_load %arg13[%get3A_625, %get3A_626] {strides = array<i32>} : memref<80x64xi32, #tpu.memory_space<vmem>>, vector<16xi32>,
        %get3A_628 = arith.index_cast %add3A_621 : i32 to index
        %get3A_629 = arith.constant 32 : index
        %get3A_630 = tpu.vector_load %arg13[%get3A_628, %get3A_629] {strides = array<i32>} : memref<80x64xi32, #tpu.memory_space<vmem>>, vector<16xi32>,
        %get3A_631 = arith.index_cast %add3A_621 : i32 to index
        %get3A_632 = arith.constant 48 : index
        %get3A_633 = tpu.vector_load %arg13[%get3A_631, %get3A_632] {strides = array<i32>} : memref<80x64xi32, #tpu.memory_space<vmem>>, vector<16xi32>,
        %get3A_634 = arith.index_cast %add3A_621 : i32 to index
        %get3A_635 = arith.constant 0 : index
        %get3A_636 = tpu.vector_load %arg15[%get3A_634, %get3A_635] {strides = array<i32>} : memref<80x64xi32, #tpu.memory_space<vmem>>, vector<16xi32>,
        %get3A_637 = arith.index_cast %add3A_621 : i32 to index
        %get3A_638 = arith.constant 16 : index
        %get3A_639 = tpu.vector_load %arg15[%get3A_637, %get3A_638] {strides = array<i32>} : memref<80x64xi32, #tpu.memory_space<vmem>>, vector<16xi32>,
        %get3A_640 = arith.index_cast %add3A_621 : i32 to index
        %get3A_641 = arith.constant 32 : index
        %get3A_642 = tpu.vector_load %arg15[%get3A_640, %get3A_641] {strides = array<i32>} : memref<80x64xi32, #tpu.memory_space<vmem>>, vector<16xi32>,
        %get3A_643 = arith.index_cast %add3A_621 : i32 to index
        %get3A_644 = arith.constant 48 : index
        %get3A_645 = tpu.vector_load %arg15[%get3A_643, %get3A_644] {strides = array<i32>} : memref<80x64xi32, #tpu.memory_space<vmem>>, vector<16xi32>,
        %bitcast3A_646 = vector.bitcast %get3A_571 : vector<16xi32> to vector<32xbf16>
        %bitcast3A_647 = vector.bitcast %get3A_583 : vector<16xi32> to vector<32xbf16>
        %mul3A_648 = arith.mulf %bitcast3A_646, %bitcast3A_647 : vector<32xbf16>
        %bitcast3A_649 = vector.bitcast %get3A_574 : vector<16xi32> to vector<32xbf16>
        %bitcast3A_650 = vector.bitcast %get3A_586 : vector<16xi32> to vector<32xbf16>
        %mul3A_651 = arith.mulf %bitcast3A_649, %bitcast3A_650 : vector<32xbf16>
        %bitcast3A_652 = vector.bitcast %get3A_577 : vector<16xi32> to vector<32xbf16>
        %bitcast3A_653 = vector.bitcast %get3A_589 : vector<16xi32> to vector<32xbf16>
        %mul3A_654 = arith.mulf %bitcast3A_652, %bitcast3A_653 : vector<32xbf16>
        %bitcast3A_655 = vector.bitcast %get3A_580 : vector<16xi32> to vector<32xbf16>
        %bitcast3A_656 = vector.bitcast %get3A_592 : vector<16xi32> to vector<32xbf16>
        %mul3A_657 = arith.mulf %bitcast3A_655, %bitcast3A_656 : vector<32xbf16>
        %add3A_658 = arith.addf %mul3A_648, %mul3A_651 : vector<32xbf16>
        %unpack3A_659 = tpu.unpack_subelements %add3A_658, 0 {pack_format = #tpu.pack_format<interleaved>} : vector<32xbf16> -> vector<16xf32>
        %unpack3A_660 = tpu.unpack_subelements %add3A_658, 1 {pack_format = #tpu.pack_format<interleaved>} : vector<32xbf16> -> vector<16xf32>
        %add3A_661 = arith.addf %mul3A_654, %mul3A_657 : vector<32xbf16>
        %unpack3A_662 = tpu.unpack_subelements %add3A_661, 0 {pack_format = #tpu.pack_format<interleaved>} : vector<32xbf16> -> vector<16xf32>
        %unpack3A_663 = tpu.unpack_subelements %add3A_661, 1 {pack_format = #tpu.pack_format<interleaved>} : vector<32xbf16> -> vector<16xf32>
        %add3A_664 = arith.addf %unpack3A_659, %unpack3A_660 : vector<16xf32>
        %add3A_665 = arith.addf %unpack3A_662, %unpack3A_663 : vector<16xf32>
        %add3A_666 = arith.addf %add3A_664, %add3A_665 : vector<16xf32>
        %swap3A_667 = arith.constant 8 : i32
        %swap3A_668 = arith.index_cast %swap3A_667 : i32 to index
        %swap3A_669 = arith.constant 0 : index
        %swap3A_670 = tpu.vector_load %arg19[%swap3A_668, %swap3A_669] {strides = array<i32>} : memref<16x17xf32, #tpu.memory_space<vmem>>, vector<16xf32>,
        tpu.vector_store %arg19[%swap3A_668, %swap3A_669], %add3A_666 {strides = array<i32>} : memref<16x17xf32, #tpu.memory_space<vmem>>, vector<16xf32>,
        %add3A_671 = arith.constant 9 : i32
        %add3A_672 = arith.addi %mul3A_173, %add3A_671 : i32
        %add3A_673 = arith.constant 1 : i32
        %add3A_674 = arith.addi %add3A_672, %add3A_673 : i32
        %get3A_675 = arith.index_cast %add3A_674 : i32 to index
        %get3A_676 = arith.constant 0 : index
        %get3A_677 = tpu.vector_load %arg13[%get3A_675, %get3A_676] {strides = array<i32>} : memref<80x64xi32, #tpu.memory_space<vmem>>, vector<16xi32>,
        %get3A_678 = arith.index_cast %add3A_674 : i32 to index
        %get3A_679 = arith.constant 16 : index
        %get3A_680 = tpu.vector_load %arg13[%get3A_678, %get3A_679] {strides = array<i32>} : memref<80x64xi32, #tpu.memory_space<vmem>>, vector<16xi32>,
        %get3A_681 = arith.index_cast %add3A_674 : i32 to index
        %get3A_682 = arith.constant 32 : index
        %get3A_683 = tpu.vector_load %arg13[%get3A_681, %get3A_682] {strides = array<i32>} : memref<80x64xi32, #tpu.memory_space<vmem>>, vector<16xi32>,
        %get3A_684 = arith.index_cast %add3A_674 : i32 to index
        %get3A_685 = arith.constant 48 : index
        %get3A_686 = tpu.vector_load %arg13[%get3A_684, %get3A_685] {strides = array<i32>} : memref<80x64xi32, #tpu.memory_space<vmem>>, vector<16xi32>,
        %get3A_687 = arith.index_cast %add3A_674 : i32 to index
        %get3A_688 = arith.constant 0 : index
        %get3A_689 = tpu.vector_load %arg15[%get3A_687, %get3A_688] {strides = array<i32>} : memref<80x64xi32, #tpu.memory_space<vmem>>, vector<16xi32>,
        %get3A_690 = arith.index_cast %add3A_674 : i32 to index
        %get3A_691 = arith.constant 16 : index
        %get3A_692 = tpu.vector_load %arg15[%get3A_690, %get3A_691] {strides = array<i32>} : memref<80x64xi32, #tpu.memory_space<vmem>>, vector<16xi32>,
        %get3A_693 = arith.index_cast %add3A_674 : i32 to index
        %get3A_694 = arith.constant 32 : index
        %get3A_695 = tpu.vector_load %arg15[%get3A_693, %get3A_694] {strides = array<i32>} : memref<80x64xi32, #tpu.memory_space<vmem>>, vector<16xi32>,
        %get3A_696 = arith.index_cast %add3A_674 : i32 to index
        %get3A_697 = arith.constant 48 : index
        %get3A_698 = tpu.vector_load %arg15[%get3A_696, %get3A_697] {strides = array<i32>} : memref<80x64xi32, #tpu.memory_space<vmem>>, vector<16xi32>,
        %bitcast3A_699 = vector.bitcast %get3A_624 : vector<16xi32> to vector<32xbf16>
        %bitcast3A_700 = vector.bitcast %get3A_636 : vector<16xi32> to vector<32xbf16>
        %mul3A_701 = arith.mulf %bitcast3A_699, %bitcast3A_700 : vector<32xbf16>
        %bitcast3A_702 = vector.bitcast %get3A_627 : vector<16xi32> to vector<32xbf16>
        %bitcast3A_703 = vector.bitcast %get3A_639 : vector<16xi32> to vector<32xbf16>
        %mul3A_704 = arith.mulf %bitcast3A_702, %bitcast3A_703 : vector<32xbf16>
        %bitcast3A_705 = vector.bitcast %get3A_630 : vector<16xi32> to vector<32xbf16>
        %bitcast3A_706 = vector.bitcast %get3A_642 : vector<16xi32> to vector<32xbf16>
        %mul3A_707 = arith.mulf %bitcast3A_705, %bitcast3A_706 : vector<32xbf16>
        %bitcast3A_708 = vector.bitcast %get3A_633 : vector<16xi32> to vector<32xbf16>
        %bitcast3A_709 = vector.bitcast %get3A_645 : vector<16xi32> to vector<32xbf16>
        %mul3A_710 = arith.mulf %bitcast3A_708, %bitcast3A_709 : vector<32xbf16>
        %add3A_711 = arith.addf %mul3A_701, %mul3A_704 : vector<32xbf16>
        %unpack3A_712 = tpu.unpack_subelements %add3A_711, 0 {pack_format = #tpu.pack_format<interleaved>} : vector<32xbf16> -> vector<16xf32>
        %unpack3A_713 = tpu.unpack_subelements %add3A_711, 1 {pack_format = #tpu.pack_format<interleaved>} : vector<32xbf16> -> vector<16xf32>
        %add3A_714 = arith.addf %mul3A_707, %mul3A_710 : vector<32xbf16>
        %unpack3A_715 = tpu.unpack_subelements %add3A_714, 0 {pack_format = #tpu.pack_format<interleaved>} : vector<32xbf16> -> vector<16xf32>
        %unpack3A_716 = tpu.unpack_subelements %add3A_714, 1 {pack_format = #tpu.pack_format<interleaved>} : vector<32xbf16> -> vector<16xf32>
        %add3A_717 = arith.addf %unpack3A_712, %unpack3A_713 : vector<16xf32>
        %add3A_718 = arith.addf %unpack3A_715, %unpack3A_716 : vector<16xf32>
        %add3A_719 = arith.addf %add3A_717, %add3A_718 : vector<16xf32>
        %swap3A_720 = arith.constant 9 : i32
        %swap3A_721 = arith.index_cast %swap3A_720 : i32 to index
        %swap3A_722 = arith.constant 0 : index
        %swap3A_723 = tpu.vector_load %arg19[%swap3A_721, %swap3A_722] {strides = array<i32>} : memref<16x17xf32, #tpu.memory_space<vmem>>, vector<16xf32>,
        tpu.vector_store %arg19[%swap3A_721, %swap3A_722], %add3A_719 {strides = array<i32>} : memref<16x17xf32, #tpu.memory_space<vmem>>, vector<16xf32>,
        %add3A_724 = arith.constant 10 : i32
        %add3A_725 = arith.addi %mul3A_173, %add3A_724 : i32
        %add3A_726 = arith.constant 1 : i32
        %add3A_727 = arith.addi %add3A_725, %add3A_726 : i32
        %get3A_728 = arith.index_cast %add3A_727 : i32 to index
        %get3A_729 = arith.constant 0 : index
        %get3A_730 = tpu.vector_load %arg13[%get3A_728, %get3A_729] {strides = array<i32>} : memref<80x64xi32, #tpu.memory_space<vmem>>, vector<16xi32>,
        %get3A_731 = arith.index_cast %add3A_727 : i32 to index
        %get3A_732 = arith.constant 16 : index
        %get3A_733 = tpu.vector_load %arg13[%get3A_731, %get3A_732] {strides = array<i32>} : memref<80x64xi32, #tpu.memory_space<vmem>>, vector<16xi32>,
        %get3A_734 = arith.index_cast %add3A_727 : i32 to index
        %get3A_735 = arith.constant 32 : index
        %get3A_736 = tpu.vector_load %arg13[%get3A_734, %get3A_735] {strides = array<i32>} : memref<80x64xi32, #tpu.memory_space<vmem>>, vector<16xi32>,
        %get3A_737 = arith.index_cast %add3A_727 : i32 to index
        %get3A_738 = arith.constant 48 : index
        %get3A_739 = tpu.vector_load %arg13[%get3A_737, %get3A_738] {strides = array<i32>} : memref<80x64xi32, #tpu.memory_space<vmem>>, vector<16xi32>,
        %get3A_740 = arith.index_cast %add3A_727 : i32 to index
        %get3A_741 = arith.constant 0 : index
        %get3A_742 = tpu.vector_load %arg15[%get3A_740, %get3A_741] {strides = array<i32>} : memref<80x64xi32, #tpu.memory_space<vmem>>, vector<16xi32>,
        %get3A_743 = arith.index_cast %add3A_727 : i32 to index
        %get3A_744 = arith.constant 16 : index
        %get3A_745 = tpu.vector_load %arg15[%get3A_743, %get3A_744] {strides = array<i32>} : memref<80x64xi32, #tpu.memory_space<vmem>>, vector<16xi32>,
        %get3A_746 = arith.index_cast %add3A_727 : i32 to index
        %get3A_747 = arith.constant 32 : index
        %get3A_748 = tpu.vector_load %arg15[%get3A_746, %get3A_747] {strides = array<i32>} : memref<80x64xi32, #tpu.memory_space<vmem>>, vector<16xi32>,
        %get3A_749 = arith.index_cast %add3A_727 : i32 to index
        %get3A_750 = arith.constant 48 : index
        %get3A_751 = tpu.vector_load %arg15[%get3A_749, %get3A_750] {strides = array<i32>} : memref<80x64xi32, #tpu.memory_space<vmem>>, vector<16xi32>,
        %bitcast3A_752 = vector.bitcast %get3A_677 : vector<16xi32> to vector<32xbf16>
        %bitcast3A_753 = vector.bitcast %get3A_689 : vector<16xi32> to vector<32xbf16>
        %mul3A_754 = arith.mulf %bitcast3A_752, %bitcast3A_753 : vector<32xbf16>
        %bitcast3A_755 = vector.bitcast %get3A_680 : vector<16xi32> to vector<32xbf16>
        %bitcast3A_756 = vector.bitcast %get3A_692 : vector<16xi32> to vector<32xbf16>
        %mul3A_757 = arith.mulf %bitcast3A_755, %bitcast3A_756 : vector<32xbf16>
        %bitcast3A_758 = vector.bitcast %get3A_683 : vector<16xi32> to vector<32xbf16>
        %bitcast3A_759 = vector.bitcast %get3A_695 : vector<16xi32> to vector<32xbf16>
        %mul3A_760 = arith.mulf %bitcast3A_758, %bitcast3A_759 : vector<32xbf16>
        %bitcast3A_761 = vector.bitcast %get3A_686 : vector<16xi32> to vector<32xbf16>
        %bitcast3A_762 = vector.bitcast %get3A_698 : vector<16xi32> to vector<32xbf16>
        %mul3A_763 = arith.mulf %bitcast3A_761, %bitcast3A_762 : vector<32xbf16>
        %add3A_764 = arith.addf %mul3A_754, %mul3A_757 : vector<32xbf16>
        %unpack3A_765 = tpu.unpack_subelements %add3A_764, 0 {pack_format = #tpu.pack_format<interleaved>} : vector<32xbf16> -> vector<16xf32>
        %unpack3A_766 = tpu.unpack_subelements %add3A_764, 1 {pack_format = #tpu.pack_format<interleaved>} : vector<32xbf16> -> vector<16xf32>
        %add3A_767 = arith.addf %mul3A_760, %mul3A_763 : vector<32xbf16>
        %unpack3A_768 = tpu.unpack_subelements %add3A_767, 0 {pack_format = #tpu.pack_format<interleaved>} : vector<32xbf16> -> vector<16xf32>
        %unpack3A_769 = tpu.unpack_subelements %add3A_767, 1 {pack_format = #tpu.pack_format<interleaved>} : vector<32xbf16> -> vector<16xf32>
        %add3A_770 = arith.addf %unpack3A_765, %unpack3A_766 : vector<16xf32>
        %add3A_771 = arith.addf %unpack3A_768, %unpack3A_769 : vector<16xf32>
        %add3A_772 = arith.addf %add3A_770, %add3A_771 : vector<16xf32>
        %swap3A_773 = arith.constant 10 : i32
        %swap3A_774 = arith.index_cast %swap3A_773 : i32 to index
        %swap3A_775 = arith.constant 0 : index
        %swap3A_776 = tpu.vector_load %arg19[%swap3A_774, %swap3A_775] {strides = array<i32>} : memref<16x17xf32, #tpu.memory_space<vmem>>, vector<16xf32>,
        tpu.vector_store %arg19[%swap3A_774, %swap3A_775], %add3A_772 {strides = array<i32>} : memref<16x17xf32, #tpu.memory_space<vmem>>, vector<16xf32>,
        %add3A_777 = arith.constant 11 : i32
        %add3A_778 = arith.addi %mul3A_173, %add3A_777 : i32
        %add3A_779 = arith.constant 1 : i32
        %add3A_780 = arith.addi %add3A_778, %add3A_779 : i32
        %get3A_781 = arith.index_cast %add3A_780 : i32 to index
        %get3A_782 = arith.constant 0 : index
        %get3A_783 = tpu.vector_load %arg13[%get3A_781, %get3A_782] {strides = array<i32>} : memref<80x64xi32, #tpu.memory_space<vmem>>, vector<16xi32>,
        %get3A_784 = arith.index_cast %add3A_780 : i32 to index
        %get3A_785 = arith.constant 16 : index
        %get3A_786 = tpu.vector_load %arg13[%get3A_784, %get3A_785] {strides = array<i32>} : memref<80x64xi32, #tpu.memory_space<vmem>>, vector<16xi32>,
        %get3A_787 = arith.index_cast %add3A_780 : i32 to index
        %get3A_788 = arith.constant 32 : index
        %get3A_789 = tpu.vector_load %arg13[%get3A_787, %get3A_788] {strides = array<i32>} : memref<80x64xi32, #tpu.memory_space<vmem>>, vector<16xi32>,
        %get3A_790 = arith.index_cast %add3A_780 : i32 to index
        %get3A_791 = arith.constant 48 : index
        %get3A_792 = tpu.vector_load %arg13[%get3A_790, %get3A_791] {strides = array<i32>} : memref<80x64xi32, #tpu.memory_space<vmem>>, vector<16xi32>,
        %get3A_793 = arith.index_cast %add3A_780 : i32 to index
        %get3A_794 = arith.constant 0 : index
        %get3A_795 = tpu.vector_load %arg15[%get3A_793, %get3A_794] {strides = array<i32>} : memref<80x64xi32, #tpu.memory_space<vmem>>, vector<16xi32>,
        %get3A_796 = arith.index_cast %add3A_780 : i32 to index
        %get3A_797 = arith.constant 16 : index
        %get3A_798 = tpu.vector_load %arg15[%get3A_796, %get3A_797] {strides = array<i32>} : memref<80x64xi32, #tpu.memory_space<vmem>>, vector<16xi32>,
        %get3A_799 = arith.index_cast %add3A_780 : i32 to index
        %get3A_800 = arith.constant 32 : index
        %get3A_801 = tpu.vector_load %arg15[%get3A_799, %get3A_800] {strides = array<i32>} : memref<80x64xi32, #tpu.memory_space<vmem>>, vector<16xi32>,
        %get3A_802 = arith.index_cast %add3A_780 : i32 to index
        %get3A_803 = arith.constant 48 : index
        %get3A_804 = tpu.vector_load %arg15[%get3A_802, %get3A_803] {strides = array<i32>} : memref<80x64xi32, #tpu.memory_space<vmem>>, vector<16xi32>,
        %bitcast3A_805 = vector.bitcast %get3A_730 : vector<16xi32> to vector<32xbf16>
        %bitcast3A_806 = vector.bitcast %get3A_742 : vector<16xi32> to vector<32xbf16>
        %mul3A_807 = arith.mulf %bitcast3A_805, %bitcast3A_806 : vector<32xbf16>
        %bitcast3A_808 = vector.bitcast %get3A_733 : vector<16xi32> to vector<32xbf16>
        %bitcast3A_809 = vector.bitcast %get3A_745 : vector<16xi32> to vector<32xbf16>
        %mul3A_810 = arith.mulf %bitcast3A_808, %bitcast3A_809 : vector<32xbf16>
        %bitcast3A_811 = vector.bitcast %get3A_736 : vector<16xi32> to vector<32xbf16>
        %bitcast3A_812 = vector.bitcast %get3A_748 : vector<16xi32> to vector<32xbf16>
        %mul3A_813 = arith.mulf %bitcast3A_811, %bitcast3A_812 : vector<32xbf16>
        %bitcast3A_814 = vector.bitcast %get3A_739 : vector<16xi32> to vector<32xbf16>
        %bitcast3A_815 = vector.bitcast %get3A_751 : vector<16xi32> to vector<32xbf16>
        %mul3A_816 = arith.mulf %bitcast3A_814, %bitcast3A_815 : vector<32xbf16>
        %add3A_817 = arith.addf %mul3A_807, %mul3A_810 : vector<32xbf16>
        %unpack3A_818 = tpu.unpack_subelements %add3A_817, 0 {pack_format = #tpu.pack_format<interleaved>} : vector<32xbf16> -> vector<16xf32>
        %unpack3A_819 = tpu.unpack_subelements %add3A_817, 1 {pack_format = #tpu.pack_format<interleaved>} : vector<32xbf16> -> vector<16xf32>
        %add3A_820 = arith.addf %mul3A_813, %mul3A_816 : vector<32xbf16>
        %unpack3A_821 = tpu.unpack_subelements %add3A_820, 0 {pack_format = #tpu.pack_format<interleaved>} : vector<32xbf16> -> vector<16xf32>
        %unpack3A_822 = tpu.unpack_subelements %add3A_820, 1 {pack_format = #tpu.pack_format<interleaved>} : vector<32xbf16> -> vector<16xf32>
        %add3A_823 = arith.addf %unpack3A_818, %unpack3A_819 : vector<16xf32>
        %add3A_824 = arith.addf %unpack3A_821, %unpack3A_822 : vector<16xf32>
        %add3A_825 = arith.addf %add3A_823, %add3A_824 : vector<16xf32>
        %swap3A_826 = arith.constant 11 : i32
        %swap3A_827 = arith.index_cast %swap3A_826 : i32 to index
        %swap3A_828 = arith.constant 0 : index
        %swap3A_829 = tpu.vector_load %arg19[%swap3A_827, %swap3A_828] {strides = array<i32>} : memref<16x17xf32, #tpu.memory_space<vmem>>, vector<16xf32>,
        tpu.vector_store %arg19[%swap3A_827, %swap3A_828], %add3A_825 {strides = array<i32>} : memref<16x17xf32, #tpu.memory_space<vmem>>, vector<16xf32>,
        %add3A_830 = arith.constant 12 : i32
        %add3A_831 = arith.addi %mul3A_173, %add3A_830 : i32
        %add3A_832 = arith.constant 1 : i32
        %add3A_833 = arith.addi %add3A_831, %add3A_832 : i32
        %get3A_834 = arith.index_cast %add3A_833 : i32 to index
        %get3A_835 = arith.constant 0 : index
        %get3A_836 = tpu.vector_load %arg13[%get3A_834, %get3A_835] {strides = array<i32>} : memref<80x64xi32, #tpu.memory_space<vmem>>, vector<16xi32>,
        %get3A_837 = arith.index_cast %add3A_833 : i32 to index
        %get3A_838 = arith.constant 16 : index
        %get3A_839 = tpu.vector_load %arg13[%get3A_837, %get3A_838] {strides = array<i32>} : memref<80x64xi32, #tpu.memory_space<vmem>>, vector<16xi32>,
        %get3A_840 = arith.index_cast %add3A_833 : i32 to index
        %get3A_841 = arith.constant 32 : index
        %get3A_842 = tpu.vector_load %arg13[%get3A_840, %get3A_841] {strides = array<i32>} : memref<80x64xi32, #tpu.memory_space<vmem>>, vector<16xi32>,
        %get3A_843 = arith.index_cast %add3A_833 : i32 to index
        %get3A_844 = arith.constant 48 : index
        %get3A_845 = tpu.vector_load %arg13[%get3A_843, %get3A_844] {strides = array<i32>} : memref<80x64xi32, #tpu.memory_space<vmem>>, vector<16xi32>,
        %get3A_846 = arith.index_cast %add3A_833 : i32 to index
        %get3A_847 = arith.constant 0 : index
        %get3A_848 = tpu.vector_load %arg15[%get3A_846, %get3A_847] {strides = array<i32>} : memref<80x64xi32, #tpu.memory_space<vmem>>, vector<16xi32>,
        %get3A_849 = arith.index_cast %add3A_833 : i32 to index
        %get3A_850 = arith.constant 16 : index
        %get3A_851 = tpu.vector_load %arg15[%get3A_849, %get3A_850] {strides = array<i32>} : memref<80x64xi32, #tpu.memory_space<vmem>>, vector<16xi32>,
        %get3A_852 = arith.index_cast %add3A_833 : i32 to index
        %get3A_853 = arith.constant 32 : index
        %get3A_854 = tpu.vector_load %arg15[%get3A_852, %get3A_853] {strides = array<i32>} : memref<80x64xi32, #tpu.memory_space<vmem>>, vector<16xi32>,
        %get3A_855 = arith.index_cast %add3A_833 : i32 to index
        %get3A_856 = arith.constant 48 : index
        %get3A_857 = tpu.vector_load %arg15[%get3A_855, %get3A_856] {strides = array<i32>} : memref<80x64xi32, #tpu.memory_space<vmem>>, vector<16xi32>,
        %bitcast3A_858 = vector.bitcast %get3A_783 : vector<16xi32> to vector<32xbf16>
        %bitcast3A_859 = vector.bitcast %get3A_795 : vector<16xi32> to vector<32xbf16>
        %mul3A_860 = arith.mulf %bitcast3A_858, %bitcast3A_859 : vector<32xbf16>
        %bitcast3A_861 = vector.bitcast %get3A_786 : vector<16xi32> to vector<32xbf16>
        %bitcast3A_862 = vector.bitcast %get3A_798 : vector<16xi32> to vector<32xbf16>
        %mul3A_863 = arith.mulf %bitcast3A_861, %bitcast3A_862 : vector<32xbf16>
        %bitcast3A_864 = vector.bitcast %get3A_789 : vector<16xi32> to vector<32xbf16>
        %bitcast3A_865 = vector.bitcast %get3A_801 : vector<16xi32> to vector<32xbf16>
        %mul3A_866 = arith.mulf %bitcast3A_864, %bitcast3A_865 : vector<32xbf16>
        %bitcast3A_867 = vector.bitcast %get3A_792 : vector<16xi32> to vector<32xbf16>
        %bitcast3A_868 = vector.bitcast %get3A_804 : vector<16xi32> to vector<32xbf16>
        %mul3A_869 = arith.mulf %bitcast3A_867, %bitcast3A_868 : vector<32xbf16>
        %add3A_870 = arith.addf %mul3A_860, %mul3A_863 : vector<32xbf16>
        %unpack3A_871 = tpu.unpack_subelements %add3A_870, 0 {pack_format = #tpu.pack_format<interleaved>} : vector<32xbf16> -> vector<16xf32>
        %unpack3A_872 = tpu.unpack_subelements %add3A_870, 1 {pack_format = #tpu.pack_format<interleaved>} : vector<32xbf16> -> vector<16xf32>
        %add3A_873 = arith.addf %mul3A_866, %mul3A_869 : vector<32xbf16>
        %unpack3A_874 = tpu.unpack_subelements %add3A_873, 0 {pack_format = #tpu.pack_format<interleaved>} : vector<32xbf16> -> vector<16xf32>
        %unpack3A_875 = tpu.unpack_subelements %add3A_873, 1 {pack_format = #tpu.pack_format<interleaved>} : vector<32xbf16> -> vector<16xf32>
        %add3A_876 = arith.addf %unpack3A_871, %unpack3A_872 : vector<16xf32>
        %add3A_877 = arith.addf %unpack3A_874, %unpack3A_875 : vector<16xf32>
        %add3A_878 = arith.addf %add3A_876, %add3A_877 : vector<16xf32>
        %swap3A_879 = arith.constant 12 : i32
        %swap3A_880 = arith.index_cast %swap3A_879 : i32 to index
        %swap3A_881 = arith.constant 0 : index
        %swap3A_882 = tpu.vector_load %arg19[%swap3A_880, %swap3A_881] {strides = array<i32>} : memref<16x17xf32, #tpu.memory_space<vmem>>, vector<16xf32>,
        tpu.vector_store %arg19[%swap3A_880, %swap3A_881], %add3A_878 {strides = array<i32>} : memref<16x17xf32, #tpu.memory_space<vmem>>, vector<16xf32>,
        %add3A_883 = arith.constant 13 : i32
        %add3A_884 = arith.addi %mul3A_173, %add3A_883 : i32
        %add3A_885 = arith.constant 1 : i32
        %add3A_886 = arith.addi %add3A_884, %add3A_885 : i32
        %get3A_887 = arith.index_cast %add3A_886 : i32 to index
        %get3A_888 = arith.constant 0 : index
        %get3A_889 = tpu.vector_load %arg13[%get3A_887, %get3A_888] {strides = array<i32>} : memref<80x64xi32, #tpu.memory_space<vmem>>, vector<16xi32>,
        %get3A_890 = arith.index_cast %add3A_886 : i32 to index
        %get3A_891 = arith.constant 16 : index
        %get3A_892 = tpu.vector_load %arg13[%get3A_890, %get3A_891] {strides = array<i32>} : memref<80x64xi32, #tpu.memory_space<vmem>>, vector<16xi32>,
        %get3A_893 = arith.index_cast %add3A_886 : i32 to index
        %get3A_894 = arith.constant 32 : index
        %get3A_895 = tpu.vector_load %arg13[%get3A_893, %get3A_894] {strides = array<i32>} : memref<80x64xi32, #tpu.memory_space<vmem>>, vector<16xi32>,
        %get3A_896 = arith.index_cast %add3A_886 : i32 to index
        %get3A_897 = arith.constant 48 : index
        %get3A_898 = tpu.vector_load %arg13[%get3A_896, %get3A_897] {strides = array<i32>} : memref<80x64xi32, #tpu.memory_space<vmem>>, vector<16xi32>,
        %get3A_899 = arith.index_cast %add3A_886 : i32 to index
        %get3A_900 = arith.constant 0 : index
        %get3A_901 = tpu.vector_load %arg15[%get3A_899, %get3A_900] {strides = array<i32>} : memref<80x64xi32, #tpu.memory_space<vmem>>, vector<16xi32>,
        %get3A_902 = arith.index_cast %add3A_886 : i32 to index
        %get3A_903 = arith.constant 16 : index
        %get3A_904 = tpu.vector_load %arg15[%get3A_902, %get3A_903] {strides = array<i32>} : memref<80x64xi32, #tpu.memory_space<vmem>>, vector<16xi32>,
        %get3A_905 = arith.index_cast %add3A_886 : i32 to index
        %get3A_906 = arith.constant 32 : index
        %get3A_907 = tpu.vector_load %arg15[%get3A_905, %get3A_906] {strides = array<i32>} : memref<80x64xi32, #tpu.memory_space<vmem>>, vector<16xi32>,
        %get3A_908 = arith.index_cast %add3A_886 : i32 to index
        %get3A_909 = arith.constant 48 : index
        %get3A_910 = tpu.vector_load %arg15[%get3A_908, %get3A_909] {strides = array<i32>} : memref<80x64xi32, #tpu.memory_space<vmem>>, vector<16xi32>,
        %bitcast3A_911 = vector.bitcast %get3A_836 : vector<16xi32> to vector<32xbf16>
        %bitcast3A_912 = vector.bitcast %get3A_848 : vector<16xi32> to vector<32xbf16>
        %mul3A_913 = arith.mulf %bitcast3A_911, %bitcast3A_912 : vector<32xbf16>
        %bitcast3A_914 = vector.bitcast %get3A_839 : vector<16xi32> to vector<32xbf16>
        %bitcast3A_915 = vector.bitcast %get3A_851 : vector<16xi32> to vector<32xbf16>
        %mul3A_916 = arith.mulf %bitcast3A_914, %bitcast3A_915 : vector<32xbf16>
        %bitcast3A_917 = vector.bitcast %get3A_842 : vector<16xi32> to vector<32xbf16>
        %bitcast3A_918 = vector.bitcast %get3A_854 : vector<16xi32> to vector<32xbf16>
        %mul3A_919 = arith.mulf %bitcast3A_917, %bitcast3A_918 : vector<32xbf16>
        %bitcast3A_920 = vector.bitcast %get3A_845 : vector<16xi32> to vector<32xbf16>
        %bitcast3A_921 = vector.bitcast %get3A_857 : vector<16xi32> to vector<32xbf16>
        %mul3A_922 = arith.mulf %bitcast3A_920, %bitcast3A_921 : vector<32xbf16>
        %add3A_923 = arith.addf %mul3A_913, %mul3A_916 : vector<32xbf16>
        %unpack3A_924 = tpu.unpack_subelements %add3A_923, 0 {pack_format = #tpu.pack_format<interleaved>} : vector<32xbf16> -> vector<16xf32>
        %unpack3A_925 = tpu.unpack_subelements %add3A_923, 1 {pack_format = #tpu.pack_format<interleaved>} : vector<32xbf16> -> vector<16xf32>
        %add3A_926 = arith.addf %mul3A_919, %mul3A_922 : vector<32xbf16>
        %unpack3A_927 = tpu.unpack_subelements %add3A_926, 0 {pack_format = #tpu.pack_format<interleaved>} : vector<32xbf16> -> vector<16xf32>
        %unpack3A_928 = tpu.unpack_subelements %add3A_926, 1 {pack_format = #tpu.pack_format<interleaved>} : vector<32xbf16> -> vector<16xf32>
        %add3A_929 = arith.addf %unpack3A_924, %unpack3A_925 : vector<16xf32>
        %add3A_930 = arith.addf %unpack3A_927, %unpack3A_928 : vector<16xf32>
        %add3A_931 = arith.addf %add3A_929, %add3A_930 : vector<16xf32>
        %swap3A_932 = arith.constant 13 : i32
        %swap3A_933 = arith.index_cast %swap3A_932 : i32 to index
        %swap3A_934 = arith.constant 0 : index
        %swap3A_935 = tpu.vector_load %arg19[%swap3A_933, %swap3A_934] {strides = array<i32>} : memref<16x17xf32, #tpu.memory_space<vmem>>, vector<16xf32>,
        tpu.vector_store %arg19[%swap3A_933, %swap3A_934], %add3A_931 {strides = array<i32>} : memref<16x17xf32, #tpu.memory_space<vmem>>, vector<16xf32>,
        %add3A_936 = arith.constant 14 : i32
        %add3A_937 = arith.addi %mul3A_173, %add3A_936 : i32
        %add3A_938 = arith.constant 1 : i32
        %add3A_939 = arith.addi %add3A_937, %add3A_938 : i32
        %get3A_940 = arith.index_cast %add3A_939 : i32 to index
        %get3A_941 = arith.constant 0 : index
        %get3A_942 = tpu.vector_load %arg13[%get3A_940, %get3A_941] {strides = array<i32>} : memref<80x64xi32, #tpu.memory_space<vmem>>, vector<16xi32>,
        %get3A_943 = arith.index_cast %add3A_939 : i32 to index
        %get3A_944 = arith.constant 16 : index
        %get3A_945 = tpu.vector_load %arg13[%get3A_943, %get3A_944] {strides = array<i32>} : memref<80x64xi32, #tpu.memory_space<vmem>>, vector<16xi32>,
        %get3A_946 = arith.index_cast %add3A_939 : i32 to index
        %get3A_947 = arith.constant 32 : index
        %get3A_948 = tpu.vector_load %arg13[%get3A_946, %get3A_947] {strides = array<i32>} : memref<80x64xi32, #tpu.memory_space<vmem>>, vector<16xi32>,
        %get3A_949 = arith.index_cast %add3A_939 : i32 to index
        %get3A_950 = arith.constant 48 : index
        %get3A_951 = tpu.vector_load %arg13[%get3A_949, %get3A_950] {strides = array<i32>} : memref<80x64xi32, #tpu.memory_space<vmem>>, vector<16xi32>,
        %get3A_952 = arith.index_cast %add3A_939 : i32 to index
        %get3A_953 = arith.constant 0 : index
        %get3A_954 = tpu.vector_load %arg15[%get3A_952, %get3A_953] {strides = array<i32>} : memref<80x64xi32, #tpu.memory_space<vmem>>, vector<16xi32>,
        %get3A_955 = arith.index_cast %add3A_939 : i32 to index
        %get3A_956 = arith.constant 16 : index
        %get3A_957 = tpu.vector_load %arg15[%get3A_955, %get3A_956] {strides = array<i32>} : memref<80x64xi32, #tpu.memory_space<vmem>>, vector<16xi32>,
        %get3A_958 = arith.index_cast %add3A_939 : i32 to index
        %get3A_959 = arith.constant 32 : index
        %get3A_960 = tpu.vector_load %arg15[%get3A_958, %get3A_959] {strides = array<i32>} : memref<80x64xi32, #tpu.memory_space<vmem>>, vector<16xi32>,
        %get3A_961 = arith.index_cast %add3A_939 : i32 to index
        %get3A_962 = arith.constant 48 : index
        %get3A_963 = tpu.vector_load %arg15[%get3A_961, %get3A_962] {strides = array<i32>} : memref<80x64xi32, #tpu.memory_space<vmem>>, vector<16xi32>,
        %bitcast3A_964 = vector.bitcast %get3A_889 : vector<16xi32> to vector<32xbf16>
        %bitcast3A_965 = vector.bitcast %get3A_901 : vector<16xi32> to vector<32xbf16>
        %mul3A_966 = arith.mulf %bitcast3A_964, %bitcast3A_965 : vector<32xbf16>
        %bitcast3A_967 = vector.bitcast %get3A_892 : vector<16xi32> to vector<32xbf16>
        %bitcast3A_968 = vector.bitcast %get3A_904 : vector<16xi32> to vector<32xbf16>
        %mul3A_969 = arith.mulf %bitcast3A_967, %bitcast3A_968 : vector<32xbf16>
        %bitcast3A_970 = vector.bitcast %get3A_895 : vector<16xi32> to vector<32xbf16>
        %bitcast3A_971 = vector.bitcast %get3A_907 : vector<16xi32> to vector<32xbf16>
        %mul3A_972 = arith.mulf %bitcast3A_970, %bitcast3A_971 : vector<32xbf16>
        %bitcast3A_973 = vector.bitcast %get3A_898 : vector<16xi32> to vector<32xbf16>
        %bitcast3A_974 = vector.bitcast %get3A_910 : vector<16xi32> to vector<32xbf16>
        %mul3A_975 = arith.mulf %bitcast3A_973, %bitcast3A_974 : vector<32xbf16>
        %add3A_976 = arith.addf %mul3A_966, %mul3A_969 : vector<32xbf16>
        %unpack3A_977 = tpu.unpack_subelements %add3A_976, 0 {pack_format = #tpu.pack_format<interleaved>} : vector<32xbf16> -> vector<16xf32>
        %unpack3A_978 = tpu.unpack_subelements %add3A_976, 1 {pack_format = #tpu.pack_format<interleaved>} : vector<32xbf16> -> vector<16xf32>
        %add3A_979 = arith.addf %mul3A_972, %mul3A_975 : vector<32xbf16>
        %unpack3A_980 = tpu.unpack_subelements %add3A_979, 0 {pack_format = #tpu.pack_format<interleaved>} : vector<32xbf16> -> vector<16xf32>
        %unpack3A_981 = tpu.unpack_subelements %add3A_979, 1 {pack_format = #tpu.pack_format<interleaved>} : vector<32xbf16> -> vector<16xf32>
        %add3A_982 = arith.addf %unpack3A_977, %unpack3A_978 : vector<16xf32>
        %add3A_983 = arith.addf %unpack3A_980, %unpack3A_981 : vector<16xf32>
        %add3A_984 = arith.addf %add3A_982, %add3A_983 : vector<16xf32>
        %swap3A_985 = arith.constant 14 : i32
        %swap3A_986 = arith.index_cast %swap3A_985 : i32 to index
        %swap3A_987 = arith.constant 0 : index
        %swap3A_988 = tpu.vector_load %arg19[%swap3A_986, %swap3A_987] {strides = array<i32>} : memref<16x17xf32, #tpu.memory_space<vmem>>, vector<16xf32>,
        tpu.vector_store %arg19[%swap3A_986, %swap3A_987], %add3A_984 {strides = array<i32>} : memref<16x17xf32, #tpu.memory_space<vmem>>, vector<16xf32>,
        %bitcast3A_989 = vector.bitcast %get3A_942 : vector<16xi32> to vector<32xbf16>
        %bitcast3A_990 = vector.bitcast %get3A_954 : vector<16xi32> to vector<32xbf16>
        %mul3A_991 = arith.mulf %bitcast3A_989, %bitcast3A_990 : vector<32xbf16>
        %bitcast3A_992 = vector.bitcast %get3A_945 : vector<16xi32> to vector<32xbf16>
        %bitcast3A_993 = vector.bitcast %get3A_957 : vector<16xi32> to vector<32xbf16>
        %mul3A_994 = arith.mulf %bitcast3A_992, %bitcast3A_993 : vector<32xbf16>
        %bitcast3A_995 = vector.bitcast %get3A_948 : vector<16xi32> to vector<32xbf16>
        %bitcast3A_996 = vector.bitcast %get3A_960 : vector<16xi32> to vector<32xbf16>
        %mul3A_997 = arith.mulf %bitcast3A_995, %bitcast3A_996 : vector<32xbf16>
        %bitcast3A_998 = vector.bitcast %get3A_951 : vector<16xi32> to vector<32xbf16>
        %bitcast3A_999 = vector.bitcast %get3A_963 : vector<16xi32> to vector<32xbf16>
        %mul3A_1000 = arith.mulf %bitcast3A_998, %bitcast3A_999 : vector<32xbf16>
        %add3A_1001 = arith.addf %mul3A_991, %mul3A_994 : vector<32xbf16>
        %unpack3A_1002 = tpu.unpack_subelements %add3A_1001, 0 {pack_format = #tpu.pack_format<interleaved>} : vector<32xbf16> -> vector<16xf32>
        %unpack3A_1003 = tpu.unpack_subelements %add3A_1001, 1 {pack_format = #tpu.pack_format<interleaved>} : vector<32xbf16> -> vector<16xf32>
        %add3A_1004 = arith.addf %mul3A_997, %mul3A_1000 : vector<32xbf16>
        %unpack3A_1005 = tpu.unpack_subelements %add3A_1004, 0 {pack_format = #tpu.pack_format<interleaved>} : vector<32xbf16> -> vector<16xf32>
        %unpack3A_1006 = tpu.unpack_subelements %add3A_1004, 1 {pack_format = #tpu.pack_format<interleaved>} : vector<32xbf16> -> vector<16xf32>
        %add3A_1007 = arith.addf %unpack3A_1002, %unpack3A_1003 : vector<16xf32>
        %add3A_1008 = arith.addf %unpack3A_1005, %unpack3A_1006 : vector<16xf32>
        %add3A_1009 = arith.addf %add3A_1007, %add3A_1008 : vector<16xf32>
        %swap3A_1010 = arith.constant 15 : i32
        %swap3A_1011 = arith.index_cast %swap3A_1010 : i32 to index
        %swap3A_1012 = arith.constant 0 : index
        %swap3A_1013 = tpu.vector_load %arg19[%swap3A_1011, %swap3A_1012] {strides = array<i32>} : memref<16x17xf32, #tpu.memory_space<vmem>>, vector<16xf32>,
        tpu.vector_store %arg19[%swap3A_1011, %swap3A_1012], %add3A_1009 {strides = array<i32>} : memref<16x17xf32, #tpu.memory_space<vmem>>, vector<16xf32>,
        %broadcast_in_dim3A = arith.constant 0 : i32
        %broadcast_in_dim3A_1014 = vector.broadcast %broadcast_in_dim3A : i32 to vector<16xi32>
        %gather3A = tpu.vector_load_idx %arg19[%iota3A, %broadcast_in_dim3A_1014] : memref<16x17xf32, #tpu.memory_space<vmem>>[vector<16xi32>, vector<16xi32>], vector<16xf32>,
        %broadcast_in_dim3A_1015 = arith.constant 1 : i32
        %broadcast_in_dim3A_1016 = vector.broadcast %broadcast_in_dim3A_1015 : i32 to vector<16xi32>
        %gather3A_1017 = tpu.vector_load_idx %arg19[%iota3A, %broadcast_in_dim3A_1016] : memref<16x17xf32, #tpu.memory_space<vmem>>[vector<16xi32>, vector<16xi32>], vector<16xf32>,
        %broadcast_in_dim3A_1018 = arith.constant 2 : i32
        %broadcast_in_dim3A_1019 = vector.broadcast %broadcast_in_dim3A_1018 : i32 to vector<16xi32>
        %gather3A_1020 = tpu.vector_load_idx %arg19[%iota3A, %broadcast_in_dim3A_1019] : memref<16x17xf32, #tpu.memory_space<vmem>>[vector<16xi32>, vector<16xi32>], vector<16xf32>,
        %broadcast_in_dim3A_1021 = arith.constant 3 : i32
        %broadcast_in_dim3A_1022 = vector.broadcast %broadcast_in_dim3A_1021 : i32 to vector<16xi32>
        %gather3A_1023 = tpu.vector_load_idx %arg19[%iota3A, %broadcast_in_dim3A_1022] : memref<16x17xf32, #tpu.memory_space<vmem>>[vector<16xi32>, vector<16xi32>], vector<16xf32>,
        %broadcast_in_dim3A_1024 = arith.constant 4 : i32
        %broadcast_in_dim3A_1025 = vector.broadcast %broadcast_in_dim3A_1024 : i32 to vector<16xi32>
        %gather3A_1026 = tpu.vector_load_idx %arg19[%iota3A, %broadcast_in_dim3A_1025] : memref<16x17xf32, #tpu.memory_space<vmem>>[vector<16xi32>, vector<16xi32>], vector<16xf32>,
        %broadcast_in_dim3A_1027 = arith.constant 5 : i32
        %broadcast_in_dim3A_1028 = vector.broadcast %broadcast_in_dim3A_1027 : i32 to vector<16xi32>
        %gather3A_1029 = tpu.vector_load_idx %arg19[%iota3A, %broadcast_in_dim3A_1028] : memref<16x17xf32, #tpu.memory_space<vmem>>[vector<16xi32>, vector<16xi32>], vector<16xf32>,
        %broadcast_in_dim3A_1030 = arith.constant 6 : i32
        %broadcast_in_dim3A_1031 = vector.broadcast %broadcast_in_dim3A_1030 : i32 to vector<16xi32>
        %gather3A_1032 = tpu.vector_load_idx %arg19[%iota3A, %broadcast_in_dim3A_1031] : memref<16x17xf32, #tpu.memory_space<vmem>>[vector<16xi32>, vector<16xi32>], vector<16xf32>,
        %broadcast_in_dim3A_1033 = arith.constant 7 : i32
        %broadcast_in_dim3A_1034 = vector.broadcast %broadcast_in_dim3A_1033 : i32 to vector<16xi32>
        %gather3A_1035 = tpu.vector_load_idx %arg19[%iota3A, %broadcast_in_dim3A_1034] : memref<16x17xf32, #tpu.memory_space<vmem>>[vector<16xi32>, vector<16xi32>], vector<16xf32>,
        %broadcast_in_dim3A_1036 = arith.constant 8 : i32
        %broadcast_in_dim3A_1037 = vector.broadcast %broadcast_in_dim3A_1036 : i32 to vector<16xi32>
        %gather3A_1038 = tpu.vector_load_idx %arg19[%iota3A, %broadcast_in_dim3A_1037] : memref<16x17xf32, #tpu.memory_space<vmem>>[vector<16xi32>, vector<16xi32>], vector<16xf32>,
        %broadcast_in_dim3A_1039 = arith.constant 9 : i32
        %broadcast_in_dim3A_1040 = vector.broadcast %broadcast_in_dim3A_1039 : i32 to vector<16xi32>
        %gather3A_1041 = tpu.vector_load_idx %arg19[%iota3A, %broadcast_in_dim3A_1040] : memref<16x17xf32, #tpu.memory_space<vmem>>[vector<16xi32>, vector<16xi32>], vector<16xf32>,
        %broadcast_in_dim3A_1042 = arith.constant 10 : i32
        %broadcast_in_dim3A_1043 = vector.broadcast %broadcast_in_dim3A_1042 : i32 to vector<16xi32>
        %gather3A_1044 = tpu.vector_load_idx %arg19[%iota3A, %broadcast_in_dim3A_1043] : memref<16x17xf32, #tpu.memory_space<vmem>>[vector<16xi32>, vector<16xi32>], vector<16xf32>,
        %broadcast_in_dim3A_1045 = arith.constant 11 : i32
        %broadcast_in_dim3A_1046 = vector.broadcast %broadcast_in_dim3A_1045 : i32 to vector<16xi32>
        %gather3A_1047 = tpu.vector_load_idx %arg19[%iota3A, %broadcast_in_dim3A_1046] : memref<16x17xf32, #tpu.memory_space<vmem>>[vector<16xi32>, vector<16xi32>], vector<16xf32>,
        %broadcast_in_dim3A_1048 = arith.constant 12 : i32
        %broadcast_in_dim3A_1049 = vector.broadcast %broadcast_in_dim3A_1048 : i32 to vector<16xi32>
        %gather3A_1050 = tpu.vector_load_idx %arg19[%iota3A, %broadcast_in_dim3A_1049] : memref<16x17xf32, #tpu.memory_space<vmem>>[vector<16xi32>, vector<16xi32>], vector<16xf32>,
        %broadcast_in_dim3A_1051 = arith.constant 13 : i32
        %broadcast_in_dim3A_1052 = vector.broadcast %broadcast_in_dim3A_1051 : i32 to vector<16xi32>
        %gather3A_1053 = tpu.vector_load_idx %arg19[%iota3A, %broadcast_in_dim3A_1052] : memref<16x17xf32, #tpu.memory_space<vmem>>[vector<16xi32>, vector<16xi32>], vector<16xf32>,
        %broadcast_in_dim3A_1054 = arith.constant 14 : i32
        %broadcast_in_dim3A_1055 = vector.broadcast %broadcast_in_dim3A_1054 : i32 to vector<16xi32>
        %gather3A_1056 = tpu.vector_load_idx %arg19[%iota3A, %broadcast_in_dim3A_1055] : memref<16x17xf32, #tpu.memory_space<vmem>>[vector<16xi32>, vector<16xi32>], vector<16xf32>,
        %broadcast_in_dim3A_1057 = arith.constant 15 : i32
        %broadcast_in_dim3A_1058 = vector.broadcast %broadcast_in_dim3A_1057 : i32 to vector<16xi32>
        %gather3A_1059 = tpu.vector_load_idx %arg19[%iota3A, %broadcast_in_dim3A_1058] : memref<16x17xf32, #tpu.memory_space<vmem>>[vector<16xi32>, vector<16xi32>], vector<16xf32>,
        %add3A_1060 = arith.addf %gather3A, %gather3A_1017 : vector<16xf32>
        %add3A_1061 = arith.addf %gather3A_1020, %gather3A_1023 : vector<16xf32>
        %add3A_1062 = arith.addf %gather3A_1026, %gather3A_1029 : vector<16xf32>
        %add3A_1063 = arith.addf %gather3A_1032, %gather3A_1035 : vector<16xf32>
        %add3A_1064 = arith.addf %gather3A_1038, %gather3A_1041 : vector<16xf32>
        %add3A_1065 = arith.addf %gather3A_1044, %gather3A_1047 : vector<16xf32>
        %add3A_1066 = arith.addf %gather3A_1050, %gather3A_1053 : vector<16xf32>
        %add3A_1067 = arith.addf %gather3A_1056, %gather3A_1059 : vector<16xf32>
        %add3A_1068 = arith.addf %add3A_1060, %add3A_1061 : vector<16xf32>
        %add3A_1069 = arith.addf %add3A_1062, %add3A_1063 : vector<16xf32>
        %add3A_1070 = arith.addf %add3A_1064, %add3A_1065 : vector<16xf32>
        %add3A_1071 = arith.addf %add3A_1066, %add3A_1067 : vector<16xf32>
        %add3A_1072 = arith.addf %add3A_1068, %add3A_1069 : vector<16xf32>
        %add3A_1073 = arith.addf %add3A_1070, %add3A_1071 : vector<16xf32>
        %add3A_1074 = arith.addf %add3A_1072, %add3A_1073 : vector<16xf32>
        %swap3A_1075 = arith.index_cast %mul3A_173 : i32 to index
        %swap3A_1076 = tpu.vector_load %arg17[%swap3A_1075] {strides = array<i32>} : memref<80xf32, #tpu.memory_space<vmem>>, vector<16xf32>,
        tpu.vector_store %arg17[%swap3A_1075], %add3A_1074 {strides = array<i32>} : memref<80xf32, #tpu.memory_space<vmem>>, vector<16xf32>,
      }
      %scan3A_114 = arith.constant 5 : i32
      %mul3A_115 = arith.constant 80 : i32
      %mul3A_116 = arith.muli %add3A_74, %mul3A_115 : i32
      %add3A_117 = arith.addi %mul3A_2, %mul3A_116 : i32
      %dma_start3A_118 = tpu.memref_slice %arg6[%add3A_117] : memref<320000xf32, #tpu.memory_space<hbm>> -> memref<80xf32, #tpu.memory_space<hbm>>
      %dma_start3A_119 = tpu.memref_slice %arg6[%add3A_117] : memref<320000xf32, #tpu.memory_space<hbm>> -> memref<80xf32, #tpu.memory_space<hbm>>
      tpu.enqueue_dma source(%arg17 : memref<80xf32, #tpu.memory_space<vmem>>) target(%dma_start3A_119 : memref<80xf32, #tpu.memory_space<hbm>>) target_semaphore(%arg25 : memref<!tpu.dma_semaphore, #tpu.memory_space<semaphore_mem>>)
      %mul3A_120 = arith.constant 2 : i32
      %mul3A_121 = arith.muli %mul3A_120, %scan3A_70 : i32
      %add3A_122 = arith.constant 1 : i32
      %add3A_123 = arith.addi %mul3A_121, %add3A_122 : i32
      %dma_wait3A_124 = arith.constant 0 : i32
      %dma_wait3A_125 = tpu.memref_slice %arg4[%dma_wait3A_124] : memref<320000xi32, #tpu.memory_space<hbm>> -> memref<80xi32, #tpu.memory_space<hbm>>
      %dma_wait3A_126 = arith.constant 0 : i32
      %dma_wait3A_127 = tpu.memref_slice %arg4[%dma_wait3A_126] : memref<320000xi32, #tpu.memory_space<hbm>> -> memref<80xi32, #tpu.memory_space<hbm>>
      tpu.wait_dma2 semaphore(%arg21 : memref<!tpu.dma_semaphore, #tpu.memory_space<semaphore_mem>>) src(%dma_wait3A_127 : memref<80xi32, #tpu.memory_space<hbm>>) dst(%arg9 : memref<80xi32, #tpu.memory_space<vmem>>)
      %dma_wait3A_128 = arith.constant 0 : i32
      %dma_wait3A_129 = tpu.memref_slice %arg5[%dma_wait3A_128] : memref<320000xi32, #tpu.memory_space<hbm>> -> memref<80xi32, #tpu.memory_space<hbm>>
      %dma_wait3A_130 = arith.constant 0 : i32
      %dma_wait3A_131 = tpu.memref_slice %arg5[%dma_wait3A_130] : memref<320000xi32, #tpu.memory_space<hbm>> -> memref<80xi32, #tpu.memory_space<hbm>>
      tpu.wait_dma2 semaphore(%arg21 : memref<!tpu.dma_semaphore, #tpu.memory_space<semaphore_mem>>) src(%dma_wait3A_131 : memref<80xi32, #tpu.memory_space<hbm>>) dst(%arg11 : memref<80xi32, #tpu.memory_space<vmem>>)
      %dma_start3A_132 = arith.constant 0 : i32
      %dma_start3A_133 = arith.constant 0 : i32
      %dma_start3A_134 = tpu.memref_slice %arg7[%dma_start3A_132, %dma_start3A_133] : memref<10000x64xi32, #tpu.memory_space<vmem_shared>> -> memref<10000x64xi32, #tpu.memory_space<vmem_shared>>
      tpu.enqueue_indirect_dma source(%dma_start3A_134 : memref<10000x64xi32, #tpu.memory_space<vmem_shared>>) target(%arg13 : memref<80x64xi32, #tpu.memory_space<vmem>>) offsets(%arg9 : memref<80xi32, #tpu.memory_space<vmem>>) semaphore(%arg23 : memref<!tpu.dma_semaphore, #tpu.memory_space<semaphore_mem>>)
      %dma_start3A_135 = arith.constant 0 : i32
      %dma_start3A_136 = arith.constant 0 : i32
      %dma_start3A_137 = tpu.memref_slice %arg8[%dma_start3A_135, %dma_start3A_136] : memref<10000x64xi32, #tpu.memory_space<vmem_shared>> -> memref<10000x64xi32, #tpu.memory_space<vmem_shared>>
      tpu.enqueue_indirect_dma source(%dma_start3A_137 : memref<10000x64xi32, #tpu.memory_space<vmem_shared>>) target(%arg15 : memref<80x64xi32, #tpu.memory_space<vmem>>) offsets(%arg11 : memref<80xi32, #tpu.memory_space<vmem>>) semaphore(%arg23 : memref<!tpu.dma_semaphore, #tpu.memory_space<semaphore_mem>>)
      %dma_wait3A_138 = arith.constant 0 : i32
      %dma_wait3A_139 = arith.constant 0 : i32
      %dma_wait3A_140 = tpu.memref_slice %arg7[%dma_wait3A_138, %dma_wait3A_139] : memref<10000x64xi32, #tpu.memory_space<vmem_shared>> -> memref<10000x64xi32, #tpu.memory_space<vmem_shared>>
      tpu.wait_indirect_dma semaphore(%arg24 : memref<!tpu.dma_semaphore, #tpu.memory_space<semaphore_mem>>) src(%dma_wait3A_140 : memref<10000x64xi32, #tpu.memory_space<vmem_shared>>) dst(%arg14 : memref<80x64xi32, #tpu.memory_space<vmem>>)
      %dma_wait3A_141 = arith.constant 0 : i32
      %dma_wait3A_142 = arith.constant 0 : i32
      %dma_wait3A_143 = tpu.memref_slice %arg8[%dma_wait3A_141, %dma_wait3A_142] : memref<10000x64xi32, #tpu.memory_space<vmem_shared>> -> memref<10000x64xi32, #tpu.memory_space<vmem_shared>>
      tpu.wait_indirect_dma semaphore(%arg24 : memref<!tpu.dma_semaphore, #tpu.memory_space<semaphore_mem>>) src(%dma_wait3A_143 : memref<10000x64xi32, #tpu.memory_space<vmem_shared>>) dst(%arg16 : memref<80x64xi32, #tpu.memory_space<vmem>>)
      %add3A_144 = arith.constant 2 : i32
      %add3A_145 = arith.addi %add3A_123, %add3A_144 : i32
      %min3A_146 = arith.constant 124 : i32
      %min3A_147 = arith.minsi %add3A_145, %min3A_146 : i32
      %mul3A_148 = arith.constant 80 : i32
      %mul3A_149 = arith.muli %min3A_147, %mul3A_148 : i32
      %add3A_150 = arith.addi %mul3A_2, %mul3A_149 : i32
      %dma_start3A_151 = tpu.memref_slice %arg4[%add3A_150] : memref<320000xi32, #tpu.memory_space<hbm>> -> memref<80xi32, #tpu.memory_space<hbm>>
      %dma_start3A_152 = tpu.memref_slice %arg4[%add3A_150] : memref<320000xi32, #tpu.memory_space<hbm>> -> memref<80xi32, #tpu.memory_space<hbm>>
      tpu.enqueue_dma source(%dma_start3A_152 : memref<80xi32, #tpu.memory_space<hbm>>) target(%arg10 : memref<80xi32, #tpu.memory_space<vmem>>) target_semaphore(%arg22 : memref<!tpu.dma_semaphore, #tpu.memory_space<semaphore_mem>>)
      %dma_start3A_153 = tpu.memref_slice %arg5[%add3A_150] : memref<320000xi32, #tpu.memory_space<hbm>> -> memref<80xi32, #tpu.memory_space<hbm>>
      %dma_start3A_154 = tpu.memref_slice %arg5[%add3A_150] : memref<320000xi32, #tpu.memory_space<hbm>> -> memref<80xi32, #tpu.memory_space<hbm>>
      tpu.enqueue_dma source(%dma_start3A_154 : memref<80xi32, #tpu.memory_space<hbm>>) target(%arg12 : memref<80xi32, #tpu.memory_space<vmem>>) target_semaphore(%arg22 : memref<!tpu.dma_semaphore, #tpu.memory_space<semaphore_mem>>)
      %gt3A_155 = arith.constant 0 : i32
      %gt3A_156 = arith.cmpi sgt, %scan3A_70, %gt3A_155 : i32
      %convert_element_type3A_157 = arith.extui %gt3A_156 : i1 to i32
      %cond3A_158 = arith.constant 0 : i32
      %cond3A_159 = arith.cmpi ne, %convert_element_type3A_157, %cond3A_158 : i32
      scf.if %cond3A_159 {
        %dma_wait3A_171 = arith.constant 0 : i32
        %dma_wait3A_172 = tpu.memref_slice %arg6[%dma_wait3A_171] : memref<320000xf32, #tpu.memory_space<hbm>> -> memref<80xf32, #tpu.memory_space<hbm>>
        %dma_wait3A_173 = arith.constant 0 : i32
        %dma_wait3A_174 = tpu.memref_slice %arg6[%dma_wait3A_173] : memref<320000xf32, #tpu.memory_space<hbm>> -> memref<80xf32, #tpu.memory_space<hbm>>
        tpu.wait_dma2 semaphore(%arg26 : memref<!tpu.dma_semaphore, #tpu.memory_space<semaphore_mem>>) src(%arg18 : memref<80xf32, #tpu.memory_space<vmem>>) dst(%dma_wait3A_174 : memref<80xf32, #tpu.memory_space<hbm>>)
      } else {
      }
      %scan3A_160 = arith.constant 0 : i32
      %scan3A_161 = arith.constant 0 : i32
      %scan3A_162 = arith.constant 5 : i32
      %scan3A_163 = arith.addi %scan3A_161, %scan3A_162 : i32
      %scan3A_164 = arith.constant 1 : i32
      scf.for %scan3A_171 = %scan3A_161 to %scan3A_163 step %scan3A_164  : i32 {
        %mul3A_172 = arith.constant 16 : i32
        %mul3A_173 = arith.muli %scan3A_171, %mul3A_172 : i32
        %get3A = arith.index_cast %mul3A_173 : i32 to index
        %get3A_174 = arith.constant 0 : index
        %get3A_175 = tpu.vector_load %arg14[%get3A, %get3A_174] {strides = array<i32>} : memref<80x64xi32, #tpu.memory_space<vmem>>, vector<16xi32>,
        %get3A_176 = arith.index_cast %mul3A_173 : i32 to index
        %get3A_177 = arith.constant 16 : index
        %get3A_178 = tpu.vector_load %arg14[%get3A_176, %get3A_177] {strides = array<i32>} : memref<80x64xi32, #tpu.memory_space<vmem>>, vector<16xi32>,
        %get3A_179 = arith.index_cast %mul3A_173 : i32 to index
        %get3A_180 = arith.constant 32 : index
        %get3A_181 = tpu.vector_load %arg14[%get3A_179, %get3A_180] {strides = array<i32>} : memref<80x64xi32, #tpu.memory_space<vmem>>, vector<16xi32>,
        %get3A_182 = arith.index_cast %mul3A_173 : i32 to index
        %get3A_183 = arith.constant 48 : index
        %get3A_184 = tpu.vector_load %arg14[%get3A_182, %get3A_183] {strides = array<i32>} : memref<80x64xi32, #tpu.memory_space<vmem>>, vector<16xi32>,
        %get3A_185 = arith.index_cast %mul3A_173 : i32 to index
        %get3A_186 = arith.constant 0 : index
        %get3A_187 = tpu.vector_load %arg16[%get3A_185, %get3A_186] {strides = array<i32>} : memref<80x64xi32, #tpu.memory_space<vmem>>, vector<16xi32>,
        %get3A_188 = arith.index_cast %mul3A_173 : i32 to index
        %get3A_189 = arith.constant 16 : index
        %get3A_190 = tpu.vector_load %arg16[%get3A_188, %get3A_189] {strides = array<i32>} : memref<80x64xi32, #tpu.memory_space<vmem>>, vector<16xi32>,
        %get3A_191 = arith.index_cast %mul3A_173 : i32 to index
        %get3A_192 = arith.constant 32 : index
        %get3A_193 = tpu.vector_load %arg16[%get3A_191, %get3A_192] {strides = array<i32>} : memref<80x64xi32, #tpu.memory_space<vmem>>, vector<16xi32>,
        %get3A_194 = arith.index_cast %mul3A_173 : i32 to index
        %get3A_195 = arith.constant 48 : index
        %get3A_196 = tpu.vector_load %arg16[%get3A_194, %get3A_195] {strides = array<i32>} : memref<80x64xi32, #tpu.memory_space<vmem>>, vector<16xi32>,
        %add3A_197 = arith.constant 0 : i32
        %add3A_198 = arith.addi %mul3A_173, %add3A_197 : i32
        %add3A_199 = arith.constant 1 : i32
        %add3A_200 = arith.addi %add3A_198, %add3A_199 : i32
        %get3A_201 = arith.index_cast %add3A_200 : i32 to index
        %get3A_202 = arith.constant 0 : index
        %get3A_203 = tpu.vector_load %arg14[%get3A_201, %get3A_202] {strides = array<i32>} : memref<80x64xi32, #tpu.memory_space<vmem>>, vector<16xi32>,
        %get3A_204 = arith.index_cast %add3A_200 : i32 to index
        %get3A_205 = arith.constant 16 : index
        %get3A_206 = tpu.vector_load %arg14[%get3A_204, %get3A_205] {strides = array<i32>} : memref<80x64xi32, #tpu.memory_space<vmem>>, vector<16xi32>,
        %get3A_207 = arith.index_cast %add3A_200 : i32 to index
        %get3A_208 = arith.constant 32 : index
        %get3A_209 = tpu.vector_load %arg14[%get3A_207, %get3A_208] {strides = array<i32>} : memref<80x64xi32, #tpu.memory_space<vmem>>, vector<16xi32>,
        %get3A_210 = arith.index_cast %add3A_200 : i32 to index
        %get3A_211 = arith.constant 48 : index
        %get3A_212 = tpu.vector_load %arg14[%get3A_210, %get3A_211] {strides = array<i32>} : memref<80x64xi32, #tpu.memory_space<vmem>>, vector<16xi32>,
        %get3A_213 = arith.index_cast %add3A_200 : i32 to index
        %get3A_214 = arith.constant 0 : index
        %get3A_215 = tpu.vector_load %arg16[%get3A_213, %get3A_214] {strides = array<i32>} : memref<80x64xi32, #tpu.memory_space<vmem>>, vector<16xi32>,
        %get3A_216 = arith.index_cast %add3A_200 : i32 to index
        %get3A_217 = arith.constant 16 : index
        %get3A_218 = tpu.vector_load %arg16[%get3A_216, %get3A_217] {strides = array<i32>} : memref<80x64xi32, #tpu.memory_space<vmem>>, vector<16xi32>,
        %get3A_219 = arith.index_cast %add3A_200 : i32 to index
        %get3A_220 = arith.constant 32 : index
        %get3A_221 = tpu.vector_load %arg16[%get3A_219, %get3A_220] {strides = array<i32>} : memref<80x64xi32, #tpu.memory_space<vmem>>, vector<16xi32>,
        %get3A_222 = arith.index_cast %add3A_200 : i32 to index
        %get3A_223 = arith.constant 48 : index
        %get3A_224 = tpu.vector_load %arg16[%get3A_222, %get3A_223] {strides = array<i32>} : memref<80x64xi32, #tpu.memory_space<vmem>>, vector<16xi32>,
        %bitcast3A = vector.bitcast %get3A_175 : vector<16xi32> to vector<32xbf16>
        %bitcast3A_225 = vector.bitcast %get3A_187 : vector<16xi32> to vector<32xbf16>
        %mul3A_226 = arith.mulf %bitcast3A, %bitcast3A_225 : vector<32xbf16>
        %bitcast3A_227 = vector.bitcast %get3A_178 : vector<16xi32> to vector<32xbf16>
        %bitcast3A_228 = vector.bitcast %get3A_190 : vector<16xi32> to vector<32xbf16>
        %mul3A_229 = arith.mulf %bitcast3A_227, %bitcast3A_228 : vector<32xbf16>
        %bitcast3A_230 = vector.bitcast %get3A_181 : vector<16xi32> to vector<32xbf16>
        %bitcast3A_231 = vector.bitcast %get3A_193 : vector<16xi32> to vector<32xbf16>
        %mul3A_232 = arith.mulf %bitcast3A_230, %bitcast3A_231 : vector<32xbf16>
        %bitcast3A_233 = vector.bitcast %get3A_184 : vector<16xi32> to vector<32xbf16>
        %bitcast3A_234 = vector.bitcast %get3A_196 : vector<16xi32> to vector<32xbf16>
        %mul3A_235 = arith.mulf %bitcast3A_233, %bitcast3A_234 : vector<32xbf16>
        %add3A_236 = arith.addf %mul3A_226, %mul3A_229 : vector<32xbf16>
        %unpack3A = tpu.unpack_subelements %add3A_236, 0 {pack_format = #tpu.pack_format<interleaved>} : vector<32xbf16> -> vector<16xf32>
        %unpack3A_237 = tpu.unpack_subelements %add3A_236, 1 {pack_format = #tpu.pack_format<interleaved>} : vector<32xbf16> -> vector<16xf32>
        %add3A_238 = arith.addf %mul3A_232, %mul3A_235 : vector<32xbf16>
        %unpack3A_239 = tpu.unpack_subelements %add3A_238, 0 {pack_format = #tpu.pack_format<interleaved>} : vector<32xbf16> -> vector<16xf32>
        %unpack3A_240 = tpu.unpack_subelements %add3A_238, 1 {pack_format = #tpu.pack_format<interleaved>} : vector<32xbf16> -> vector<16xf32>
        %add3A_241 = arith.addf %unpack3A, %unpack3A_237 : vector<16xf32>
        %add3A_242 = arith.addf %unpack3A_239, %unpack3A_240 : vector<16xf32>
        %add3A_243 = arith.addf %add3A_241, %add3A_242 : vector<16xf32>
        %swap3A = arith.constant 0 : i32
        %swap3A_244 = arith.index_cast %swap3A : i32 to index
        %swap3A_245 = arith.constant 0 : index
        %swap3A_246 = tpu.vector_load %arg19[%swap3A_244, %swap3A_245] {strides = array<i32>} : memref<16x17xf32, #tpu.memory_space<vmem>>, vector<16xf32>,
        tpu.vector_store %arg19[%swap3A_244, %swap3A_245], %add3A_243 {strides = array<i32>} : memref<16x17xf32, #tpu.memory_space<vmem>>, vector<16xf32>,
        %add3A_247 = arith.constant 1 : i32
        %add3A_248 = arith.addi %mul3A_173, %add3A_247 : i32
        %add3A_249 = arith.constant 1 : i32
        %add3A_250 = arith.addi %add3A_248, %add3A_249 : i32
        %get3A_251 = arith.index_cast %add3A_250 : i32 to index
        %get3A_252 = arith.constant 0 : index
        %get3A_253 = tpu.vector_load %arg14[%get3A_251, %get3A_252] {strides = array<i32>} : memref<80x64xi32, #tpu.memory_space<vmem>>, vector<16xi32>,
        %get3A_254 = arith.index_cast %add3A_250 : i32 to index
        %get3A_255 = arith.constant 16 : index
        %get3A_256 = tpu.vector_load %arg14[%get3A_254, %get3A_255] {strides = array<i32>} : memref<80x64xi32, #tpu.memory_space<vmem>>, vector<16xi32>,
        %get3A_257 = arith.index_cast %add3A_250 : i32 to index
        %get3A_258 = arith.constant 32 : index
        %get3A_259 = tpu.vector_load %arg14[%get3A_257, %get3A_258] {strides = array<i32>} : memref<80x64xi32, #tpu.memory_space<vmem>>, vector<16xi32>,
        %get3A_260 = arith.index_cast %add3A_250 : i32 to index
        %get3A_261 = arith.constant 48 : index
        %get3A_262 = tpu.vector_load %arg14[%get3A_260, %get3A_261] {strides = array<i32>} : memref<80x64xi32, #tpu.memory_space<vmem>>, vector<16xi32>,
        %get3A_263 = arith.index_cast %add3A_250 : i32 to index
        %get3A_264 = arith.constant 0 : index
        %get3A_265 = tpu.vector_load %arg16[%get3A_263, %get3A_264] {strides = array<i32>} : memref<80x64xi32, #tpu.memory_space<vmem>>, vector<16xi32>,
        %get3A_266 = arith.index_cast %add3A_250 : i32 to index
        %get3A_267 = arith.constant 16 : index
        %get3A_268 = tpu.vector_load %arg16[%get3A_266, %get3A_267] {strides = array<i32>} : memref<80x64xi32, #tpu.memory_space<vmem>>, vector<16xi32>,
        %get3A_269 = arith.index_cast %add3A_250 : i32 to index
        %get3A_270 = arith.constant 32 : index
        %get3A_271 = tpu.vector_load %arg16[%get3A_269, %get3A_270] {strides = array<i32>} : memref<80x64xi32, #tpu.memory_space<vmem>>, vector<16xi32>,
        %get3A_272 = arith.index_cast %add3A_250 : i32 to index
        %get3A_273 = arith.constant 48 : index
        %get3A_274 = tpu.vector_load %arg16[%get3A_272, %get3A_273] {strides = array<i32>} : memref<80x64xi32, #tpu.memory_space<vmem>>, vector<16xi32>,
        %bitcast3A_275 = vector.bitcast %get3A_203 : vector<16xi32> to vector<32xbf16>
        %bitcast3A_276 = vector.bitcast %get3A_215 : vector<16xi32> to vector<32xbf16>
        %mul3A_277 = arith.mulf %bitcast3A_275, %bitcast3A_276 : vector<32xbf16>
        %bitcast3A_278 = vector.bitcast %get3A_206 : vector<16xi32> to vector<32xbf16>
        %bitcast3A_279 = vector.bitcast %get3A_218 : vector<16xi32> to vector<32xbf16>
        %mul3A_280 = arith.mulf %bitcast3A_278, %bitcast3A_279 : vector<32xbf16>
        %bitcast3A_281 = vector.bitcast %get3A_209 : vector<16xi32> to vector<32xbf16>
        %bitcast3A_282 = vector.bitcast %get3A_221 : vector<16xi32> to vector<32xbf16>
        %mul3A_283 = arith.mulf %bitcast3A_281, %bitcast3A_282 : vector<32xbf16>
        %bitcast3A_284 = vector.bitcast %get3A_212 : vector<16xi32> to vector<32xbf16>
        %bitcast3A_285 = vector.bitcast %get3A_224 : vector<16xi32> to vector<32xbf16>
        %mul3A_286 = arith.mulf %bitcast3A_284, %bitcast3A_285 : vector<32xbf16>
        %add3A_287 = arith.addf %mul3A_277, %mul3A_280 : vector<32xbf16>
        %unpack3A_288 = tpu.unpack_subelements %add3A_287, 0 {pack_format = #tpu.pack_format<interleaved>} : vector<32xbf16> -> vector<16xf32>
        %unpack3A_289 = tpu.unpack_subelements %add3A_287, 1 {pack_format = #tpu.pack_format<interleaved>} : vector<32xbf16> -> vector<16xf32>
        %add3A_290 = arith.addf %mul3A_283, %mul3A_286 : vector<32xbf16>
        %unpack3A_291 = tpu.unpack_subelements %add3A_290, 0 {pack_format = #tpu.pack_format<interleaved>} : vector<32xbf16> -> vector<16xf32>
        %unpack3A_292 = tpu.unpack_subelements %add3A_290, 1 {pack_format = #tpu.pack_format<interleaved>} : vector<32xbf16> -> vector<16xf32>
        %add3A_293 = arith.addf %unpack3A_288, %unpack3A_289 : vector<16xf32>
        %add3A_294 = arith.addf %unpack3A_291, %unpack3A_292 : vector<16xf32>
        %add3A_295 = arith.addf %add3A_293, %add3A_294 : vector<16xf32>
        %swap3A_296 = arith.constant 1 : i32
        %swap3A_297 = arith.index_cast %swap3A_296 : i32 to index
        %swap3A_298 = arith.constant 0 : index
        %swap3A_299 = tpu.vector_load %arg19[%swap3A_297, %swap3A_298] {strides = array<i32>} : memref<16x17xf32, #tpu.memory_space<vmem>>, vector<16xf32>,
        tpu.vector_store %arg19[%swap3A_297, %swap3A_298], %add3A_295 {strides = array<i32>} : memref<16x17xf32, #tpu.memory_space<vmem>>, vector<16xf32>,
        %add3A_300 = arith.constant 2 : i32
        %add3A_301 = arith.addi %mul3A_173, %add3A_300 : i32
        %add3A_302 = arith.constant 1 : i32
        %add3A_303 = arith.addi %add3A_301, %add3A_302 : i32
        %get3A_304 = arith.index_cast %add3A_303 : i32 to index
        %get3A_305 = arith.constant 0 : index
        %get3A_306 = tpu.vector_load %arg14[%get3A_304, %get3A_305] {strides = array<i32>} : memref<80x64xi32, #tpu.memory_space<vmem>>, vector<16xi32>,
        %get3A_307 = arith.index_cast %add3A_303 : i32 to index
        %get3A_308 = arith.constant 16 : index
        %get3A_309 = tpu.vector_load %arg14[%get3A_307, %get3A_308] {strides = array<i32>} : memref<80x64xi32, #tpu.memory_space<vmem>>, vector<16xi32>,
        %get3A_310 = arith.index_cast %add3A_303 : i32 to index
        %get3A_311 = arith.constant 32 : index
        %get3A_312 = tpu.vector_load %arg14[%get3A_310, %get3A_311] {strides = array<i32>} : memref<80x64xi32, #tpu.memory_space<vmem>>, vector<16xi32>,
        %get3A_313 = arith.index_cast %add3A_303 : i32 to index
        %get3A_314 = arith.constant 48 : index
        %get3A_315 = tpu.vector_load %arg14[%get3A_313, %get3A_314] {strides = array<i32>} : memref<80x64xi32, #tpu.memory_space<vmem>>, vector<16xi32>,
        %get3A_316 = arith.index_cast %add3A_303 : i32 to index
        %get3A_317 = arith.constant 0 : index
        %get3A_318 = tpu.vector_load %arg16[%get3A_316, %get3A_317] {strides = array<i32>} : memref<80x64xi32, #tpu.memory_space<vmem>>, vector<16xi32>,
        %get3A_319 = arith.index_cast %add3A_303 : i32 to index
        %get3A_320 = arith.constant 16 : index
        %get3A_321 = tpu.vector_load %arg16[%get3A_319, %get3A_320] {strides = array<i32>} : memref<80x64xi32, #tpu.memory_space<vmem>>, vector<16xi32>,
        %get3A_322 = arith.index_cast %add3A_303 : i32 to index
        %get3A_323 = arith.constant 32 : index
        %get3A_324 = tpu.vector_load %arg16[%get3A_322, %get3A_323] {strides = array<i32>} : memref<80x64xi32, #tpu.memory_space<vmem>>, vector<16xi32>,
        %get3A_325 = arith.index_cast %add3A_303 : i32 to index
        %get3A_326 = arith.constant 48 : index
        %get3A_327 = tpu.vector_load %arg16[%get3A_325, %get3A_326] {strides = array<i32>} : memref<80x64xi32, #tpu.memory_space<vmem>>, vector<16xi32>,
        %bitcast3A_328 = vector.bitcast %get3A_253 : vector<16xi32> to vector<32xbf16>
        %bitcast3A_329 = vector.bitcast %get3A_265 : vector<16xi32> to vector<32xbf16>
        %mul3A_330 = arith.mulf %bitcast3A_328, %bitcast3A_329 : vector<32xbf16>
        %bitcast3A_331 = vector.bitcast %get3A_256 : vector<16xi32> to vector<32xbf16>
        %bitcast3A_332 = vector.bitcast %get3A_268 : vector<16xi32> to vector<32xbf16>
        %mul3A_333 = arith.mulf %bitcast3A_331, %bitcast3A_332 : vector<32xbf16>
        %bitcast3A_334 = vector.bitcast %get3A_259 : vector<16xi32> to vector<32xbf16>
        %bitcast3A_335 = vector.bitcast %get3A_271 : vector<16xi32> to vector<32xbf16>
        %mul3A_336 = arith.mulf %bitcast3A_334, %bitcast3A_335 : vector<32xbf16>
        %bitcast3A_337 = vector.bitcast %get3A_262 : vector<16xi32> to vector<32xbf16>
        %bitcast3A_338 = vector.bitcast %get3A_274 : vector<16xi32> to vector<32xbf16>
        %mul3A_339 = arith.mulf %bitcast3A_337, %bitcast3A_338 : vector<32xbf16>
        %add3A_340 = arith.addf %mul3A_330, %mul3A_333 : vector<32xbf16>
        %unpack3A_341 = tpu.unpack_subelements %add3A_340, 0 {pack_format = #tpu.pack_format<interleaved>} : vector<32xbf16> -> vector<16xf32>
        %unpack3A_342 = tpu.unpack_subelements %add3A_340, 1 {pack_format = #tpu.pack_format<interleaved>} : vector<32xbf16> -> vector<16xf32>
        %add3A_343 = arith.addf %mul3A_336, %mul3A_339 : vector<32xbf16>
        %unpack3A_344 = tpu.unpack_subelements %add3A_343, 0 {pack_format = #tpu.pack_format<interleaved>} : vector<32xbf16> -> vector<16xf32>
        %unpack3A_345 = tpu.unpack_subelements %add3A_343, 1 {pack_format = #tpu.pack_format<interleaved>} : vector<32xbf16> -> vector<16xf32>
        %add3A_346 = arith.addf %unpack3A_341, %unpack3A_342 : vector<16xf32>
        %add3A_347 = arith.addf %unpack3A_344, %unpack3A_345 : vector<16xf32>
        %add3A_348 = arith.addf %add3A_346, %add3A_347 : vector<16xf32>
        %swap3A_349 = arith.constant 2 : i32
        %swap3A_350 = arith.index_cast %swap3A_349 : i32 to index
        %swap3A_351 = arith.constant 0 : index
        %swap3A_352 = tpu.vector_load %arg19[%swap3A_350, %swap3A_351] {strides = array<i32>} : memref<16x17xf32, #tpu.memory_space<vmem>>, vector<16xf32>,
        tpu.vector_store %arg19[%swap3A_350, %swap3A_351], %add3A_348 {strides = array<i32>} : memref<16x17xf32, #tpu.memory_space<vmem>>, vector<16xf32>,
        %add3A_353 = arith.constant 3 : i32
        %add3A_354 = arith.addi %mul3A_173, %add3A_353 : i32
        %add3A_355 = arith.constant 1 : i32
        %add3A_356 = arith.addi %add3A_354, %add3A_355 : i32
        %get3A_357 = arith.index_cast %add3A_356 : i32 to index
        %get3A_358 = arith.constant 0 : index
        %get3A_359 = tpu.vector_load %arg14[%get3A_357, %get3A_358] {strides = array<i32>} : memref<80x64xi32, #tpu.memory_space<vmem>>, vector<16xi32>,
        %get3A_360 = arith.index_cast %add3A_356 : i32 to index
        %get3A_361 = arith.constant 16 : index
        %get3A_362 = tpu.vector_load %arg14[%get3A_360, %get3A_361] {strides = array<i32>} : memref<80x64xi32, #tpu.memory_space<vmem>>, vector<16xi32>,
        %get3A_363 = arith.index_cast %add3A_356 : i32 to index
        %get3A_364 = arith.constant 32 : index
        %get3A_365 = tpu.vector_load %arg14[%get3A_363, %get3A_364] {strides = array<i32>} : memref<80x64xi32, #tpu.memory_space<vmem>>, vector<16xi32>,
        %get3A_366 = arith.index_cast %add3A_356 : i32 to index
        %get3A_367 = arith.constant 48 : index
        %get3A_368 = tpu.vector_load %arg14[%get3A_366, %get3A_367] {strides = array<i32>} : memref<80x64xi32, #tpu.memory_space<vmem>>, vector<16xi32>,
        %get3A_369 = arith.index_cast %add3A_356 : i32 to index
        %get3A_370 = arith.constant 0 : index
        %get3A_371 = tpu.vector_load %arg16[%get3A_369, %get3A_370] {strides = array<i32>} : memref<80x64xi32, #tpu.memory_space<vmem>>, vector<16xi32>,
        %get3A_372 = arith.index_cast %add3A_356 : i32 to index
        %get3A_373 = arith.constant 16 : index
        %get3A_374 = tpu.vector_load %arg16[%get3A_372, %get3A_373] {strides = array<i32>} : memref<80x64xi32, #tpu.memory_space<vmem>>, vector<16xi32>,
        %get3A_375 = arith.index_cast %add3A_356 : i32 to index
        %get3A_376 = arith.constant 32 : index
        %get3A_377 = tpu.vector_load %arg16[%get3A_375, %get3A_376] {strides = array<i32>} : memref<80x64xi32, #tpu.memory_space<vmem>>, vector<16xi32>,
        %get3A_378 = arith.index_cast %add3A_356 : i32 to index
        %get3A_379 = arith.constant 48 : index
        %get3A_380 = tpu.vector_load %arg16[%get3A_378, %get3A_379] {strides = array<i32>} : memref<80x64xi32, #tpu.memory_space<vmem>>, vector<16xi32>,
        %bitcast3A_381 = vector.bitcast %get3A_306 : vector<16xi32> to vector<32xbf16>
        %bitcast3A_382 = vector.bitcast %get3A_318 : vector<16xi32> to vector<32xbf16>
        %mul3A_383 = arith.mulf %bitcast3A_381, %bitcast3A_382 : vector<32xbf16>
        %bitcast3A_384 = vector.bitcast %get3A_309 : vector<16xi32> to vector<32xbf16>
        %bitcast3A_385 = vector.bitcast %get3A_321 : vector<16xi32> to vector<32xbf16>
        %mul3A_386 = arith.mulf %bitcast3A_384, %bitcast3A_385 : vector<32xbf16>
        %bitcast3A_387 = vector.bitcast %get3A_312 : vector<16xi32> to vector<32xbf16>
        %bitcast3A_388 = vector.bitcast %get3A_324 : vector<16xi32> to vector<32xbf16>
        %mul3A_389 = arith.mulf %bitcast3A_387, %bitcast3A_388 : vector<32xbf16>
        %bitcast3A_390 = vector.bitcast %get3A_315 : vector<16xi32> to vector<32xbf16>
        %bitcast3A_391 = vector.bitcast %get3A_327 : vector<16xi32> to vector<32xbf16>
        %mul3A_392 = arith.mulf %bitcast3A_390, %bitcast3A_391 : vector<32xbf16>
        %add3A_393 = arith.addf %mul3A_383, %mul3A_386 : vector<32xbf16>
        %unpack3A_394 = tpu.unpack_subelements %add3A_393, 0 {pack_format = #tpu.pack_format<interleaved>} : vector<32xbf16> -> vector<16xf32>
        %unpack3A_395 = tpu.unpack_subelements %add3A_393, 1 {pack_format = #tpu.pack_format<interleaved>} : vector<32xbf16> -> vector<16xf32>
        %add3A_396 = arith.addf %mul3A_389, %mul3A_392 : vector<32xbf16>
        %unpack3A_397 = tpu.unpack_subelements %add3A_396, 0 {pack_format = #tpu.pack_format<interleaved>} : vector<32xbf16> -> vector<16xf32>
        %unpack3A_398 = tpu.unpack_subelements %add3A_396, 1 {pack_format = #tpu.pack_format<interleaved>} : vector<32xbf16> -> vector<16xf32>
        %add3A_399 = arith.addf %unpack3A_394, %unpack3A_395 : vector<16xf32>
        %add3A_400 = arith.addf %unpack3A_397, %unpack3A_398 : vector<16xf32>
        %add3A_401 = arith.addf %add3A_399, %add3A_400 : vector<16xf32>
        %swap3A_402 = arith.constant 3 : i32
        %swap3A_403 = arith.index_cast %swap3A_402 : i32 to index
        %swap3A_404 = arith.constant 0 : index
        %swap3A_405 = tpu.vector_load %arg19[%swap3A_403, %swap3A_404] {strides = array<i32>} : memref<16x17xf32, #tpu.memory_space<vmem>>, vector<16xf32>,
        tpu.vector_store %arg19[%swap3A_403, %swap3A_404], %add3A_401 {strides = array<i32>} : memref<16x17xf32, #tpu.memory_space<vmem>>, vector<16xf32>,
        %add3A_406 = arith.constant 4 : i32
        %add3A_407 = arith.addi %mul3A_173, %add3A_406 : i32
        %add3A_408 = arith.constant 1 : i32
        %add3A_409 = arith.addi %add3A_407, %add3A_408 : i32
        %get3A_410 = arith.index_cast %add3A_409 : i32 to index
        %get3A_411 = arith.constant 0 : index
        %get3A_412 = tpu.vector_load %arg14[%get3A_410, %get3A_411] {strides = array<i32>} : memref<80x64xi32, #tpu.memory_space<vmem>>, vector<16xi32>,
        %get3A_413 = arith.index_cast %add3A_409 : i32 to index
        %get3A_414 = arith.constant 16 : index
        %get3A_415 = tpu.vector_load %arg14[%get3A_413, %get3A_414] {strides = array<i32>} : memref<80x64xi32, #tpu.memory_space<vmem>>, vector<16xi32>,
        %get3A_416 = arith.index_cast %add3A_409 : i32 to index
        %get3A_417 = arith.constant 32 : index
        %get3A_418 = tpu.vector_load %arg14[%get3A_416, %get3A_417] {strides = array<i32>} : memref<80x64xi32, #tpu.memory_space<vmem>>, vector<16xi32>,
        %get3A_419 = arith.index_cast %add3A_409 : i32 to index
        %get3A_420 = arith.constant 48 : index
        %get3A_421 = tpu.vector_load %arg14[%get3A_419, %get3A_420] {strides = array<i32>} : memref<80x64xi32, #tpu.memory_space<vmem>>, vector<16xi32>,
        %get3A_422 = arith.index_cast %add3A_409 : i32 to index
        %get3A_423 = arith.constant 0 : index
        %get3A_424 = tpu.vector_load %arg16[%get3A_422, %get3A_423] {strides = array<i32>} : memref<80x64xi32, #tpu.memory_space<vmem>>, vector<16xi32>,
        %get3A_425 = arith.index_cast %add3A_409 : i32 to index
        %get3A_426 = arith.constant 16 : index
        %get3A_427 = tpu.vector_load %arg16[%get3A_425, %get3A_426] {strides = array<i32>} : memref<80x64xi32, #tpu.memory_space<vmem>>, vector<16xi32>,
        %get3A_428 = arith.index_cast %add3A_409 : i32 to index
        %get3A_429 = arith.constant 32 : index
        %get3A_430 = tpu.vector_load %arg16[%get3A_428, %get3A_429] {strides = array<i32>} : memref<80x64xi32, #tpu.memory_space<vmem>>, vector<16xi32>,
        %get3A_431 = arith.index_cast %add3A_409 : i32 to index
        %get3A_432 = arith.constant 48 : index
        %get3A_433 = tpu.vector_load %arg16[%get3A_431, %get3A_432] {strides = array<i32>} : memref<80x64xi32, #tpu.memory_space<vmem>>, vector<16xi32>,
        %bitcast3A_434 = vector.bitcast %get3A_359 : vector<16xi32> to vector<32xbf16>
        %bitcast3A_435 = vector.bitcast %get3A_371 : vector<16xi32> to vector<32xbf16>
        %mul3A_436 = arith.mulf %bitcast3A_434, %bitcast3A_435 : vector<32xbf16>
        %bitcast3A_437 = vector.bitcast %get3A_362 : vector<16xi32> to vector<32xbf16>
        %bitcast3A_438 = vector.bitcast %get3A_374 : vector<16xi32> to vector<32xbf16>
        %mul3A_439 = arith.mulf %bitcast3A_437, %bitcast3A_438 : vector<32xbf16>
        %bitcast3A_440 = vector.bitcast %get3A_365 : vector<16xi32> to vector<32xbf16>
        %bitcast3A_441 = vector.bitcast %get3A_377 : vector<16xi32> to vector<32xbf16>
        %mul3A_442 = arith.mulf %bitcast3A_440, %bitcast3A_441 : vector<32xbf16>
        %bitcast3A_443 = vector.bitcast %get3A_368 : vector<16xi32> to vector<32xbf16>
        %bitcast3A_444 = vector.bitcast %get3A_380 : vector<16xi32> to vector<32xbf16>
        %mul3A_445 = arith.mulf %bitcast3A_443, %bitcast3A_444 : vector<32xbf16>
        %add3A_446 = arith.addf %mul3A_436, %mul3A_439 : vector<32xbf16>
        %unpack3A_447 = tpu.unpack_subelements %add3A_446, 0 {pack_format = #tpu.pack_format<interleaved>} : vector<32xbf16> -> vector<16xf32>
        %unpack3A_448 = tpu.unpack_subelements %add3A_446, 1 {pack_format = #tpu.pack_format<interleaved>} : vector<32xbf16> -> vector<16xf32>
        %add3A_449 = arith.addf %mul3A_442, %mul3A_445 : vector<32xbf16>
        %unpack3A_450 = tpu.unpack_subelements %add3A_449, 0 {pack_format = #tpu.pack_format<interleaved>} : vector<32xbf16> -> vector<16xf32>
        %unpack3A_451 = tpu.unpack_subelements %add3A_449, 1 {pack_format = #tpu.pack_format<interleaved>} : vector<32xbf16> -> vector<16xf32>
        %add3A_452 = arith.addf %unpack3A_447, %unpack3A_448 : vector<16xf32>
        %add3A_453 = arith.addf %unpack3A_450, %unpack3A_451 : vector<16xf32>
        %add3A_454 = arith.addf %add3A_452, %add3A_453 : vector<16xf32>
        %swap3A_455 = arith.constant 4 : i32
        %swap3A_456 = arith.index_cast %swap3A_455 : i32 to index
        %swap3A_457 = arith.constant 0 : index
        %swap3A_458 = tpu.vector_load %arg19[%swap3A_456, %swap3A_457] {strides = array<i32>} : memref<16x17xf32, #tpu.memory_space<vmem>>, vector<16xf32>,
        tpu.vector_store %arg19[%swap3A_456, %swap3A_457], %add3A_454 {strides = array<i32>} : memref<16x17xf32, #tpu.memory_space<vmem>>, vector<16xf32>,
        %add3A_459 = arith.constant 5 : i32
        %add3A_460 = arith.addi %mul3A_173, %add3A_459 : i32
        %add3A_461 = arith.constant 1 : i32
        %add3A_462 = arith.addi %add3A_460, %add3A_461 : i32
        %get3A_463 = arith.index_cast %add3A_462 : i32 to index
        %get3A_464 = arith.constant 0 : index
        %get3A_465 = tpu.vector_load %arg14[%get3A_463, %get3A_464] {strides = array<i32>} : memref<80x64xi32, #tpu.memory_space<vmem>>, vector<16xi32>,
        %get3A_466 = arith.index_cast %add3A_462 : i32 to index
        %get3A_467 = arith.constant 16 : index
        %get3A_468 = tpu.vector_load %arg14[%get3A_466, %get3A_467] {strides = array<i32>} : memref<80x64xi32, #tpu.memory_space<vmem>>, vector<16xi32>,
        %get3A_469 = arith.index_cast %add3A_462 : i32 to index
        %get3A_470 = arith.constant 32 : index
        %get3A_471 = tpu.vector_load %arg14[%get3A_469, %get3A_470] {strides = array<i32>} : memref<80x64xi32, #tpu.memory_space<vmem>>, vector<16xi32>,
        %get3A_472 = arith.index_cast %add3A_462 : i32 to index
        %get3A_473 = arith.constant 48 : index
        %get3A_474 = tpu.vector_load %arg14[%get3A_472, %get3A_473] {strides = array<i32>} : memref<80x64xi32, #tpu.memory_space<vmem>>, vector<16xi32>,
        %get3A_475 = arith.index_cast %add3A_462 : i32 to index
        %get3A_476 = arith.constant 0 : index
        %get3A_477 = tpu.vector_load %arg16[%get3A_475, %get3A_476] {strides = array<i32>} : memref<80x64xi32, #tpu.memory_space<vmem>>, vector<16xi32>,
        %get3A_478 = arith.index_cast %add3A_462 : i32 to index
        %get3A_479 = arith.constant 16 : index
        %get3A_480 = tpu.vector_load %arg16[%get3A_478, %get3A_479] {strides = array<i32>} : memref<80x64xi32, #tpu.memory_space<vmem>>, vector<16xi32>,
        %get3A_481 = arith.index_cast %add3A_462 : i32 to index
        %get3A_482 = arith.constant 32 : index
        %get3A_483 = tpu.vector_load %arg16[%get3A_481, %get3A_482] {strides = array<i32>} : memref<80x64xi32, #tpu.memory_space<vmem>>, vector<16xi32>,
        %get3A_484 = arith.index_cast %add3A_462 : i32 to index
        %get3A_485 = arith.constant 48 : index
        %get3A_486 = tpu.vector_load %arg16[%get3A_484, %get3A_485] {strides = array<i32>} : memref<80x64xi32, #tpu.memory_space<vmem>>, vector<16xi32>,
        %bitcast3A_487 = vector.bitcast %get3A_412 : vector<16xi32> to vector<32xbf16>
        %bitcast3A_488 = vector.bitcast %get3A_424 : vector<16xi32> to vector<32xbf16>
        %mul3A_489 = arith.mulf %bitcast3A_487, %bitcast3A_488 : vector<32xbf16>
        %bitcast3A_490 = vector.bitcast %get3A_415 : vector<16xi32> to vector<32xbf16>
        %bitcast3A_491 = vector.bitcast %get3A_427 : vector<16xi32> to vector<32xbf16>
        %mul3A_492 = arith.mulf %bitcast3A_490, %bitcast3A_491 : vector<32xbf16>
        %bitcast3A_493 = vector.bitcast %get3A_418 : vector<16xi32> to vector<32xbf16>
        %bitcast3A_494 = vector.bitcast %get3A_430 : vector<16xi32> to vector<32xbf16>
        %mul3A_495 = arith.mulf %bitcast3A_493, %bitcast3A_494 : vector<32xbf16>
        %bitcast3A_496 = vector.bitcast %get3A_421 : vector<16xi32> to vector<32xbf16>
        %bitcast3A_497 = vector.bitcast %get3A_433 : vector<16xi32> to vector<32xbf16>
        %mul3A_498 = arith.mulf %bitcast3A_496, %bitcast3A_497 : vector<32xbf16>
        %add3A_499 = arith.addf %mul3A_489, %mul3A_492 : vector<32xbf16>
        %unpack3A_500 = tpu.unpack_subelements %add3A_499, 0 {pack_format = #tpu.pack_format<interleaved>} : vector<32xbf16> -> vector<16xf32>
        %unpack3A_501 = tpu.unpack_subelements %add3A_499, 1 {pack_format = #tpu.pack_format<interleaved>} : vector<32xbf16> -> vector<16xf32>
        %add3A_502 = arith.addf %mul3A_495, %mul3A_498 : vector<32xbf16>
        %unpack3A_503 = tpu.unpack_subelements %add3A_502, 0 {pack_format = #tpu.pack_format<interleaved>} : vector<32xbf16> -> vector<16xf32>
        %unpack3A_504 = tpu.unpack_subelements %add3A_502, 1 {pack_format = #tpu.pack_format<interleaved>} : vector<32xbf16> -> vector<16xf32>
        %add3A_505 = arith.addf %unpack3A_500, %unpack3A_501 : vector<16xf32>
        %add3A_506 = arith.addf %unpack3A_503, %unpack3A_504 : vector<16xf32>
        %add3A_507 = arith.addf %add3A_505, %add3A_506 : vector<16xf32>
        %swap3A_508 = arith.constant 5 : i32
        %swap3A_509 = arith.index_cast %swap3A_508 : i32 to index
        %swap3A_510 = arith.constant 0 : index
        %swap3A_511 = tpu.vector_load %arg19[%swap3A_509, %swap3A_510] {strides = array<i32>} : memref<16x17xf32, #tpu.memory_space<vmem>>, vector<16xf32>,
        tpu.vector_store %arg19[%swap3A_509, %swap3A_510], %add3A_507 {strides = array<i32>} : memref<16x17xf32, #tpu.memory_space<vmem>>, vector<16xf32>,
        %add3A_512 = arith.constant 6 : i32
        %add3A_513 = arith.addi %mul3A_173, %add3A_512 : i32
        %add3A_514 = arith.constant 1 : i32
        %add3A_515 = arith.addi %add3A_513, %add3A_514 : i32
        %get3A_516 = arith.index_cast %add3A_515 : i32 to index
        %get3A_517 = arith.constant 0 : index
        %get3A_518 = tpu.vector_load %arg14[%get3A_516, %get3A_517] {strides = array<i32>} : memref<80x64xi32, #tpu.memory_space<vmem>>, vector<16xi32>,
        %get3A_519 = arith.index_cast %add3A_515 : i32 to index
        %get3A_520 = arith.constant 16 : index
        %get3A_521 = tpu.vector_load %arg14[%get3A_519, %get3A_520] {strides = array<i32>} : memref<80x64xi32, #tpu.memory_space<vmem>>, vector<16xi32>,
        %get3A_522 = arith.index_cast %add3A_515 : i32 to index
        %get3A_523 = arith.constant 32 : index
        %get3A_524 = tpu.vector_load %arg14[%get3A_522, %get3A_523] {strides = array<i32>} : memref<80x64xi32, #tpu.memory_space<vmem>>, vector<16xi32>,
        %get3A_525 = arith.index_cast %add3A_515 : i32 to index
        %get3A_526 = arith.constant 48 : index
        %get3A_527 = tpu.vector_load %arg14[%get3A_525, %get3A_526] {strides = array<i32>} : memref<80x64xi32, #tpu.memory_space<vmem>>, vector<16xi32>,
        %get3A_528 = arith.index_cast %add3A_515 : i32 to index
        %get3A_529 = arith.constant 0 : index
        %get3A_530 = tpu.vector_load %arg16[%get3A_528, %get3A_529] {strides = array<i32>} : memref<80x64xi32, #tpu.memory_space<vmem>>, vector<16xi32>,
        %get3A_531 = arith.index_cast %add3A_515 : i32 to index
        %get3A_532 = arith.constant 16 : index
        %get3A_533 = tpu.vector_load %arg16[%get3A_531, %get3A_532] {strides = array<i32>} : memref<80x64xi32, #tpu.memory_space<vmem>>, vector<16xi32>,
        %get3A_534 = arith.index_cast %add3A_515 : i32 to index
        %get3A_535 = arith.constant 32 : index
        %get3A_536 = tpu.vector_load %arg16[%get3A_534, %get3A_535] {strides = array<i32>} : memref<80x64xi32, #tpu.memory_space<vmem>>, vector<16xi32>,
        %get3A_537 = arith.index_cast %add3A_515 : i32 to index
        %get3A_538 = arith.constant 48 : index
        %get3A_539 = tpu.vector_load %arg16[%get3A_537, %get3A_538] {strides = array<i32>} : memref<80x64xi32, #tpu.memory_space<vmem>>, vector<16xi32>,
        %bitcast3A_540 = vector.bitcast %get3A_465 : vector<16xi32> to vector<32xbf16>
        %bitcast3A_541 = vector.bitcast %get3A_477 : vector<16xi32> to vector<32xbf16>
        %mul3A_542 = arith.mulf %bitcast3A_540, %bitcast3A_541 : vector<32xbf16>
        %bitcast3A_543 = vector.bitcast %get3A_468 : vector<16xi32> to vector<32xbf16>
        %bitcast3A_544 = vector.bitcast %get3A_480 : vector<16xi32> to vector<32xbf16>
        %mul3A_545 = arith.mulf %bitcast3A_543, %bitcast3A_544 : vector<32xbf16>
        %bitcast3A_546 = vector.bitcast %get3A_471 : vector<16xi32> to vector<32xbf16>
        %bitcast3A_547 = vector.bitcast %get3A_483 : vector<16xi32> to vector<32xbf16>
        %mul3A_548 = arith.mulf %bitcast3A_546, %bitcast3A_547 : vector<32xbf16>
        %bitcast3A_549 = vector.bitcast %get3A_474 : vector<16xi32> to vector<32xbf16>
        %bitcast3A_550 = vector.bitcast %get3A_486 : vector<16xi32> to vector<32xbf16>
        %mul3A_551 = arith.mulf %bitcast3A_549, %bitcast3A_550 : vector<32xbf16>
        %add3A_552 = arith.addf %mul3A_542, %mul3A_545 : vector<32xbf16>
        %unpack3A_553 = tpu.unpack_subelements %add3A_552, 0 {pack_format = #tpu.pack_format<interleaved>} : vector<32xbf16> -> vector<16xf32>
        %unpack3A_554 = tpu.unpack_subelements %add3A_552, 1 {pack_format = #tpu.pack_format<interleaved>} : vector<32xbf16> -> vector<16xf32>
        %add3A_555 = arith.addf %mul3A_548, %mul3A_551 : vector<32xbf16>
        %unpack3A_556 = tpu.unpack_subelements %add3A_555, 0 {pack_format = #tpu.pack_format<interleaved>} : vector<32xbf16> -> vector<16xf32>
        %unpack3A_557 = tpu.unpack_subelements %add3A_555, 1 {pack_format = #tpu.pack_format<interleaved>} : vector<32xbf16> -> vector<16xf32>
        %add3A_558 = arith.addf %unpack3A_553, %unpack3A_554 : vector<16xf32>
        %add3A_559 = arith.addf %unpack3A_556, %unpack3A_557 : vector<16xf32>
        %add3A_560 = arith.addf %add3A_558, %add3A_559 : vector<16xf32>
        %swap3A_561 = arith.constant 6 : i32
        %swap3A_562 = arith.index_cast %swap3A_561 : i32 to index
        %swap3A_563 = arith.constant 0 : index
        %swap3A_564 = tpu.vector_load %arg19[%swap3A_562, %swap3A_563] {strides = array<i32>} : memref<16x17xf32, #tpu.memory_space<vmem>>, vector<16xf32>,
        tpu.vector_store %arg19[%swap3A_562, %swap3A_563], %add3A_560 {strides = array<i32>} : memref<16x17xf32, #tpu.memory_space<vmem>>, vector<16xf32>,
        %add3A_565 = arith.constant 7 : i32
        %add3A_566 = arith.addi %mul3A_173, %add3A_565 : i32
        %add3A_567 = arith.constant 1 : i32
        %add3A_568 = arith.addi %add3A_566, %add3A_567 : i32
        %get3A_569 = arith.index_cast %add3A_568 : i32 to index
        %get3A_570 = arith.constant 0 : index
        %get3A_571 = tpu.vector_load %arg14[%get3A_569, %get3A_570] {strides = array<i32>} : memref<80x64xi32, #tpu.memory_space<vmem>>, vector<16xi32>,
        %get3A_572 = arith.index_cast %add3A_568 : i32 to index
        %get3A_573 = arith.constant 16 : index
        %get3A_574 = tpu.vector_load %arg14[%get3A_572, %get3A_573] {strides = array<i32>} : memref<80x64xi32, #tpu.memory_space<vmem>>, vector<16xi32>,
        %get3A_575 = arith.index_cast %add3A_568 : i32 to index
        %get3A_576 = arith.constant 32 : index
        %get3A_577 = tpu.vector_load %arg14[%get3A_575, %get3A_576] {strides = array<i32>} : memref<80x64xi32, #tpu.memory_space<vmem>>, vector<16xi32>,
        %get3A_578 = arith.index_cast %add3A_568 : i32 to index
        %get3A_579 = arith.constant 48 : index
        %get3A_580 = tpu.vector_load %arg14[%get3A_578, %get3A_579] {strides = array<i32>} : memref<80x64xi32, #tpu.memory_space<vmem>>, vector<16xi32>,
        %get3A_581 = arith.index_cast %add3A_568 : i32 to index
        %get3A_582 = arith.constant 0 : index
        %get3A_583 = tpu.vector_load %arg16[%get3A_581, %get3A_582] {strides = array<i32>} : memref<80x64xi32, #tpu.memory_space<vmem>>, vector<16xi32>,
        %get3A_584 = arith.index_cast %add3A_568 : i32 to index
        %get3A_585 = arith.constant 16 : index
        %get3A_586 = tpu.vector_load %arg16[%get3A_584, %get3A_585] {strides = array<i32>} : memref<80x64xi32, #tpu.memory_space<vmem>>, vector<16xi32>,
        %get3A_587 = arith.index_cast %add3A_568 : i32 to index
        %get3A_588 = arith.constant 32 : index
        %get3A_589 = tpu.vector_load %arg16[%get3A_587, %get3A_588] {strides = array<i32>} : memref<80x64xi32, #tpu.memory_space<vmem>>, vector<16xi32>,
        %get3A_590 = arith.index_cast %add3A_568 : i32 to index
        %get3A_591 = arith.constant 48 : index
        %get3A_592 = tpu.vector_load %arg16[%get3A_590, %get3A_591] {strides = array<i32>} : memref<80x64xi32, #tpu.memory_space<vmem>>, vector<16xi32>,
        %bitcast3A_593 = vector.bitcast %get3A_518 : vector<16xi32> to vector<32xbf16>
        %bitcast3A_594 = vector.bitcast %get3A_530 : vector<16xi32> to vector<32xbf16>
        %mul3A_595 = arith.mulf %bitcast3A_593, %bitcast3A_594 : vector<32xbf16>
        %bitcast3A_596 = vector.bitcast %get3A_521 : vector<16xi32> to vector<32xbf16>
        %bitcast3A_597 = vector.bitcast %get3A_533 : vector<16xi32> to vector<32xbf16>
        %mul3A_598 = arith.mulf %bitcast3A_596, %bitcast3A_597 : vector<32xbf16>
        %bitcast3A_599 = vector.bitcast %get3A_524 : vector<16xi32> to vector<32xbf16>
        %bitcast3A_600 = vector.bitcast %get3A_536 : vector<16xi32> to vector<32xbf16>
        %mul3A_601 = arith.mulf %bitcast3A_599, %bitcast3A_600 : vector<32xbf16>
        %bitcast3A_602 = vector.bitcast %get3A_527 : vector<16xi32> to vector<32xbf16>
        %bitcast3A_603 = vector.bitcast %get3A_539 : vector<16xi32> to vector<32xbf16>
        %mul3A_604 = arith.mulf %bitcast3A_602, %bitcast3A_603 : vector<32xbf16>
        %add3A_605 = arith.addf %mul3A_595, %mul3A_598 : vector<32xbf16>
        %unpack3A_606 = tpu.unpack_subelements %add3A_605, 0 {pack_format = #tpu.pack_format<interleaved>} : vector<32xbf16> -> vector<16xf32>
        %unpack3A_607 = tpu.unpack_subelements %add3A_605, 1 {pack_format = #tpu.pack_format<interleaved>} : vector<32xbf16> -> vector<16xf32>
        %add3A_608 = arith.addf %mul3A_601, %mul3A_604 : vector<32xbf16>
        %unpack3A_609 = tpu.unpack_subelements %add3A_608, 0 {pack_format = #tpu.pack_format<interleaved>} : vector<32xbf16> -> vector<16xf32>
        %unpack3A_610 = tpu.unpack_subelements %add3A_608, 1 {pack_format = #tpu.pack_format<interleaved>} : vector<32xbf16> -> vector<16xf32>
        %add3A_611 = arith.addf %unpack3A_606, %unpack3A_607 : vector<16xf32>
        %add3A_612 = arith.addf %unpack3A_609, %unpack3A_610 : vector<16xf32>
        %add3A_613 = arith.addf %add3A_611, %add3A_612 : vector<16xf32>
        %swap3A_614 = arith.constant 7 : i32
        %swap3A_615 = arith.index_cast %swap3A_614 : i32 to index
        %swap3A_616 = arith.constant 0 : index
        %swap3A_617 = tpu.vector_load %arg19[%swap3A_615, %swap3A_616] {strides = array<i32>} : memref<16x17xf32, #tpu.memory_space<vmem>>, vector<16xf32>,
        tpu.vector_store %arg19[%swap3A_615, %swap3A_616], %add3A_613 {strides = array<i32>} : memref<16x17xf32, #tpu.memory_space<vmem>>, vector<16xf32>,
        %add3A_618 = arith.constant 8 : i32
        %add3A_619 = arith.addi %mul3A_173, %add3A_618 : i32
        %add3A_620 = arith.constant 1 : i32
        %add3A_621 = arith.addi %add3A_619, %add3A_620 : i32
        %get3A_622 = arith.index_cast %add3A_621 : i32 to index
        %get3A_623 = arith.constant 0 : index
        %get3A_624 = tpu.vector_load %arg14[%get3A_622, %get3A_623] {strides = array<i32>} : memref<80x64xi32, #tpu.memory_space<vmem>>, vector<16xi32>,
        %get3A_625 = arith.index_cast %add3A_621 : i32 to index
        %get3A_626 = arith.constant 16 : index
        %get3A_627 = tpu.vector_load %arg14[%get3A_625, %get3A_626] {strides = array<i32>} : memref<80x64xi32, #tpu.memory_space<vmem>>, vector<16xi32>,
        %get3A_628 = arith.index_cast %add3A_621 : i32 to index
        %get3A_629 = arith.constant 32 : index
        %get3A_630 = tpu.vector_load %arg14[%get3A_628, %get3A_629] {strides = array<i32>} : memref<80x64xi32, #tpu.memory_space<vmem>>, vector<16xi32>,
        %get3A_631 = arith.index_cast %add3A_621 : i32 to index
        %get3A_632 = arith.constant 48 : index
        %get3A_633 = tpu.vector_load %arg14[%get3A_631, %get3A_632] {strides = array<i32>} : memref<80x64xi32, #tpu.memory_space<vmem>>, vector<16xi32>,
        %get3A_634 = arith.index_cast %add3A_621 : i32 to index
        %get3A_635 = arith.constant 0 : index
        %get3A_636 = tpu.vector_load %arg16[%get3A_634, %get3A_635] {strides = array<i32>} : memref<80x64xi32, #tpu.memory_space<vmem>>, vector<16xi32>,
        %get3A_637 = arith.index_cast %add3A_621 : i32 to index
        %get3A_638 = arith.constant 16 : index
        %get3A_639 = tpu.vector_load %arg16[%get3A_637, %get3A_638] {strides = array<i32>} : memref<80x64xi32, #tpu.memory_space<vmem>>, vector<16xi32>,
        %get3A_640 = arith.index_cast %add3A_621 : i32 to index
        %get3A_641 = arith.constant 32 : index
        %get3A_642 = tpu.vector_load %arg16[%get3A_640, %get3A_641] {strides = array<i32>} : memref<80x64xi32, #tpu.memory_space<vmem>>, vector<16xi32>,
        %get3A_643 = arith.index_cast %add3A_621 : i32 to index
        %get3A_644 = arith.constant 48 : index
        %get3A_645 = tpu.vector_load %arg16[%get3A_643, %get3A_644] {strides = array<i32>} : memref<80x64xi32, #tpu.memory_space<vmem>>, vector<16xi32>,
        %bitcast3A_646 = vector.bitcast %get3A_571 : vector<16xi32> to vector<32xbf16>
        %bitcast3A_647 = vector.bitcast %get3A_583 : vector<16xi32> to vector<32xbf16>
        %mul3A_648 = arith.mulf %bitcast3A_646, %bitcast3A_647 : vector<32xbf16>
        %bitcast3A_649 = vector.bitcast %get3A_574 : vector<16xi32> to vector<32xbf16>
        %bitcast3A_650 = vector.bitcast %get3A_586 : vector<16xi32> to vector<32xbf16>
        %mul3A_651 = arith.mulf %bitcast3A_649, %bitcast3A_650 : vector<32xbf16>
        %bitcast3A_652 = vector.bitcast %get3A_577 : vector<16xi32> to vector<32xbf16>
        %bitcast3A_653 = vector.bitcast %get3A_589 : vector<16xi32> to vector<32xbf16>
        %mul3A_654 = arith.mulf %bitcast3A_652, %bitcast3A_653 : vector<32xbf16>
        %bitcast3A_655 = vector.bitcast %get3A_580 : vector<16xi32> to vector<32xbf16>
        %bitcast3A_656 = vector.bitcast %get3A_592 : vector<16xi32> to vector<32xbf16>
        %mul3A_657 = arith.mulf %bitcast3A_655, %bitcast3A_656 : vector<32xbf16>
        %add3A_658 = arith.addf %mul3A_648, %mul3A_651 : vector<32xbf16>
        %unpack3A_659 = tpu.unpack_subelements %add3A_658, 0 {pack_format = #tpu.pack_format<interleaved>} : vector<32xbf16> -> vector<16xf32>
        %unpack3A_660 = tpu.unpack_subelements %add3A_658, 1 {pack_format = #tpu.pack_format<interleaved>} : vector<32xbf16> -> vector<16xf32>
        %add3A_661 = arith.addf %mul3A_654, %mul3A_657 : vector<32xbf16>
        %unpack3A_662 = tpu.unpack_subelements %add3A_661, 0 {pack_format = #tpu.pack_format<interleaved>} : vector<32xbf16> -> vector<16xf32>
        %unpack3A_663 = tpu.unpack_subelements %add3A_661, 1 {pack_format = #tpu.pack_format<interleaved>} : vector<32xbf16> -> vector<16xf32>
        %add3A_664 = arith.addf %unpack3A_659, %unpack3A_660 : vector<16xf32>
        %add3A_665 = arith.addf %unpack3A_662, %unpack3A_663 : vector<16xf32>
        %add3A_666 = arith.addf %add3A_664, %add3A_665 : vector<16xf32>
        %swap3A_667 = arith.constant 8 : i32
        %swap3A_668 = arith.index_cast %swap3A_667 : i32 to index
        %swap3A_669 = arith.constant 0 : index
        %swap3A_670 = tpu.vector_load %arg19[%swap3A_668, %swap3A_669] {strides = array<i32>} : memref<16x17xf32, #tpu.memory_space<vmem>>, vector<16xf32>,
        tpu.vector_store %arg19[%swap3A_668, %swap3A_669], %add3A_666 {strides = array<i32>} : memref<16x17xf32, #tpu.memory_space<vmem>>, vector<16xf32>,
        %add3A_671 = arith.constant 9 : i32
        %add3A_672 = arith.addi %mul3A_173, %add3A_671 : i32
        %add3A_673 = arith.constant 1 : i32
        %add3A_674 = arith.addi %add3A_672, %add3A_673 : i32
        %get3A_675 = arith.index_cast %add3A_674 : i32 to index
        %get3A_676 = arith.constant 0 : index
        %get3A_677 = tpu.vector_load %arg14[%get3A_675, %get3A_676] {strides = array<i32>} : memref<80x64xi32, #tpu.memory_space<vmem>>, vector<16xi32>,
        %get3A_678 = arith.index_cast %add3A_674 : i32 to index
        %get3A_679 = arith.constant 16 : index
        %get3A_680 = tpu.vector_load %arg14[%get3A_678, %get3A_679] {strides = array<i32>} : memref<80x64xi32, #tpu.memory_space<vmem>>, vector<16xi32>,
        %get3A_681 = arith.index_cast %add3A_674 : i32 to index
        %get3A_682 = arith.constant 32 : index
        %get3A_683 = tpu.vector_load %arg14[%get3A_681, %get3A_682] {strides = array<i32>} : memref<80x64xi32, #tpu.memory_space<vmem>>, vector<16xi32>,
        %get3A_684 = arith.index_cast %add3A_674 : i32 to index
        %get3A_685 = arith.constant 48 : index
        %get3A_686 = tpu.vector_load %arg14[%get3A_684, %get3A_685] {strides = array<i32>} : memref<80x64xi32, #tpu.memory_space<vmem>>, vector<16xi32>,
        %get3A_687 = arith.index_cast %add3A_674 : i32 to index
        %get3A_688 = arith.constant 0 : index
        %get3A_689 = tpu.vector_load %arg16[%get3A_687, %get3A_688] {strides = array<i32>} : memref<80x64xi32, #tpu.memory_space<vmem>>, vector<16xi32>,
        %get3A_690 = arith.index_cast %add3A_674 : i32 to index
        %get3A_691 = arith.constant 16 : index
        %get3A_692 = tpu.vector_load %arg16[%get3A_690, %get3A_691] {strides = array<i32>} : memref<80x64xi32, #tpu.memory_space<vmem>>, vector<16xi32>,
        %get3A_693 = arith.index_cast %add3A_674 : i32 to index
        %get3A_694 = arith.constant 32 : index
        %get3A_695 = tpu.vector_load %arg16[%get3A_693, %get3A_694] {strides = array<i32>} : memref<80x64xi32, #tpu.memory_space<vmem>>, vector<16xi32>,
        %get3A_696 = arith.index_cast %add3A_674 : i32 to index
        %get3A_697 = arith.constant 48 : index
        %get3A_698 = tpu.vector_load %arg16[%get3A_696, %get3A_697] {strides = array<i32>} : memref<80x64xi32, #tpu.memory_space<vmem>>, vector<16xi32>,
        %bitcast3A_699 = vector.bitcast %get3A_624 : vector<16xi32> to vector<32xbf16>
        %bitcast3A_700 = vector.bitcast %get3A_636 : vector<16xi32> to vector<32xbf16>
        %mul3A_701 = arith.mulf %bitcast3A_699, %bitcast3A_700 : vector<32xbf16>
        %bitcast3A_702 = vector.bitcast %get3A_627 : vector<16xi32> to vector<32xbf16>
        %bitcast3A_703 = vector.bitcast %get3A_639 : vector<16xi32> to vector<32xbf16>
        %mul3A_704 = arith.mulf %bitcast3A_702, %bitcast3A_703 : vector<32xbf16>
        %bitcast3A_705 = vector.bitcast %get3A_630 : vector<16xi32> to vector<32xbf16>
        %bitcast3A_706 = vector.bitcast %get3A_642 : vector<16xi32> to vector<32xbf16>
        %mul3A_707 = arith.mulf %bitcast3A_705, %bitcast3A_706 : vector<32xbf16>
        %bitcast3A_708 = vector.bitcast %get3A_633 : vector<16xi32> to vector<32xbf16>
        %bitcast3A_709 = vector.bitcast %get3A_645 : vector<16xi32> to vector<32xbf16>
        %mul3A_710 = arith.mulf %bitcast3A_708, %bitcast3A_709 : vector<32xbf16>
        %add3A_711 = arith.addf %mul3A_701, %mul3A_704 : vector<32xbf16>
        %unpack3A_712 = tpu.unpack_subelements %add3A_711, 0 {pack_format = #tpu.pack_format<interleaved>} : vector<32xbf16> -> vector<16xf32>
        %unpack3A_713 = tpu.unpack_subelements %add3A_711, 1 {pack_format = #tpu.pack_format<interleaved>} : vector<32xbf16> -> vector<16xf32>
        %add3A_714 = arith.addf %mul3A_707, %mul3A_710 : vector<32xbf16>
        %unpack3A_715 = tpu.unpack_subelements %add3A_714, 0 {pack_format = #tpu.pack_format<interleaved>} : vector<32xbf16> -> vector<16xf32>
        %unpack3A_716 = tpu.unpack_subelements %add3A_714, 1 {pack_format = #tpu.pack_format<interleaved>} : vector<32xbf16> -> vector<16xf32>
        %add3A_717 = arith.addf %unpack3A_712, %unpack3A_713 : vector<16xf32>
        %add3A_718 = arith.addf %unpack3A_715, %unpack3A_716 : vector<16xf32>
        %add3A_719 = arith.addf %add3A_717, %add3A_718 : vector<16xf32>
        %swap3A_720 = arith.constant 9 : i32
        %swap3A_721 = arith.index_cast %swap3A_720 : i32 to index
        %swap3A_722 = arith.constant 0 : index
        %swap3A_723 = tpu.vector_load %arg19[%swap3A_721, %swap3A_722] {strides = array<i32>} : memref<16x17xf32, #tpu.memory_space<vmem>>, vector<16xf32>,
        tpu.vector_store %arg19[%swap3A_721, %swap3A_722], %add3A_719 {strides = array<i32>} : memref<16x17xf32, #tpu.memory_space<vmem>>, vector<16xf32>,
        %add3A_724 = arith.constant 10 : i32
        %add3A_725 = arith.addi %mul3A_173, %add3A_724 : i32
        %add3A_726 = arith.constant 1 : i32
        %add3A_727 = arith.addi %add3A_725, %add3A_726 : i32
        %get3A_728 = arith.index_cast %add3A_727 : i32 to index
        %get3A_729 = arith.constant 0 : index
        %get3A_730 = tpu.vector_load %arg14[%get3A_728, %get3A_729] {strides = array<i32>} : memref<80x64xi32, #tpu.memory_space<vmem>>, vector<16xi32>,
        %get3A_731 = arith.index_cast %add3A_727 : i32 to index
        %get3A_732 = arith.constant 16 : index
        %get3A_733 = tpu.vector_load %arg14[%get3A_731, %get3A_732] {strides = array<i32>} : memref<80x64xi32, #tpu.memory_space<vmem>>, vector<16xi32>,
        %get3A_734 = arith.index_cast %add3A_727 : i32 to index
        %get3A_735 = arith.constant 32 : index
        %get3A_736 = tpu.vector_load %arg14[%get3A_734, %get3A_735] {strides = array<i32>} : memref<80x64xi32, #tpu.memory_space<vmem>>, vector<16xi32>,
        %get3A_737 = arith.index_cast %add3A_727 : i32 to index
        %get3A_738 = arith.constant 48 : index
        %get3A_739 = tpu.vector_load %arg14[%get3A_737, %get3A_738] {strides = array<i32>} : memref<80x64xi32, #tpu.memory_space<vmem>>, vector<16xi32>,
        %get3A_740 = arith.index_cast %add3A_727 : i32 to index
        %get3A_741 = arith.constant 0 : index
        %get3A_742 = tpu.vector_load %arg16[%get3A_740, %get3A_741] {strides = array<i32>} : memref<80x64xi32, #tpu.memory_space<vmem>>, vector<16xi32>,
        %get3A_743 = arith.index_cast %add3A_727 : i32 to index
        %get3A_744 = arith.constant 16 : index
        %get3A_745 = tpu.vector_load %arg16[%get3A_743, %get3A_744] {strides = array<i32>} : memref<80x64xi32, #tpu.memory_space<vmem>>, vector<16xi32>,
        %get3A_746 = arith.index_cast %add3A_727 : i32 to index
        %get3A_747 = arith.constant 32 : index
        %get3A_748 = tpu.vector_load %arg16[%get3A_746, %get3A_747] {strides = array<i32>} : memref<80x64xi32, #tpu.memory_space<vmem>>, vector<16xi32>,
        %get3A_749 = arith.index_cast %add3A_727 : i32 to index
        %get3A_750 = arith.constant 48 : index
        %get3A_751 = tpu.vector_load %arg16[%get3A_749, %get3A_750] {strides = array<i32>} : memref<80x64xi32, #tpu.memory_space<vmem>>, vector<16xi32>,
        %bitcast3A_752 = vector.bitcast %get3A_677 : vector<16xi32> to vector<32xbf16>
        %bitcast3A_753 = vector.bitcast %get3A_689 : vector<16xi32> to vector<32xbf16>
        %mul3A_754 = arith.mulf %bitcast3A_752, %bitcast3A_753 : vector<32xbf16>
        %bitcast3A_755 = vector.bitcast %get3A_680 : vector<16xi32> to vector<32xbf16>
        %bitcast3A_756 = vector.bitcast %get3A_692 : vector<16xi32> to vector<32xbf16>
        %mul3A_757 = arith.mulf %bitcast3A_755, %bitcast3A_756 : vector<32xbf16>
        %bitcast3A_758 = vector.bitcast %get3A_683 : vector<16xi32> to vector<32xbf16>
        %bitcast3A_759 = vector.bitcast %get3A_695 : vector<16xi32> to vector<32xbf16>
        %mul3A_760 = arith.mulf %bitcast3A_758, %bitcast3A_759 : vector<32xbf16>
        %bitcast3A_761 = vector.bitcast %get3A_686 : vector<16xi32> to vector<32xbf16>
        %bitcast3A_762 = vector.bitcast %get3A_698 : vector<16xi32> to vector<32xbf16>
        %mul3A_763 = arith.mulf %bitcast3A_761, %bitcast3A_762 : vector<32xbf16>
        %add3A_764 = arith.addf %mul3A_754, %mul3A_757 : vector<32xbf16>
        %unpack3A_765 = tpu.unpack_subelements %add3A_764, 0 {pack_format = #tpu.pack_format<interleaved>} : vector<32xbf16> -> vector<16xf32>
        %unpack3A_766 = tpu.unpack_subelements %add3A_764, 1 {pack_format = #tpu.pack_format<interleaved>} : vector<32xbf16> -> vector<16xf32>
        %add3A_767 = arith.addf %mul3A_760, %mul3A_763 : vector<32xbf16>
        %unpack3A_768 = tpu.unpack_subelements %add3A_767, 0 {pack_format = #tpu.pack_format<interleaved>} : vector<32xbf16> -> vector<16xf32>
        %unpack3A_769 = tpu.unpack_subelements %add3A_767, 1 {pack_format = #tpu.pack_format<interleaved>} : vector<32xbf16> -> vector<16xf32>
        %add3A_770 = arith.addf %unpack3A_765, %unpack3A_766 : vector<16xf32>
        %add3A_771 = arith.addf %unpack3A_768, %unpack3A_769 : vector<16xf32>
        %add3A_772 = arith.addf %add3A_770, %add3A_771 : vector<16xf32>
        %swap3A_773 = arith.constant 10 : i32
        %swap3A_774 = arith.index_cast %swap3A_773 : i32 to index
        %swap3A_775 = arith.constant 0 : index
        %swap3A_776 = tpu.vector_load %arg19[%swap3A_774, %swap3A_775] {strides = array<i32>} : memref<16x17xf32, #tpu.memory_space<vmem>>, vector<16xf32>,
        tpu.vector_store %arg19[%swap3A_774, %swap3A_775], %add3A_772 {strides = array<i32>} : memref<16x17xf32, #tpu.memory_space<vmem>>, vector<16xf32>,
        %add3A_777 = arith.constant 11 : i32
        %add3A_778 = arith.addi %mul3A_173, %add3A_777 : i32
        %add3A_779 = arith.constant 1 : i32
        %add3A_780 = arith.addi %add3A_778, %add3A_779 : i32
        %get3A_781 = arith.index_cast %add3A_780 : i32 to index
        %get3A_782 = arith.constant 0 : index
        %get3A_783 = tpu.vector_load %arg14[%get3A_781, %get3A_782] {strides = array<i32>} : memref<80x64xi32, #tpu.memory_space<vmem>>, vector<16xi32>,
        %get3A_784 = arith.index_cast %add3A_780 : i32 to index
        %get3A_785 = arith.constant 16 : index
        %get3A_786 = tpu.vector_load %arg14[%get3A_784, %get3A_785] {strides = array<i32>} : memref<80x64xi32, #tpu.memory_space<vmem>>, vector<16xi32>,
        %get3A_787 = arith.index_cast %add3A_780 : i32 to index
        %get3A_788 = arith.constant 32 : index
        %get3A_789 = tpu.vector_load %arg14[%get3A_787, %get3A_788] {strides = array<i32>} : memref<80x64xi32, #tpu.memory_space<vmem>>, vector<16xi32>,
        %get3A_790 = arith.index_cast %add3A_780 : i32 to index
        %get3A_791 = arith.constant 48 : index
        %get3A_792 = tpu.vector_load %arg14[%get3A_790, %get3A_791] {strides = array<i32>} : memref<80x64xi32, #tpu.memory_space<vmem>>, vector<16xi32>,
        %get3A_793 = arith.index_cast %add3A_780 : i32 to index
        %get3A_794 = arith.constant 0 : index
        %get3A_795 = tpu.vector_load %arg16[%get3A_793, %get3A_794] {strides = array<i32>} : memref<80x64xi32, #tpu.memory_space<vmem>>, vector<16xi32>,
        %get3A_796 = arith.index_cast %add3A_780 : i32 to index
        %get3A_797 = arith.constant 16 : index
        %get3A_798 = tpu.vector_load %arg16[%get3A_796, %get3A_797] {strides = array<i32>} : memref<80x64xi32, #tpu.memory_space<vmem>>, vector<16xi32>,
        %get3A_799 = arith.index_cast %add3A_780 : i32 to index
        %get3A_800 = arith.constant 32 : index
        %get3A_801 = tpu.vector_load %arg16[%get3A_799, %get3A_800] {strides = array<i32>} : memref<80x64xi32, #tpu.memory_space<vmem>>, vector<16xi32>,
        %get3A_802 = arith.index_cast %add3A_780 : i32 to index
        %get3A_803 = arith.constant 48 : index
        %get3A_804 = tpu.vector_load %arg16[%get3A_802, %get3A_803] {strides = array<i32>} : memref<80x64xi32, #tpu.memory_space<vmem>>, vector<16xi32>,
        %bitcast3A_805 = vector.bitcast %get3A_730 : vector<16xi32> to vector<32xbf16>
        %bitcast3A_806 = vector.bitcast %get3A_742 : vector<16xi32> to vector<32xbf16>
        %mul3A_807 = arith.mulf %bitcast3A_805, %bitcast3A_806 : vector<32xbf16>
        %bitcast3A_808 = vector.bitcast %get3A_733 : vector<16xi32> to vector<32xbf16>
        %bitcast3A_809 = vector.bitcast %get3A_745 : vector<16xi32> to vector<32xbf16>
        %mul3A_810 = arith.mulf %bitcast3A_808, %bitcast3A_809 : vector<32xbf16>
        %bitcast3A_811 = vector.bitcast %get3A_736 : vector<16xi32> to vector<32xbf16>
        %bitcast3A_812 = vector.bitcast %get3A_748 : vector<16xi32> to vector<32xbf16>
        %mul3A_813 = arith.mulf %bitcast3A_811, %bitcast3A_812 : vector<32xbf16>
        %bitcast3A_814 = vector.bitcast %get3A_739 : vector<16xi32> to vector<32xbf16>
        %bitcast3A_815 = vector.bitcast %get3A_751 : vector<16xi32> to vector<32xbf16>
        %mul3A_816 = arith.mulf %bitcast3A_814, %bitcast3A_815 : vector<32xbf16>
        %add3A_817 = arith.addf %mul3A_807, %mul3A_810 : vector<32xbf16>
        %unpack3A_818 = tpu.unpack_subelements %add3A_817, 0 {pack_format = #tpu.pack_format<interleaved>} : vector<32xbf16> -> vector<16xf32>
        %unpack3A_819 = tpu.unpack_subelements %add3A_817, 1 {pack_format = #tpu.pack_format<interleaved>} : vector<32xbf16> -> vector<16xf32>
        %add3A_820 = arith.addf %mul3A_813, %mul3A_816 : vector<32xbf16>
        %unpack3A_821 = tpu.unpack_subelements %add3A_820, 0 {pack_format = #tpu.pack_format<interleaved>} : vector<32xbf16> -> vector<16xf32>
        %unpack3A_822 = tpu.unpack_subelements %add3A_820, 1 {pack_format = #tpu.pack_format<interleaved>} : vector<32xbf16> -> vector<16xf32>
        %add3A_823 = arith.addf %unpack3A_818, %unpack3A_819 : vector<16xf32>
        %add3A_824 = arith.addf %unpack3A_821, %unpack3A_822 : vector<16xf32>
        %add3A_825 = arith.addf %add3A_823, %add3A_824 : vector<16xf32>
        %swap3A_826 = arith.constant 11 : i32
        %swap3A_827 = arith.index_cast %swap3A_826 : i32 to index
        %swap3A_828 = arith.constant 0 : index
        %swap3A_829 = tpu.vector_load %arg19[%swap3A_827, %swap3A_828] {strides = array<i32>} : memref<16x17xf32, #tpu.memory_space<vmem>>, vector<16xf32>,
        tpu.vector_store %arg19[%swap3A_827, %swap3A_828], %add3A_825 {strides = array<i32>} : memref<16x17xf32, #tpu.memory_space<vmem>>, vector<16xf32>,
        %add3A_830 = arith.constant 12 : i32
        %add3A_831 = arith.addi %mul3A_173, %add3A_830 : i32
        %add3A_832 = arith.constant 1 : i32
        %add3A_833 = arith.addi %add3A_831, %add3A_832 : i32
        %get3A_834 = arith.index_cast %add3A_833 : i32 to index
        %get3A_835 = arith.constant 0 : index
        %get3A_836 = tpu.vector_load %arg14[%get3A_834, %get3A_835] {strides = array<i32>} : memref<80x64xi32, #tpu.memory_space<vmem>>, vector<16xi32>,
        %get3A_837 = arith.index_cast %add3A_833 : i32 to index
        %get3A_838 = arith.constant 16 : index
        %get3A_839 = tpu.vector_load %arg14[%get3A_837, %get3A_838] {strides = array<i32>} : memref<80x64xi32, #tpu.memory_space<vmem>>, vector<16xi32>,
        %get3A_840 = arith.index_cast %add3A_833 : i32 to index
        %get3A_841 = arith.constant 32 : index
        %get3A_842 = tpu.vector_load %arg14[%get3A_840, %get3A_841] {strides = array<i32>} : memref<80x64xi32, #tpu.memory_space<vmem>>, vector<16xi32>,
        %get3A_843 = arith.index_cast %add3A_833 : i32 to index
        %get3A_844 = arith.constant 48 : index
        %get3A_845 = tpu.vector_load %arg14[%get3A_843, %get3A_844] {strides = array<i32>} : memref<80x64xi32, #tpu.memory_space<vmem>>, vector<16xi32>,
        %get3A_846 = arith.index_cast %add3A_833 : i32 to index
        %get3A_847 = arith.constant 0 : index
        %get3A_848 = tpu.vector_load %arg16[%get3A_846, %get3A_847] {strides = array<i32>} : memref<80x64xi32, #tpu.memory_space<vmem>>, vector<16xi32>,
        %get3A_849 = arith.index_cast %add3A_833 : i32 to index
        %get3A_850 = arith.constant 16 : index
        %get3A_851 = tpu.vector_load %arg16[%get3A_849, %get3A_850] {strides = array<i32>} : memref<80x64xi32, #tpu.memory_space<vmem>>, vector<16xi32>,
        %get3A_852 = arith.index_cast %add3A_833 : i32 to index
        %get3A_853 = arith.constant 32 : index
        %get3A_854 = tpu.vector_load %arg16[%get3A_852, %get3A_853] {strides = array<i32>} : memref<80x64xi32, #tpu.memory_space<vmem>>, vector<16xi32>,
        %get3A_855 = arith.index_cast %add3A_833 : i32 to index
        %get3A_856 = arith.constant 48 : index
        %get3A_857 = tpu.vector_load %arg16[%get3A_855, %get3A_856] {strides = array<i32>} : memref<80x64xi32, #tpu.memory_space<vmem>>, vector<16xi32>,
        %bitcast3A_858 = vector.bitcast %get3A_783 : vector<16xi32> to vector<32xbf16>
        %bitcast3A_859 = vector.bitcast %get3A_795 : vector<16xi32> to vector<32xbf16>
        %mul3A_860 = arith.mulf %bitcast3A_858, %bitcast3A_859 : vector<32xbf16>
        %bitcast3A_861 = vector.bitcast %get3A_786 : vector<16xi32> to vector<32xbf16>
        %bitcast3A_862 = vector.bitcast %get3A_798 : vector<16xi32> to vector<32xbf16>
        %mul3A_863 = arith.mulf %bitcast3A_861, %bitcast3A_862 : vector<32xbf16>
        %bitcast3A_864 = vector.bitcast %get3A_789 : vector<16xi32> to vector<32xbf16>
        %bitcast3A_865 = vector.bitcast %get3A_801 : vector<16xi32> to vector<32xbf16>
        %mul3A_866 = arith.mulf %bitcast3A_864, %bitcast3A_865 : vector<32xbf16>
        %bitcast3A_867 = vector.bitcast %get3A_792 : vector<16xi32> to vector<32xbf16>
        %bitcast3A_868 = vector.bitcast %get3A_804 : vector<16xi32> to vector<32xbf16>
        %mul3A_869 = arith.mulf %bitcast3A_867, %bitcast3A_868 : vector<32xbf16>
        %add3A_870 = arith.addf %mul3A_860, %mul3A_863 : vector<32xbf16>
        %unpack3A_871 = tpu.unpack_subelements %add3A_870, 0 {pack_format = #tpu.pack_format<interleaved>} : vector<32xbf16> -> vector<16xf32>
        %unpack3A_872 = tpu.unpack_subelements %add3A_870, 1 {pack_format = #tpu.pack_format<interleaved>} : vector<32xbf16> -> vector<16xf32>
        %add3A_873 = arith.addf %mul3A_866, %mul3A_869 : vector<32xbf16>
        %unpack3A_874 = tpu.unpack_subelements %add3A_873, 0 {pack_format = #tpu.pack_format<interleaved>} : vector<32xbf16> -> vector<16xf32>
        %unpack3A_875 = tpu.unpack_subelements %add3A_873, 1 {pack_format = #tpu.pack_format<interleaved>} : vector<32xbf16> -> vector<16xf32>
        %add3A_876 = arith.addf %unpack3A_871, %unpack3A_872 : vector<16xf32>
        %add3A_877 = arith.addf %unpack3A_874, %unpack3A_875 : vector<16xf32>
        %add3A_878 = arith.addf %add3A_876, %add3A_877 : vector<16xf32>
        %swap3A_879 = arith.constant 12 : i32
        %swap3A_880 = arith.index_cast %swap3A_879 : i32 to index
        %swap3A_881 = arith.constant 0 : index
        %swap3A_882 = tpu.vector_load %arg19[%swap3A_880, %swap3A_881] {strides = array<i32>} : memref<16x17xf32, #tpu.memory_space<vmem>>, vector<16xf32>,
        tpu.vector_store %arg19[%swap3A_880, %swap3A_881], %add3A_878 {strides = array<i32>} : memref<16x17xf32, #tpu.memory_space<vmem>>, vector<16xf32>,
        %add3A_883 = arith.constant 13 : i32
        %add3A_884 = arith.addi %mul3A_173, %add3A_883 : i32
        %add3A_885 = arith.constant 1 : i32
        %add3A_886 = arith.addi %add3A_884, %add3A_885 : i32
        %get3A_887 = arith.index_cast %add3A_886 : i32 to index
        %get3A_888 = arith.constant 0 : index
        %get3A_889 = tpu.vector_load %arg14[%get3A_887, %get3A_888] {strides = array<i32>} : memref<80x64xi32, #tpu.memory_space<vmem>>, vector<16xi32>,
        %get3A_890 = arith.index_cast %add3A_886 : i32 to index
        %get3A_891 = arith.constant 16 : index
        %get3A_892 = tpu.vector_load %arg14[%get3A_890, %get3A_891] {strides = array<i32>} : memref<80x64xi32, #tpu.memory_space<vmem>>, vector<16xi32>,
        %get3A_893 = arith.index_cast %add3A_886 : i32 to index
        %get3A_894 = arith.constant 32 : index
        %get3A_895 = tpu.vector_load %arg14[%get3A_893, %get3A_894] {strides = array<i32>} : memref<80x64xi32, #tpu.memory_space<vmem>>, vector<16xi32>,
        %get3A_896 = arith.index_cast %add3A_886 : i32 to index
        %get3A_897 = arith.constant 48 : index
        %get3A_898 = tpu.vector_load %arg14[%get3A_896, %get3A_897] {strides = array<i32>} : memref<80x64xi32, #tpu.memory_space<vmem>>, vector<16xi32>,
        %get3A_899 = arith.index_cast %add3A_886 : i32 to index
        %get3A_900 = arith.constant 0 : index
        %get3A_901 = tpu.vector_load %arg16[%get3A_899, %get3A_900] {strides = array<i32>} : memref<80x64xi32, #tpu.memory_space<vmem>>, vector<16xi32>,
        %get3A_902 = arith.index_cast %add3A_886 : i32 to index
        %get3A_903 = arith.constant 16 : index
        %get3A_904 = tpu.vector_load %arg16[%get3A_902, %get3A_903] {strides = array<i32>} : memref<80x64xi32, #tpu.memory_space<vmem>>, vector<16xi32>,
        %get3A_905 = arith.index_cast %add3A_886 : i32 to index
        %get3A_906 = arith.constant 32 : index
        %get3A_907 = tpu.vector_load %arg16[%get3A_905, %get3A_906] {strides = array<i32>} : memref<80x64xi32, #tpu.memory_space<vmem>>, vector<16xi32>,
        %get3A_908 = arith.index_cast %add3A_886 : i32 to index
        %get3A_909 = arith.constant 48 : index
        %get3A_910 = tpu.vector_load %arg16[%get3A_908, %get3A_909] {strides = array<i32>} : memref<80x64xi32, #tpu.memory_space<vmem>>, vector<16xi32>,
        %bitcast3A_911 = vector.bitcast %get3A_836 : vector<16xi32> to vector<32xbf16>
        %bitcast3A_912 = vector.bitcast %get3A_848 : vector<16xi32> to vector<32xbf16>
        %mul3A_913 = arith.mulf %bitcast3A_911, %bitcast3A_912 : vector<32xbf16>
        %bitcast3A_914 = vector.bitcast %get3A_839 : vector<16xi32> to vector<32xbf16>
        %bitcast3A_915 = vector.bitcast %get3A_851 : vector<16xi32> to vector<32xbf16>
        %mul3A_916 = arith.mulf %bitcast3A_914, %bitcast3A_915 : vector<32xbf16>
        %bitcast3A_917 = vector.bitcast %get3A_842 : vector<16xi32> to vector<32xbf16>
        %bitcast3A_918 = vector.bitcast %get3A_854 : vector<16xi32> to vector<32xbf16>
        %mul3A_919 = arith.mulf %bitcast3A_917, %bitcast3A_918 : vector<32xbf16>
        %bitcast3A_920 = vector.bitcast %get3A_845 : vector<16xi32> to vector<32xbf16>
        %bitcast3A_921 = vector.bitcast %get3A_857 : vector<16xi32> to vector<32xbf16>
        %mul3A_922 = arith.mulf %bitcast3A_920, %bitcast3A_921 : vector<32xbf16>
        %add3A_923 = arith.addf %mul3A_913, %mul3A_916 : vector<32xbf16>
        %unpack3A_924 = tpu.unpack_subelements %add3A_923, 0 {pack_format = #tpu.pack_format<interleaved>} : vector<32xbf16> -> vector<16xf32>
        %unpack3A_925 = tpu.unpack_subelements %add3A_923, 1 {pack_format = #tpu.pack_format<interleaved>} : vector<32xbf16> -> vector<16xf32>
        %add3A_926 = arith.addf %mul3A_919, %mul3A_922 : vector<32xbf16>
        %unpack3A_927 = tpu.unpack_subelements %add3A_926, 0 {pack_format = #tpu.pack_format<interleaved>} : vector<32xbf16> -> vector<16xf32>
        %unpack3A_928 = tpu.unpack_subelements %add3A_926, 1 {pack_format = #tpu.pack_format<interleaved>} : vector<32xbf16> -> vector<16xf32>
        %add3A_929 = arith.addf %unpack3A_924, %unpack3A_925 : vector<16xf32>
        %add3A_930 = arith.addf %unpack3A_927, %unpack3A_928 : vector<16xf32>
        %add3A_931 = arith.addf %add3A_929, %add3A_930 : vector<16xf32>
        %swap3A_932 = arith.constant 13 : i32
        %swap3A_933 = arith.index_cast %swap3A_932 : i32 to index
        %swap3A_934 = arith.constant 0 : index
        %swap3A_935 = tpu.vector_load %arg19[%swap3A_933, %swap3A_934] {strides = array<i32>} : memref<16x17xf32, #tpu.memory_space<vmem>>, vector<16xf32>,
        tpu.vector_store %arg19[%swap3A_933, %swap3A_934], %add3A_931 {strides = array<i32>} : memref<16x17xf32, #tpu.memory_space<vmem>>, vector<16xf32>,
        %add3A_936 = arith.constant 14 : i32
        %add3A_937 = arith.addi %mul3A_173, %add3A_936 : i32
        %add3A_938 = arith.constant 1 : i32
        %add3A_939 = arith.addi %add3A_937, %add3A_938 : i32
        %get3A_940 = arith.index_cast %add3A_939 : i32 to index
        %get3A_941 = arith.constant 0 : index
        %get3A_942 = tpu.vector_load %arg14[%get3A_940, %get3A_941] {strides = array<i32>} : memref<80x64xi32, #tpu.memory_space<vmem>>, vector<16xi32>,
        %get3A_943 = arith.index_cast %add3A_939 : i32 to index
        %get3A_944 = arith.constant 16 : index
        %get3A_945 = tpu.vector_load %arg14[%get3A_943, %get3A_944] {strides = array<i32>} : memref<80x64xi32, #tpu.memory_space<vmem>>, vector<16xi32>,
        %get3A_946 = arith.index_cast %add3A_939 : i32 to index
        %get3A_947 = arith.constant 32 : index
        %get3A_948 = tpu.vector_load %arg14[%get3A_946, %get3A_947] {strides = array<i32>} : memref<80x64xi32, #tpu.memory_space<vmem>>, vector<16xi32>,
        %get3A_949 = arith.index_cast %add3A_939 : i32 to index
        %get3A_950 = arith.constant 48 : index
        %get3A_951 = tpu.vector_load %arg14[%get3A_949, %get3A_950] {strides = array<i32>} : memref<80x64xi32, #tpu.memory_space<vmem>>, vector<16xi32>,
        %get3A_952 = arith.index_cast %add3A_939 : i32 to index
        %get3A_953 = arith.constant 0 : index
        %get3A_954 = tpu.vector_load %arg16[%get3A_952, %get3A_953] {strides = array<i32>} : memref<80x64xi32, #tpu.memory_space<vmem>>, vector<16xi32>,
        %get3A_955 = arith.index_cast %add3A_939 : i32 to index
        %get3A_956 = arith.constant 16 : index
        %get3A_957 = tpu.vector_load %arg16[%get3A_955, %get3A_956] {strides = array<i32>} : memref<80x64xi32, #tpu.memory_space<vmem>>, vector<16xi32>,
        %get3A_958 = arith.index_cast %add3A_939 : i32 to index
        %get3A_959 = arith.constant 32 : index
        %get3A_960 = tpu.vector_load %arg16[%get3A_958, %get3A_959] {strides = array<i32>} : memref<80x64xi32, #tpu.memory_space<vmem>>, vector<16xi32>,
        %get3A_961 = arith.index_cast %add3A_939 : i32 to index
        %get3A_962 = arith.constant 48 : index
        %get3A_963 = tpu.vector_load %arg16[%get3A_961, %get3A_962] {strides = array<i32>} : memref<80x64xi32, #tpu.memory_space<vmem>>, vector<16xi32>,
        %bitcast3A_964 = vector.bitcast %get3A_889 : vector<16xi32> to vector<32xbf16>
        %bitcast3A_965 = vector.bitcast %get3A_901 : vector<16xi32> to vector<32xbf16>
        %mul3A_966 = arith.mulf %bitcast3A_964, %bitcast3A_965 : vector<32xbf16>
        %bitcast3A_967 = vector.bitcast %get3A_892 : vector<16xi32> to vector<32xbf16>
        %bitcast3A_968 = vector.bitcast %get3A_904 : vector<16xi32> to vector<32xbf16>
        %mul3A_969 = arith.mulf %bitcast3A_967, %bitcast3A_968 : vector<32xbf16>
        %bitcast3A_970 = vector.bitcast %get3A_895 : vector<16xi32> to vector<32xbf16>
        %bitcast3A_971 = vector.bitcast %get3A_907 : vector<16xi32> to vector<32xbf16>
        %mul3A_972 = arith.mulf %bitcast3A_970, %bitcast3A_971 : vector<32xbf16>
        %bitcast3A_973 = vector.bitcast %get3A_898 : vector<16xi32> to vector<32xbf16>
        %bitcast3A_974 = vector.bitcast %get3A_910 : vector<16xi32> to vector<32xbf16>
        %mul3A_975 = arith.mulf %bitcast3A_973, %bitcast3A_974 : vector<32xbf16>
        %add3A_976 = arith.addf %mul3A_966, %mul3A_969 : vector<32xbf16>
        %unpack3A_977 = tpu.unpack_subelements %add3A_976, 0 {pack_format = #tpu.pack_format<interleaved>} : vector<32xbf16> -> vector<16xf32>
        %unpack3A_978 = tpu.unpack_subelements %add3A_976, 1 {pack_format = #tpu.pack_format<interleaved>} : vector<32xbf16> -> vector<16xf32>
        %add3A_979 = arith.addf %mul3A_972, %mul3A_975 : vector<32xbf16>
        %unpack3A_980 = tpu.unpack_subelements %add3A_979, 0 {pack_format = #tpu.pack_format<interleaved>} : vector<32xbf16> -> vector<16xf32>
        %unpack3A_981 = tpu.unpack_subelements %add3A_979, 1 {pack_format = #tpu.pack_format<interleaved>} : vector<32xbf16> -> vector<16xf32>
        %add3A_982 = arith.addf %unpack3A_977, %unpack3A_978 : vector<16xf32>
        %add3A_983 = arith.addf %unpack3A_980, %unpack3A_981 : vector<16xf32>
        %add3A_984 = arith.addf %add3A_982, %add3A_983 : vector<16xf32>
        %swap3A_985 = arith.constant 14 : i32
        %swap3A_986 = arith.index_cast %swap3A_985 : i32 to index
        %swap3A_987 = arith.constant 0 : index
        %swap3A_988 = tpu.vector_load %arg19[%swap3A_986, %swap3A_987] {strides = array<i32>} : memref<16x17xf32, #tpu.memory_space<vmem>>, vector<16xf32>,
        tpu.vector_store %arg19[%swap3A_986, %swap3A_987], %add3A_984 {strides = array<i32>} : memref<16x17xf32, #tpu.memory_space<vmem>>, vector<16xf32>,
        %bitcast3A_989 = vector.bitcast %get3A_942 : vector<16xi32> to vector<32xbf16>
        %bitcast3A_990 = vector.bitcast %get3A_954 : vector<16xi32> to vector<32xbf16>
        %mul3A_991 = arith.mulf %bitcast3A_989, %bitcast3A_990 : vector<32xbf16>
        %bitcast3A_992 = vector.bitcast %get3A_945 : vector<16xi32> to vector<32xbf16>
        %bitcast3A_993 = vector.bitcast %get3A_957 : vector<16xi32> to vector<32xbf16>
        %mul3A_994 = arith.mulf %bitcast3A_992, %bitcast3A_993 : vector<32xbf16>
        %bitcast3A_995 = vector.bitcast %get3A_948 : vector<16xi32> to vector<32xbf16>
        %bitcast3A_996 = vector.bitcast %get3A_960 : vector<16xi32> to vector<32xbf16>
        %mul3A_997 = arith.mulf %bitcast3A_995, %bitcast3A_996 : vector<32xbf16>
        %bitcast3A_998 = vector.bitcast %get3A_951 : vector<16xi32> to vector<32xbf16>
        %bitcast3A_999 = vector.bitcast %get3A_963 : vector<16xi32> to vector<32xbf16>
        %mul3A_1000 = arith.mulf %bitcast3A_998, %bitcast3A_999 : vector<32xbf16>
        %add3A_1001 = arith.addf %mul3A_991, %mul3A_994 : vector<32xbf16>
        %unpack3A_1002 = tpu.unpack_subelements %add3A_1001, 0 {pack_format = #tpu.pack_format<interleaved>} : vector<32xbf16> -> vector<16xf32>
        %unpack3A_1003 = tpu.unpack_subelements %add3A_1001, 1 {pack_format = #tpu.pack_format<interleaved>} : vector<32xbf16> -> vector<16xf32>
        %add3A_1004 = arith.addf %mul3A_997, %mul3A_1000 : vector<32xbf16>
        %unpack3A_1005 = tpu.unpack_subelements %add3A_1004, 0 {pack_format = #tpu.pack_format<interleaved>} : vector<32xbf16> -> vector<16xf32>
        %unpack3A_1006 = tpu.unpack_subelements %add3A_1004, 1 {pack_format = #tpu.pack_format<interleaved>} : vector<32xbf16> -> vector<16xf32>
        %add3A_1007 = arith.addf %unpack3A_1002, %unpack3A_1003 : vector<16xf32>
        %add3A_1008 = arith.addf %unpack3A_1005, %unpack3A_1006 : vector<16xf32>
        %add3A_1009 = arith.addf %add3A_1007, %add3A_1008 : vector<16xf32>
        %swap3A_1010 = arith.constant 15 : i32
        %swap3A_1011 = arith.index_cast %swap3A_1010 : i32 to index
        %swap3A_1012 = arith.constant 0 : index
        %swap3A_1013 = tpu.vector_load %arg19[%swap3A_1011, %swap3A_1012] {strides = array<i32>} : memref<16x17xf32, #tpu.memory_space<vmem>>, vector<16xf32>,
        tpu.vector_store %arg19[%swap3A_1011, %swap3A_1012], %add3A_1009 {strides = array<i32>} : memref<16x17xf32, #tpu.memory_space<vmem>>, vector<16xf32>,
        %broadcast_in_dim3A = arith.constant 0 : i32
        %broadcast_in_dim3A_1014 = vector.broadcast %broadcast_in_dim3A : i32 to vector<16xi32>
        %gather3A = tpu.vector_load_idx %arg19[%iota3A, %broadcast_in_dim3A_1014] : memref<16x17xf32, #tpu.memory_space<vmem>>[vector<16xi32>, vector<16xi32>], vector<16xf32>,
        %broadcast_in_dim3A_1015 = arith.constant 1 : i32
        %broadcast_in_dim3A_1016 = vector.broadcast %broadcast_in_dim3A_1015 : i32 to vector<16xi32>
        %gather3A_1017 = tpu.vector_load_idx %arg19[%iota3A, %broadcast_in_dim3A_1016] : memref<16x17xf32, #tpu.memory_space<vmem>>[vector<16xi32>, vector<16xi32>], vector<16xf32>,
        %broadcast_in_dim3A_1018 = arith.constant 2 : i32
        %broadcast_in_dim3A_1019 = vector.broadcast %broadcast_in_dim3A_1018 : i32 to vector<16xi32>
        %gather3A_1020 = tpu.vector_load_idx %arg19[%iota3A, %broadcast_in_dim3A_1019] : memref<16x17xf32, #tpu.memory_space<vmem>>[vector<16xi32>, vector<16xi32>], vector<16xf32>,
        %broadcast_in_dim3A_1021 = arith.constant 3 : i32
        %broadcast_in_dim3A_1022 = vector.broadcast %broadcast_in_dim3A_1021 : i32 to vector<16xi32>
        %gather3A_1023 = tpu.vector_load_idx %arg19[%iota3A, %broadcast_in_dim3A_1022] : memref<16x17xf32, #tpu.memory_space<vmem>>[vector<16xi32>, vector<16xi32>], vector<16xf32>,
        %broadcast_in_dim3A_1024 = arith.constant 4 : i32
        %broadcast_in_dim3A_1025 = vector.broadcast %broadcast_in_dim3A_1024 : i32 to vector<16xi32>
        %gather3A_1026 = tpu.vector_load_idx %arg19[%iota3A, %broadcast_in_dim3A_1025] : memref<16x17xf32, #tpu.memory_space<vmem>>[vector<16xi32>, vector<16xi32>], vector<16xf32>,
        %broadcast_in_dim3A_1027 = arith.constant 5 : i32
        %broadcast_in_dim3A_1028 = vector.broadcast %broadcast_in_dim3A_1027 : i32 to vector<16xi32>
        %gather3A_1029 = tpu.vector_load_idx %arg19[%iota3A, %broadcast_in_dim3A_1028] : memref<16x17xf32, #tpu.memory_space<vmem>>[vector<16xi32>, vector<16xi32>], vector<16xf32>,
        %broadcast_in_dim3A_1030 = arith.constant 6 : i32
        %broadcast_in_dim3A_1031 = vector.broadcast %broadcast_in_dim3A_1030 : i32 to vector<16xi32>
        %gather3A_1032 = tpu.vector_load_idx %arg19[%iota3A, %broadcast_in_dim3A_1031] : memref<16x17xf32, #tpu.memory_space<vmem>>[vector<16xi32>, vector<16xi32>], vector<16xf32>,
        %broadcast_in_dim3A_1033 = arith.constant 7 : i32
        %broadcast_in_dim3A_1034 = vector.broadcast %broadcast_in_dim3A_1033 : i32 to vector<16xi32>
        %gather3A_1035 = tpu.vector_load_idx %arg19[%iota3A, %broadcast_in_dim3A_1034] : memref<16x17xf32, #tpu.memory_space<vmem>>[vector<16xi32>, vector<16xi32>], vector<16xf32>,
        %broadcast_in_dim3A_1036 = arith.constant 8 : i32
        %broadcast_in_dim3A_1037 = vector.broadcast %broadcast_in_dim3A_1036 : i32 to vector<16xi32>
        %gather3A_1038 = tpu.vector_load_idx %arg19[%iota3A, %broadcast_in_dim3A_1037] : memref<16x17xf32, #tpu.memory_space<vmem>>[vector<16xi32>, vector<16xi32>], vector<16xf32>,
        %broadcast_in_dim3A_1039 = arith.constant 9 : i32
        %broadcast_in_dim3A_1040 = vector.broadcast %broadcast_in_dim3A_1039 : i32 to vector<16xi32>
        %gather3A_1041 = tpu.vector_load_idx %arg19[%iota3A, %broadcast_in_dim3A_1040] : memref<16x17xf32, #tpu.memory_space<vmem>>[vector<16xi32>, vector<16xi32>], vector<16xf32>,
        %broadcast_in_dim3A_1042 = arith.constant 10 : i32
        %broadcast_in_dim3A_1043 = vector.broadcast %broadcast_in_dim3A_1042 : i32 to vector<16xi32>
        %gather3A_1044 = tpu.vector_load_idx %arg19[%iota3A, %broadcast_in_dim3A_1043] : memref<16x17xf32, #tpu.memory_space<vmem>>[vector<16xi32>, vector<16xi32>], vector<16xf32>,
        %broadcast_in_dim3A_1045 = arith.constant 11 : i32
        %broadcast_in_dim3A_1046 = vector.broadcast %broadcast_in_dim3A_1045 : i32 to vector<16xi32>
        %gather3A_1047 = tpu.vector_load_idx %arg19[%iota3A, %broadcast_in_dim3A_1046] : memref<16x17xf32, #tpu.memory_space<vmem>>[vector<16xi32>, vector<16xi32>], vector<16xf32>,
        %broadcast_in_dim3A_1048 = arith.constant 12 : i32
        %broadcast_in_dim3A_1049 = vector.broadcast %broadcast_in_dim3A_1048 : i32 to vector<16xi32>
        %gather3A_1050 = tpu.vector_load_idx %arg19[%iota3A, %broadcast_in_dim3A_1049] : memref<16x17xf32, #tpu.memory_space<vmem>>[vector<16xi32>, vector<16xi32>], vector<16xf32>,
        %broadcast_in_dim3A_1051 = arith.constant 13 : i32
        %broadcast_in_dim3A_1052 = vector.broadcast %broadcast_in_dim3A_1051 : i32 to vector<16xi32>
        %gather3A_1053 = tpu.vector_load_idx %arg19[%iota3A, %broadcast_in_dim3A_1052] : memref<16x17xf32, #tpu.memory_space<vmem>>[vector<16xi32>, vector<16xi32>], vector<16xf32>,
        %broadcast_in_dim3A_1054 = arith.constant 14 : i32
        %broadcast_in_dim3A_1055 = vector.broadcast %broadcast_in_dim3A_1054 : i32 to vector<16xi32>
        %gather3A_1056 = tpu.vector_load_idx %arg19[%iota3A, %broadcast_in_dim3A_1055] : memref<16x17xf32, #tpu.memory_space<vmem>>[vector<16xi32>, vector<16xi32>], vector<16xf32>,
        %broadcast_in_dim3A_1057 = arith.constant 15 : i32
        %broadcast_in_dim3A_1058 = vector.broadcast %broadcast_in_dim3A_1057 : i32 to vector<16xi32>
        %gather3A_1059 = tpu.vector_load_idx %arg19[%iota3A, %broadcast_in_dim3A_1058] : memref<16x17xf32, #tpu.memory_space<vmem>>[vector<16xi32>, vector<16xi32>], vector<16xf32>,
        %add3A_1060 = arith.addf %gather3A, %gather3A_1017 : vector<16xf32>
        %add3A_1061 = arith.addf %gather3A_1020, %gather3A_1023 : vector<16xf32>
        %add3A_1062 = arith.addf %gather3A_1026, %gather3A_1029 : vector<16xf32>
        %add3A_1063 = arith.addf %gather3A_1032, %gather3A_1035 : vector<16xf32>
        %add3A_1064 = arith.addf %gather3A_1038, %gather3A_1041 : vector<16xf32>
        %add3A_1065 = arith.addf %gather3A_1044, %gather3A_1047 : vector<16xf32>
        %add3A_1066 = arith.addf %gather3A_1050, %gather3A_1053 : vector<16xf32>
        %add3A_1067 = arith.addf %gather3A_1056, %gather3A_1059 : vector<16xf32>
        %add3A_1068 = arith.addf %add3A_1060, %add3A_1061 : vector<16xf32>
        %add3A_1069 = arith.addf %add3A_1062, %add3A_1063 : vector<16xf32>
        %add3A_1070 = arith.addf %add3A_1064, %add3A_1065 : vector<16xf32>
        %add3A_1071 = arith.addf %add3A_1066, %add3A_1067 : vector<16xf32>
        %add3A_1072 = arith.addf %add3A_1068, %add3A_1069 : vector<16xf32>
        %add3A_1073 = arith.addf %add3A_1070, %add3A_1071 : vector<16xf32>
        %add3A_1074 = arith.addf %add3A_1072, %add3A_1073 : vector<16xf32>
        %swap3A_1075 = arith.index_cast %mul3A_173 : i32 to index
        %swap3A_1076 = tpu.vector_load %arg18[%swap3A_1075] {strides = array<i32>} : memref<80xf32, #tpu.memory_space<vmem>>, vector<16xf32>,
        tpu.vector_store %arg18[%swap3A_1075], %add3A_1074 {strides = array<i32>} : memref<80xf32, #tpu.memory_space<vmem>>, vector<16xf32>,
      }
      %scan3A_165 = arith.constant 5 : i32
      %mul3A_166 = arith.constant 80 : i32
      %mul3A_167 = arith.muli %add3A_123, %mul3A_166 : i32
      %add3A_168 = arith.addi %mul3A_2, %mul3A_167 : i32
      %dma_start3A_169 = tpu.memref_slice %arg6[%add3A_168] : memref<320000xf32, #tpu.memory_space<hbm>> -> memref<80xf32, #tpu.memory_space<hbm>>
      %dma_start3A_170 = tpu.memref_slice %arg6[%add3A_168] : memref<320000xf32, #tpu.memory_space<hbm>> -> memref<80xf32, #tpu.memory_space<hbm>>
      tpu.enqueue_dma source(%arg18 : memref<80xf32, #tpu.memory_space<vmem>>) target(%dma_start3A_170 : memref<80xf32, #tpu.memory_space<hbm>>) target_semaphore(%arg26 : memref<!tpu.dma_semaphore, #tpu.memory_space<semaphore_mem>>)
    }
    %scan3A_33 = arith.constant 62 : i32
    %dma_wait3A_34 = arith.constant 0 : i32
    %dma_wait3A_35 = tpu.memref_slice %arg4[%dma_wait3A_34] : memref<320000xi32, #tpu.memory_space<hbm>> -> memref<80xi32, #tpu.memory_space<hbm>>
    %dma_wait3A_36 = arith.constant 0 : i32
    %dma_wait3A_37 = tpu.memref_slice %arg4[%dma_wait3A_36] : memref<320000xi32, #tpu.memory_space<hbm>> -> memref<80xi32, #tpu.memory_space<hbm>>
    tpu.wait_dma2 semaphore(%arg22 : memref<!tpu.dma_semaphore, #tpu.memory_space<semaphore_mem>>) src(%dma_wait3A_37 : memref<80xi32, #tpu.memory_space<hbm>>) dst(%arg10 : memref<80xi32, #tpu.memory_space<vmem>>)
    %dma_wait3A_38 = arith.constant 0 : i32
    %dma_wait3A_39 = tpu.memref_slice %arg5[%dma_wait3A_38] : memref<320000xi32, #tpu.memory_space<hbm>> -> memref<80xi32, #tpu.memory_space<hbm>>
    %dma_wait3A_40 = arith.constant 0 : i32
    %dma_wait3A_41 = tpu.memref_slice %arg5[%dma_wait3A_40] : memref<320000xi32, #tpu.memory_space<hbm>> -> memref<80xi32, #tpu.memory_space<hbm>>
    tpu.wait_dma2 semaphore(%arg22 : memref<!tpu.dma_semaphore, #tpu.memory_space<semaphore_mem>>) src(%dma_wait3A_41 : memref<80xi32, #tpu.memory_space<hbm>>) dst(%arg12 : memref<80xi32, #tpu.memory_space<vmem>>)
    %dma_wait3A_42 = arith.constant 0 : i32
    %dma_wait3A_43 = arith.constant 0 : i32
    %dma_wait3A_44 = tpu.memref_slice %arg7[%dma_wait3A_42, %dma_wait3A_43] : memref<10000x64xi32, #tpu.memory_space<vmem_shared>> -> memref<10000x64xi32, #tpu.memory_space<vmem_shared>>
    tpu.wait_indirect_dma semaphore(%arg23 : memref<!tpu.dma_semaphore, #tpu.memory_space<semaphore_mem>>) src(%dma_wait3A_44 : memref<10000x64xi32, #tpu.memory_space<vmem_shared>>) dst(%arg13 : memref<80x64xi32, #tpu.memory_space<vmem>>)
    %dma_wait3A_45 = arith.constant 0 : i32
    %dma_wait3A_46 = arith.constant 0 : i32
    %dma_wait3A_47 = tpu.memref_slice %arg8[%dma_wait3A_45, %dma_wait3A_46] : memref<10000x64xi32, #tpu.memory_space<vmem_shared>> -> memref<10000x64xi32, #tpu.memory_space<vmem_shared>>
    tpu.wait_indirect_dma semaphore(%arg23 : memref<!tpu.dma_semaphore, #tpu.memory_space<semaphore_mem>>) src(%dma_wait3A_47 : memref<10000x64xi32, #tpu.memory_space<vmem_shared>>) dst(%arg15 : memref<80x64xi32, #tpu.memory_space<vmem>>)
    %dma_wait3A_48 = arith.constant 0 : i32
    %dma_wait3A_49 = tpu.memref_slice %arg6[%dma_wait3A_48] : memref<320000xf32, #tpu.memory_space<hbm>> -> memref<80xf32, #tpu.memory_space<hbm>>
    %dma_wait3A_50 = arith.constant 0 : i32
    %dma_wait3A_51 = tpu.memref_slice %arg6[%dma_wait3A_50] : memref<320000xf32, #tpu.memory_space<hbm>> -> memref<80xf32, #tpu.memory_space<hbm>>
    tpu.wait_dma2 semaphore(%arg25 : memref<!tpu.dma_semaphore, #tpu.memory_space<semaphore_mem>>) src(%arg17 : memref<80xf32, #tpu.memory_space<vmem>>) dst(%dma_wait3A_51 : memref<80xf32, #tpu.memory_space<hbm>>)
    %scan3A_52 = arith.constant 0 : i32
    %scan3A_53 = arith.constant 0 : i32
    %scan3A_54 = arith.constant 5 : i32
    %scan3A_55 = arith.addi %scan3A_53, %scan3A_54 : i32
    %scan3A_56 = arith.constant 1 : i32
    scf.for %scan3A_70 = %scan3A_53 to %scan3A_55 step %scan3A_56  : i32 {
      %mul3A_71 = arith.constant 16 : i32
      %mul3A_72 = arith.muli %scan3A_70, %mul3A_71 : i32
      %get3A = arith.index_cast %mul3A_72 : i32 to index
      %get3A_73 = arith.constant 0 : index
      %get3A_74 = tpu.vector_load %arg13[%get3A, %get3A_73] {strides = array<i32>} : memref<80x64xi32, #tpu.memory_space<vmem>>, vector<16xi32>,
      %get3A_75 = arith.index_cast %mul3A_72 : i32 to index
      %get3A_76 = arith.constant 16 : index
      %get3A_77 = tpu.vector_load %arg13[%get3A_75, %get3A_76] {strides = array<i32>} : memref<80x64xi32, #tpu.memory_space<vmem>>, vector<16xi32>,
      %get3A_78 = arith.index_cast %mul3A_72 : i32 to index
      %get3A_79 = arith.constant 32 : index
      %get3A_80 = tpu.vector_load %arg13[%get3A_78, %get3A_79] {strides = array<i32>} : memref<80x64xi32, #tpu.memory_space<vmem>>, vector<16xi32>,
      %get3A_81 = arith.index_cast %mul3A_72 : i32 to index
      %get3A_82 = arith.constant 48 : index
      %get3A_83 = tpu.vector_load %arg13[%get3A_81, %get3A_82] {strides = array<i32>} : memref<80x64xi32, #tpu.memory_space<vmem>>, vector<16xi32>,
      %get3A_84 = arith.index_cast %mul3A_72 : i32 to index
      %get3A_85 = arith.constant 0 : index
      %get3A_86 = tpu.vector_load %arg15[%get3A_84, %get3A_85] {strides = array<i32>} : memref<80x64xi32, #tpu.memory_space<vmem>>, vector<16xi32>,
      %get3A_87 = arith.index_cast %mul3A_72 : i32 to index
      %get3A_88 = arith.constant 16 : index
      %get3A_89 = tpu.vector_load %arg15[%get3A_87, %get3A_88] {strides = array<i32>} : memref<80x64xi32, #tpu.memory_space<vmem>>, vector<16xi32>,
      %get3A_90 = arith.index_cast %mul3A_72 : i32 to index
      %get3A_91 = arith.constant 32 : index
      %get3A_92 = tpu.vector_load %arg15[%get3A_90, %get3A_91] {strides = array<i32>} : memref<80x64xi32, #tpu.memory_space<vmem>>, vector<16xi32>,
      %get3A_93 = arith.index_cast %mul3A_72 : i32 to index
      %get3A_94 = arith.constant 48 : index
      %get3A_95 = tpu.vector_load %arg15[%get3A_93, %get3A_94] {strides = array<i32>} : memref<80x64xi32, #tpu.memory_space<vmem>>, vector<16xi32>,
      %add3A_96 = arith.constant 0 : i32
      %add3A_97 = arith.addi %mul3A_72, %add3A_96 : i32
      %add3A_98 = arith.constant 1 : i32
      %add3A_99 = arith.addi %add3A_97, %add3A_98 : i32
      %get3A_100 = arith.index_cast %add3A_99 : i32 to index
      %get3A_101 = arith.constant 0 : index
      %get3A_102 = tpu.vector_load %arg13[%get3A_100, %get3A_101] {strides = array<i32>} : memref<80x64xi32, #tpu.memory_space<vmem>>, vector<16xi32>,
      %get3A_103 = arith.index_cast %add3A_99 : i32 to index
      %get3A_104 = arith.constant 16 : index
      %get3A_105 = tpu.vector_load %arg13[%get3A_103, %get3A_104] {strides = array<i32>} : memref<80x64xi32, #tpu.memory_space<vmem>>, vector<16xi32>,
      %get3A_106 = arith.index_cast %add3A_99 : i32 to index
      %get3A_107 = arith.constant 32 : index
      %get3A_108 = tpu.vector_load %arg13[%get3A_106, %get3A_107] {strides = array<i32>} : memref<80x64xi32, #tpu.memory_space<vmem>>, vector<16xi32>,
      %get3A_109 = arith.index_cast %add3A_99 : i32 to index
      %get3A_110 = arith.constant 48 : index
      %get3A_111 = tpu.vector_load %arg13[%get3A_109, %get3A_110] {strides = array<i32>} : memref<80x64xi32, #tpu.memory_space<vmem>>, vector<16xi32>,
      %get3A_112 = arith.index_cast %add3A_99 : i32 to index
      %get3A_113 = arith.constant 0 : index
      %get3A_114 = tpu.vector_load %arg15[%get3A_112, %get3A_113] {strides = array<i32>} : memref<80x64xi32, #tpu.memory_space<vmem>>, vector<16xi32>,
      %get3A_115 = arith.index_cast %add3A_99 : i32 to index
      %get3A_116 = arith.constant 16 : index
      %get3A_117 = tpu.vector_load %arg15[%get3A_115, %get3A_116] {strides = array<i32>} : memref<80x64xi32, #tpu.memory_space<vmem>>, vector<16xi32>,
      %get3A_118 = arith.index_cast %add3A_99 : i32 to index
      %get3A_119 = arith.constant 32 : index
      %get3A_120 = tpu.vector_load %arg15[%get3A_118, %get3A_119] {strides = array<i32>} : memref<80x64xi32, #tpu.memory_space<vmem>>, vector<16xi32>,
      %get3A_121 = arith.index_cast %add3A_99 : i32 to index
      %get3A_122 = arith.constant 48 : index
      %get3A_123 = tpu.vector_load %arg15[%get3A_121, %get3A_122] {strides = array<i32>} : memref<80x64xi32, #tpu.memory_space<vmem>>, vector<16xi32>,
      %bitcast3A = vector.bitcast %get3A_74 : vector<16xi32> to vector<32xbf16>
      %bitcast3A_124 = vector.bitcast %get3A_86 : vector<16xi32> to vector<32xbf16>
      %mul3A_125 = arith.mulf %bitcast3A, %bitcast3A_124 : vector<32xbf16>
      %bitcast3A_126 = vector.bitcast %get3A_77 : vector<16xi32> to vector<32xbf16>
      %bitcast3A_127 = vector.bitcast %get3A_89 : vector<16xi32> to vector<32xbf16>
      %mul3A_128 = arith.mulf %bitcast3A_126, %bitcast3A_127 : vector<32xbf16>
      %bitcast3A_129 = vector.bitcast %get3A_80 : vector<16xi32> to vector<32xbf16>
      %bitcast3A_130 = vector.bitcast %get3A_92 : vector<16xi32> to vector<32xbf16>
      %mul3A_131 = arith.mulf %bitcast3A_129, %bitcast3A_130 : vector<32xbf16>
      %bitcast3A_132 = vector.bitcast %get3A_83 : vector<16xi32> to vector<32xbf16>
      %bitcast3A_133 = vector.bitcast %get3A_95 : vector<16xi32> to vector<32xbf16>
      %mul3A_134 = arith.mulf %bitcast3A_132, %bitcast3A_133 : vector<32xbf16>
      %add3A_135 = arith.addf %mul3A_125, %mul3A_128 : vector<32xbf16>
      %unpack3A = tpu.unpack_subelements %add3A_135, 0 {pack_format = #tpu.pack_format<interleaved>} : vector<32xbf16> -> vector<16xf32>
      %unpack3A_136 = tpu.unpack_subelements %add3A_135, 1 {pack_format = #tpu.pack_format<interleaved>} : vector<32xbf16> -> vector<16xf32>
      %add3A_137 = arith.addf %mul3A_131, %mul3A_134 : vector<32xbf16>
      %unpack3A_138 = tpu.unpack_subelements %add3A_137, 0 {pack_format = #tpu.pack_format<interleaved>} : vector<32xbf16> -> vector<16xf32>
      %unpack3A_139 = tpu.unpack_subelements %add3A_137, 1 {pack_format = #tpu.pack_format<interleaved>} : vector<32xbf16> -> vector<16xf32>
      %add3A_140 = arith.addf %unpack3A, %unpack3A_136 : vector<16xf32>
      %add3A_141 = arith.addf %unpack3A_138, %unpack3A_139 : vector<16xf32>
      %add3A_142 = arith.addf %add3A_140, %add3A_141 : vector<16xf32>
      %swap3A = arith.constant 0 : i32
      %swap3A_143 = arith.index_cast %swap3A : i32 to index
      %swap3A_144 = arith.constant 0 : index
      %swap3A_145 = tpu.vector_load %arg19[%swap3A_143, %swap3A_144] {strides = array<i32>} : memref<16x17xf32, #tpu.memory_space<vmem>>, vector<16xf32>,
      tpu.vector_store %arg19[%swap3A_143, %swap3A_144], %add3A_142 {strides = array<i32>} : memref<16x17xf32, #tpu.memory_space<vmem>>, vector<16xf32>,
      %add3A_146 = arith.constant 1 : i32
      %add3A_147 = arith.addi %mul3A_72, %add3A_146 : i32
      %add3A_148 = arith.constant 1 : i32
      %add3A_149 = arith.addi %add3A_147, %add3A_148 : i32
      %get3A_150 = arith.index_cast %add3A_149 : i32 to index
      %get3A_151 = arith.constant 0 : index
      %get3A_152 = tpu.vector_load %arg13[%get3A_150, %get3A_151] {strides = array<i32>} : memref<80x64xi32, #tpu.memory_space<vmem>>, vector<16xi32>,
      %get3A_153 = arith.index_cast %add3A_149 : i32 to index
      %get3A_154 = arith.constant 16 : index
      %get3A_155 = tpu.vector_load %arg13[%get3A_153, %get3A_154] {strides = array<i32>} : memref<80x64xi32, #tpu.memory_space<vmem>>, vector<16xi32>,
      %get3A_156 = arith.index_cast %add3A_149 : i32 to index
      %get3A_157 = arith.constant 32 : index
      %get3A_158 = tpu.vector_load %arg13[%get3A_156, %get3A_157] {strides = array<i32>} : memref<80x64xi32, #tpu.memory_space<vmem>>, vector<16xi32>,
      %get3A_159 = arith.index_cast %add3A_149 : i32 to index
      %get3A_160 = arith.constant 48 : index
      %get3A_161 = tpu.vector_load %arg13[%get3A_159, %get3A_160] {strides = array<i32>} : memref<80x64xi32, #tpu.memory_space<vmem>>, vector<16xi32>,
      %get3A_162 = arith.index_cast %add3A_149 : i32 to index
      %get3A_163 = arith.constant 0 : index
      %get3A_164 = tpu.vector_load %arg15[%get3A_162, %get3A_163] {strides = array<i32>} : memref<80x64xi32, #tpu.memory_space<vmem>>, vector<16xi32>,
      %get3A_165 = arith.index_cast %add3A_149 : i32 to index
      %get3A_166 = arith.constant 16 : index
      %get3A_167 = tpu.vector_load %arg15[%get3A_165, %get3A_166] {strides = array<i32>} : memref<80x64xi32, #tpu.memory_space<vmem>>, vector<16xi32>,
      %get3A_168 = arith.index_cast %add3A_149 : i32 to index
      %get3A_169 = arith.constant 32 : index
      %get3A_170 = tpu.vector_load %arg15[%get3A_168, %get3A_169] {strides = array<i32>} : memref<80x64xi32, #tpu.memory_space<vmem>>, vector<16xi32>,
      %get3A_171 = arith.index_cast %add3A_149 : i32 to index
      %get3A_172 = arith.constant 48 : index
      %get3A_173 = tpu.vector_load %arg15[%get3A_171, %get3A_172] {strides = array<i32>} : memref<80x64xi32, #tpu.memory_space<vmem>>, vector<16xi32>,
      %bitcast3A_174 = vector.bitcast %get3A_102 : vector<16xi32> to vector<32xbf16>
      %bitcast3A_175 = vector.bitcast %get3A_114 : vector<16xi32> to vector<32xbf16>
      %mul3A_176 = arith.mulf %bitcast3A_174, %bitcast3A_175 : vector<32xbf16>
      %bitcast3A_177 = vector.bitcast %get3A_105 : vector<16xi32> to vector<32xbf16>
      %bitcast3A_178 = vector.bitcast %get3A_117 : vector<16xi32> to vector<32xbf16>
      %mul3A_179 = arith.mulf %bitcast3A_177, %bitcast3A_178 : vector<32xbf16>
      %bitcast3A_180 = vector.bitcast %get3A_108 : vector<16xi32> to vector<32xbf16>
      %bitcast3A_181 = vector.bitcast %get3A_120 : vector<16xi32> to vector<32xbf16>
      %mul3A_182 = arith.mulf %bitcast3A_180, %bitcast3A_181 : vector<32xbf16>
      %bitcast3A_183 = vector.bitcast %get3A_111 : vector<16xi32> to vector<32xbf16>
      %bitcast3A_184 = vector.bitcast %get3A_123 : vector<16xi32> to vector<32xbf16>
      %mul3A_185 = arith.mulf %bitcast3A_183, %bitcast3A_184 : vector<32xbf16>
      %add3A_186 = arith.addf %mul3A_176, %mul3A_179 : vector<32xbf16>
      %unpack3A_187 = tpu.unpack_subelements %add3A_186, 0 {pack_format = #tpu.pack_format<interleaved>} : vector<32xbf16> -> vector<16xf32>
      %unpack3A_188 = tpu.unpack_subelements %add3A_186, 1 {pack_format = #tpu.pack_format<interleaved>} : vector<32xbf16> -> vector<16xf32>
      %add3A_189 = arith.addf %mul3A_182, %mul3A_185 : vector<32xbf16>
      %unpack3A_190 = tpu.unpack_subelements %add3A_189, 0 {pack_format = #tpu.pack_format<interleaved>} : vector<32xbf16> -> vector<16xf32>
      %unpack3A_191 = tpu.unpack_subelements %add3A_189, 1 {pack_format = #tpu.pack_format<interleaved>} : vector<32xbf16> -> vector<16xf32>
      %add3A_192 = arith.addf %unpack3A_187, %unpack3A_188 : vector<16xf32>
      %add3A_193 = arith.addf %unpack3A_190, %unpack3A_191 : vector<16xf32>
      %add3A_194 = arith.addf %add3A_192, %add3A_193 : vector<16xf32>
      %swap3A_195 = arith.constant 1 : i32
      %swap3A_196 = arith.index_cast %swap3A_195 : i32 to index
      %swap3A_197 = arith.constant 0 : index
      %swap3A_198 = tpu.vector_load %arg19[%swap3A_196, %swap3A_197] {strides = array<i32>} : memref<16x17xf32, #tpu.memory_space<vmem>>, vector<16xf32>,
      tpu.vector_store %arg19[%swap3A_196, %swap3A_197], %add3A_194 {strides = array<i32>} : memref<16x17xf32, #tpu.memory_space<vmem>>, vector<16xf32>,
      %add3A_199 = arith.constant 2 : i32
      %add3A_200 = arith.addi %mul3A_72, %add3A_199 : i32
      %add3A_201 = arith.constant 1 : i32
      %add3A_202 = arith.addi %add3A_200, %add3A_201 : i32
      %get3A_203 = arith.index_cast %add3A_202 : i32 to index
      %get3A_204 = arith.constant 0 : index
      %get3A_205 = tpu.vector_load %arg13[%get3A_203, %get3A_204] {strides = array<i32>} : memref<80x64xi32, #tpu.memory_space<vmem>>, vector<16xi32>,
      %get3A_206 = arith.index_cast %add3A_202 : i32 to index
      %get3A_207 = arith.constant 16 : index
      %get3A_208 = tpu.vector_load %arg13[%get3A_206, %get3A_207] {strides = array<i32>} : memref<80x64xi32, #tpu.memory_space<vmem>>, vector<16xi32>,
      %get3A_209 = arith.index_cast %add3A_202 : i32 to index
      %get3A_210 = arith.constant 32 : index
      %get3A_211 = tpu.vector_load %arg13[%get3A_209, %get3A_210] {strides = array<i32>} : memref<80x64xi32, #tpu.memory_space<vmem>>, vector<16xi32>,
      %get3A_212 = arith.index_cast %add3A_202 : i32 to index
      %get3A_213 = arith.constant 48 : index
      %get3A_214 = tpu.vector_load %arg13[%get3A_212, %get3A_213] {strides = array<i32>} : memref<80x64xi32, #tpu.memory_space<vmem>>, vector<16xi32>,
      %get3A_215 = arith.index_cast %add3A_202 : i32 to index
      %get3A_216 = arith.constant 0 : index
      %get3A_217 = tpu.vector_load %arg15[%get3A_215, %get3A_216] {strides = array<i32>} : memref<80x64xi32, #tpu.memory_space<vmem>>, vector<16xi32>,
      %get3A_218 = arith.index_cast %add3A_202 : i32 to index
      %get3A_219 = arith.constant 16 : index
      %get3A_220 = tpu.vector_load %arg15[%get3A_218, %get3A_219] {strides = array<i32>} : memref<80x64xi32, #tpu.memory_space<vmem>>, vector<16xi32>,
      %get3A_221 = arith.index_cast %add3A_202 : i32 to index
      %get3A_222 = arith.constant 32 : index
      %get3A_223 = tpu.vector_load %arg15[%get3A_221, %get3A_222] {strides = array<i32>} : memref<80x64xi32, #tpu.memory_space<vmem>>, vector<16xi32>,
      %get3A_224 = arith.index_cast %add3A_202 : i32 to index
      %get3A_225 = arith.constant 48 : index
      %get3A_226 = tpu.vector_load %arg15[%get3A_224, %get3A_225] {strides = array<i32>} : memref<80x64xi32, #tpu.memory_space<vmem>>, vector<16xi32>,
      %bitcast3A_227 = vector.bitcast %get3A_152 : vector<16xi32> to vector<32xbf16>
      %bitcast3A_228 = vector.bitcast %get3A_164 : vector<16xi32> to vector<32xbf16>
      %mul3A_229 = arith.mulf %bitcast3A_227, %bitcast3A_228 : vector<32xbf16>
      %bitcast3A_230 = vector.bitcast %get3A_155 : vector<16xi32> to vector<32xbf16>
      %bitcast3A_231 = vector.bitcast %get3A_167 : vector<16xi32> to vector<32xbf16>
      %mul3A_232 = arith.mulf %bitcast3A_230, %bitcast3A_231 : vector<32xbf16>
      %bitcast3A_233 = vector.bitcast %get3A_158 : vector<16xi32> to vector<32xbf16>
      %bitcast3A_234 = vector.bitcast %get3A_170 : vector<16xi32> to vector<32xbf16>
      %mul3A_235 = arith.mulf %bitcast3A_233, %bitcast3A_234 : vector<32xbf16>
      %bitcast3A_236 = vector.bitcast %get3A_161 : vector<16xi32> to vector<32xbf16>
      %bitcast3A_237 = vector.bitcast %get3A_173 : vector<16xi32> to vector<32xbf16>
      %mul3A_238 = arith.mulf %bitcast3A_236, %bitcast3A_237 : vector<32xbf16>
      %add3A_239 = arith.addf %mul3A_229, %mul3A_232 : vector<32xbf16>
      %unpack3A_240 = tpu.unpack_subelements %add3A_239, 0 {pack_format = #tpu.pack_format<interleaved>} : vector<32xbf16> -> vector<16xf32>
      %unpack3A_241 = tpu.unpack_subelements %add3A_239, 1 {pack_format = #tpu.pack_format<interleaved>} : vector<32xbf16> -> vector<16xf32>
      %add3A_242 = arith.addf %mul3A_235, %mul3A_238 : vector<32xbf16>
      %unpack3A_243 = tpu.unpack_subelements %add3A_242, 0 {pack_format = #tpu.pack_format<interleaved>} : vector<32xbf16> -> vector<16xf32>
      %unpack3A_244 = tpu.unpack_subelements %add3A_242, 1 {pack_format = #tpu.pack_format<interleaved>} : vector<32xbf16> -> vector<16xf32>
      %add3A_245 = arith.addf %unpack3A_240, %unpack3A_241 : vector<16xf32>
      %add3A_246 = arith.addf %unpack3A_243, %unpack3A_244 : vector<16xf32>
      %add3A_247 = arith.addf %add3A_245, %add3A_246 : vector<16xf32>
      %swap3A_248 = arith.constant 2 : i32
      %swap3A_249 = arith.index_cast %swap3A_248 : i32 to index
      %swap3A_250 = arith.constant 0 : index
      %swap3A_251 = tpu.vector_load %arg19[%swap3A_249, %swap3A_250] {strides = array<i32>} : memref<16x17xf32, #tpu.memory_space<vmem>>, vector<16xf32>,
      tpu.vector_store %arg19[%swap3A_249, %swap3A_250], %add3A_247 {strides = array<i32>} : memref<16x17xf32, #tpu.memory_space<vmem>>, vector<16xf32>,
      %add3A_252 = arith.constant 3 : i32
      %add3A_253 = arith.addi %mul3A_72, %add3A_252 : i32
      %add3A_254 = arith.constant 1 : i32
      %add3A_255 = arith.addi %add3A_253, %add3A_254 : i32
      %get3A_256 = arith.index_cast %add3A_255 : i32 to index
      %get3A_257 = arith.constant 0 : index
      %get3A_258 = tpu.vector_load %arg13[%get3A_256, %get3A_257] {strides = array<i32>} : memref<80x64xi32, #tpu.memory_space<vmem>>, vector<16xi32>,
      %get3A_259 = arith.index_cast %add3A_255 : i32 to index
      %get3A_260 = arith.constant 16 : index
      %get3A_261 = tpu.vector_load %arg13[%get3A_259, %get3A_260] {strides = array<i32>} : memref<80x64xi32, #tpu.memory_space<vmem>>, vector<16xi32>,
      %get3A_262 = arith.index_cast %add3A_255 : i32 to index
      %get3A_263 = arith.constant 32 : index
      %get3A_264 = tpu.vector_load %arg13[%get3A_262, %get3A_263] {strides = array<i32>} : memref<80x64xi32, #tpu.memory_space<vmem>>, vector<16xi32>,
      %get3A_265 = arith.index_cast %add3A_255 : i32 to index
      %get3A_266 = arith.constant 48 : index
      %get3A_267 = tpu.vector_load %arg13[%get3A_265, %get3A_266] {strides = array<i32>} : memref<80x64xi32, #tpu.memory_space<vmem>>, vector<16xi32>,
      %get3A_268 = arith.index_cast %add3A_255 : i32 to index
      %get3A_269 = arith.constant 0 : index
      %get3A_270 = tpu.vector_load %arg15[%get3A_268, %get3A_269] {strides = array<i32>} : memref<80x64xi32, #tpu.memory_space<vmem>>, vector<16xi32>,
      %get3A_271 = arith.index_cast %add3A_255 : i32 to index
      %get3A_272 = arith.constant 16 : index
      %get3A_273 = tpu.vector_load %arg15[%get3A_271, %get3A_272] {strides = array<i32>} : memref<80x64xi32, #tpu.memory_space<vmem>>, vector<16xi32>,
      %get3A_274 = arith.index_cast %add3A_255 : i32 to index
      %get3A_275 = arith.constant 32 : index
      %get3A_276 = tpu.vector_load %arg15[%get3A_274, %get3A_275] {strides = array<i32>} : memref<80x64xi32, #tpu.memory_space<vmem>>, vector<16xi32>,
      %get3A_277 = arith.index_cast %add3A_255 : i32 to index
      %get3A_278 = arith.constant 48 : index
      %get3A_279 = tpu.vector_load %arg15[%get3A_277, %get3A_278] {strides = array<i32>} : memref<80x64xi32, #tpu.memory_space<vmem>>, vector<16xi32>,
      %bitcast3A_280 = vector.bitcast %get3A_205 : vector<16xi32> to vector<32xbf16>
      %bitcast3A_281 = vector.bitcast %get3A_217 : vector<16xi32> to vector<32xbf16>
      %mul3A_282 = arith.mulf %bitcast3A_280, %bitcast3A_281 : vector<32xbf16>
      %bitcast3A_283 = vector.bitcast %get3A_208 : vector<16xi32> to vector<32xbf16>
      %bitcast3A_284 = vector.bitcast %get3A_220 : vector<16xi32> to vector<32xbf16>
      %mul3A_285 = arith.mulf %bitcast3A_283, %bitcast3A_284 : vector<32xbf16>
      %bitcast3A_286 = vector.bitcast %get3A_211 : vector<16xi32> to vector<32xbf16>
      %bitcast3A_287 = vector.bitcast %get3A_223 : vector<16xi32> to vector<32xbf16>
      %mul3A_288 = arith.mulf %bitcast3A_286, %bitcast3A_287 : vector<32xbf16>
      %bitcast3A_289 = vector.bitcast %get3A_214 : vector<16xi32> to vector<32xbf16>
      %bitcast3A_290 = vector.bitcast %get3A_226 : vector<16xi32> to vector<32xbf16>
      %mul3A_291 = arith.mulf %bitcast3A_289, %bitcast3A_290 : vector<32xbf16>
      %add3A_292 = arith.addf %mul3A_282, %mul3A_285 : vector<32xbf16>
      %unpack3A_293 = tpu.unpack_subelements %add3A_292, 0 {pack_format = #tpu.pack_format<interleaved>} : vector<32xbf16> -> vector<16xf32>
      %unpack3A_294 = tpu.unpack_subelements %add3A_292, 1 {pack_format = #tpu.pack_format<interleaved>} : vector<32xbf16> -> vector<16xf32>
      %add3A_295 = arith.addf %mul3A_288, %mul3A_291 : vector<32xbf16>
      %unpack3A_296 = tpu.unpack_subelements %add3A_295, 0 {pack_format = #tpu.pack_format<interleaved>} : vector<32xbf16> -> vector<16xf32>
      %unpack3A_297 = tpu.unpack_subelements %add3A_295, 1 {pack_format = #tpu.pack_format<interleaved>} : vector<32xbf16> -> vector<16xf32>
      %add3A_298 = arith.addf %unpack3A_293, %unpack3A_294 : vector<16xf32>
      %add3A_299 = arith.addf %unpack3A_296, %unpack3A_297 : vector<16xf32>
      %add3A_300 = arith.addf %add3A_298, %add3A_299 : vector<16xf32>
      %swap3A_301 = arith.constant 3 : i32
      %swap3A_302 = arith.index_cast %swap3A_301 : i32 to index
      %swap3A_303 = arith.constant 0 : index
      %swap3A_304 = tpu.vector_load %arg19[%swap3A_302, %swap3A_303] {strides = array<i32>} : memref<16x17xf32, #tpu.memory_space<vmem>>, vector<16xf32>,
      tpu.vector_store %arg19[%swap3A_302, %swap3A_303], %add3A_300 {strides = array<i32>} : memref<16x17xf32, #tpu.memory_space<vmem>>, vector<16xf32>,
      %add3A_305 = arith.constant 4 : i32
      %add3A_306 = arith.addi %mul3A_72, %add3A_305 : i32
      %add3A_307 = arith.constant 1 : i32
      %add3A_308 = arith.addi %add3A_306, %add3A_307 : i32
      %get3A_309 = arith.index_cast %add3A_308 : i32 to index
      %get3A_310 = arith.constant 0 : index
      %get3A_311 = tpu.vector_load %arg13[%get3A_309, %get3A_310] {strides = array<i32>} : memref<80x64xi32, #tpu.memory_space<vmem>>, vector<16xi32>,
      %get3A_312 = arith.index_cast %add3A_308 : i32 to index
      %get3A_313 = arith.constant 16 : index
      %get3A_314 = tpu.vector_load %arg13[%get3A_312, %get3A_313] {strides = array<i32>} : memref<80x64xi32, #tpu.memory_space<vmem>>, vector<16xi32>,
      %get3A_315 = arith.index_cast %add3A_308 : i32 to index
      %get3A_316 = arith.constant 32 : index
      %get3A_317 = tpu.vector_load %arg13[%get3A_315, %get3A_316] {strides = array<i32>} : memref<80x64xi32, #tpu.memory_space<vmem>>, vector<16xi32>,
      %get3A_318 = arith.index_cast %add3A_308 : i32 to index
      %get3A_319 = arith.constant 48 : index
      %get3A_320 = tpu.vector_load %arg13[%get3A_318, %get3A_319] {strides = array<i32>} : memref<80x64xi32, #tpu.memory_space<vmem>>, vector<16xi32>,
      %get3A_321 = arith.index_cast %add3A_308 : i32 to index
      %get3A_322 = arith.constant 0 : index
      %get3A_323 = tpu.vector_load %arg15[%get3A_321, %get3A_322] {strides = array<i32>} : memref<80x64xi32, #tpu.memory_space<vmem>>, vector<16xi32>,
      %get3A_324 = arith.index_cast %add3A_308 : i32 to index
      %get3A_325 = arith.constant 16 : index
      %get3A_326 = tpu.vector_load %arg15[%get3A_324, %get3A_325] {strides = array<i32>} : memref<80x64xi32, #tpu.memory_space<vmem>>, vector<16xi32>,
      %get3A_327 = arith.index_cast %add3A_308 : i32 to index
      %get3A_328 = arith.constant 32 : index
      %get3A_329 = tpu.vector_load %arg15[%get3A_327, %get3A_328] {strides = array<i32>} : memref<80x64xi32, #tpu.memory_space<vmem>>, vector<16xi32>,
      %get3A_330 = arith.index_cast %add3A_308 : i32 to index
      %get3A_331 = arith.constant 48 : index
      %get3A_332 = tpu.vector_load %arg15[%get3A_330, %get3A_331] {strides = array<i32>} : memref<80x64xi32, #tpu.memory_space<vmem>>, vector<16xi32>,
      %bitcast3A_333 = vector.bitcast %get3A_258 : vector<16xi32> to vector<32xbf16>
      %bitcast3A_334 = vector.bitcast %get3A_270 : vector<16xi32> to vector<32xbf16>
      %mul3A_335 = arith.mulf %bitcast3A_333, %bitcast3A_334 : vector<32xbf16>
      %bitcast3A_336 = vector.bitcast %get3A_261 : vector<16xi32> to vector<32xbf16>
      %bitcast3A_337 = vector.bitcast %get3A_273 : vector<16xi32> to vector<32xbf16>
      %mul3A_338 = arith.mulf %bitcast3A_336, %bitcast3A_337 : vector<32xbf16>
      %bitcast3A_339 = vector.bitcast %get3A_264 : vector<16xi32> to vector<32xbf16>
      %bitcast3A_340 = vector.bitcast %get3A_276 : vector<16xi32> to vector<32xbf16>
      %mul3A_341 = arith.mulf %bitcast3A_339, %bitcast3A_340 : vector<32xbf16>
      %bitcast3A_342 = vector.bitcast %get3A_267 : vector<16xi32> to vector<32xbf16>
      %bitcast3A_343 = vector.bitcast %get3A_279 : vector<16xi32> to vector<32xbf16>
      %mul3A_344 = arith.mulf %bitcast3A_342, %bitcast3A_343 : vector<32xbf16>
      %add3A_345 = arith.addf %mul3A_335, %mul3A_338 : vector<32xbf16>
      %unpack3A_346 = tpu.unpack_subelements %add3A_345, 0 {pack_format = #tpu.pack_format<interleaved>} : vector<32xbf16> -> vector<16xf32>
      %unpack3A_347 = tpu.unpack_subelements %add3A_345, 1 {pack_format = #tpu.pack_format<interleaved>} : vector<32xbf16> -> vector<16xf32>
      %add3A_348 = arith.addf %mul3A_341, %mul3A_344 : vector<32xbf16>
      %unpack3A_349 = tpu.unpack_subelements %add3A_348, 0 {pack_format = #tpu.pack_format<interleaved>} : vector<32xbf16> -> vector<16xf32>
      %unpack3A_350 = tpu.unpack_subelements %add3A_348, 1 {pack_format = #tpu.pack_format<interleaved>} : vector<32xbf16> -> vector<16xf32>
      %add3A_351 = arith.addf %unpack3A_346, %unpack3A_347 : vector<16xf32>
      %add3A_352 = arith.addf %unpack3A_349, %unpack3A_350 : vector<16xf32>
      %add3A_353 = arith.addf %add3A_351, %add3A_352 : vector<16xf32>
      %swap3A_354 = arith.constant 4 : i32
      %swap3A_355 = arith.index_cast %swap3A_354 : i32 to index
      %swap3A_356 = arith.constant 0 : index
      %swap3A_357 = tpu.vector_load %arg19[%swap3A_355, %swap3A_356] {strides = array<i32>} : memref<16x17xf32, #tpu.memory_space<vmem>>, vector<16xf32>,
      tpu.vector_store %arg19[%swap3A_355, %swap3A_356], %add3A_353 {strides = array<i32>} : memref<16x17xf32, #tpu.memory_space<vmem>>, vector<16xf32>,
      %add3A_358 = arith.constant 5 : i32
      %add3A_359 = arith.addi %mul3A_72, %add3A_358 : i32
      %add3A_360 = arith.constant 1 : i32
      %add3A_361 = arith.addi %add3A_359, %add3A_360 : i32
      %get3A_362 = arith.index_cast %add3A_361 : i32 to index
      %get3A_363 = arith.constant 0 : index
      %get3A_364 = tpu.vector_load %arg13[%get3A_362, %get3A_363] {strides = array<i32>} : memref<80x64xi32, #tpu.memory_space<vmem>>, vector<16xi32>,
      %get3A_365 = arith.index_cast %add3A_361 : i32 to index
      %get3A_366 = arith.constant 16 : index
      %get3A_367 = tpu.vector_load %arg13[%get3A_365, %get3A_366] {strides = array<i32>} : memref<80x64xi32, #tpu.memory_space<vmem>>, vector<16xi32>,
      %get3A_368 = arith.index_cast %add3A_361 : i32 to index
      %get3A_369 = arith.constant 32 : index
      %get3A_370 = tpu.vector_load %arg13[%get3A_368, %get3A_369] {strides = array<i32>} : memref<80x64xi32, #tpu.memory_space<vmem>>, vector<16xi32>,
      %get3A_371 = arith.index_cast %add3A_361 : i32 to index
      %get3A_372 = arith.constant 48 : index
      %get3A_373 = tpu.vector_load %arg13[%get3A_371, %get3A_372] {strides = array<i32>} : memref<80x64xi32, #tpu.memory_space<vmem>>, vector<16xi32>,
      %get3A_374 = arith.index_cast %add3A_361 : i32 to index
      %get3A_375 = arith.constant 0 : index
      %get3A_376 = tpu.vector_load %arg15[%get3A_374, %get3A_375] {strides = array<i32>} : memref<80x64xi32, #tpu.memory_space<vmem>>, vector<16xi32>,
      %get3A_377 = arith.index_cast %add3A_361 : i32 to index
      %get3A_378 = arith.constant 16 : index
      %get3A_379 = tpu.vector_load %arg15[%get3A_377, %get3A_378] {strides = array<i32>} : memref<80x64xi32, #tpu.memory_space<vmem>>, vector<16xi32>,
      %get3A_380 = arith.index_cast %add3A_361 : i32 to index
      %get3A_381 = arith.constant 32 : index
      %get3A_382 = tpu.vector_load %arg15[%get3A_380, %get3A_381] {strides = array<i32>} : memref<80x64xi32, #tpu.memory_space<vmem>>, vector<16xi32>,
      %get3A_383 = arith.index_cast %add3A_361 : i32 to index
      %get3A_384 = arith.constant 48 : index
      %get3A_385 = tpu.vector_load %arg15[%get3A_383, %get3A_384] {strides = array<i32>} : memref<80x64xi32, #tpu.memory_space<vmem>>, vector<16xi32>,
      %bitcast3A_386 = vector.bitcast %get3A_311 : vector<16xi32> to vector<32xbf16>
      %bitcast3A_387 = vector.bitcast %get3A_323 : vector<16xi32> to vector<32xbf16>
      %mul3A_388 = arith.mulf %bitcast3A_386, %bitcast3A_387 : vector<32xbf16>
      %bitcast3A_389 = vector.bitcast %get3A_314 : vector<16xi32> to vector<32xbf16>
      %bitcast3A_390 = vector.bitcast %get3A_326 : vector<16xi32> to vector<32xbf16>
      %mul3A_391 = arith.mulf %bitcast3A_389, %bitcast3A_390 : vector<32xbf16>
      %bitcast3A_392 = vector.bitcast %get3A_317 : vector<16xi32> to vector<32xbf16>
      %bitcast3A_393 = vector.bitcast %get3A_329 : vector<16xi32> to vector<32xbf16>
      %mul3A_394 = arith.mulf %bitcast3A_392, %bitcast3A_393 : vector<32xbf16>
      %bitcast3A_395 = vector.bitcast %get3A_320 : vector<16xi32> to vector<32xbf16>
      %bitcast3A_396 = vector.bitcast %get3A_332 : vector<16xi32> to vector<32xbf16>
      %mul3A_397 = arith.mulf %bitcast3A_395, %bitcast3A_396 : vector<32xbf16>
      %add3A_398 = arith.addf %mul3A_388, %mul3A_391 : vector<32xbf16>
      %unpack3A_399 = tpu.unpack_subelements %add3A_398, 0 {pack_format = #tpu.pack_format<interleaved>} : vector<32xbf16> -> vector<16xf32>
      %unpack3A_400 = tpu.unpack_subelements %add3A_398, 1 {pack_format = #tpu.pack_format<interleaved>} : vector<32xbf16> -> vector<16xf32>
      %add3A_401 = arith.addf %mul3A_394, %mul3A_397 : vector<32xbf16>
      %unpack3A_402 = tpu.unpack_subelements %add3A_401, 0 {pack_format = #tpu.pack_format<interleaved>} : vector<32xbf16> -> vector<16xf32>
      %unpack3A_403 = tpu.unpack_subelements %add3A_401, 1 {pack_format = #tpu.pack_format<interleaved>} : vector<32xbf16> -> vector<16xf32>
      %add3A_404 = arith.addf %unpack3A_399, %unpack3A_400 : vector<16xf32>
      %add3A_405 = arith.addf %unpack3A_402, %unpack3A_403 : vector<16xf32>
      %add3A_406 = arith.addf %add3A_404, %add3A_405 : vector<16xf32>
      %swap3A_407 = arith.constant 5 : i32
      %swap3A_408 = arith.index_cast %swap3A_407 : i32 to index
      %swap3A_409 = arith.constant 0 : index
      %swap3A_410 = tpu.vector_load %arg19[%swap3A_408, %swap3A_409] {strides = array<i32>} : memref<16x17xf32, #tpu.memory_space<vmem>>, vector<16xf32>,
      tpu.vector_store %arg19[%swap3A_408, %swap3A_409], %add3A_406 {strides = array<i32>} : memref<16x17xf32, #tpu.memory_space<vmem>>, vector<16xf32>,
      %add3A_411 = arith.constant 6 : i32
      %add3A_412 = arith.addi %mul3A_72, %add3A_411 : i32
      %add3A_413 = arith.constant 1 : i32
      %add3A_414 = arith.addi %add3A_412, %add3A_413 : i32
      %get3A_415 = arith.index_cast %add3A_414 : i32 to index
      %get3A_416 = arith.constant 0 : index
      %get3A_417 = tpu.vector_load %arg13[%get3A_415, %get3A_416] {strides = array<i32>} : memref<80x64xi32, #tpu.memory_space<vmem>>, vector<16xi32>,
      %get3A_418 = arith.index_cast %add3A_414 : i32 to index
      %get3A_419 = arith.constant 16 : index
      %get3A_420 = tpu.vector_load %arg13[%get3A_418, %get3A_419] {strides = array<i32>} : memref<80x64xi32, #tpu.memory_space<vmem>>, vector<16xi32>,
      %get3A_421 = arith.index_cast %add3A_414 : i32 to index
      %get3A_422 = arith.constant 32 : index
      %get3A_423 = tpu.vector_load %arg13[%get3A_421, %get3A_422] {strides = array<i32>} : memref<80x64xi32, #tpu.memory_space<vmem>>, vector<16xi32>,
      %get3A_424 = arith.index_cast %add3A_414 : i32 to index
      %get3A_425 = arith.constant 48 : index
      %get3A_426 = tpu.vector_load %arg13[%get3A_424, %get3A_425] {strides = array<i32>} : memref<80x64xi32, #tpu.memory_space<vmem>>, vector<16xi32>,
      %get3A_427 = arith.index_cast %add3A_414 : i32 to index
      %get3A_428 = arith.constant 0 : index
      %get3A_429 = tpu.vector_load %arg15[%get3A_427, %get3A_428] {strides = array<i32>} : memref<80x64xi32, #tpu.memory_space<vmem>>, vector<16xi32>,
      %get3A_430 = arith.index_cast %add3A_414 : i32 to index
      %get3A_431 = arith.constant 16 : index
      %get3A_432 = tpu.vector_load %arg15[%get3A_430, %get3A_431] {strides = array<i32>} : memref<80x64xi32, #tpu.memory_space<vmem>>, vector<16xi32>,
      %get3A_433 = arith.index_cast %add3A_414 : i32 to index
      %get3A_434 = arith.constant 32 : index
      %get3A_435 = tpu.vector_load %arg15[%get3A_433, %get3A_434] {strides = array<i32>} : memref<80x64xi32, #tpu.memory_space<vmem>>, vector<16xi32>,
      %get3A_436 = arith.index_cast %add3A_414 : i32 to index
      %get3A_437 = arith.constant 48 : index
      %get3A_438 = tpu.vector_load %arg15[%get3A_436, %get3A_437] {strides = array<i32>} : memref<80x64xi32, #tpu.memory_space<vmem>>, vector<16xi32>,
      %bitcast3A_439 = vector.bitcast %get3A_364 : vector<16xi32> to vector<32xbf16>
      %bitcast3A_440 = vector.bitcast %get3A_376 : vector<16xi32> to vector<32xbf16>
      %mul3A_441 = arith.mulf %bitcast3A_439, %bitcast3A_440 : vector<32xbf16>
      %bitcast3A_442 = vector.bitcast %get3A_367 : vector<16xi32> to vector<32xbf16>
      %bitcast3A_443 = vector.bitcast %get3A_379 : vector<16xi32> to vector<32xbf16>
      %mul3A_444 = arith.mulf %bitcast3A_442, %bitcast3A_443 : vector<32xbf16>
      %bitcast3A_445 = vector.bitcast %get3A_370 : vector<16xi32> to vector<32xbf16>
      %bitcast3A_446 = vector.bitcast %get3A_382 : vector<16xi32> to vector<32xbf16>
      %mul3A_447 = arith.mulf %bitcast3A_445, %bitcast3A_446 : vector<32xbf16>
      %bitcast3A_448 = vector.bitcast %get3A_373 : vector<16xi32> to vector<32xbf16>
      %bitcast3A_449 = vector.bitcast %get3A_385 : vector<16xi32> to vector<32xbf16>
      %mul3A_450 = arith.mulf %bitcast3A_448, %bitcast3A_449 : vector<32xbf16>
      %add3A_451 = arith.addf %mul3A_441, %mul3A_444 : vector<32xbf16>
      %unpack3A_452 = tpu.unpack_subelements %add3A_451, 0 {pack_format = #tpu.pack_format<interleaved>} : vector<32xbf16> -> vector<16xf32>
      %unpack3A_453 = tpu.unpack_subelements %add3A_451, 1 {pack_format = #tpu.pack_format<interleaved>} : vector<32xbf16> -> vector<16xf32>
      %add3A_454 = arith.addf %mul3A_447, %mul3A_450 : vector<32xbf16>
      %unpack3A_455 = tpu.unpack_subelements %add3A_454, 0 {pack_format = #tpu.pack_format<interleaved>} : vector<32xbf16> -> vector<16xf32>
      %unpack3A_456 = tpu.unpack_subelements %add3A_454, 1 {pack_format = #tpu.pack_format<interleaved>} : vector<32xbf16> -> vector<16xf32>
      %add3A_457 = arith.addf %unpack3A_452, %unpack3A_453 : vector<16xf32>
      %add3A_458 = arith.addf %unpack3A_455, %unpack3A_456 : vector<16xf32>
      %add3A_459 = arith.addf %add3A_457, %add3A_458 : vector<16xf32>
      %swap3A_460 = arith.constant 6 : i32
      %swap3A_461 = arith.index_cast %swap3A_460 : i32 to index
      %swap3A_462 = arith.constant 0 : index
      %swap3A_463 = tpu.vector_load %arg19[%swap3A_461, %swap3A_462] {strides = array<i32>} : memref<16x17xf32, #tpu.memory_space<vmem>>, vector<16xf32>,
      tpu.vector_store %arg19[%swap3A_461, %swap3A_462], %add3A_459 {strides = array<i32>} : memref<16x17xf32, #tpu.memory_space<vmem>>, vector<16xf32>,
      %add3A_464 = arith.constant 7 : i32
      %add3A_465 = arith.addi %mul3A_72, %add3A_464 : i32
      %add3A_466 = arith.constant 1 : i32
      %add3A_467 = arith.addi %add3A_465, %add3A_466 : i32
      %get3A_468 = arith.index_cast %add3A_467 : i32 to index
      %get3A_469 = arith.constant 0 : index
      %get3A_470 = tpu.vector_load %arg13[%get3A_468, %get3A_469] {strides = array<i32>} : memref<80x64xi32, #tpu.memory_space<vmem>>, vector<16xi32>,
      %get3A_471 = arith.index_cast %add3A_467 : i32 to index
      %get3A_472 = arith.constant 16 : index
      %get3A_473 = tpu.vector_load %arg13[%get3A_471, %get3A_472] {strides = array<i32>} : memref<80x64xi32, #tpu.memory_space<vmem>>, vector<16xi32>,
      %get3A_474 = arith.index_cast %add3A_467 : i32 to index
      %get3A_475 = arith.constant 32 : index
      %get3A_476 = tpu.vector_load %arg13[%get3A_474, %get3A_475] {strides = array<i32>} : memref<80x64xi32, #tpu.memory_space<vmem>>, vector<16xi32>,
      %get3A_477 = arith.index_cast %add3A_467 : i32 to index
      %get3A_478 = arith.constant 48 : index
      %get3A_479 = tpu.vector_load %arg13[%get3A_477, %get3A_478] {strides = array<i32>} : memref<80x64xi32, #tpu.memory_space<vmem>>, vector<16xi32>,
      %get3A_480 = arith.index_cast %add3A_467 : i32 to index
      %get3A_481 = arith.constant 0 : index
      %get3A_482 = tpu.vector_load %arg15[%get3A_480, %get3A_481] {strides = array<i32>} : memref<80x64xi32, #tpu.memory_space<vmem>>, vector<16xi32>,
      %get3A_483 = arith.index_cast %add3A_467 : i32 to index
      %get3A_484 = arith.constant 16 : index
      %get3A_485 = tpu.vector_load %arg15[%get3A_483, %get3A_484] {strides = array<i32>} : memref<80x64xi32, #tpu.memory_space<vmem>>, vector<16xi32>,
      %get3A_486 = arith.index_cast %add3A_467 : i32 to index
      %get3A_487 = arith.constant 32 : index
      %get3A_488 = tpu.vector_load %arg15[%get3A_486, %get3A_487] {strides = array<i32>} : memref<80x64xi32, #tpu.memory_space<vmem>>, vector<16xi32>,
      %get3A_489 = arith.index_cast %add3A_467 : i32 to index
      %get3A_490 = arith.constant 48 : index
      %get3A_491 = tpu.vector_load %arg15[%get3A_489, %get3A_490] {strides = array<i32>} : memref<80x64xi32, #tpu.memory_space<vmem>>, vector<16xi32>,
      %bitcast3A_492 = vector.bitcast %get3A_417 : vector<16xi32> to vector<32xbf16>
      %bitcast3A_493 = vector.bitcast %get3A_429 : vector<16xi32> to vector<32xbf16>
      %mul3A_494 = arith.mulf %bitcast3A_492, %bitcast3A_493 : vector<32xbf16>
      %bitcast3A_495 = vector.bitcast %get3A_420 : vector<16xi32> to vector<32xbf16>
      %bitcast3A_496 = vector.bitcast %get3A_432 : vector<16xi32> to vector<32xbf16>
      %mul3A_497 = arith.mulf %bitcast3A_495, %bitcast3A_496 : vector<32xbf16>
      %bitcast3A_498 = vector.bitcast %get3A_423 : vector<16xi32> to vector<32xbf16>
      %bitcast3A_499 = vector.bitcast %get3A_435 : vector<16xi32> to vector<32xbf16>
      %mul3A_500 = arith.mulf %bitcast3A_498, %bitcast3A_499 : vector<32xbf16>
      %bitcast3A_501 = vector.bitcast %get3A_426 : vector<16xi32> to vector<32xbf16>
      %bitcast3A_502 = vector.bitcast %get3A_438 : vector<16xi32> to vector<32xbf16>
      %mul3A_503 = arith.mulf %bitcast3A_501, %bitcast3A_502 : vector<32xbf16>
      %add3A_504 = arith.addf %mul3A_494, %mul3A_497 : vector<32xbf16>
      %unpack3A_505 = tpu.unpack_subelements %add3A_504, 0 {pack_format = #tpu.pack_format<interleaved>} : vector<32xbf16> -> vector<16xf32>
      %unpack3A_506 = tpu.unpack_subelements %add3A_504, 1 {pack_format = #tpu.pack_format<interleaved>} : vector<32xbf16> -> vector<16xf32>
      %add3A_507 = arith.addf %mul3A_500, %mul3A_503 : vector<32xbf16>
      %unpack3A_508 = tpu.unpack_subelements %add3A_507, 0 {pack_format = #tpu.pack_format<interleaved>} : vector<32xbf16> -> vector<16xf32>
      %unpack3A_509 = tpu.unpack_subelements %add3A_507, 1 {pack_format = #tpu.pack_format<interleaved>} : vector<32xbf16> -> vector<16xf32>
      %add3A_510 = arith.addf %unpack3A_505, %unpack3A_506 : vector<16xf32>
      %add3A_511 = arith.addf %unpack3A_508, %unpack3A_509 : vector<16xf32>
      %add3A_512 = arith.addf %add3A_510, %add3A_511 : vector<16xf32>
      %swap3A_513 = arith.constant 7 : i32
      %swap3A_514 = arith.index_cast %swap3A_513 : i32 to index
      %swap3A_515 = arith.constant 0 : index
      %swap3A_516 = tpu.vector_load %arg19[%swap3A_514, %swap3A_515] {strides = array<i32>} : memref<16x17xf32, #tpu.memory_space<vmem>>, vector<16xf32>,
      tpu.vector_store %arg19[%swap3A_514, %swap3A_515], %add3A_512 {strides = array<i32>} : memref<16x17xf32, #tpu.memory_space<vmem>>, vector<16xf32>,
      %add3A_517 = arith.constant 8 : i32
      %add3A_518 = arith.addi %mul3A_72, %add3A_517 : i32
      %add3A_519 = arith.constant 1 : i32
      %add3A_520 = arith.addi %add3A_518, %add3A_519 : i32
      %get3A_521 = arith.index_cast %add3A_520 : i32 to index
      %get3A_522 = arith.constant 0 : index
      %get3A_523 = tpu.vector_load %arg13[%get3A_521, %get3A_522] {strides = array<i32>} : memref<80x64xi32, #tpu.memory_space<vmem>>, vector<16xi32>,
      %get3A_524 = arith.index_cast %add3A_520 : i32 to index
      %get3A_525 = arith.constant 16 : index
      %get3A_526 = tpu.vector_load %arg13[%get3A_524, %get3A_525] {strides = array<i32>} : memref<80x64xi32, #tpu.memory_space<vmem>>, vector<16xi32>,
      %get3A_527 = arith.index_cast %add3A_520 : i32 to index
      %get3A_528 = arith.constant 32 : index
      %get3A_529 = tpu.vector_load %arg13[%get3A_527, %get3A_528] {strides = array<i32>} : memref<80x64xi32, #tpu.memory_space<vmem>>, vector<16xi32>,
      %get3A_530 = arith.index_cast %add3A_520 : i32 to index
      %get3A_531 = arith.constant 48 : index
      %get3A_532 = tpu.vector_load %arg13[%get3A_530, %get3A_531] {strides = array<i32>} : memref<80x64xi32, #tpu.memory_space<vmem>>, vector<16xi32>,
      %get3A_533 = arith.index_cast %add3A_520 : i32 to index
      %get3A_534 = arith.constant 0 : index
      %get3A_535 = tpu.vector_load %arg15[%get3A_533, %get3A_534] {strides = array<i32>} : memref<80x64xi32, #tpu.memory_space<vmem>>, vector<16xi32>,
      %get3A_536 = arith.index_cast %add3A_520 : i32 to index
      %get3A_537 = arith.constant 16 : index
      %get3A_538 = tpu.vector_load %arg15[%get3A_536, %get3A_537] {strides = array<i32>} : memref<80x64xi32, #tpu.memory_space<vmem>>, vector<16xi32>,
      %get3A_539 = arith.index_cast %add3A_520 : i32 to index
      %get3A_540 = arith.constant 32 : index
      %get3A_541 = tpu.vector_load %arg15[%get3A_539, %get3A_540] {strides = array<i32>} : memref<80x64xi32, #tpu.memory_space<vmem>>, vector<16xi32>,
      %get3A_542 = arith.index_cast %add3A_520 : i32 to index
      %get3A_543 = arith.constant 48 : index
      %get3A_544 = tpu.vector_load %arg15[%get3A_542, %get3A_543] {strides = array<i32>} : memref<80x64xi32, #tpu.memory_space<vmem>>, vector<16xi32>,
      %bitcast3A_545 = vector.bitcast %get3A_470 : vector<16xi32> to vector<32xbf16>
      %bitcast3A_546 = vector.bitcast %get3A_482 : vector<16xi32> to vector<32xbf16>
      %mul3A_547 = arith.mulf %bitcast3A_545, %bitcast3A_546 : vector<32xbf16>
      %bitcast3A_548 = vector.bitcast %get3A_473 : vector<16xi32> to vector<32xbf16>
      %bitcast3A_549 = vector.bitcast %get3A_485 : vector<16xi32> to vector<32xbf16>
      %mul3A_550 = arith.mulf %bitcast3A_548, %bitcast3A_549 : vector<32xbf16>
      %bitcast3A_551 = vector.bitcast %get3A_476 : vector<16xi32> to vector<32xbf16>
      %bitcast3A_552 = vector.bitcast %get3A_488 : vector<16xi32> to vector<32xbf16>
      %mul3A_553 = arith.mulf %bitcast3A_551, %bitcast3A_552 : vector<32xbf16>
      %bitcast3A_554 = vector.bitcast %get3A_479 : vector<16xi32> to vector<32xbf16>
      %bitcast3A_555 = vector.bitcast %get3A_491 : vector<16xi32> to vector<32xbf16>
      %mul3A_556 = arith.mulf %bitcast3A_554, %bitcast3A_555 : vector<32xbf16>
      %add3A_557 = arith.addf %mul3A_547, %mul3A_550 : vector<32xbf16>
      %unpack3A_558 = tpu.unpack_subelements %add3A_557, 0 {pack_format = #tpu.pack_format<interleaved>} : vector<32xbf16> -> vector<16xf32>
      %unpack3A_559 = tpu.unpack_subelements %add3A_557, 1 {pack_format = #tpu.pack_format<interleaved>} : vector<32xbf16> -> vector<16xf32>
      %add3A_560 = arith.addf %mul3A_553, %mul3A_556 : vector<32xbf16>
      %unpack3A_561 = tpu.unpack_subelements %add3A_560, 0 {pack_format = #tpu.pack_format<interleaved>} : vector<32xbf16> -> vector<16xf32>
      %unpack3A_562 = tpu.unpack_subelements %add3A_560, 1 {pack_format = #tpu.pack_format<interleaved>} : vector<32xbf16> -> vector<16xf32>
      %add3A_563 = arith.addf %unpack3A_558, %unpack3A_559 : vector<16xf32>
      %add3A_564 = arith.addf %unpack3A_561, %unpack3A_562 : vector<16xf32>
      %add3A_565 = arith.addf %add3A_563, %add3A_564 : vector<16xf32>
      %swap3A_566 = arith.constant 8 : i32
      %swap3A_567 = arith.index_cast %swap3A_566 : i32 to index
      %swap3A_568 = arith.constant 0 : index
      %swap3A_569 = tpu.vector_load %arg19[%swap3A_567, %swap3A_568] {strides = array<i32>} : memref<16x17xf32, #tpu.memory_space<vmem>>, vector<16xf32>,
      tpu.vector_store %arg19[%swap3A_567, %swap3A_568], %add3A_565 {strides = array<i32>} : memref<16x17xf32, #tpu.memory_space<vmem>>, vector<16xf32>,
      %add3A_570 = arith.constant 9 : i32
      %add3A_571 = arith.addi %mul3A_72, %add3A_570 : i32
      %add3A_572 = arith.constant 1 : i32
      %add3A_573 = arith.addi %add3A_571, %add3A_572 : i32
      %get3A_574 = arith.index_cast %add3A_573 : i32 to index
      %get3A_575 = arith.constant 0 : index
      %get3A_576 = tpu.vector_load %arg13[%get3A_574, %get3A_575] {strides = array<i32>} : memref<80x64xi32, #tpu.memory_space<vmem>>, vector<16xi32>,
      %get3A_577 = arith.index_cast %add3A_573 : i32 to index
      %get3A_578 = arith.constant 16 : index
      %get3A_579 = tpu.vector_load %arg13[%get3A_577, %get3A_578] {strides = array<i32>} : memref<80x64xi32, #tpu.memory_space<vmem>>, vector<16xi32>,
      %get3A_580 = arith.index_cast %add3A_573 : i32 to index
      %get3A_581 = arith.constant 32 : index
      %get3A_582 = tpu.vector_load %arg13[%get3A_580, %get3A_581] {strides = array<i32>} : memref<80x64xi32, #tpu.memory_space<vmem>>, vector<16xi32>,
      %get3A_583 = arith.index_cast %add3A_573 : i32 to index
      %get3A_584 = arith.constant 48 : index
      %get3A_585 = tpu.vector_load %arg13[%get3A_583, %get3A_584] {strides = array<i32>} : memref<80x64xi32, #tpu.memory_space<vmem>>, vector<16xi32>,
      %get3A_586 = arith.index_cast %add3A_573 : i32 to index
      %get3A_587 = arith.constant 0 : index
      %get3A_588 = tpu.vector_load %arg15[%get3A_586, %get3A_587] {strides = array<i32>} : memref<80x64xi32, #tpu.memory_space<vmem>>, vector<16xi32>,
      %get3A_589 = arith.index_cast %add3A_573 : i32 to index
      %get3A_590 = arith.constant 16 : index
      %get3A_591 = tpu.vector_load %arg15[%get3A_589, %get3A_590] {strides = array<i32>} : memref<80x64xi32, #tpu.memory_space<vmem>>, vector<16xi32>,
      %get3A_592 = arith.index_cast %add3A_573 : i32 to index
      %get3A_593 = arith.constant 32 : index
      %get3A_594 = tpu.vector_load %arg15[%get3A_592, %get3A_593] {strides = array<i32>} : memref<80x64xi32, #tpu.memory_space<vmem>>, vector<16xi32>,
      %get3A_595 = arith.index_cast %add3A_573 : i32 to index
      %get3A_596 = arith.constant 48 : index
      %get3A_597 = tpu.vector_load %arg15[%get3A_595, %get3A_596] {strides = array<i32>} : memref<80x64xi32, #tpu.memory_space<vmem>>, vector<16xi32>,
      %bitcast3A_598 = vector.bitcast %get3A_523 : vector<16xi32> to vector<32xbf16>
      %bitcast3A_599 = vector.bitcast %get3A_535 : vector<16xi32> to vector<32xbf16>
      %mul3A_600 = arith.mulf %bitcast3A_598, %bitcast3A_599 : vector<32xbf16>
      %bitcast3A_601 = vector.bitcast %get3A_526 : vector<16xi32> to vector<32xbf16>
      %bitcast3A_602 = vector.bitcast %get3A_538 : vector<16xi32> to vector<32xbf16>
      %mul3A_603 = arith.mulf %bitcast3A_601, %bitcast3A_602 : vector<32xbf16>
      %bitcast3A_604 = vector.bitcast %get3A_529 : vector<16xi32> to vector<32xbf16>
      %bitcast3A_605 = vector.bitcast %get3A_541 : vector<16xi32> to vector<32xbf16>
      %mul3A_606 = arith.mulf %bitcast3A_604, %bitcast3A_605 : vector<32xbf16>
      %bitcast3A_607 = vector.bitcast %get3A_532 : vector<16xi32> to vector<32xbf16>
      %bitcast3A_608 = vector.bitcast %get3A_544 : vector<16xi32> to vector<32xbf16>
      %mul3A_609 = arith.mulf %bitcast3A_607, %bitcast3A_608 : vector<32xbf16>
      %add3A_610 = arith.addf %mul3A_600, %mul3A_603 : vector<32xbf16>
      %unpack3A_611 = tpu.unpack_subelements %add3A_610, 0 {pack_format = #tpu.pack_format<interleaved>} : vector<32xbf16> -> vector<16xf32>
      %unpack3A_612 = tpu.unpack_subelements %add3A_610, 1 {pack_format = #tpu.pack_format<interleaved>} : vector<32xbf16> -> vector<16xf32>
      %add3A_613 = arith.addf %mul3A_606, %mul3A_609 : vector<32xbf16>
      %unpack3A_614 = tpu.unpack_subelements %add3A_613, 0 {pack_format = #tpu.pack_format<interleaved>} : vector<32xbf16> -> vector<16xf32>
      %unpack3A_615 = tpu.unpack_subelements %add3A_613, 1 {pack_format = #tpu.pack_format<interleaved>} : vector<32xbf16> -> vector<16xf32>
      %add3A_616 = arith.addf %unpack3A_611, %unpack3A_612 : vector<16xf32>
      %add3A_617 = arith.addf %unpack3A_614, %unpack3A_615 : vector<16xf32>
      %add3A_618 = arith.addf %add3A_616, %add3A_617 : vector<16xf32>
      %swap3A_619 = arith.constant 9 : i32
      %swap3A_620 = arith.index_cast %swap3A_619 : i32 to index
      %swap3A_621 = arith.constant 0 : index
      %swap3A_622 = tpu.vector_load %arg19[%swap3A_620, %swap3A_621] {strides = array<i32>} : memref<16x17xf32, #tpu.memory_space<vmem>>, vector<16xf32>,
      tpu.vector_store %arg19[%swap3A_620, %swap3A_621], %add3A_618 {strides = array<i32>} : memref<16x17xf32, #tpu.memory_space<vmem>>, vector<16xf32>,
      %add3A_623 = arith.constant 10 : i32
      %add3A_624 = arith.addi %mul3A_72, %add3A_623 : i32
      %add3A_625 = arith.constant 1 : i32
      %add3A_626 = arith.addi %add3A_624, %add3A_625 : i32
      %get3A_627 = arith.index_cast %add3A_626 : i32 to index
      %get3A_628 = arith.constant 0 : index
      %get3A_629 = tpu.vector_load %arg13[%get3A_627, %get3A_628] {strides = array<i32>} : memref<80x64xi32, #tpu.memory_space<vmem>>, vector<16xi32>,
      %get3A_630 = arith.index_cast %add3A_626 : i32 to index
      %get3A_631 = arith.constant 16 : index
      %get3A_632 = tpu.vector_load %arg13[%get3A_630, %get3A_631] {strides = array<i32>} : memref<80x64xi32, #tpu.memory_space<vmem>>, vector<16xi32>,
      %get3A_633 = arith.index_cast %add3A_626 : i32 to index
      %get3A_634 = arith.constant 32 : index
      %get3A_635 = tpu.vector_load %arg13[%get3A_633, %get3A_634] {strides = array<i32>} : memref<80x64xi32, #tpu.memory_space<vmem>>, vector<16xi32>,
      %get3A_636 = arith.index_cast %add3A_626 : i32 to index
      %get3A_637 = arith.constant 48 : index
      %get3A_638 = tpu.vector_load %arg13[%get3A_636, %get3A_637] {strides = array<i32>} : memref<80x64xi32, #tpu.memory_space<vmem>>, vector<16xi32>,
      %get3A_639 = arith.index_cast %add3A_626 : i32 to index
      %get3A_640 = arith.constant 0 : index
      %get3A_641 = tpu.vector_load %arg15[%get3A_639, %get3A_640] {strides = array<i32>} : memref<80x64xi32, #tpu.memory_space<vmem>>, vector<16xi32>,
      %get3A_642 = arith.index_cast %add3A_626 : i32 to index
      %get3A_643 = arith.constant 16 : index
      %get3A_644 = tpu.vector_load %arg15[%get3A_642, %get3A_643] {strides = array<i32>} : memref<80x64xi32, #tpu.memory_space<vmem>>, vector<16xi32>,
      %get3A_645 = arith.index_cast %add3A_626 : i32 to index
      %get3A_646 = arith.constant 32 : index
      %get3A_647 = tpu.vector_load %arg15[%get3A_645, %get3A_646] {strides = array<i32>} : memref<80x64xi32, #tpu.memory_space<vmem>>, vector<16xi32>,
      %get3A_648 = arith.index_cast %add3A_626 : i32 to index
      %get3A_649 = arith.constant 48 : index
      %get3A_650 = tpu.vector_load %arg15[%get3A_648, %get3A_649] {strides = array<i32>} : memref<80x64xi32, #tpu.memory_space<vmem>>, vector<16xi32>,
      %bitcast3A_651 = vector.bitcast %get3A_576 : vector<16xi32> to vector<32xbf16>
      %bitcast3A_652 = vector.bitcast %get3A_588 : vector<16xi32> to vector<32xbf16>
      %mul3A_653 = arith.mulf %bitcast3A_651, %bitcast3A_652 : vector<32xbf16>
      %bitcast3A_654 = vector.bitcast %get3A_579 : vector<16xi32> to vector<32xbf16>
      %bitcast3A_655 = vector.bitcast %get3A_591 : vector<16xi32> to vector<32xbf16>
      %mul3A_656 = arith.mulf %bitcast3A_654, %bitcast3A_655 : vector<32xbf16>
      %bitcast3A_657 = vector.bitcast %get3A_582 : vector<16xi32> to vector<32xbf16>
      %bitcast3A_658 = vector.bitcast %get3A_594 : vector<16xi32> to vector<32xbf16>
      %mul3A_659 = arith.mulf %bitcast3A_657, %bitcast3A_658 : vector<32xbf16>
      %bitcast3A_660 = vector.bitcast %get3A_585 : vector<16xi32> to vector<32xbf16>
      %bitcast3A_661 = vector.bitcast %get3A_597 : vector<16xi32> to vector<32xbf16>
      %mul3A_662 = arith.mulf %bitcast3A_660, %bitcast3A_661 : vector<32xbf16>
      %add3A_663 = arith.addf %mul3A_653, %mul3A_656 : vector<32xbf16>
      %unpack3A_664 = tpu.unpack_subelements %add3A_663, 0 {pack_format = #tpu.pack_format<interleaved>} : vector<32xbf16> -> vector<16xf32>
      %unpack3A_665 = tpu.unpack_subelements %add3A_663, 1 {pack_format = #tpu.pack_format<interleaved>} : vector<32xbf16> -> vector<16xf32>
      %add3A_666 = arith.addf %mul3A_659, %mul3A_662 : vector<32xbf16>
      %unpack3A_667 = tpu.unpack_subelements %add3A_666, 0 {pack_format = #tpu.pack_format<interleaved>} : vector<32xbf16> -> vector<16xf32>
      %unpack3A_668 = tpu.unpack_subelements %add3A_666, 1 {pack_format = #tpu.pack_format<interleaved>} : vector<32xbf16> -> vector<16xf32>
      %add3A_669 = arith.addf %unpack3A_664, %unpack3A_665 : vector<16xf32>
      %add3A_670 = arith.addf %unpack3A_667, %unpack3A_668 : vector<16xf32>
      %add3A_671 = arith.addf %add3A_669, %add3A_670 : vector<16xf32>
      %swap3A_672 = arith.constant 10 : i32
      %swap3A_673 = arith.index_cast %swap3A_672 : i32 to index
      %swap3A_674 = arith.constant 0 : index
      %swap3A_675 = tpu.vector_load %arg19[%swap3A_673, %swap3A_674] {strides = array<i32>} : memref<16x17xf32, #tpu.memory_space<vmem>>, vector<16xf32>,
      tpu.vector_store %arg19[%swap3A_673, %swap3A_674], %add3A_671 {strides = array<i32>} : memref<16x17xf32, #tpu.memory_space<vmem>>, vector<16xf32>,
      %add3A_676 = arith.constant 11 : i32
      %add3A_677 = arith.addi %mul3A_72, %add3A_676 : i32
      %add3A_678 = arith.constant 1 : i32
      %add3A_679 = arith.addi %add3A_677, %add3A_678 : i32
      %get3A_680 = arith.index_cast %add3A_679 : i32 to index
      %get3A_681 = arith.constant 0 : index
      %get3A_682 = tpu.vector_load %arg13[%get3A_680, %get3A_681] {strides = array<i32>} : memref<80x64xi32, #tpu.memory_space<vmem>>, vector<16xi32>,
      %get3A_683 = arith.index_cast %add3A_679 : i32 to index
      %get3A_684 = arith.constant 16 : index
      %get3A_685 = tpu.vector_load %arg13[%get3A_683, %get3A_684] {strides = array<i32>} : memref<80x64xi32, #tpu.memory_space<vmem>>, vector<16xi32>,
      %get3A_686 = arith.index_cast %add3A_679 : i32 to index
      %get3A_687 = arith.constant 32 : index
      %get3A_688 = tpu.vector_load %arg13[%get3A_686, %get3A_687] {strides = array<i32>} : memref<80x64xi32, #tpu.memory_space<vmem>>, vector<16xi32>,
      %get3A_689 = arith.index_cast %add3A_679 : i32 to index
      %get3A_690 = arith.constant 48 : index
      %get3A_691 = tpu.vector_load %arg13[%get3A_689, %get3A_690] {strides = array<i32>} : memref<80x64xi32, #tpu.memory_space<vmem>>, vector<16xi32>,
      %get3A_692 = arith.index_cast %add3A_679 : i32 to index
      %get3A_693 = arith.constant 0 : index
      %get3A_694 = tpu.vector_load %arg15[%get3A_692, %get3A_693] {strides = array<i32>} : memref<80x64xi32, #tpu.memory_space<vmem>>, vector<16xi32>,
      %get3A_695 = arith.index_cast %add3A_679 : i32 to index
      %get3A_696 = arith.constant 16 : index
      %get3A_697 = tpu.vector_load %arg15[%get3A_695, %get3A_696] {strides = array<i32>} : memref<80x64xi32, #tpu.memory_space<vmem>>, vector<16xi32>,
      %get3A_698 = arith.index_cast %add3A_679 : i32 to index
      %get3A_699 = arith.constant 32 : index
      %get3A_700 = tpu.vector_load %arg15[%get3A_698, %get3A_699] {strides = array<i32>} : memref<80x64xi32, #tpu.memory_space<vmem>>, vector<16xi32>,
      %get3A_701 = arith.index_cast %add3A_679 : i32 to index
      %get3A_702 = arith.constant 48 : index
      %get3A_703 = tpu.vector_load %arg15[%get3A_701, %get3A_702] {strides = array<i32>} : memref<80x64xi32, #tpu.memory_space<vmem>>, vector<16xi32>,
      %bitcast3A_704 = vector.bitcast %get3A_629 : vector<16xi32> to vector<32xbf16>
      %bitcast3A_705 = vector.bitcast %get3A_641 : vector<16xi32> to vector<32xbf16>
      %mul3A_706 = arith.mulf %bitcast3A_704, %bitcast3A_705 : vector<32xbf16>
      %bitcast3A_707 = vector.bitcast %get3A_632 : vector<16xi32> to vector<32xbf16>
      %bitcast3A_708 = vector.bitcast %get3A_644 : vector<16xi32> to vector<32xbf16>
      %mul3A_709 = arith.mulf %bitcast3A_707, %bitcast3A_708 : vector<32xbf16>
      %bitcast3A_710 = vector.bitcast %get3A_635 : vector<16xi32> to vector<32xbf16>
      %bitcast3A_711 = vector.bitcast %get3A_647 : vector<16xi32> to vector<32xbf16>
      %mul3A_712 = arith.mulf %bitcast3A_710, %bitcast3A_711 : vector<32xbf16>
      %bitcast3A_713 = vector.bitcast %get3A_638 : vector<16xi32> to vector<32xbf16>
      %bitcast3A_714 = vector.bitcast %get3A_650 : vector<16xi32> to vector<32xbf16>
      %mul3A_715 = arith.mulf %bitcast3A_713, %bitcast3A_714 : vector<32xbf16>
      %add3A_716 = arith.addf %mul3A_706, %mul3A_709 : vector<32xbf16>
      %unpack3A_717 = tpu.unpack_subelements %add3A_716, 0 {pack_format = #tpu.pack_format<interleaved>} : vector<32xbf16> -> vector<16xf32>
      %unpack3A_718 = tpu.unpack_subelements %add3A_716, 1 {pack_format = #tpu.pack_format<interleaved>} : vector<32xbf16> -> vector<16xf32>
      %add3A_719 = arith.addf %mul3A_712, %mul3A_715 : vector<32xbf16>
      %unpack3A_720 = tpu.unpack_subelements %add3A_719, 0 {pack_format = #tpu.pack_format<interleaved>} : vector<32xbf16> -> vector<16xf32>
      %unpack3A_721 = tpu.unpack_subelements %add3A_719, 1 {pack_format = #tpu.pack_format<interleaved>} : vector<32xbf16> -> vector<16xf32>
      %add3A_722 = arith.addf %unpack3A_717, %unpack3A_718 : vector<16xf32>
      %add3A_723 = arith.addf %unpack3A_720, %unpack3A_721 : vector<16xf32>
      %add3A_724 = arith.addf %add3A_722, %add3A_723 : vector<16xf32>
      %swap3A_725 = arith.constant 11 : i32
      %swap3A_726 = arith.index_cast %swap3A_725 : i32 to index
      %swap3A_727 = arith.constant 0 : index
      %swap3A_728 = tpu.vector_load %arg19[%swap3A_726, %swap3A_727] {strides = array<i32>} : memref<16x17xf32, #tpu.memory_space<vmem>>, vector<16xf32>,
      tpu.vector_store %arg19[%swap3A_726, %swap3A_727], %add3A_724 {strides = array<i32>} : memref<16x17xf32, #tpu.memory_space<vmem>>, vector<16xf32>,
      %add3A_729 = arith.constant 12 : i32
      %add3A_730 = arith.addi %mul3A_72, %add3A_729 : i32
      %add3A_731 = arith.constant 1 : i32
      %add3A_732 = arith.addi %add3A_730, %add3A_731 : i32
      %get3A_733 = arith.index_cast %add3A_732 : i32 to index
      %get3A_734 = arith.constant 0 : index
      %get3A_735 = tpu.vector_load %arg13[%get3A_733, %get3A_734] {strides = array<i32>} : memref<80x64xi32, #tpu.memory_space<vmem>>, vector<16xi32>,
      %get3A_736 = arith.index_cast %add3A_732 : i32 to index
      %get3A_737 = arith.constant 16 : index
      %get3A_738 = tpu.vector_load %arg13[%get3A_736, %get3A_737] {strides = array<i32>} : memref<80x64xi32, #tpu.memory_space<vmem>>, vector<16xi32>,
      %get3A_739 = arith.index_cast %add3A_732 : i32 to index
      %get3A_740 = arith.constant 32 : index
      %get3A_741 = tpu.vector_load %arg13[%get3A_739, %get3A_740] {strides = array<i32>} : memref<80x64xi32, #tpu.memory_space<vmem>>, vector<16xi32>,
      %get3A_742 = arith.index_cast %add3A_732 : i32 to index
      %get3A_743 = arith.constant 48 : index
      %get3A_744 = tpu.vector_load %arg13[%get3A_742, %get3A_743] {strides = array<i32>} : memref<80x64xi32, #tpu.memory_space<vmem>>, vector<16xi32>,
      %get3A_745 = arith.index_cast %add3A_732 : i32 to index
      %get3A_746 = arith.constant 0 : index
      %get3A_747 = tpu.vector_load %arg15[%get3A_745, %get3A_746] {strides = array<i32>} : memref<80x64xi32, #tpu.memory_space<vmem>>, vector<16xi32>,
      %get3A_748 = arith.index_cast %add3A_732 : i32 to index
      %get3A_749 = arith.constant 16 : index
      %get3A_750 = tpu.vector_load %arg15[%get3A_748, %get3A_749] {strides = array<i32>} : memref<80x64xi32, #tpu.memory_space<vmem>>, vector<16xi32>,
      %get3A_751 = arith.index_cast %add3A_732 : i32 to index
      %get3A_752 = arith.constant 32 : index
      %get3A_753 = tpu.vector_load %arg15[%get3A_751, %get3A_752] {strides = array<i32>} : memref<80x64xi32, #tpu.memory_space<vmem>>, vector<16xi32>,
      %get3A_754 = arith.index_cast %add3A_732 : i32 to index
      %get3A_755 = arith.constant 48 : index
      %get3A_756 = tpu.vector_load %arg15[%get3A_754, %get3A_755] {strides = array<i32>} : memref<80x64xi32, #tpu.memory_space<vmem>>, vector<16xi32>,
      %bitcast3A_757 = vector.bitcast %get3A_682 : vector<16xi32> to vector<32xbf16>
      %bitcast3A_758 = vector.bitcast %get3A_694 : vector<16xi32> to vector<32xbf16>
      %mul3A_759 = arith.mulf %bitcast3A_757, %bitcast3A_758 : vector<32xbf16>
      %bitcast3A_760 = vector.bitcast %get3A_685 : vector<16xi32> to vector<32xbf16>
      %bitcast3A_761 = vector.bitcast %get3A_697 : vector<16xi32> to vector<32xbf16>
      %mul3A_762 = arith.mulf %bitcast3A_760, %bitcast3A_761 : vector<32xbf16>
      %bitcast3A_763 = vector.bitcast %get3A_688 : vector<16xi32> to vector<32xbf16>
      %bitcast3A_764 = vector.bitcast %get3A_700 : vector<16xi32> to vector<32xbf16>
      %mul3A_765 = arith.mulf %bitcast3A_763, %bitcast3A_764 : vector<32xbf16>
      %bitcast3A_766 = vector.bitcast %get3A_691 : vector<16xi32> to vector<32xbf16>
      %bitcast3A_767 = vector.bitcast %get3A_703 : vector<16xi32> to vector<32xbf16>
      %mul3A_768 = arith.mulf %bitcast3A_766, %bitcast3A_767 : vector<32xbf16>
      %add3A_769 = arith.addf %mul3A_759, %mul3A_762 : vector<32xbf16>
      %unpack3A_770 = tpu.unpack_subelements %add3A_769, 0 {pack_format = #tpu.pack_format<interleaved>} : vector<32xbf16> -> vector<16xf32>
      %unpack3A_771 = tpu.unpack_subelements %add3A_769, 1 {pack_format = #tpu.pack_format<interleaved>} : vector<32xbf16> -> vector<16xf32>
      %add3A_772 = arith.addf %mul3A_765, %mul3A_768 : vector<32xbf16>
      %unpack3A_773 = tpu.unpack_subelements %add3A_772, 0 {pack_format = #tpu.pack_format<interleaved>} : vector<32xbf16> -> vector<16xf32>
      %unpack3A_774 = tpu.unpack_subelements %add3A_772, 1 {pack_format = #tpu.pack_format<interleaved>} : vector<32xbf16> -> vector<16xf32>
      %add3A_775 = arith.addf %unpack3A_770, %unpack3A_771 : vector<16xf32>
      %add3A_776 = arith.addf %unpack3A_773, %unpack3A_774 : vector<16xf32>
      %add3A_777 = arith.addf %add3A_775, %add3A_776 : vector<16xf32>
      %swap3A_778 = arith.constant 12 : i32
      %swap3A_779 = arith.index_cast %swap3A_778 : i32 to index
      %swap3A_780 = arith.constant 0 : index
      %swap3A_781 = tpu.vector_load %arg19[%swap3A_779, %swap3A_780] {strides = array<i32>} : memref<16x17xf32, #tpu.memory_space<vmem>>, vector<16xf32>,
      tpu.vector_store %arg19[%swap3A_779, %swap3A_780], %add3A_777 {strides = array<i32>} : memref<16x17xf32, #tpu.memory_space<vmem>>, vector<16xf32>,
      %add3A_782 = arith.constant 13 : i32
      %add3A_783 = arith.addi %mul3A_72, %add3A_782 : i32
      %add3A_784 = arith.constant 1 : i32
      %add3A_785 = arith.addi %add3A_783, %add3A_784 : i32
      %get3A_786 = arith.index_cast %add3A_785 : i32 to index
      %get3A_787 = arith.constant 0 : index
      %get3A_788 = tpu.vector_load %arg13[%get3A_786, %get3A_787] {strides = array<i32>} : memref<80x64xi32, #tpu.memory_space<vmem>>, vector<16xi32>,
      %get3A_789 = arith.index_cast %add3A_785 : i32 to index
      %get3A_790 = arith.constant 16 : index
      %get3A_791 = tpu.vector_load %arg13[%get3A_789, %get3A_790] {strides = array<i32>} : memref<80x64xi32, #tpu.memory_space<vmem>>, vector<16xi32>,
      %get3A_792 = arith.index_cast %add3A_785 : i32 to index
      %get3A_793 = arith.constant 32 : index
      %get3A_794 = tpu.vector_load %arg13[%get3A_792, %get3A_793] {strides = array<i32>} : memref<80x64xi32, #tpu.memory_space<vmem>>, vector<16xi32>,
      %get3A_795 = arith.index_cast %add3A_785 : i32 to index
      %get3A_796 = arith.constant 48 : index
      %get3A_797 = tpu.vector_load %arg13[%get3A_795, %get3A_796] {strides = array<i32>} : memref<80x64xi32, #tpu.memory_space<vmem>>, vector<16xi32>,
      %get3A_798 = arith.index_cast %add3A_785 : i32 to index
      %get3A_799 = arith.constant 0 : index
      %get3A_800 = tpu.vector_load %arg15[%get3A_798, %get3A_799] {strides = array<i32>} : memref<80x64xi32, #tpu.memory_space<vmem>>, vector<16xi32>,
      %get3A_801 = arith.index_cast %add3A_785 : i32 to index
      %get3A_802 = arith.constant 16 : index
      %get3A_803 = tpu.vector_load %arg15[%get3A_801, %get3A_802] {strides = array<i32>} : memref<80x64xi32, #tpu.memory_space<vmem>>, vector<16xi32>,
      %get3A_804 = arith.index_cast %add3A_785 : i32 to index
      %get3A_805 = arith.constant 32 : index
      %get3A_806 = tpu.vector_load %arg15[%get3A_804, %get3A_805] {strides = array<i32>} : memref<80x64xi32, #tpu.memory_space<vmem>>, vector<16xi32>,
      %get3A_807 = arith.index_cast %add3A_785 : i32 to index
      %get3A_808 = arith.constant 48 : index
      %get3A_809 = tpu.vector_load %arg15[%get3A_807, %get3A_808] {strides = array<i32>} : memref<80x64xi32, #tpu.memory_space<vmem>>, vector<16xi32>,
      %bitcast3A_810 = vector.bitcast %get3A_735 : vector<16xi32> to vector<32xbf16>
      %bitcast3A_811 = vector.bitcast %get3A_747 : vector<16xi32> to vector<32xbf16>
      %mul3A_812 = arith.mulf %bitcast3A_810, %bitcast3A_811 : vector<32xbf16>
      %bitcast3A_813 = vector.bitcast %get3A_738 : vector<16xi32> to vector<32xbf16>
      %bitcast3A_814 = vector.bitcast %get3A_750 : vector<16xi32> to vector<32xbf16>
      %mul3A_815 = arith.mulf %bitcast3A_813, %bitcast3A_814 : vector<32xbf16>
      %bitcast3A_816 = vector.bitcast %get3A_741 : vector<16xi32> to vector<32xbf16>
      %bitcast3A_817 = vector.bitcast %get3A_753 : vector<16xi32> to vector<32xbf16>
      %mul3A_818 = arith.mulf %bitcast3A_816, %bitcast3A_817 : vector<32xbf16>
      %bitcast3A_819 = vector.bitcast %get3A_744 : vector<16xi32> to vector<32xbf16>
      %bitcast3A_820 = vector.bitcast %get3A_756 : vector<16xi32> to vector<32xbf16>
      %mul3A_821 = arith.mulf %bitcast3A_819, %bitcast3A_820 : vector<32xbf16>
      %add3A_822 = arith.addf %mul3A_812, %mul3A_815 : vector<32xbf16>
      %unpack3A_823 = tpu.unpack_subelements %add3A_822, 0 {pack_format = #tpu.pack_format<interleaved>} : vector<32xbf16> -> vector<16xf32>
      %unpack3A_824 = tpu.unpack_subelements %add3A_822, 1 {pack_format = #tpu.pack_format<interleaved>} : vector<32xbf16> -> vector<16xf32>
      %add3A_825 = arith.addf %mul3A_818, %mul3A_821 : vector<32xbf16>
      %unpack3A_826 = tpu.unpack_subelements %add3A_825, 0 {pack_format = #tpu.pack_format<interleaved>} : vector<32xbf16> -> vector<16xf32>
      %unpack3A_827 = tpu.unpack_subelements %add3A_825, 1 {pack_format = #tpu.pack_format<interleaved>} : vector<32xbf16> -> vector<16xf32>
      %add3A_828 = arith.addf %unpack3A_823, %unpack3A_824 : vector<16xf32>
      %add3A_829 = arith.addf %unpack3A_826, %unpack3A_827 : vector<16xf32>
      %add3A_830 = arith.addf %add3A_828, %add3A_829 : vector<16xf32>
      %swap3A_831 = arith.constant 13 : i32
      %swap3A_832 = arith.index_cast %swap3A_831 : i32 to index
      %swap3A_833 = arith.constant 0 : index
      %swap3A_834 = tpu.vector_load %arg19[%swap3A_832, %swap3A_833] {strides = array<i32>} : memref<16x17xf32, #tpu.memory_space<vmem>>, vector<16xf32>,
      tpu.vector_store %arg19[%swap3A_832, %swap3A_833], %add3A_830 {strides = array<i32>} : memref<16x17xf32, #tpu.memory_space<vmem>>, vector<16xf32>,
      %add3A_835 = arith.constant 14 : i32
      %add3A_836 = arith.addi %mul3A_72, %add3A_835 : i32
      %add3A_837 = arith.constant 1 : i32
      %add3A_838 = arith.addi %add3A_836, %add3A_837 : i32
      %get3A_839 = arith.index_cast %add3A_838 : i32 to index
      %get3A_840 = arith.constant 0 : index
      %get3A_841 = tpu.vector_load %arg13[%get3A_839, %get3A_840] {strides = array<i32>} : memref<80x64xi32, #tpu.memory_space<vmem>>, vector<16xi32>,
      %get3A_842 = arith.index_cast %add3A_838 : i32 to index
      %get3A_843 = arith.constant 16 : index
      %get3A_844 = tpu.vector_load %arg13[%get3A_842, %get3A_843] {strides = array<i32>} : memref<80x64xi32, #tpu.memory_space<vmem>>, vector<16xi32>,
      %get3A_845 = arith.index_cast %add3A_838 : i32 to index
      %get3A_846 = arith.constant 32 : index
      %get3A_847 = tpu.vector_load %arg13[%get3A_845, %get3A_846] {strides = array<i32>} : memref<80x64xi32, #tpu.memory_space<vmem>>, vector<16xi32>,
      %get3A_848 = arith.index_cast %add3A_838 : i32 to index
      %get3A_849 = arith.constant 48 : index
      %get3A_850 = tpu.vector_load %arg13[%get3A_848, %get3A_849] {strides = array<i32>} : memref<80x64xi32, #tpu.memory_space<vmem>>, vector<16xi32>,
      %get3A_851 = arith.index_cast %add3A_838 : i32 to index
      %get3A_852 = arith.constant 0 : index
      %get3A_853 = tpu.vector_load %arg15[%get3A_851, %get3A_852] {strides = array<i32>} : memref<80x64xi32, #tpu.memory_space<vmem>>, vector<16xi32>,
      %get3A_854 = arith.index_cast %add3A_838 : i32 to index
      %get3A_855 = arith.constant 16 : index
      %get3A_856 = tpu.vector_load %arg15[%get3A_854, %get3A_855] {strides = array<i32>} : memref<80x64xi32, #tpu.memory_space<vmem>>, vector<16xi32>,
      %get3A_857 = arith.index_cast %add3A_838 : i32 to index
      %get3A_858 = arith.constant 32 : index
      %get3A_859 = tpu.vector_load %arg15[%get3A_857, %get3A_858] {strides = array<i32>} : memref<80x64xi32, #tpu.memory_space<vmem>>, vector<16xi32>,
      %get3A_860 = arith.index_cast %add3A_838 : i32 to index
      %get3A_861 = arith.constant 48 : index
      %get3A_862 = tpu.vector_load %arg15[%get3A_860, %get3A_861] {strides = array<i32>} : memref<80x64xi32, #tpu.memory_space<vmem>>, vector<16xi32>,
      %bitcast3A_863 = vector.bitcast %get3A_788 : vector<16xi32> to vector<32xbf16>
      %bitcast3A_864 = vector.bitcast %get3A_800 : vector<16xi32> to vector<32xbf16>
      %mul3A_865 = arith.mulf %bitcast3A_863, %bitcast3A_864 : vector<32xbf16>
      %bitcast3A_866 = vector.bitcast %get3A_791 : vector<16xi32> to vector<32xbf16>
      %bitcast3A_867 = vector.bitcast %get3A_803 : vector<16xi32> to vector<32xbf16>
      %mul3A_868 = arith.mulf %bitcast3A_866, %bitcast3A_867 : vector<32xbf16>
      %bitcast3A_869 = vector.bitcast %get3A_794 : vector<16xi32> to vector<32xbf16>
      %bitcast3A_870 = vector.bitcast %get3A_806 : vector<16xi32> to vector<32xbf16>
      %mul3A_871 = arith.mulf %bitcast3A_869, %bitcast3A_870 : vector<32xbf16>
      %bitcast3A_872 = vector.bitcast %get3A_797 : vector<16xi32> to vector<32xbf16>
      %bitcast3A_873 = vector.bitcast %get3A_809 : vector<16xi32> to vector<32xbf16>
      %mul3A_874 = arith.mulf %bitcast3A_872, %bitcast3A_873 : vector<32xbf16>
      %add3A_875 = arith.addf %mul3A_865, %mul3A_868 : vector<32xbf16>
      %unpack3A_876 = tpu.unpack_subelements %add3A_875, 0 {pack_format = #tpu.pack_format<interleaved>} : vector<32xbf16> -> vector<16xf32>
      %unpack3A_877 = tpu.unpack_subelements %add3A_875, 1 {pack_format = #tpu.pack_format<interleaved>} : vector<32xbf16> -> vector<16xf32>
      %add3A_878 = arith.addf %mul3A_871, %mul3A_874 : vector<32xbf16>
      %unpack3A_879 = tpu.unpack_subelements %add3A_878, 0 {pack_format = #tpu.pack_format<interleaved>} : vector<32xbf16> -> vector<16xf32>
      %unpack3A_880 = tpu.unpack_subelements %add3A_878, 1 {pack_format = #tpu.pack_format<interleaved>} : vector<32xbf16> -> vector<16xf32>
      %add3A_881 = arith.addf %unpack3A_876, %unpack3A_877 : vector<16xf32>
      %add3A_882 = arith.addf %unpack3A_879, %unpack3A_880 : vector<16xf32>
      %add3A_883 = arith.addf %add3A_881, %add3A_882 : vector<16xf32>
      %swap3A_884 = arith.constant 14 : i32
      %swap3A_885 = arith.index_cast %swap3A_884 : i32 to index
      %swap3A_886 = arith.constant 0 : index
      %swap3A_887 = tpu.vector_load %arg19[%swap3A_885, %swap3A_886] {strides = array<i32>} : memref<16x17xf32, #tpu.memory_space<vmem>>, vector<16xf32>,
      tpu.vector_store %arg19[%swap3A_885, %swap3A_886], %add3A_883 {strides = array<i32>} : memref<16x17xf32, #tpu.memory_space<vmem>>, vector<16xf32>,
      %bitcast3A_888 = vector.bitcast %get3A_841 : vector<16xi32> to vector<32xbf16>
      %bitcast3A_889 = vector.bitcast %get3A_853 : vector<16xi32> to vector<32xbf16>
      %mul3A_890 = arith.mulf %bitcast3A_888, %bitcast3A_889 : vector<32xbf16>
      %bitcast3A_891 = vector.bitcast %get3A_844 : vector<16xi32> to vector<32xbf16>
      %bitcast3A_892 = vector.bitcast %get3A_856 : vector<16xi32> to vector<32xbf16>
      %mul3A_893 = arith.mulf %bitcast3A_891, %bitcast3A_892 : vector<32xbf16>
      %bitcast3A_894 = vector.bitcast %get3A_847 : vector<16xi32> to vector<32xbf16>
      %bitcast3A_895 = vector.bitcast %get3A_859 : vector<16xi32> to vector<32xbf16>
      %mul3A_896 = arith.mulf %bitcast3A_894, %bitcast3A_895 : vector<32xbf16>
      %bitcast3A_897 = vector.bitcast %get3A_850 : vector<16xi32> to vector<32xbf16>
      %bitcast3A_898 = vector.bitcast %get3A_862 : vector<16xi32> to vector<32xbf16>
      %mul3A_899 = arith.mulf %bitcast3A_897, %bitcast3A_898 : vector<32xbf16>
      %add3A_900 = arith.addf %mul3A_890, %mul3A_893 : vector<32xbf16>
      %unpack3A_901 = tpu.unpack_subelements %add3A_900, 0 {pack_format = #tpu.pack_format<interleaved>} : vector<32xbf16> -> vector<16xf32>
      %unpack3A_902 = tpu.unpack_subelements %add3A_900, 1 {pack_format = #tpu.pack_format<interleaved>} : vector<32xbf16> -> vector<16xf32>
      %add3A_903 = arith.addf %mul3A_896, %mul3A_899 : vector<32xbf16>
      %unpack3A_904 = tpu.unpack_subelements %add3A_903, 0 {pack_format = #tpu.pack_format<interleaved>} : vector<32xbf16> -> vector<16xf32>
      %unpack3A_905 = tpu.unpack_subelements %add3A_903, 1 {pack_format = #tpu.pack_format<interleaved>} : vector<32xbf16> -> vector<16xf32>
      %add3A_906 = arith.addf %unpack3A_901, %unpack3A_902 : vector<16xf32>
      %add3A_907 = arith.addf %unpack3A_904, %unpack3A_905 : vector<16xf32>
      %add3A_908 = arith.addf %add3A_906, %add3A_907 : vector<16xf32>
      %swap3A_909 = arith.constant 15 : i32
      %swap3A_910 = arith.index_cast %swap3A_909 : i32 to index
      %swap3A_911 = arith.constant 0 : index
      %swap3A_912 = tpu.vector_load %arg19[%swap3A_910, %swap3A_911] {strides = array<i32>} : memref<16x17xf32, #tpu.memory_space<vmem>>, vector<16xf32>,
      tpu.vector_store %arg19[%swap3A_910, %swap3A_911], %add3A_908 {strides = array<i32>} : memref<16x17xf32, #tpu.memory_space<vmem>>, vector<16xf32>,
      %broadcast_in_dim3A = arith.constant 0 : i32
      %broadcast_in_dim3A_913 = vector.broadcast %broadcast_in_dim3A : i32 to vector<16xi32>
      %gather3A = tpu.vector_load_idx %arg19[%iota3A, %broadcast_in_dim3A_913] : memref<16x17xf32, #tpu.memory_space<vmem>>[vector<16xi32>, vector<16xi32>], vector<16xf32>,
      %broadcast_in_dim3A_914 = arith.constant 1 : i32
      %broadcast_in_dim3A_915 = vector.broadcast %broadcast_in_dim3A_914 : i32 to vector<16xi32>
      %gather3A_916 = tpu.vector_load_idx %arg19[%iota3A, %broadcast_in_dim3A_915] : memref<16x17xf32, #tpu.memory_space<vmem>>[vector<16xi32>, vector<16xi32>], vector<16xf32>,
      %broadcast_in_dim3A_917 = arith.constant 2 : i32
      %broadcast_in_dim3A_918 = vector.broadcast %broadcast_in_dim3A_917 : i32 to vector<16xi32>
      %gather3A_919 = tpu.vector_load_idx %arg19[%iota3A, %broadcast_in_dim3A_918] : memref<16x17xf32, #tpu.memory_space<vmem>>[vector<16xi32>, vector<16xi32>], vector<16xf32>,
      %broadcast_in_dim3A_920 = arith.constant 3 : i32
      %broadcast_in_dim3A_921 = vector.broadcast %broadcast_in_dim3A_920 : i32 to vector<16xi32>
      %gather3A_922 = tpu.vector_load_idx %arg19[%iota3A, %broadcast_in_dim3A_921] : memref<16x17xf32, #tpu.memory_space<vmem>>[vector<16xi32>, vector<16xi32>], vector<16xf32>,
      %broadcast_in_dim3A_923 = arith.constant 4 : i32
      %broadcast_in_dim3A_924 = vector.broadcast %broadcast_in_dim3A_923 : i32 to vector<16xi32>
      %gather3A_925 = tpu.vector_load_idx %arg19[%iota3A, %broadcast_in_dim3A_924] : memref<16x17xf32, #tpu.memory_space<vmem>>[vector<16xi32>, vector<16xi32>], vector<16xf32>,
      %broadcast_in_dim3A_926 = arith.constant 5 : i32
      %broadcast_in_dim3A_927 = vector.broadcast %broadcast_in_dim3A_926 : i32 to vector<16xi32>
      %gather3A_928 = tpu.vector_load_idx %arg19[%iota3A, %broadcast_in_dim3A_927] : memref<16x17xf32, #tpu.memory_space<vmem>>[vector<16xi32>, vector<16xi32>], vector<16xf32>,
      %broadcast_in_dim3A_929 = arith.constant 6 : i32
      %broadcast_in_dim3A_930 = vector.broadcast %broadcast_in_dim3A_929 : i32 to vector<16xi32>
      %gather3A_931 = tpu.vector_load_idx %arg19[%iota3A, %broadcast_in_dim3A_930] : memref<16x17xf32, #tpu.memory_space<vmem>>[vector<16xi32>, vector<16xi32>], vector<16xf32>,
      %broadcast_in_dim3A_932 = arith.constant 7 : i32
      %broadcast_in_dim3A_933 = vector.broadcast %broadcast_in_dim3A_932 : i32 to vector<16xi32>
      %gather3A_934 = tpu.vector_load_idx %arg19[%iota3A, %broadcast_in_dim3A_933] : memref<16x17xf32, #tpu.memory_space<vmem>>[vector<16xi32>, vector<16xi32>], vector<16xf32>,
      %broadcast_in_dim3A_935 = arith.constant 8 : i32
      %broadcast_in_dim3A_936 = vector.broadcast %broadcast_in_dim3A_935 : i32 to vector<16xi32>
      %gather3A_937 = tpu.vector_load_idx %arg19[%iota3A, %broadcast_in_dim3A_936] : memref<16x17xf32, #tpu.memory_space<vmem>>[vector<16xi32>, vector<16xi32>], vector<16xf32>,
      %broadcast_in_dim3A_938 = arith.constant 9 : i32
      %broadcast_in_dim3A_939 = vector.broadcast %broadcast_in_dim3A_938 : i32 to vector<16xi32>
      %gather3A_940 = tpu.vector_load_idx %arg19[%iota3A, %broadcast_in_dim3A_939] : memref<16x17xf32, #tpu.memory_space<vmem>>[vector<16xi32>, vector<16xi32>], vector<16xf32>,
      %broadcast_in_dim3A_941 = arith.constant 10 : i32
      %broadcast_in_dim3A_942 = vector.broadcast %broadcast_in_dim3A_941 : i32 to vector<16xi32>
      %gather3A_943 = tpu.vector_load_idx %arg19[%iota3A, %broadcast_in_dim3A_942] : memref<16x17xf32, #tpu.memory_space<vmem>>[vector<16xi32>, vector<16xi32>], vector<16xf32>,
      %broadcast_in_dim3A_944 = arith.constant 11 : i32
      %broadcast_in_dim3A_945 = vector.broadcast %broadcast_in_dim3A_944 : i32 to vector<16xi32>
      %gather3A_946 = tpu.vector_load_idx %arg19[%iota3A, %broadcast_in_dim3A_945] : memref<16x17xf32, #tpu.memory_space<vmem>>[vector<16xi32>, vector<16xi32>], vector<16xf32>,
      %broadcast_in_dim3A_947 = arith.constant 12 : i32
      %broadcast_in_dim3A_948 = vector.broadcast %broadcast_in_dim3A_947 : i32 to vector<16xi32>
      %gather3A_949 = tpu.vector_load_idx %arg19[%iota3A, %broadcast_in_dim3A_948] : memref<16x17xf32, #tpu.memory_space<vmem>>[vector<16xi32>, vector<16xi32>], vector<16xf32>,
      %broadcast_in_dim3A_950 = arith.constant 13 : i32
      %broadcast_in_dim3A_951 = vector.broadcast %broadcast_in_dim3A_950 : i32 to vector<16xi32>
      %gather3A_952 = tpu.vector_load_idx %arg19[%iota3A, %broadcast_in_dim3A_951] : memref<16x17xf32, #tpu.memory_space<vmem>>[vector<16xi32>, vector<16xi32>], vector<16xf32>,
      %broadcast_in_dim3A_953 = arith.constant 14 : i32
      %broadcast_in_dim3A_954 = vector.broadcast %broadcast_in_dim3A_953 : i32 to vector<16xi32>
      %gather3A_955 = tpu.vector_load_idx %arg19[%iota3A, %broadcast_in_dim3A_954] : memref<16x17xf32, #tpu.memory_space<vmem>>[vector<16xi32>, vector<16xi32>], vector<16xf32>,
      %broadcast_in_dim3A_956 = arith.constant 15 : i32
      %broadcast_in_dim3A_957 = vector.broadcast %broadcast_in_dim3A_956 : i32 to vector<16xi32>
      %gather3A_958 = tpu.vector_load_idx %arg19[%iota3A, %broadcast_in_dim3A_957] : memref<16x17xf32, #tpu.memory_space<vmem>>[vector<16xi32>, vector<16xi32>], vector<16xf32>,
      %add3A_959 = arith.addf %gather3A, %gather3A_916 : vector<16xf32>
      %add3A_960 = arith.addf %gather3A_919, %gather3A_922 : vector<16xf32>
      %add3A_961 = arith.addf %gather3A_925, %gather3A_928 : vector<16xf32>
      %add3A_962 = arith.addf %gather3A_931, %gather3A_934 : vector<16xf32>
      %add3A_963 = arith.addf %gather3A_937, %gather3A_940 : vector<16xf32>
      %add3A_964 = arith.addf %gather3A_943, %gather3A_946 : vector<16xf32>
      %add3A_965 = arith.addf %gather3A_949, %gather3A_952 : vector<16xf32>
      %add3A_966 = arith.addf %gather3A_955, %gather3A_958 : vector<16xf32>
      %add3A_967 = arith.addf %add3A_959, %add3A_960 : vector<16xf32>
      %add3A_968 = arith.addf %add3A_961, %add3A_962 : vector<16xf32>
      %add3A_969 = arith.addf %add3A_963, %add3A_964 : vector<16xf32>
      %add3A_970 = arith.addf %add3A_965, %add3A_966 : vector<16xf32>
      %add3A_971 = arith.addf %add3A_967, %add3A_968 : vector<16xf32>
      %add3A_972 = arith.addf %add3A_969, %add3A_970 : vector<16xf32>
      %add3A_973 = arith.addf %add3A_971, %add3A_972 : vector<16xf32>
      %swap3A_974 = arith.index_cast %mul3A_72 : i32 to index
      %swap3A_975 = tpu.vector_load %arg17[%swap3A_974] {strides = array<i32>} : memref<80xf32, #tpu.memory_space<vmem>>, vector<16xf32>,
      tpu.vector_store %arg17[%swap3A_974], %add3A_973 {strides = array<i32>} : memref<80xf32, #tpu.memory_space<vmem>>, vector<16xf32>,
    }
    %scan3A_57 = arith.constant 5 : i32
    %add3A_58 = arith.constant 9920 : i32
    %add3A_59 = arith.addi %mul3A_2, %add3A_58 : i32
    %dma_start3A_60 = tpu.memref_slice %arg6[%add3A_59] : memref<320000xf32, #tpu.memory_space<hbm>> -> memref<80xf32, #tpu.memory_space<hbm>>
    %dma_start3A_61 = tpu.memref_slice %arg6[%add3A_59] : memref<320000xf32, #tpu.memory_space<hbm>> -> memref<80xf32, #tpu.memory_space<hbm>>
    tpu.enqueue_dma source(%arg17 : memref<80xf32, #tpu.memory_space<vmem>>) target(%dma_start3A_61 : memref<80xf32, #tpu.memory_space<hbm>>) target_semaphore(%arg25 : memref<!tpu.dma_semaphore, #tpu.memory_space<semaphore_mem>>)
    %dma_wait3A_62 = arith.constant 0 : i32
    %dma_wait3A_63 = tpu.memref_slice %arg6[%dma_wait3A_62] : memref<320000xf32, #tpu.memory_space<hbm>> -> memref<80xf32, #tpu.memory_space<hbm>>
    %dma_wait3A_64 = arith.constant 0 : i32
    %dma_wait3A_65 = tpu.memref_slice %arg6[%dma_wait3A_64] : memref<320000xf32, #tpu.memory_space<hbm>> -> memref<80xf32, #tpu.memory_space<hbm>>
    tpu.wait_dma2 semaphore(%arg26 : memref<!tpu.dma_semaphore, #tpu.memory_space<semaphore_mem>>) src(%arg18 : memref<80xf32, #tpu.memory_space<vmem>>) dst(%dma_wait3A_65 : memref<80xf32, #tpu.memory_space<hbm>>)
    %dma_wait3A_66 = arith.constant 0 : i32
    %dma_wait3A_67 = tpu.memref_slice %arg6[%dma_wait3A_66] : memref<320000xf32, #tpu.memory_space<hbm>> -> memref<80xf32, #tpu.memory_space<hbm>>
    %dma_wait3A_68 = arith.constant 0 : i32
    %dma_wait3A_69 = tpu.memref_slice %arg6[%dma_wait3A_68] : memref<320000xf32, #tpu.memory_space<hbm>> -> memref<80xf32, #tpu.memory_space<hbm>>
    tpu.wait_dma2 semaphore(%arg25 : memref<!tpu.dma_semaphore, #tpu.memory_space<semaphore_mem>>) src(%arg17 : memref<80xf32, #tpu.memory_space<vmem>>) dst(%dma_wait3A_69 : memref<80xf32, #tpu.memory_space<hbm>>)
    return
  }
}

</mosaic_0001>

<sc_bundles>
// kernel: kernel.3.cloned.1.call-start
scs
__scs_entry_jumppad:
0x0: {  	(pc) =	sbr.rel $0x88, $3  }
0x1: {  	(tag) =	ssettag $0x0;
	lr =	simm.s32 $0x1  }
0x2: {  	[smem:$0x3F9E] =	sst lr;
	_ =	strace $0xD0000000  }
0x3: {  	_ = 	snop  }
0x4: {  	_ = 	snop  }
0x5: {  	_ = 	snop  }
0x6: {  	_ = 	snop  }
0x7: {  	_ = 	snop  }
__scs_overlays_trampoline_lowered:
0x8: {  	[smem:$0x3FAD] =	sst s0  }
0x9: {  	[smem:$0x3FAE] =	sst s1  }
0xa: {  	[smem:$0x3FAF] =	sst s2  }
0xb: {  	[smem:$0x3FB0] =	sst s3  }
0xc: {  	[smem:$0x3FB1] =	sst s4  }
0xd: {  	[smem:$0x3FB2] =	sst s5  }
0xe: {  	[smem:$0x3FB3] =	sst s6  }
0xf: {  	[smem:$0x3FB4] =	sst s7  }
0x10: {  	[smem:$0x3FB5] =	sst s8  }
0x11: {  	[smem:$0x3FB6] =	sst s9;
	s0 =	simm.s32 @!p0 $0x0  }
0x12: {  	s1 =	sld [smem:$0x3F9C];
	s0 =	simm.s32 @p0 $0x1  }
0x13: {  	[smem:$0x3FB7] =	sst s0;
	s0 =	simm.s32 @!p1 $0x0  }
0x14: {  	s2 =	sld [smem:$0x3F9B];
	s0 =	simm.s32 @p1 $0x1  }
0x15: {  	[smem:$0x3FB8] =	sst s0;
	s0 =	simm.s32 @!p2 $0x0  }
0x16: {  	s3 =	sld [smem:$0x3FDB];
	s0 =	simm.s32 @p2 $0x1  }
0x17: {  	s4 =	simm.s32 $0x1BF5;
	[smem:$0x3FBA] =	sst s0  }
0x18: {  	s0 =	sld [smem:$0x3F9D];
	_ =	swait.ge [sflag:s4], $0x0  }
0x19: {  	s7 =	sld [smem:$0x3F9E]  }
0x1a: {  	s8 =	sadd.s32 $0xFFFFE003, lr  }
0x1b: {  	s9 =	sadd.s32 $0xFFFFFEF7, lr;
	s5 =	simm.s32 $0xFFFFFFFF;
	p2 =	slt.u32 s8, $0xFFFFF086  }
0x1c: {  	p1 =	slt.u32 s9, $0xF7A;
	s5 =	simm.s32 @!p2 $0x0  }
0x1d: {  	s5 =	simm.s32 @p1 $0x1;
	p0 =	seq.s32 s7, s2  }
0x1e: {  	s7 =	smul.u32 @!p0 $0xF7A, s2;
	p2 =	seq.s32 @!p0 s5, $0x0  }
0x1f: {  	s9 =	smul.u32 $0xF7A, s1;
	s8 =	simm.s32 @!p0 $0x1BF5;
	p2 =	por !p2, p0  }
0x20: {  	[sflag:s8] =	ssyncset.s32 @!p0 $0xFFFFF086;
	s6 =	sadd.s32 @!p0 s3, s7;
	s7 =	simm.s32 @!p0 $0x108  }
0x21: {  	s3 =	sadd.s32 s3, s9;
	s6 =	sadd.s32 @!p0 $0x88, s6;
	s7 =	simm.s32 @p2 $0x1082  }
0x22: {  	[simem:s7], [sflag:s8] =	dma.local @!p0 [hbm:s6], $0xF7A  }
0x23: {  	s9 =	sor.u32 $0xD0000000, s2;
	s6 =	simm.s32 $0x108;
	_ =	swait.ge @!p0 [sflag:s8], $0x0  }
0x24: {  	s3 =	sadd.s32 $0x88, s3;
	s6 =	simm.s32 @!p1 $0x1082;
	[sflag:s4] =	ssyncset.s32 $0xFFFFF086  }
0x25: {  	[simem:s6], [sflag:s4] =	dma.local [hbm:s3], $0xF7A  }
0x26: {  	[smem:$0x3F9E] =	sst s1;
	(tag) =	ssettag s2;
	_ =	strace s9  }
0x27: {  	s1 =	sld [smem:$0x3FAE]  }
0x28: {  	s2 =	sld [smem:$0x3FAF]  }
0x29: {  	s4 =	sld [smem:$0x3FB1]  }
0x2a: {  	p0 =	seq.s32 s5, $0x0;
	s5 =	sld [smem:$0x3FB2]  }
0x2b: {  	s6 =	sld [smem:$0x3FB3]  }
0x2c: {  	s7 =	sld [smem:$0x3FB4]  }
0x2d: {  	s3 =	simm.s32 $0x108;
	s8 =	sld [smem:$0x3FB5]  }
0x2e: {  	s3 =	simm.s32 @!p0 $0x1082;
	s9 =	sld [smem:$0x3FB6]  }
0x2f: {  	lr =	sadd.s32 s0, s3;
	s0 =	sld [smem:$0x3FAD]  }
0x30: {  	s3 =	sld [smem:$0x3FB0]  }
0x31: {  	[smem:$0x3FB9] =	sst s10  }
0x32: {  	s10 =	sld [smem:$0x3FB7];
	_ =	sdelay $0x3  }
0x33: {  	p0 =	seq.s32 s10, $0x1;
	s10 =	sld [smem:$0x3FB9];
	_ =	sdelay $0x3  }
0x34: {  	[smem:$0x3FB9] =	sst s10  }
0x35: {  	s10 =	sld [smem:$0x3FB8];
	_ =	sdelay $0x3  }
0x36: {  	p1 =	seq.s32 s10, $0x1;
	s10 =	sld [smem:$0x3FB9];
	_ =	sdelay $0x3  }
0x37: {  	[smem:$0x3FB9] =	sst s10  }
0x38: {  	s10 =	sld [smem:$0x3FBA]  }
0x39: {  	_ = 	snop;
	(pc) =	sbr.ind lr, $3  }
0x3a: {  	_ = 	snop  }
0x3b: {  	_ = 	snop  }
0x3c: {  	p2 =	seq.s32 s10, $0x1;
	s10 =	sld [smem:$0x3FB9]  }
0x3d: {  	_ =	shalt  }
0x3e: {  	_ =	shalt  }
0x3f: {  	_ =	shalt  }
0x40: {  	_ =	shalt  }
0x41: {  	_ =	shalt  }
0x42: {  	_ =	shalt  }
0x43: {  	_ =	shalt  }
0x44: {  	_ =	shalt  }
0x45: {  	_ =	shalt  }
0x46: {  	_ =	shalt  }
0x47: {  	_ =	shalt  }
0x48: {  	_ =	shalt  }
0x49: {  	_ =	shalt  }
0x4a: {  	_ =	shalt  }
0x4b: {  	_ =	shalt  }
0x4c: {  	_ =	shalt  }
0x4d: {  	_ =	shalt  }
0x4e: {  	_ =	shalt  }
0x4f: {  	_ =	shalt  }
0x50: {  	_ =	shalt  }
0x51: {  	_ =	shalt  }
0x52: {  	_ =	shalt  }
0x53: {  	_ =	shalt  }
0x54: {  	_ =	shalt  }
0x55: {  	_ =	shalt  }
0x56: {  	_ =	shalt  }
0x57: {  	_ =	shalt  }
0x58: {  	_ =	shalt  }
0x59: {  	_ =	shalt  }
0x5a: {  	_ =	shalt  }
0x5b: {  	_ =	shalt  }
0x5c: {  	_ =	shalt  }
0x5d: {  	_ =	shalt  }
0x5e: {  	_ =	shalt  }
0x5f: {  	_ =	shalt  }
0x60: {  	_ =	shalt  }
0x61: {  	_ =	shalt  }
0x62: {  	_ =	shalt  }
0x63: {  	_ =	shalt  }
0x64: {  	_ =	shalt  }
0x65: {  	_ =	shalt  }
0x66: {  	_ =	shalt  }
0x67: {  	_ =	shalt  }
0x68: {  	_ =	shalt  }
0x69: {  	_ =	shalt  }
0x6a: {  	_ =	shalt  }
0x6b: {  	_ =	shalt  }
0x6c: {  	_ =	shalt  }
0x6d: {  	_ =	shalt  }
0x6e: {  	_ =	shalt  }
0x6f: {  	_ =	shalt  }
0x70: {  	_ =	shalt  }
0x71: {  	_ =	shalt  }
0x72: {  	_ =	shalt  }
0x73: {  	_ =	shalt  }
0x74: {  	_ =	shalt  }
0x75: {  	_ =	shalt  }
0x76: {  	_ =	shalt  }
0x77: {  	_ =	shalt  }
0x78: {  	_ =	shalt  }
0x79: {  	_ =	shalt  }
0x7a: {  	_ =	shalt  }
0x7b: {  	_ =	shalt  }
0x7c: {  	_ =	shalt  }
0x7d: {  	_ =	shalt  }
0x7e: {  	_ =	shalt  }
0x7f: {  	_ =	shalt  }
0x80: {  	_ =	shalt  }
0x81: {  	_ =	shalt  }
0x82: {  	_ =	shalt  }
0x83: {  	_ =	shalt  }
0x84: {  	_ =	shalt  }
0x85: {  	_ =	shalt  }
0x86: {  	_ =	shalt  }
0x87: {  	_ =	shalt  }
.Lfunc_end0:
.L_simem_size_0:
called_computation_lowered:
.L_overlay_start_0:
0x88: {  	s2 =	sld [smem:$0x3FD9]  }
0x89: {  	s3 =	sld [smem:$0x3FFE];
	_ =	sdelay $0x1  }
0x8a: {  	s1 =	srdreg.scid  }
0x8b: {  	s0 =	sand.u32 $0x1, s1  }
0x8c: {  	s17 =	sshll.u32 s0, $0xA;
	s2 =	sadd.s32 s3, s2  }
0x8d: {  	s2 =	sadd.s32 s2, s17  }
0x8e: {  	[smem:$0x3FC5] =	sst s2  }
0x8f: {  	_ = 	snop  }
0x90: {  	s2 =	sld [smem:$0x3FD0];
	(tm) =	ssettm $0x1  }
0x91: {  	s18 =	sld [smem:$0x3FFB];
	_ =	sdelay $0x3  }
0x92: {  	_ =	strace s18  }
0x93: {  	s3 =	sld [smem:$0x3FFC];
	_ =	sdelay $0x3  }
0x94: {  	_ =	strace s3  }
0x95: {  	s3 =	sld [smem:$0x3FFD];
	_ =	sdelay $0x3  }
0x96: {  	_ =	strace s3  }
0x97: {  	_ =	strace $0x8FFFFFFF  }
0x98: {  	s19 =	sld [smem:$0x3FDB];
	_ =	sdelay $0x1  }
0x99: {  	s4 =	simm.s32 $_scs_section_size  }
0x9a: {  	s5 =	simm.s32 $_size__tile_overlayer_lowered;
	s6 =	simm.s32 $_tile_overlayer_lowered  }
0x9b: {  	s22 =	simm.s32 $0x1BFF;
	s21 =	sshll.u32 s6, $0x1;
	s3 =	sadd.s32 s4, s19  }
0x9c: {  	s7 =	simm.s32 $0x0;
	s20 =	sshll.u32 s5, $0x1;
	s5 =	sadd.s32 s21, s3  }
0x9d: {  	[timem:s7], [sflag:s22] =	dma.local [hbm:s5], s20  }
0x9e: {  	_ =	swait.ge [sflag:s22], s20  }
0x9f: {  	s4 =	ssub.s32 $0x0, s20;
	[sflag:s22] =	ssyncset.done $0x0  }
0xa0: {  	[sflag:s22] =	ssyncadd.s32 s4;
	_ =	sdelay $0x1  }
0xa1: {  	s23 =	simm.s32 $0x1B8B  }
0xa2: {  	_ =	swait.ge [sflag:s23], $0x1  }
0xa3: {  	[sflag:s23] =	ssyncset.done $0x0  }
0xa4: {  	s25 =	simm.s32 $0x1B8E;
	s24 =	sld [smem:$0x3FFE];
	[sflag:s23] =	ssyncadd.s32 $0xFFFFFFFF  }
0xa5: {  	s26 =	simm.s32 $execute0_lowered;
	[smem:$0x3FD2] =	sst s25  }
0xa6: {  	s5 =	sshll.u32 s26, $0x1;
	_ =	strace $0x80000046;
	[dreg:$0x1] =	wrdreg $0xFFFFFFFF  }
0xa7: {  	s28 =	simm.s32 $_size_execute0_lowered;
	s3 =	sadd.s32 s3, s5;
	[dreg:$0x0] =	wrdreg $0x0  }
0xa8: {  	s5 =	sshll.u32 s28, $0x1;
	[dreg:$0x2] =	wrdreg s3  }
0xa9: {  	[dreg:$0x3] =	wrdreg s5  }
0xaa: {  	[dreg:$0x4] =	wrdreg $0xC0  }
0xab: {  	_ =	task [dreg:s7], $0x5FFFF  }
0xac: {  	[dreg:$0x1] =	wrdreg $0xFFFFFFFF  }
0xad: {  	[dreg:$0x0] =	wrdreg $0x60  }
0xae: {  	[dreg:$0x2] =	wrdreg s24  }
0xaf: {  	[dreg:$0x3] =	wrdreg s2  }
0xb0: {  	[dreg:$0x4] =	wrdreg $0x0  }
0xb1: {  	[dreg:$0x5] =	wrdreg $0x9C400  }
0xb2: {  	[dreg:$0x6] =	wrdreg $0x9  }
0xb3: {  	_ =	task.clear_ibuf [dreg:s7], $0x7FFFF;
	_ =	strace $0x90000046  }
0xb4: {  	s29 =	simm.s32 $0x9;
	_ =	strace $0x80000048  }
0xb5: {  	_ =	swait.ge [sflag:s29], $0x1  }
0xb6: {  	[sflag:s29] =	ssyncadd.s32 $0xFFFFFFFF  }
0xb7: {  	_ =	strace $0x90000048  }
0xb8: {  	_ =	sfence  }
0xb9: {  	s30 =	sld [smem:$0x0];
	_ =	sdelay $0x2  }
0xba: {  	s31 =	sshll.u32 s1, $0xD;
	s1 =	sshrl.u32 s1, $0x2  }
0xbb: {  	s3 =	sand.u32 $0x4000, s31;
	s1 =	sadd.s32 s1, s30  }
0xbc: {  	s0 =	sor.u32 s3, s0;
	s1 =	sshll.u32 s1, $0x11  }
0xbd: {  	s0 =	sor.u32 s1, s0  }
0xbe: {  	s0 =	sadd.s32 $0x8F2B, s0  }
0xbf: {  	[sflag:s0] =	ssyncadd.remote.s32 $0x1  }
0xc0: {  	_ =	sfence.sel $0xFFFF  }
0xc1: {  	[dreg:$0x0] =	wrdreg $0xFFFFFFFF;
	(pc) =	sbr.abs _section_cstart, $3  }
0xc2: {  	[dreg:$0x1] =	wrdreg $0xFFFFFFFF  }
0xc3: {  	_ =	task.clear_ibuf [dreg:s7], $0x2FFFF;
	_ =	strace $0x9FFFFFFF  }
0xc4: {  	(tm) =	ssettm $0x7FFFFFFF  }
0xc5: {  	_ =	shalt  }
tec
execute0_lowered:
.L_overlay_start_1:
0x0: {  	(tag) =	ssettag $0x1  }
0x1: {  	s9 =	rddreg [dreg:$0x0]  }
0x2: {  	s2 =	rddreg [dreg:$0x1]  }
0x3: {  	s3 =	rddreg [dreg:$0x2]  }
0x4: {  	s4 =	rddreg [dreg:$0x3];
	s0 =	srdreg.scid  }
0x5: {  	s1 =	stileid.u32;
	s5 =	simm.s32 $0x0;
	s21 =	simm.s32 $0x13880  }
0x6: {  	s22 =	simm.s32 $0x13920;
	s28 =	simm.s32 $0x139C0;
	s29 =	simm.s32 $0x161C0  }
0x7: {  	s30 =	simm.s32 $0x3;
	s13 =	simm.s32 $0x18A10;
	s17 =	simm.s32 $0x0  }
0x8: {  	s0 =	sand.u32 $0x1, s0;
	s6 =	sshll.u32 s1, $0x1;
	[smem:$0x7FF] =	sst s5  }
0x9: {  	s7 =	sadd.s32 $0x13A00, s9;
	s8 =	sadd.s32 $0x31200, s9;
	s9 =	sadd.s32 $0x27400, s9  }
0xa: {  	s6 =	sor.u32 s0, s6;
	_ =	strace $0x80000047;
	s0 =	ssub.s32 $0x2, s0  }
0xb: {  	[dreg:$0x5] =	wrdreg s7;
	s7 =	smul.u32 $0x2710, s6;
	s23 =	sshrl.u32 s0, $0x1  }
0xc: {  	p0 =	sne.s32 s1, $0x0;
	s1 =	simm.s32 $0x4;
	s0 =	ssub.s32 s0, s23  }
0xd: {  	s23 =	simm.s32 $0x138D0;
	s11 =	sshrl.u32 s7, $0x3;
	s10 =	sadd.s32 $0x50, s7  }
0xe: {  	s15 =	sadd.s32 $0xA0, s7;
	s16 =	sadd.s32 $0xF0, s7;
	s0 =	smax.u32 s0, $0x1  }
0xf: {  	v0 =	vlaneseq.u32;
	s24 =	sadd.s32 s8, s11;
	s25 =	sshrl.u32 s10, $0x3;
	[dreg:$0xb] =	wrdreg s0  }
0x10: {  	v0 =	vmul.u32 $0x18, v0;
	s12 =	sadd.s32 s9, s11;
	s31 =	sadd.s32 s2, s11;
	[dreg:$0x6] =	wrdreg s24  }
0x11: {  	s0 =	sshrl.u32 @!p0 s3, $0x3;
	s11 =	simm.s32 $0x189C0;
	[dreg:$0x7] =	wrdreg s12  }
0x12: {  	v1 =	vor.u32 $0x1, v0;
	v2 =	vor.u32 $0x2, v0;
	v3 =	vor.u32 $0x3, v0;
	s26 =	sadd.s32 s8, s25;
	s6 =	sadd.s32 s9, s25;
	[dreg:$0xc] =	wrdreg s0  }
0x13: {  	v4 =	vor.u32 $0x4, v0;
	v5 =	vor.u32 $0x5, v0;
	v6 =	vor.u32 $0x6, v0;
	s0 =	sshrl.u32 @!p0 s4, $0x3;
	s24 =	simm.s32 $0x13970;
	[dreg:$0x8] =	wrdreg s26  }
0x14: {  	v7 =	vor.u32 $0x7, v0;
	v8 =	vadd.s32 $0x8, v0;
	v9 =	vadd.s32 $0x9, v0;
	s25 =	simm.s32 $0x2;
	s12 =	simm.s32 $0x5;
	[dreg:$0x9] =	wrdreg s6  }
0x15: {  	v10 =	vadd.s32 $0xA, v0;
	v11 =	vadd.s32 $0xB, v0;
	v12 =	vadd.s32 $0xC, v0;
	s6 =	sadd.s32 $0x4D8, s31;
	[dreg:$0xd] =	wrdreg s0;
	s26 =	simm.s32 $0x50  }
0x16: {  	v13 =	vadd.s32 $0xD, v0;
	v14 =	vadd.s32 $0xE, v0;
	v15 =	vadd.s32 $0xF, v0;
	s0 =	simm.s32 $0x175C0;
	[dreg:$0xa] =	wrdreg s6;
	s6 =	simm.s32 $0x18A60  }
.LBB2_1:
0x17: {  	[dreg:$0xe] =	wrdreg s17  }
0x18: {  	s17 =	rddreg [dreg:$0x0]  }
0x19: {  	s14 =	simm.s32 @!p0 $0x1C01;
	s18 =	rddreg [dreg:$0xc]  }
0x1a: {  	[spmem:s18], [sflag:s14] =	dma.local @!p0 [hbm:s17], $0x13880  }
0x1b: {  	s17 =	rddreg [dreg:$0x5]  }
0x1c: {  	s18 =	rddreg [dreg:$0xd]  }
0x1d: {  	[spmem:s18], [sflag:s14] =	dma.local @!p0 [hbm:s17], $0x13880  }
0x1e: {  	s14 =	simm.s32 @!p0 $0x1  }
0x1f: {  	_ =	swait.ge @!p0 [sflag:s14], $0x13880  }
0x20: {  	[sflag:s14] =	ssyncset.done @!p0 $0x0  }
0x21: {  	[sflag:s14] =	ssyncadd.s32 @!p0 $0xFFFEC780  }
0x22: {  	_ =	swait.ge @!p0 [sflag:s14], $0x13880  }
0x23: {  	[sflag:s14] =	ssyncset.done @!p0 $0x0  }
0x24: {  	[sflag:s14] =	ssyncadd.s32 @!p0 $0xFFFEC780  }
0x25: {  	[bflag:$0x0] =	sbarrier.arrive $0xFFFF  }
0x26: {  	s18 =	rddreg [dreg:$0x6]  }
0x27: {  	[tilespmem:s21], [sflag:$0x2] =	stream.linear.gather [hbm4b:s18+s5], $0x50, $0x38;
	[tilespmem:$0x18BE0] =	vst v63  }
0x28: {  	s19 =	rddreg [dreg:$0x7]  }
0x29: {  	[tilespmem:s22], [sflag:$0x2] =	stream.linear.gather [hbm4b:s19+s5], $0x50, $0x38;
	[tilespmem:$0x18BE0] =	vst v63  }
0x2a: {  	s20 =	rddreg [dreg:$0x8]  }
0x2b: {  	[tilespmem:s23], [sflag:$0x3] =	stream.linear.gather [hbm4b:s20+s5], $0x50, $0x38;
	[tilespmem:$0x18BE0] =	vst v63  }
0x2c: {  	s31 =	rddreg [dreg:$0x9]  }
0x2d: {  	[tilespmem:s24], [sflag:$0x3] =	stream.linear.gather [hbm4b:s31+s5], $0x50, $0x38;
	[tilespmem:$0x18BE0] =	vst v63  }
0x2e: {  	_ =	swait.ge [sflag:s25], $0x50  }
0x2f: {  	[sflag:s25] =	ssyncset.done $0x0  }
0x30: {  	[sflag:s25] =	ssyncadd.s32 $0xFFFFFFB0  }
0x31: {  	_ =	swait.ge [sflag:s25], $0x50  }
0x32: {  	[sflag:s25] =	ssyncset.done $0x0  }
0x33: {  	[sflag:s25] =	ssyncadd.s32 $0xFFFFFFB0  }
0x34: {  	[tilespmem:s28], [sflag:$0x4] =	stream.indirect.gather [spmem:s3], $0x40, s21, s26, $0xb8;
	[tilespmem:$0x18BE0] =	vst v63  }
0x35: {  	s19 =	simm.s32 $0x0  }
0x36: {  	[tilespmem:s29], [sflag:$0x4] =	stream.indirect.gather [spmem:s4], $0x40, s22, s26, $0xb8;
	[tilespmem:$0x18BE0] =	vst v63  }
.LBB2_2:
0x37: {  	_ =	swait.ge [sflag:s30], $0x50  }
0x38: {  	[sflag:s30] =	ssyncset.done $0x0  }
0x39: {  	[sflag:s30] =	ssyncadd.s32 $0xFFFFFFB0  }
0x3a: {  	_ =	swait.ge [sflag:s30], $0x50  }
0x3b: {  	[sflag:s30] =	ssyncset.done $0x0  }
0x3c: {  	s14 =	simm.s32 $0x14DC0;
	[sflag:s30] =	ssyncadd.s32 $0xFFFFFFB0  }
0x3d: {  	[tilespmem:s14], [sflag:$0x5] =	stream.indirect.gather [spmem:s3], $0x40, s23, s26, $0xb8;
	[tilespmem:$0x18BE0] =	vst v63  }
0x3e: {  	_ = 	snop  }
0x3f: {  	[tilespmem:s0], [sflag:$0x5] =	stream.indirect.gather [spmem:s4], $0x40, s24, s26, $0xb8;
	[tilespmem:$0x18BE0] =	vst v63  }
0x40: {  	_ =	swait.ge [sflag:s1], $0x1400  }
0x41: {  	s20 =	smul.u32 $0xA0, s19;
	[sflag:s1] =	ssyncset.done $0x0  }
0x42: {  	[sflag:s1] =	ssyncadd.s32 $0xFFFFEC00  }
0x43: {  	s31 =	sadd.s32 s20, s15;
	_ =	swait.ge [sflag:s1], $0x1400  }
0x44: {  	s14 =	sshrl.u32 s31, $0x3;
	[sflag:s1] =	ssyncset.done $0x0  }
0x45: {  	s17 =	sadd.s32 s8, s14;
	[sflag:s1] =	ssyncadd.s32 $0xFFFFEC00  }
0x46: {  	[tilespmem:s21], [sflag:$0x2] =	stream.linear.gather [hbm4b:s17+s5], $0x50, $0x38;
	[tilespmem:$0x18BE0] =	vst v63  }
0x47: {  	p1 =	seq.s32 s19, $0x0;
	s14 =	sadd.s32 s9, s14  }
0x48: {  	[tilespmem:s22], [sflag:$0x2] =	stream.linear.gather [hbm4b:s14+s5], $0x50, $0x38;
	[tilespmem:$0x18BE0] =	vst v63  }
0x49: {  	s14 =	simm.s32 @!p1 $0x6  }
0x4a: {  	_ =	swait.ge @!p1 [sflag:s14], $0x50  }
0x4b: {  	s18 =	simm.s32 $0x189C0;
	[sflag:s14] =	ssyncset.done @!p1 $0x0  }
0x4c: {  	s17 =	sshll.u32 s19, $0x1;
	[sflag:s14] =	ssyncadd.s32 @!p1 $0xFFFFFFB0;
	s14 =	simm.s32 $0xFC0  }
.LBB2_3:
0x4d: {  	s31 =	sshra.s32 s14, $0x2  }
0x4e: {  	v16 =	vld [tilespmem:s31+$0x135D0]  }
0x4f: {  	v17 =	vld [tilespmem:s31+$0x135E0]  }
0x50: {  	v18 =	vld [tilespmem:s31+$0x135F0]  }
0x51: {  	v19 =	vld [tilespmem:s31+$0x13600]  }
0x52: {  	v20 =	vld [tilespmem:s31+$0x15DD0]  }
0x53: {  	v21 =	vld [tilespmem:s31+$0x15DE0]  }
0x54: {  	v22 =	vld [tilespmem:s31+$0x15DF0]  }
0x55: {  	v23 =	vld [tilespmem:s31+$0x15E00];
	_ =	sdelay $0x1  }
0x56: {  	v24 =	vld [tilespmem:s31+$0x13610]  }
0x57: {  	v25 =	vld [tilespmem:s31+$0x13620]  }
0x58: {  	v26 =	vld [tilespmem:s31+$0x13630];
	v16 =	vmul.bf16 v20, v16;
	v17 =	vmul.bf16 v21, v17  }
0x59: {  	v35 =	vld [tilespmem:s31+$0x13640];
	v18 =	vmul.bf16 v22, v18;
	v19 =	vmul.bf16 v23, v19  }
0x5a: {  	v36 =	vld [tilespmem:s31+$0x15E10];
	v16 =	vadd.bf16 v17, v16  }
0x5b: {  	v37 =	vld [tilespmem:s31+$0x15E30];
	v18 =	vadd.bf16 v19, v18  }
0x5c: {  	v17 =	vld [tilespmem:s31+$0x15E20];
	v38 =	vunpack.i.u.bf16.f32 v16  }
0x5d: {  	v39 =	vld [tilespmem:s31+$0x15E40];
	v16 =	vunpack.i.l.bf16.f32 v16;
	v27 =	vunpack.i.u.bf16.f32 v18;
	v18 =	vunpack.i.l.bf16.f32 v18  }
0x5e: {  	v16 =	vadd.f32 v16, v38;
	v18 =	vadd.f32 v18, v27;
	_ =	sdelay $0x1  }
0x5f: {  	v16 =	vadd.f32 v18, v16  }
0x60: {  	v40 =	vmul.bf16 v36, v24;
	v17 =	vmul.bf16 v17, v25  }
0x61: {  	v41 =	vmul.bf16 v39, v35;
	[tilespmem:$0x18A60] =	vst v16;
	v16 =	vmul.bf16 v37, v26  }
0x62: {  	v17 =	vadd.bf16 v17, v40;
	v42 =	vld [tilespmem:s31+$0x13650]  }
0x63: {  	v43 =	vld [tilespmem:s31+$0x13660];
	v16 =	vadd.bf16 v41, v16  }
0x64: {  	v44 =	vld [tilespmem:s31+$0x13670];
	v45 =	vunpack.i.u.bf16.f32 v17  }
0x65: {  	v46 =	vld [tilespmem:s31+$0x13680];
	v17 =	vunpack.i.l.bf16.f32 v17;
	v47 =	vunpack.i.u.bf16.f32 v16;
	v16 =	vunpack.i.l.bf16.f32 v16  }
0x66: {  	v48 =	vld [tilespmem:s31+$0x15E50];
	v17 =	vadd.f32 v17, v45;
	v16 =	vadd.f32 v16, v47  }
0x67: {  	v49 =	vld [tilespmem:s31+$0x15E60]  }
0x68: {  	v50 =	vld [tilespmem:s31+$0x15E70];
	v16 =	vadd.f32 v16, v17  }
0x69: {  	v17 =	vld [tilespmem:s31+$0x15E80]  }
0x6a: {  	[tilespmem:$0x18A78] =	vst v16  }
0x6b: {  	v16 =	vld [tilespmem:s31+$0x13690]  }
0x6c: {  	v51 =	vld [tilespmem:s31+$0x136A0]  }
0x6d: {  	v20 =	vmul.bf16 v48, v42;
	v18 =	vmul.bf16 v49, v43;
	v52 =	vld [tilespmem:s31+$0x136B0]  }
0x6e: {  	v19 =	vmul.bf16 v50, v44;
	v53 =	vld [tilespmem:s31+$0x136C0];
	v17 =	vmul.bf16 v17, v46  }
0x6f: {  	v18 =	vadd.bf16 v18, v20;
	v54 =	vld [tilespmem:s31+$0x15E90]  }
0x70: {  	v55 =	vld [tilespmem:s31+$0x15EA0];
	v17 =	vadd.bf16 v17, v19  }
0x71: {  	v56 =	vld [tilespmem:s31+$0x15EB0];
	v57 =	vunpack.i.u.bf16.f32 v18  }
0x72: {  	v58 =	vld [tilespmem:s31+$0x15EC0];
	v18 =	vunpack.i.l.bf16.f32 v18;
	v59 =	vunpack.i.u.bf16.f32 v17;
	v17 =	vunpack.i.l.bf16.f32 v17  }
0x73: {  	v18 =	vadd.f32 v18, v57;
	v17 =	vadd.f32 v17, v59;
	_ =	sdelay $0x1  }
0x74: {  	v17 =	vadd.f32 v17, v18  }
0x75: {  	v16 =	vmul.bf16 v54, v16;
	v60 =	vmul.bf16 v55, v51  }
0x76: {  	v61 =	vmul.bf16 v58, v53;
	[tilespmem:$0x18A90] =	vst v17;
	v17 =	vmul.bf16 v56, v52  }
0x77: {  	v16 =	vadd.bf16 v60, v16;
	v62 =	vld [tilespmem:s31+$0x136D0]  }
0x78: {  	v63 =	vld [tilespmem:s31+$0x136E0];
	v17 =	vadd.bf16 v61, v17  }
0x79: {  	v29 =	vunpack.i.u.bf16.f32 v16;
	v28 =	vld [tilespmem:s31+$0x136F0]  }
0x7a: {  	v16 =	vunpack.i.l.bf16.f32 v16;
	v30 =	vld [tilespmem:s31+$0x13700];
	v31 =	vunpack.i.u.bf16.f32 v17;
	v17 =	vunpack.i.l.bf16.f32 v17  }
0x7b: {  	v16 =	vadd.f32 v16, v29;
	v32 =	vld [tilespmem:s31+$0x15ED0];
	v17 =	vadd.f32 v17, v31  }
0x7c: {  	v33 =	vld [tilespmem:s31+$0x15EE0]  }
0x7d: {  	v34 =	vld [tilespmem:s31+$0x15EF0];
	v16 =	vadd.f32 v17, v16  }
0x7e: {  	v17 =	vld [tilespmem:s31+$0x15F00]  }
0x7f: {  	[tilespmem:$0x18AA8] =	vst v16  }
0x80: {  	v16 =	vld [tilespmem:s31+$0x13710]  }
0x81: {  	v35 =	vld [tilespmem:s31+$0x13720]  }
0x82: {  	v20 =	vmul.bf16 v32, v62;
	v18 =	vmul.bf16 v33, v63;
	v36 =	vld [tilespmem:s31+$0x13730]  }
0x83: {  	v19 =	vmul.bf16 v34, v28;
	v37 =	vld [tilespmem:s31+$0x13740];
	v17 =	vmul.bf16 v17, v30  }
0x84: {  	v18 =	vadd.bf16 v18, v20;
	v38 =	vld [tilespmem:s31+$0x15F10]  }
0x85: {  	v39 =	vld [tilespmem:s31+$0x15F20];
	v17 =	vadd.bf16 v17, v19  }
0x86: {  	v40 =	vld [tilespmem:s31+$0x15F30];
	v41 =	vunpack.i.u.bf16.f32 v18  }
0x87: {  	v42 =	vld [tilespmem:s31+$0x15F40];
	v18 =	vunpack.i.l.bf16.f32 v18;
	v43 =	vunpack.i.u.bf16.f32 v17;
	v17 =	vunpack.i.l.bf16.f32 v17  }
0x88: {  	v18 =	vadd.f32 v18, v41;
	v17 =	vadd.f32 v17, v43;
	_ =	sdelay $0x1  }
0x89: {  	v17 =	vadd.f32 v17, v18  }
0x8a: {  	v16 =	vmul.bf16 v38, v16;
	v44 =	vmul.bf16 v39, v35  }
0x8b: {  	v45 =	vmul.bf16 v42, v37;
	[tilespmem:$0x18AC0] =	vst v17;
	v17 =	vmul.bf16 v40, v36  }
0x8c: {  	v16 =	vadd.bf16 v44, v16;
	v46 =	vld [tilespmem:s31+$0x13750]  }
0x8d: {  	v47 =	vld [tilespmem:s31+$0x13760];
	v17 =	vadd.bf16 v45, v17  }
0x8e: {  	v49 =	vunpack.i.u.bf16.f32 v16;
	v48 =	vld [tilespmem:s31+$0x13770]  }
0x8f: {  	v16 =	vunpack.i.l.bf16.f32 v16;
	v50 =	vld [tilespmem:s31+$0x13780];
	v51 =	vunpack.i.u.bf16.f32 v17;
	v17 =	vunpack.i.l.bf16.f32 v17  }
0x90: {  	v16 =	vadd.f32 v16, v49;
	v52 =	vld [tilespmem:s31+$0x15F50];
	v17 =	vadd.f32 v17, v51  }
0x91: {  	v53 =	vld [tilespmem:s31+$0x15F60]  }
0x92: {  	v54 =	vld [tilespmem:s31+$0x15F70];
	v16 =	vadd.f32 v17, v16  }
0x93: {  	v17 =	vld [tilespmem:s31+$0x15F80]  }
0x94: {  	[tilespmem:$0x18AD8] =	vst v16  }
0x95: {  	v16 =	vld [tilespmem:s31+$0x13790]  }
0x96: {  	v55 =	vld [tilespmem:s31+$0x137A0]  }
0x97: {  	v20 =	vmul.bf16 v52, v46;
	v18 =	vmul.bf16 v53, v47;
	v56 =	vld [tilespmem:s31+$0x137B0]  }
0x98: {  	v19 =	vmul.bf16 v54, v48;
	v57 =	vld [tilespmem:s31+$0x137C0];
	v17 =	vmul.bf16 v17, v50  }
0x99: {  	v18 =	vadd.bf16 v18, v20;
	v58 =	vld [tilespmem:s31+$0x15F90]  }
0x9a: {  	v59 =	vld [tilespmem:s31+$0x15FA0];
	v17 =	vadd.bf16 v17, v19  }
0x9b: {  	v60 =	vld [tilespmem:s31+$0x15FB0];
	v61 =	vunpack.i.u.bf16.f32 v18  }
0x9c: {  	v62 =	vld [tilespmem:s31+$0x15FC0];
	v18 =	vunpack.i.l.bf16.f32 v18;
	v63 =	vunpack.i.u.bf16.f32 v17;
	v17 =	vunpack.i.l.bf16.f32 v17  }
0x9d: {  	v18 =	vadd.f32 v18, v61;
	v17 =	vadd.f32 v17, v63;
	_ =	sdelay $0x1  }
0x9e: {  	v17 =	vadd.f32 v17, v18  }
0x9f: {  	v16 =	vmul.bf16 v58, v16;
	v27 =	vmul.bf16 v59, v55  }
0xa0: {  	v28 =	vmul.bf16 v62, v57;
	[tilespmem:$0x18AF0] =	vst v17;
	v17 =	vmul.bf16 v60, v56  }
0xa1: {  	v16 =	vadd.bf16 v27, v16;
	v29 =	vld [tilespmem:s31+$0x137D0]  }
0xa2: {  	v30 =	vld [tilespmem:s31+$0x137E0];
	v17 =	vadd.bf16 v28, v17  }
0xa3: {  	v32 =	vunpack.i.u.bf16.f32 v16;
	v31 =	vld [tilespmem:s31+$0x137F0]  }
0xa4: {  	v16 =	vunpack.i.l.bf16.f32 v16;
	v33 =	vld [tilespmem:s31+$0x13800];
	v34 =	vunpack.i.u.bf16.f32 v17;
	v17 =	vunpack.i.l.bf16.f32 v17  }
0xa5: {  	v16 =	vadd.f32 v16, v32;
	v35 =	vld [tilespmem:s31+$0x15FD0];
	v17 =	vadd.f32 v17, v34  }
0xa6: {  	v36 =	vld [tilespmem:s31+$0x15FE0]  }
0xa7: {  	v37 =	vld [tilespmem:s31+$0x15FF0];
	v16 =	vadd.f32 v17, v16  }
0xa8: {  	v17 =	vld [tilespmem:s31+$0x16000]  }
0xa9: {  	[tilespmem:$0x18B08] =	vst v16  }
0xaa: {  	v16 =	vld [tilespmem:s31+$0x13810]  }
0xab: {  	v38 =	vld [tilespmem:s31+$0x13820]  }
0xac: {  	v20 =	vmul.bf16 v35, v29;
	v18 =	vmul.bf16 v36, v30;
	v39 =	vld [tilespmem:s31+$0x13830]  }
0xad: {  	v19 =	vmul.bf16 v37, v31;
	v40 =	vld [tilespmem:s31+$0x13840];
	v17 =	vmul.bf16 v17, v33  }
0xae: {  	v18 =	vadd.bf16 v18, v20;
	v41 =	vld [tilespmem:s31+$0x16010]  }
0xaf: {  	v42 =	vld [tilespmem:s31+$0x16020];
	v17 =	vadd.bf16 v17, v19  }
0xb0: {  	v43 =	vld [tilespmem:s31+$0x16030];
	v44 =	vunpack.i.u.bf16.f32 v18  }
0xb1: {  	v45 =	vld [tilespmem:s31+$0x16040];
	v18 =	vunpack.i.l.bf16.f32 v18;
	v46 =	vunpack.i.u.bf16.f32 v17;
	v17 =	vunpack.i.l.bf16.f32 v17  }
0xb2: {  	v18 =	vadd.f32 v18, v44;
	v17 =	vadd.f32 v17, v46;
	_ =	sdelay $0x1  }
0xb3: {  	v17 =	vadd.f32 v17, v18  }
0xb4: {  	v16 =	vmul.bf16 v41, v16;
	v47 =	vmul.bf16 v42, v38  }
0xb5: {  	v48 =	vmul.bf16 v45, v40;
	[tilespmem:$0x18B20] =	vst v17;
	v17 =	vmul.bf16 v43, v39  }
0xb6: {  	v16 =	vadd.bf16 v47, v16;
	v49 =	vld [tilespmem:s31+$0x13850]  }
0xb7: {  	v50 =	vld [tilespmem:s31+$0x13860];
	v17 =	vadd.bf16 v48, v17  }
0xb8: {  	v52 =	vunpack.i.u.bf16.f32 v16;
	v51 =	vld [tilespmem:s31+$0x13870]  }
0xb9: {  	v16 =	vunpack.i.l.bf16.f32 v16;
	v53 =	vld [tilespmem:s31+$0x13880];
	v54 =	vunpack.i.u.bf16.f32 v17;
	v17 =	vunpack.i.l.bf16.f32 v17  }
0xba: {  	v16 =	vadd.f32 v16, v52;
	v55 =	vld [tilespmem:s31+$0x16050];
	v17 =	vadd.f32 v17, v54  }
0xbb: {  	v56 =	vld [tilespmem:s31+$0x16060]  }
0xbc: {  	v57 =	vld [tilespmem:s31+$0x16070];
	v16 =	vadd.f32 v17, v16  }
0xbd: {  	v17 =	vld [tilespmem:s31+$0x16080]  }
0xbe: {  	[tilespmem:$0x18B38] =	vst v16  }
0xbf: {  	v16 =	vld [tilespmem:s31+$0x13890]  }
0xc0: {  	v58 =	vld [tilespmem:s31+$0x138A0]  }
0xc1: {  	v20 =	vmul.bf16 v55, v49;
	v18 =	vmul.bf16 v56, v50;
	v59 =	vld [tilespmem:s31+$0x138B0]  }
0xc2: {  	v19 =	vmul.bf16 v57, v51;
	v60 =	vld [tilespmem:s31+$0x138C0];
	v17 =	vmul.bf16 v17, v53  }
0xc3: {  	v18 =	vadd.bf16 v18, v20;
	v61 =	vld [tilespmem:s31+$0x16090]  }
0xc4: {  	v62 =	vld [tilespmem:s31+$0x160A0];
	v17 =	vadd.bf16 v17, v19  }
0xc5: {  	v63 =	vld [tilespmem:s31+$0x160B0];
	v30 =	vunpack.i.u.bf16.f32 v18  }
0xc6: {  	v31 =	vld [tilespmem:s31+$0x160C0];
	v18 =	vunpack.i.l.bf16.f32 v18;
	v32 =	vunpack.i.u.bf16.f32 v17;
	v17 =	vunpack.i.l.bf16.f32 v17  }
0xc7: {  	v18 =	vadd.f32 v18, v30;
	v17 =	vadd.f32 v17, v32;
	_ =	sdelay $0x1  }
0xc8: {  	v17 =	vadd.f32 v17, v18  }
0xc9: {  	v16 =	vmul.bf16 v61, v16;
	v33 =	vmul.bf16 v62, v58  }
0xca: {  	v34 =	vmul.bf16 v31, v60;
	[tilespmem:$0x18B50] =	vst v17;
	v17 =	vmul.bf16 v63, v59  }
0xcb: {  	v16 =	vadd.bf16 v33, v16;
	v35 =	vld [tilespmem:s31+$0x138D0]  }
0xcc: {  	v36 =	vld [tilespmem:s31+$0x138E0];
	v17 =	vadd.bf16 v34, v17  }
0xcd: {  	v38 =	vunpack.i.u.bf16.f32 v16;
	v37 =	vld [tilespmem:s31+$0x138F0]  }
0xce: {  	v16 =	vunpack.i.l.bf16.f32 v16;
	v39 =	vld [tilespmem:s31+$0x13900];
	v40 =	vunpack.i.u.bf16.f32 v17;
	v17 =	vunpack.i.l.bf16.f32 v17  }
0xcf: {  	v16 =	vadd.f32 v16, v38;
	v41 =	vld [tilespmem:s31+$0x160D0];
	v17 =	vadd.f32 v17, v40  }
0xd0: {  	v42 =	vld [tilespmem:s31+$0x160E0]  }
0xd1: {  	v43 =	vld [tilespmem:s31+$0x160F0];
	v16 =	vadd.f32 v17, v16  }
0xd2: {  	v17 =	vld [tilespmem:s31+$0x16100]  }
0xd3: {  	[tilespmem:$0x18B68] =	vst v16  }
0xd4: {  	v16 =	vld [tilespmem:s31+$0x13910]  }
0xd5: {  	v44 =	vld [tilespmem:s31+$0x13920]  }
0xd6: {  	v20 =	vmul.bf16 v41, v35;
	v18 =	vmul.bf16 v42, v36;
	v45 =	vld [tilespmem:s31+$0x13930]  }
0xd7: {  	v19 =	vmul.bf16 v43, v37;
	v46 =	vld [tilespmem:s31+$0x13940];
	v17 =	vmul.bf16 v17, v39  }
0xd8: {  	v18 =	vadd.bf16 v18, v20;
	v47 =	vld [tilespmem:s31+$0x16110]  }
0xd9: {  	v48 =	vld [tilespmem:s31+$0x16120];
	v17 =	vadd.bf16 v17, v19  }
0xda: {  	v49 =	vld [tilespmem:s31+$0x16130];
	v50 =	vunpack.i.u.bf16.f32 v18  }
0xdb: {  	v51 =	vld [tilespmem:s31+$0x16140];
	v18 =	vunpack.i.l.bf16.f32 v18;
	v52 =	vunpack.i.u.bf16.f32 v17;
	v17 =	vunpack.i.l.bf16.f32 v17  }
0xdc: {  	v18 =	vadd.f32 v18, v50;
	v17 =	vadd.f32 v17, v52;
	_ =	sdelay $0x1  }
0xdd: {  	v17 =	vadd.f32 v17, v18  }
0xde: {  	v16 =	vmul.bf16 v47, v16;
	v53 =	vmul.bf16 v48, v44  }
0xdf: {  	v54 =	vmul.bf16 v51, v46;
	[tilespmem:$0x18B80] =	vst v17;
	v17 =	vmul.bf16 v49, v45  }
0xe0: {  	v16 =	vadd.bf16 v53, v16  }
0xe1: {  	v55 =	vld [tilespmem:s31+$0x13950];
	v17 =	vadd.bf16 v54, v17  }
0xe2: {  	v58 =	vunpack.i.u.bf16.f32 v16;
	v56 =	vld [tilespmem:s31+$0x13960]  }
0xe3: {  	v16 =	vunpack.i.l.bf16.f32 v16;
	v57 =	vld [tilespmem:s31+$0x13970];
	v60 =	vunpack.i.u.bf16.f32 v17;
	v17 =	vunpack.i.l.bf16.f32 v17  }
0xe4: {  	v16 =	vadd.f32 v16, v58;
	v59 =	vld [tilespmem:s31+$0x13980];
	v17 =	vadd.f32 v17, v60  }
0xe5: {  	v61 =	vld [tilespmem:s31+$0x16150]  }
0xe6: {  	v62 =	vld [tilespmem:s31+$0x16160];
	v16 =	vadd.f32 v17, v16  }
0xe7: {  	v63 =	vld [tilespmem:s31+$0x16170]  }
0xe8: {  	v17 =	vld [tilespmem:s31+$0x16180];
	[tilespmem:$0x18B98] =	vst v16  }
0xe9: {  	v16 =	vld [tilespmem:s31+$0x13990]  }
0xea: {  	v33 =	vld [tilespmem:s31+$0x139A0]  }
0xeb: {  	v34 =	vld [tilespmem:s31+$0x139B0]  }
0xec: {  	v35 =	vld [tilespmem:s31+$0x139C0]  }
0xed: {  	v28 =	vld [tilespmem:s31+$0x16190]  }
0xee: {  	v29 =	vld [tilespmem:s31+$0x161A0]  }
0xef: {  	v30 =	vld [tilespmem:s31+$0x161B0]  }
0xf0: {  	v31 =	vld [tilespmem:s31+$0x161C0];
	_ =	sdelay $0x1  }
0xf1: {  	v20 =	vmul.bf16 v61, v55;
	v18 =	vmul.bf16 v62, v56  }
0xf2: {  	v19 =	vmul.bf16 v63, v57;
	v17 =	vmul.bf16 v17, v59  }
0xf3: {  	v18 =	vadd.bf16 v18, v20;
	v16 =	vmul.bf16 v28, v16;
	v36 =	vmul.bf16 v29, v33  }
0xf4: {  	v17 =	vadd.bf16 v17, v19;
	v37 =	vmul.bf16 v30, v34;
	v38 =	vmul.bf16 v31, v35  }
0xf5: {  	v39 =	vunpack.i.u.bf16.f32 v18;
	v18 =	vunpack.i.l.bf16.f32 v18;
	v16 =	vadd.bf16 v36, v16  }
0xf6: {  	v40 =	vunpack.i.u.bf16.f32 v17;
	v17 =	vunpack.i.l.bf16.f32 v17;
	v19 =	vadd.bf16 v38, v37  }
0xf7: {  	v18 =	vadd.f32 v18, v39;
	v17 =	vadd.f32 v17, v40;
	v41 =	vunpack.i.u.bf16.f32 v16  }
0xf8: {  	v16 =	vunpack.i.l.bf16.f32 v16;
	v21 =	vunpack.i.u.bf16.f32 v19;
	v19 =	vunpack.i.l.bf16.f32 v19  }
0xf9: {  	v16 =	vadd.f32 v16, v41;
	v19 =	vadd.f32 v19, v21  }
0xfa: {  	v17 =	vadd.f32 v17, v18  }
0xfb: {  	v16 =	vadd.f32 v19, v16  }
0xfc: {  	[tilespmem:$0x18BB0] =	vst v17  }
0xfd: {  	[tilespmem:$0x18BC8] =	vst v16  }
0xfe: {  	v16 =	vld.idx.msk [tilespmem:v0+s6+$0x0], $0xffff  }
0xff: {  	v17 =	vld.idx.msk [tilespmem:v1+s6+$0x0], $0xffff  }
0x100: {  	v42 =	vld.idx.msk [tilespmem:v2+s6+$0x0], $0xffff  }
0x101: {  	v43 =	vld.idx.msk [tilespmem:v3+s6+$0x0], $0xffff  }
0x102: {  	v44 =	vld.idx.msk [tilespmem:v4+s6+$0x0], $0xffff  }
0x103: {  	v45 =	vld.idx.msk [tilespmem:v5+s6+$0x0], $0xffff  }
0x104: {  	v46 =	vld.idx.msk [tilespmem:v6+s6+$0x0], $0xffff  }
0x105: {  	v47 =	vld.idx.msk [tilespmem:v7+s6+$0x0], $0xffff  }
0x106: {  	v48 =	vld.idx.msk [tilespmem:v8+s6+$0x0], $0xffff  }
0x107: {  	v49 =	vld.idx.msk [tilespmem:v9+s6+$0x0], $0xffff  }
0x108: {  	v50 =	vld.idx.msk [tilespmem:v10+s6+$0x0], $0xffff  }
0x109: {  	v51 =	vld.idx.msk [tilespmem:v11+s6+$0x0], $0xffff  }
0x10a: {  	v52 =	vld.idx.msk [tilespmem:v12+s6+$0x0], $0xffff  }
0x10b: {  	v53 =	vld.idx.msk [tilespmem:v13+s6+$0x0], $0xffff  }
0x10c: {  	v54 =	vld.idx.msk [tilespmem:v14+s6+$0x0], $0xffff  }
0x10d: {  	v55 =	vld.idx.msk [tilespmem:v15+s6+$0x0], $0xffff;
	_ =	sdelay $0x1  }
0x10e: {  	v16 =	vadd.f32 v17, v16;
	v17 =	vadd.f32 v43, v42  }
0x10f: {  	v56 =	vadd.f32 v45, v44;
	v57 =	vadd.f32 v47, v46  }
0x110: {  	v58 =	vadd.f32 v49, v48;
	v59 =	vadd.f32 v51, v50  }
0x111: {  	v60 =	vadd.f32 v53, v52;
	v61 =	vadd.f32 v55, v54  }
0x112: {  	v16 =	vadd.f32 v17, v16;
	v17 =	vadd.f32 v57, v56  }
0x113: {  	v62 =	vadd.f32 v59, v58;
	v63 =	vadd.f32 v61, v60  }
0x114: {  	p2 =	sne.s32 s14, $0x4FC0  }
.Ltmp0:
0x115: {  	v16 =	vadd.f32 v17, v16;
	v17 =	vadd.f32 v63, v62;
	(pc) =	sbr.rel @p2 .LBB2_3-.Ltmp0, $3  }
0x116: {  	_ = 	snop  }
0x117: {  	v16 =	vadd.f32 v17, v16;
	_ =	sdelay $0x1  }
0x118: {  	s14 =	sadd.s32 $0x1000, s14;
	[tilespmem:s18+$0x0] =	vst v16;
	s18 =	sadd.s32 $0x10, s18  }
0x119: {  	s14 =	sadd.s32 s7, s20  }
0x11a: {  	s14 =	sshrl.u32 s14, $0x3  }
0x11b: {  	s14 =	sadd.s32 s2, s14  }
0x11c: {  	[hbm4b:s14+s5] =	stream.linear.scatter [tilespmem:s11], [sflag:$0x6], $0x50, $0x38;
	[tilespmem:$0x18BE0] =	vst v63  }
0x11d: {  	_ =	swait.ge [sflag:s25], $0x50  }
0x11e: {  	[sflag:s25] =	ssyncset.done $0x0  }
0x11f: {  	[sflag:s25] =	ssyncadd.s32 $0xFFFFFFB0  }
0x120: {  	_ =	swait.ge [sflag:s25], $0x50  }
0x121: {  	[sflag:s25] =	ssyncset.done $0x0  }
0x122: {  	[sflag:s25] =	ssyncadd.s32 $0xFFFFFFB0  }
0x123: {  	[tilespmem:s28], [sflag:$0x4] =	stream.indirect.gather [spmem:s3], $0x40, s21, s26, $0xb8;
	[tilespmem:$0x18BE0] =	vst v63  }
0x124: {  	_ = 	snop  }
0x125: {  	[tilespmem:s29], [sflag:$0x4] =	stream.indirect.gather [spmem:s4], $0x40, s22, s26, $0xb8;
	[tilespmem:$0x18BE0] =	vst v63  }
0x126: {  	s18 =	smin.u32 s17, $0x79;
	_ =	swait.ge [sflag:s12], $0x1400  }
0x127: {  	s14 =	smul.u32 $0x50, s18;
	[sflag:s12] =	ssyncset.done $0x0  }
0x128: {  	[sflag:s12] =	ssyncadd.s32 $0xFFFFEC00  }
0x129: {  	s14 =	sadd.s32 s14, s16;
	_ =	swait.ge [sflag:s12], $0x1400  }
0x12a: {  	s14 =	sshrl.u32 s14, $0x3;
	[sflag:s12] =	ssyncset.done $0x0  }
0x12b: {  	s31 =	sadd.s32 s8, s14;
	[sflag:s12] =	ssyncadd.s32 $0xFFFFEC00  }
0x12c: {  	[tilespmem:s23], [sflag:$0x3] =	stream.linear.gather [hbm4b:s31+s5], $0x50, $0x38;
	[tilespmem:$0x18BE0] =	vst v63  }
0x12d: {  	s14 =	sadd.s32 s9, s14  }
0x12e: {  	[tilespmem:s24], [sflag:$0x3] =	stream.linear.gather [hbm4b:s14+s5], $0x50, $0x38;
	[tilespmem:$0x18BE0] =	vst v63  }
0x12f: {  	s14 =	simm.s32 @!p1 $0x7  }
0x130: {  	_ =	swait.ge @!p1 [sflag:s14], $0x50  }
0x131: {  	[sflag:s14] =	ssyncset.done @!p1 $0x0  }
0x132: {  	s17 =	simm.s32 $0x18A10;
	[sflag:s14] =	ssyncadd.s32 @!p1 $0xFFFFFFB0;
	s14 =	simm.s32 $0xFC0  }
.LBB2_5:
0x133: {  	s18 =	sshra.s32 s14, $0x2  }
0x134: {  	v16 =	vld [tilespmem:s18+$0x149D0]  }
0x135: {  	v17 =	vld [tilespmem:s18+$0x149E0]  }
0x136: {  	v18 =	vld [tilespmem:s18+$0x149F0]  }
0x137: {  	v19 =	vld [tilespmem:s18+$0x14A00]  }
0x138: {  	v20 =	vld [tilespmem:s18+$0x171D0]  }
0x139: {  	v21 =	vld [tilespmem:s18+$0x171E0]  }
0x13a: {  	v22 =	vld [tilespmem:s18+$0x171F0]  }
0x13b: {  	v23 =	vld [tilespmem:s18+$0x17200];
	_ =	sdelay $0x1  }
0x13c: {  	v24 =	vld [tilespmem:s18+$0x14A10]  }
0x13d: {  	v25 =	vld [tilespmem:s18+$0x14A20]  }
0x13e: {  	v26 =	vld [tilespmem:s18+$0x14A30];
	v16 =	vmul.bf16 v20, v16;
	v17 =	vmul.bf16 v21, v17  }
0x13f: {  	v35 =	vld [tilespmem:s18+$0x14A40];
	v18 =	vmul.bf16 v22, v18;
	v19 =	vmul.bf16 v23, v19  }
0x140: {  	v36 =	vld [tilespmem:s18+$0x17210];
	v16 =	vadd.bf16 v17, v16  }
0x141: {  	v37 =	vld [tilespmem:s18+$0x17230];
	v18 =	vadd.bf16 v19, v18  }
0x142: {  	v17 =	vld [tilespmem:s18+$0x17220];
	v38 =	vunpack.i.u.bf16.f32 v16  }
0x143: {  	v39 =	vld [tilespmem:s18+$0x17240];
	v16 =	vunpack.i.l.bf16.f32 v16;
	v27 =	vunpack.i.u.bf16.f32 v18;
	v18 =	vunpack.i.l.bf16.f32 v18  }
0x144: {  	v16 =	vadd.f32 v16, v38;
	v18 =	vadd.f32 v18, v27;
	_ =	sdelay $0x1  }
0x145: {  	v16 =	vadd.f32 v18, v16  }
0x146: {  	v40 =	vmul.bf16 v36, v24;
	v17 =	vmul.bf16 v17, v25  }
0x147: {  	v41 =	vmul.bf16 v39, v35;
	[tilespmem:$0x18A60] =	vst v16;
	v16 =	vmul.bf16 v37, v26  }
0x148: {  	v17 =	vadd.bf16 v17, v40;
	v42 =	vld [tilespmem:s18+$0x14A50]  }
0x149: {  	v43 =	vld [tilespmem:s18+$0x14A60];
	v16 =	vadd.bf16 v41, v16  }
0x14a: {  	v44 =	vld [tilespmem:s18+$0x14A70];
	v45 =	vunpack.i.u.bf16.f32 v17  }
0x14b: {  	v46 =	vld [tilespmem:s18+$0x14A80];
	v17 =	vunpack.i.l.bf16.f32 v17;
	v47 =	vunpack.i.u.bf16.f32 v16;
	v16 =	vunpack.i.l.bf16.f32 v16  }
0x14c: {  	v48 =	vld [tilespmem:s18+$0x17250];
	v17 =	vadd.f32 v17, v45;
	v16 =	vadd.f32 v16, v47  }
0x14d: {  	v49 =	vld [tilespmem:s18+$0x17260]  }
0x14e: {  	v50 =	vld [tilespmem:s18+$0x17270];
	v16 =	vadd.f32 v16, v17  }
0x14f: {  	v17 =	vld [tilespmem:s18+$0x17280]  }
0x150: {  	[tilespmem:$0x18A78] =	vst v16  }
0x151: {  	v16 =	vld [tilespmem:s18+$0x14A90]  }
0x152: {  	v51 =	vld [tilespmem:s18+$0x14AA0]  }
0x153: {  	v20 =	vmul.bf16 v48, v42;
	v18 =	vmul.bf16 v49, v43;
	v52 =	vld [tilespmem:s18+$0x14AB0]  }
0x154: {  	v19 =	vmul.bf16 v50, v44;
	v53 =	vld [tilespmem:s18+$0x14AC0];
	v17 =	vmul.bf16 v17, v46  }
0x155: {  	v18 =	vadd.bf16 v18, v20;
	v54 =	vld [tilespmem:s18+$0x17290]  }
0x156: {  	v55 =	vld [tilespmem:s18+$0x172A0];
	v17 =	vadd.bf16 v17, v19  }
0x157: {  	v56 =	vld [tilespmem:s18+$0x172B0];
	v57 =	vunpack.i.u.bf16.f32 v18  }
0x158: {  	v58 =	vld [tilespmem:s18+$0x172C0];
	v18 =	vunpack.i.l.bf16.f32 v18;
	v59 =	vunpack.i.u.bf16.f32 v17;
	v17 =	vunpack.i.l.bf16.f32 v17  }
0x159: {  	v18 =	vadd.f32 v18, v57;
	v17 =	vadd.f32 v17, v59;
	_ =	sdelay $0x1  }
0x15a: {  	v17 =	vadd.f32 v17, v18  }
0x15b: {  	v16 =	vmul.bf16 v54, v16;
	v60 =	vmul.bf16 v55, v51  }
0x15c: {  	v61 =	vmul.bf16 v58, v53;
	[tilespmem:$0x18A90] =	vst v17;
	v17 =	vmul.bf16 v56, v52  }
0x15d: {  	v16 =	vadd.bf16 v60, v16;
	v62 =	vld [tilespmem:s18+$0x14AD0]  }
0x15e: {  	v63 =	vld [tilespmem:s18+$0x14AE0];
	v17 =	vadd.bf16 v61, v17  }
0x15f: {  	v29 =	vunpack.i.u.bf16.f32 v16;
	v28 =	vld [tilespmem:s18+$0x14AF0]  }
0x160: {  	v16 =	vunpack.i.l.bf16.f32 v16;
	v30 =	vld [tilespmem:s18+$0x14B00];
	v31 =	vunpack.i.u.bf16.f32 v17;
	v17 =	vunpack.i.l.bf16.f32 v17  }
0x161: {  	v16 =	vadd.f32 v16, v29;
	v32 =	vld [tilespmem:s18+$0x172D0];
	v17 =	vadd.f32 v17, v31  }
0x162: {  	v33 =	vld [tilespmem:s18+$0x172E0]  }
0x163: {  	v34 =	vld [tilespmem:s18+$0x172F0];
	v16 =	vadd.f32 v17, v16  }
0x164: {  	v17 =	vld [tilespmem:s18+$0x17300]  }
0x165: {  	[tilespmem:$0x18AA8] =	vst v16  }
0x166: {  	v16 =	vld [tilespmem:s18+$0x14B10]  }
0x167: {  	v35 =	vld [tilespmem:s18+$0x14B20]  }
0x168: {  	v20 =	vmul.bf16 v32, v62;
	v18 =	vmul.bf16 v33, v63;
	v36 =	vld [tilespmem:s18+$0x14B30]  }
0x169: {  	v19 =	vmul.bf16 v34, v28;
	v37 =	vld [tilespmem:s18+$0x14B40];
	v17 =	vmul.bf16 v17, v30  }
0x16a: {  	v18 =	vadd.bf16 v18, v20;
	v38 =	vld [tilespmem:s18+$0x17310]  }
0x16b: {  	v39 =	vld [tilespmem:s18+$0x17320];
	v17 =	vadd.bf16 v17, v19  }
0x16c: {  	v40 =	vld [tilespmem:s18+$0x17330];
	v41 =	vunpack.i.u.bf16.f32 v18  }
0x16d: {  	v42 =	vld [tilespmem:s18+$0x17340];
	v18 =	vunpack.i.l.bf16.f32 v18;
	v43 =	vunpack.i.u.bf16.f32 v17;
	v17 =	vunpack.i.l.bf16.f32 v17  }
0x16e: {  	v18 =	vadd.f32 v18, v41;
	v17 =	vadd.f32 v17, v43;
	_ =	sdelay $0x1  }
0x16f: {  	v17 =	vadd.f32 v17, v18  }
0x170: {  	v16 =	vmul.bf16 v38, v16;
	v44 =	vmul.bf16 v39, v35  }
0x171: {  	v45 =	vmul.bf16 v42, v37;
	[tilespmem:$0x18AC0] =	vst v17;
	v17 =	vmul.bf16 v40, v36  }
0x172: {  	v16 =	vadd.bf16 v44, v16;
	v46 =	vld [tilespmem:s18+$0x14B50]  }
0x173: {  	v47 =	vld [tilespmem:s18+$0x14B60];
	v17 =	vadd.bf16 v45, v17  }
0x174: {  	v49 =	vunpack.i.u.bf16.f32 v16;
	v48 =	vld [tilespmem:s18+$0x14B70]  }
0x175: {  	v16 =	vunpack.i.l.bf16.f32 v16;
	v50 =	vld [tilespmem:s18+$0x14B80];
	v51 =	vunpack.i.u.bf16.f32 v17;
	v17 =	vunpack.i.l.bf16.f32 v17  }
0x176: {  	v16 =	vadd.f32 v16, v49;
	v52 =	vld [tilespmem:s18+$0x17350];
	v17 =	vadd.f32 v17, v51  }
0x177: {  	v53 =	vld [tilespmem:s18+$0x17360]  }
0x178: {  	v54 =	vld [tilespmem:s18+$0x17370];
	v16 =	vadd.f32 v17, v16  }
0x179: {  	v17 =	vld [tilespmem:s18+$0x17380]  }
0x17a: {  	[tilespmem:$0x18AD8] =	vst v16  }
0x17b: {  	v16 =	vld [tilespmem:s18+$0x14B90]  }
0x17c: {  	v55 =	vld [tilespmem:s18+$0x14BA0]  }
0x17d: {  	v20 =	vmul.bf16 v52, v46;
	v18 =	vmul.bf16 v53, v47;
	v56 =	vld [tilespmem:s18+$0x14BB0]  }
0x17e: {  	v19 =	vmul.bf16 v54, v48;
	v57 =	vld [tilespmem:s18+$0x14BC0];
	v17 =	vmul.bf16 v17, v50  }
0x17f: {  	v18 =	vadd.bf16 v18, v20;
	v58 =	vld [tilespmem:s18+$0x17390]  }
0x180: {  	v59 =	vld [tilespmem:s18+$0x173A0];
	v17 =	vadd.bf16 v17, v19  }
0x181: {  	v60 =	vld [tilespmem:s18+$0x173B0];
	v61 =	vunpack.i.u.bf16.f32 v18  }
0x182: {  	v62 =	vld [tilespmem:s18+$0x173C0];
	v18 =	vunpack.i.l.bf16.f32 v18;
	v63 =	vunpack.i.u.bf16.f32 v17;
	v17 =	vunpack.i.l.bf16.f32 v17  }
0x183: {  	v18 =	vadd.f32 v18, v61;
	v17 =	vadd.f32 v17, v63;
	_ =	sdelay $0x1  }
0x184: {  	v17 =	vadd.f32 v17, v18  }
0x185: {  	v16 =	vmul.bf16 v58, v16;
	v27 =	vmul.bf16 v59, v55  }
0x186: {  	v28 =	vmul.bf16 v62, v57;
	[tilespmem:$0x18AF0] =	vst v17;
	v17 =	vmul.bf16 v60, v56  }
0x187: {  	v16 =	vadd.bf16 v27, v16;
	v29 =	vld [tilespmem:s18+$0x14BD0]  }
0x188: {  	v30 =	vld [tilespmem:s18+$0x14BE0];
	v17 =	vadd.bf16 v28, v17  }
0x189: {  	v32 =	vunpack.i.u.bf16.f32 v16;
	v31 =	vld [tilespmem:s18+$0x14BF0]  }
0x18a: {  	v16 =	vunpack.i.l.bf16.f32 v16;
	v33 =	vld [tilespmem:s18+$0x14C00];
	v34 =	vunpack.i.u.bf16.f32 v17;
	v17 =	vunpack.i.l.bf16.f32 v17  }
0x18b: {  	v16 =	vadd.f32 v16, v32;
	v35 =	vld [tilespmem:s18+$0x173D0];
	v17 =	vadd.f32 v17, v34  }
0x18c: {  	v36 =	vld [tilespmem:s18+$0x173E0]  }
0x18d: {  	v37 =	vld [tilespmem:s18+$0x173F0];
	v16 =	vadd.f32 v17, v16  }
0x18e: {  	v17 =	vld [tilespmem:s18+$0x17400]  }
0x18f: {  	[tilespmem:$0x18B08] =	vst v16  }
0x190: {  	v16 =	vld [tilespmem:s18+$0x14C10]  }
0x191: {  	v38 =	vld [tilespmem:s18+$0x14C20]  }
0x192: {  	v20 =	vmul.bf16 v35, v29;
	v18 =	vmul.bf16 v36, v30;
	v39 =	vld [tilespmem:s18+$0x14C30]  }
0x193: {  	v19 =	vmul.bf16 v37, v31;
	v40 =	vld [tilespmem:s18+$0x14C40];
	v17 =	vmul.bf16 v17, v33  }
0x194: {  	v18 =	vadd.bf16 v18, v20;
	v41 =	vld [tilespmem:s18+$0x17410]  }
0x195: {  	v42 =	vld [tilespmem:s18+$0x17420];
	v17 =	vadd.bf16 v17, v19  }
0x196: {  	v43 =	vld [tilespmem:s18+$0x17430];
	v44 =	vunpack.i.u.bf16.f32 v18  }
0x197: {  	v45 =	vld [tilespmem:s18+$0x17440];
	v18 =	vunpack.i.l.bf16.f32 v18;
	v46 =	vunpack.i.u.bf16.f32 v17;
	v17 =	vunpack.i.l.bf16.f32 v17  }
0x198: {  	v18 =	vadd.f32 v18, v44;
	v17 =	vadd.f32 v17, v46;
	_ =	sdelay $0x1  }
0x199: {  	v17 =	vadd.f32 v17, v18  }
0x19a: {  	v16 =	vmul.bf16 v41, v16;
	v47 =	vmul.bf16 v42, v38  }
0x19b: {  	v48 =	vmul.bf16 v45, v40;
	[tilespmem:$0x18B20] =	vst v17;
	v17 =	vmul.bf16 v43, v39  }
0x19c: {  	v16 =	vadd.bf16 v47, v16;
	v49 =	vld [tilespmem:s18+$0x14C50]  }
0x19d: {  	v50 =	vld [tilespmem:s18+$0x14C60];
	v17 =	vadd.bf16 v48, v17  }
0x19e: {  	v52 =	vunpack.i.u.bf16.f32 v16;
	v51 =	vld [tilespmem:s18+$0x14C70]  }
0x19f: {  	v16 =	vunpack.i.l.bf16.f32 v16;
	v53 =	vld [tilespmem:s18+$0x14C80];
	v54 =	vunpack.i.u.bf16.f32 v17;
	v17 =	vunpack.i.l.bf16.f32 v17  }
0x1a0: {  	v16 =	vadd.f32 v16, v52;
	v55 =	vld [tilespmem:s18+$0x17450];
	v17 =	vadd.f32 v17, v54  }
0x1a1: {  	v56 =	vld [tilespmem:s18+$0x17460]  }
0x1a2: {  	v57 =	vld [tilespmem:s18+$0x17470];
	v16 =	vadd.f32 v17, v16  }
0x1a3: {  	v17 =	vld [tilespmem:s18+$0x17480]  }
0x1a4: {  	[tilespmem:$0x18B38] =	vst v16  }
0x1a5: {  	v16 =	vld [tilespmem:s18+$0x14C90]  }
0x1a6: {  	v58 =	vld [tilespmem:s18+$0x14CA0]  }
0x1a7: {  	v20 =	vmul.bf16 v55, v49;
	v18 =	vmul.bf16 v56, v50;
	v59 =	vld [tilespmem:s18+$0x14CB0]  }
0x1a8: {  	v19 =	vmul.bf16 v57, v51;
	v60 =	vld [tilespmem:s18+$0x14CC0];
	v17 =	vmul.bf16 v17, v53  }
0x1a9: {  	v18 =	vadd.bf16 v18, v20;
	v61 =	vld [tilespmem:s18+$0x17490]  }
0x1aa: {  	v62 =	vld [tilespmem:s18+$0x174A0];
	v17 =	vadd.bf16 v17, v19  }
0x1ab: {  	v63 =	vld [tilespmem:s18+$0x174B0];
	v30 =	vunpack.i.u.bf16.f32 v18  }
0x1ac: {  	v31 =	vld [tilespmem:s18+$0x174C0];
	v18 =	vunpack.i.l.bf16.f32 v18;
	v32 =	vunpack.i.u.bf16.f32 v17;
	v17 =	vunpack.i.l.bf16.f32 v17  }
0x1ad: {  	v18 =	vadd.f32 v18, v30;
	v17 =	vadd.f32 v17, v32;
	_ =	sdelay $0x1  }
0x1ae: {  	v17 =	vadd.f32 v17, v18  }
0x1af: {  	v16 =	vmul.bf16 v61, v16;
	v33 =	vmul.bf16 v62, v58  }
0x1b0: {  	v34 =	vmul.bf16 v31, v60;
	[tilespmem:$0x18B50] =	vst v17;
	v17 =	vmul.bf16 v63, v59  }
0x1b1: {  	v16 =	vadd.bf16 v33, v16;
	v35 =	vld [tilespmem:s18+$0x14CD0]  }
0x1b2: {  	v36 =	vld [tilespmem:s18+$0x14CE0];
	v17 =	vadd.bf16 v34, v17  }
0x1b3: {  	v38 =	vunpack.i.u.bf16.f32 v16;
	v37 =	vld [tilespmem:s18+$0x14CF0]  }
0x1b4: {  	v16 =	vunpack.i.l.bf16.f32 v16;
	v39 =	vld [tilespmem:s18+$0x14D00];
	v40 =	vunpack.i.u.bf16.f32 v17;
	v17 =	vunpack.i.l.bf16.f32 v17  }
0x1b5: {  	v16 =	vadd.f32 v16, v38;
	v41 =	vld [tilespmem:s18+$0x174D0];
	v17 =	vadd.f32 v17, v40  }
0x1b6: {  	v42 =	vld [tilespmem:s18+$0x174E0]  }
0x1b7: {  	v43 =	vld [tilespmem:s18+$0x174F0];
	v16 =	vadd.f32 v17, v16  }
0x1b8: {  	v17 =	vld [tilespmem:s18+$0x17500]  }
0x1b9: {  	[tilespmem:$0x18B68] =	vst v16  }
0x1ba: {  	v16 =	vld [tilespmem:s18+$0x14D10]  }
0x1bb: {  	v44 =	vld [tilespmem:s18+$0x14D20]  }
0x1bc: {  	v20 =	vmul.bf16 v41, v35;
	v18 =	vmul.bf16 v42, v36;
	v45 =	vld [tilespmem:s18+$0x14D30]  }
0x1bd: {  	v19 =	vmul.bf16 v43, v37;
	v46 =	vld [tilespmem:s18+$0x14D40];
	v17 =	vmul.bf16 v17, v39  }
0x1be: {  	v18 =	vadd.bf16 v18, v20;
	v47 =	vld [tilespmem:s18+$0x17510]  }
0x1bf: {  	v48 =	vld [tilespmem:s18+$0x17520];
	v17 =	vadd.bf16 v17, v19  }
0x1c0: {  	v49 =	vld [tilespmem:s18+$0x17530];
	v50 =	vunpack.i.u.bf16.f32 v18  }
0x1c1: {  	v51 =	vld [tilespmem:s18+$0x17540];
	v18 =	vunpack.i.l.bf16.f32 v18;
	v52 =	vunpack.i.u.bf16.f32 v17;
	v17 =	vunpack.i.l.bf16.f32 v17  }
0x1c2: {  	v18 =	vadd.f32 v18, v50;
	v17 =	vadd.f32 v17, v52;
	_ =	sdelay $0x1  }
0x1c3: {  	v17 =	vadd.f32 v17, v18  }
0x1c4: {  	v16 =	vmul.bf16 v47, v16;
	v53 =	vmul.bf16 v48, v44  }
0x1c5: {  	v54 =	vmul.bf16 v51, v46;
	[tilespmem:$0x18B80] =	vst v17;
	v17 =	vmul.bf16 v49, v45  }
0x1c6: {  	v16 =	vadd.bf16 v53, v16  }
0x1c7: {  	v55 =	vld [tilespmem:s18+$0x14D50];
	v17 =	vadd.bf16 v54, v17  }
0x1c8: {  	v58 =	vunpack.i.u.bf16.f32 v16;
	v56 =	vld [tilespmem:s18+$0x14D60]  }
0x1c9: {  	v16 =	vunpack.i.l.bf16.f32 v16;
	v57 =	vld [tilespmem:s18+$0x14D70];
	v60 =	vunpack.i.u.bf16.f32 v17;
	v17 =	vunpack.i.l.bf16.f32 v17  }
0x1ca: {  	v16 =	vadd.f32 v16, v58;
	v59 =	vld [tilespmem:s18+$0x14D80];
	v17 =	vadd.f32 v17, v60  }
0x1cb: {  	v61 =	vld [tilespmem:s18+$0x17550]  }
0x1cc: {  	v62 =	vld [tilespmem:s18+$0x17560];
	v16 =	vadd.f32 v17, v16  }
0x1cd: {  	v63 =	vld [tilespmem:s18+$0x17570]  }
0x1ce: {  	v17 =	vld [tilespmem:s18+$0x17580];
	[tilespmem:$0x18B98] =	vst v16  }
0x1cf: {  	v16 =	vld [tilespmem:s18+$0x14D90]  }
0x1d0: {  	v33 =	vld [tilespmem:s18+$0x14DA0]  }
0x1d1: {  	v34 =	vld [tilespmem:s18+$0x14DB0]  }
0x1d2: {  	v35 =	vld [tilespmem:s18+$0x14DC0]  }
0x1d3: {  	v28 =	vld [tilespmem:s18+$0x17590]  }
0x1d4: {  	v29 =	vld [tilespmem:s18+$0x175A0]  }
0x1d5: {  	v30 =	vld [tilespmem:s18+$0x175B0]  }
0x1d6: {  	v31 =	vld [tilespmem:s18+$0x175C0];
	_ =	sdelay $0x1  }
0x1d7: {  	v20 =	vmul.bf16 v61, v55;
	v18 =	vmul.bf16 v62, v56  }
0x1d8: {  	v19 =	vmul.bf16 v63, v57;
	v17 =	vmul.bf16 v17, v59  }
0x1d9: {  	v18 =	vadd.bf16 v18, v20;
	v16 =	vmul.bf16 v28, v16;
	v36 =	vmul.bf16 v29, v33  }
0x1da: {  	v17 =	vadd.bf16 v17, v19;
	v37 =	vmul.bf16 v30, v34;
	v38 =	vmul.bf16 v31, v35  }
0x1db: {  	v39 =	vunpack.i.u.bf16.f32 v18;
	v18 =	vunpack.i.l.bf16.f32 v18;
	v16 =	vadd.bf16 v36, v16  }
0x1dc: {  	v40 =	vunpack.i.u.bf16.f32 v17;
	v17 =	vunpack.i.l.bf16.f32 v17;
	v19 =	vadd.bf16 v38, v37  }
0x1dd: {  	v18 =	vadd.f32 v18, v39;
	v17 =	vadd.f32 v17, v40;
	v41 =	vunpack.i.u.bf16.f32 v16  }
0x1de: {  	v16 =	vunpack.i.l.bf16.f32 v16;
	v21 =	vunpack.i.u.bf16.f32 v19;
	v19 =	vunpack.i.l.bf16.f32 v19  }
0x1df: {  	v16 =	vadd.f32 v16, v41;
	v19 =	vadd.f32 v19, v21  }
0x1e0: {  	v17 =	vadd.f32 v17, v18  }
0x1e1: {  	v16 =	vadd.f32 v19, v16  }
0x1e2: {  	[tilespmem:$0x18BB0] =	vst v17  }
0x1e3: {  	[tilespmem:$0x18BC8] =	vst v16  }
0x1e4: {  	v16 =	vld.idx.msk [tilespmem:v0+s6+$0x0], $0xffff  }
0x1e5: {  	v17 =	vld.idx.msk [tilespmem:v1+s6+$0x0], $0xffff  }
0x1e6: {  	v42 =	vld.idx.msk [tilespmem:v2+s6+$0x0], $0xffff  }
0x1e7: {  	v43 =	vld.idx.msk [tilespmem:v3+s6+$0x0], $0xffff  }
0x1e8: {  	v44 =	vld.idx.msk [tilespmem:v4+s6+$0x0], $0xffff  }
0x1e9: {  	v45 =	vld.idx.msk [tilespmem:v5+s6+$0x0], $0xffff  }
0x1ea: {  	v46 =	vld.idx.msk [tilespmem:v6+s6+$0x0], $0xffff  }
0x1eb: {  	v47 =	vld.idx.msk [tilespmem:v7+s6+$0x0], $0xffff  }
0x1ec: {  	v48 =	vld.idx.msk [tilespmem:v8+s6+$0x0], $0xffff  }
0x1ed: {  	v49 =	vld.idx.msk [tilespmem:v9+s6+$0x0], $0xffff  }
0x1ee: {  	v50 =	vld.idx.msk [tilespmem:v10+s6+$0x0], $0xffff  }
0x1ef: {  	v51 =	vld.idx.msk [tilespmem:v11+s6+$0x0], $0xffff  }
0x1f0: {  	v52 =	vld.idx.msk [tilespmem:v12+s6+$0x0], $0xffff  }
0x1f1: {  	v53 =	vld.idx.msk [tilespmem:v13+s6+$0x0], $0xffff  }
0x1f2: {  	v54 =	vld.idx.msk [tilespmem:v14+s6+$0x0], $0xffff  }
0x1f3: {  	v55 =	vld.idx.msk [tilespmem:v15+s6+$0x0], $0xffff;
	_ =	sdelay $0x1  }
0x1f4: {  	v16 =	vadd.f32 v17, v16;
	v17 =	vadd.f32 v43, v42  }
0x1f5: {  	v56 =	vadd.f32 v45, v44;
	v57 =	vadd.f32 v47, v46  }
0x1f6: {  	v58 =	vadd.f32 v49, v48;
	v59 =	vadd.f32 v51, v50  }
0x1f7: {  	v60 =	vadd.f32 v53, v52;
	v61 =	vadd.f32 v55, v54  }
0x1f8: {  	v16 =	vadd.f32 v17, v16;
	v17 =	vadd.f32 v57, v56  }
0x1f9: {  	v62 =	vadd.f32 v59, v58;
	v63 =	vadd.f32 v61, v60  }
0x1fa: {  	p1 =	sne.s32 s14, $0x4FC0  }
.Ltmp1:
0x1fb: {  	v16 =	vadd.f32 v17, v16;
	v17 =	vadd.f32 v63, v62;
	(pc) =	sbr.rel @p1 .LBB2_5-.Ltmp1, $3  }
0x1fc: {  	_ = 	snop  }
0x1fd: {  	v16 =	vadd.f32 v17, v16;
	_ =	sdelay $0x1  }
0x1fe: {  	s14 =	sadd.s32 $0x1000, s14;
	[tilespmem:s17+$0x0] =	vst v16;
	s17 =	sadd.s32 $0x10, s17  }
0x1ff: {  	s19 =	sadd.s32 $0x1, s19  }
0x200: {  	p1 =	sne.s32 s19, $0x3E  }
.Ltmp2:
0x201: {  	_ = 	snop;
	(pc) =	sbr.rel @p1 .LBB2_2-.Ltmp2, $4  }
0x202: {  	s14 =	sadd.s32 s20, s10  }
0x203: {  	s14 =	sshrl.u32 s14, $0x3  }
0x204: {  	s14 =	sadd.s32 s2, s14  }
0x205: {  	[hbm4b:s14+s5] =	stream.linear.scatter [tilespmem:s13], [sflag:$0x7], $0x50, $0x38;
	[tilespmem:$0x18BE0] =	vst v63  }
0x206: {  	_ =	swait.ge [sflag:s30], $0x50  }
0x207: {  	[sflag:s30] =	ssyncset.done $0x0  }
0x208: {  	[sflag:s30] =	ssyncadd.s32 $0xFFFFFFB0  }
0x209: {  	_ =	swait.ge [sflag:s30], $0x50  }
0x20a: {  	[sflag:s30] =	ssyncset.done $0x0  }
0x20b: {  	[sflag:s30] =	ssyncadd.s32 $0xFFFFFFB0  }
0x20c: {  	_ =	swait.ge [sflag:s1], $0x1400  }
0x20d: {  	[sflag:s1] =	ssyncset.done $0x0  }
0x20e: {  	[sflag:s1] =	ssyncadd.s32 $0xFFFFEC00  }
0x20f: {  	_ =	swait.ge [sflag:s1], $0x1400  }
0x210: {  	[sflag:s1] =	ssyncset.done $0x0  }
0x211: {  	s19 =	simm.s32 $0x6;
	[sflag:s1] =	ssyncadd.s32 $0xFFFFEC00  }
0x212: {  	_ =	swait.ge [sflag:s19], $0x50  }
0x213: {  	[sflag:s19] =	ssyncset.done $0x0  }
0x214: {  	s14 =	simm.s32 $0xFC0;
	s17 =	simm.s32 $0x189C0;
	[sflag:s19] =	ssyncadd.s32 $0xFFFFFFB0  }
.LBB2_8:
0x215: {  	s18 =	sshra.s32 s14, $0x2  }
0x216: {  	v16 =	vld [tilespmem:s18+$0x135D0]  }
0x217: {  	v17 =	vld [tilespmem:s18+$0x135E0]  }
0x218: {  	v18 =	vld [tilespmem:s18+$0x135F0]  }
0x219: {  	v19 =	vld [tilespmem:s18+$0x13600]  }
0x21a: {  	v20 =	vld [tilespmem:s18+$0x15DD0]  }
0x21b: {  	v21 =	vld [tilespmem:s18+$0x15DE0]  }
0x21c: {  	v22 =	vld [tilespmem:s18+$0x15DF0]  }
0x21d: {  	v23 =	vld [tilespmem:s18+$0x15E00];
	_ =	sdelay $0x1  }
0x21e: {  	v24 =	vld [tilespmem:s18+$0x13610]  }
0x21f: {  	v25 =	vld [tilespmem:s18+$0x13620]  }
0x220: {  	v26 =	vld [tilespmem:s18+$0x13630];
	v16 =	vmul.bf16 v20, v16;
	v17 =	vmul.bf16 v21, v17  }
0x221: {  	v35 =	vld [tilespmem:s18+$0x13640];
	v18 =	vmul.bf16 v22, v18;
	v19 =	vmul.bf16 v23, v19  }
0x222: {  	v36 =	vld [tilespmem:s18+$0x15E10];
	v16 =	vadd.bf16 v17, v16  }
0x223: {  	v37 =	vld [tilespmem:s18+$0x15E30];
	v18 =	vadd.bf16 v19, v18  }
0x224: {  	v17 =	vld [tilespmem:s18+$0x15E20];
	v38 =	vunpack.i.u.bf16.f32 v16  }
0x225: {  	v39 =	vld [tilespmem:s18+$0x15E40];
	v16 =	vunpack.i.l.bf16.f32 v16;
	v27 =	vunpack.i.u.bf16.f32 v18;
	v18 =	vunpack.i.l.bf16.f32 v18  }
0x226: {  	v16 =	vadd.f32 v16, v38;
	v18 =	vadd.f32 v18, v27;
	_ =	sdelay $0x1  }
0x227: {  	v16 =	vadd.f32 v18, v16  }
0x228: {  	v40 =	vmul.bf16 v36, v24;
	v17 =	vmul.bf16 v17, v25  }
0x229: {  	v41 =	vmul.bf16 v39, v35;
	[tilespmem:$0x18A60] =	vst v16;
	v16 =	vmul.bf16 v37, v26  }
0x22a: {  	v17 =	vadd.bf16 v17, v40;
	v42 =	vld [tilespmem:s18+$0x13650]  }
0x22b: {  	v43 =	vld [tilespmem:s18+$0x13660];
	v16 =	vadd.bf16 v41, v16  }
0x22c: {  	v44 =	vld [tilespmem:s18+$0x13670];
	v45 =	vunpack.i.u.bf16.f32 v17  }
0x22d: {  	v46 =	vld [tilespmem:s18+$0x13680];
	v17 =	vunpack.i.l.bf16.f32 v17;
	v47 =	vunpack.i.u.bf16.f32 v16;
	v16 =	vunpack.i.l.bf16.f32 v16  }
0x22e: {  	v48 =	vld [tilespmem:s18+$0x15E50];
	v17 =	vadd.f32 v17, v45;
	v16 =	vadd.f32 v16, v47  }
0x22f: {  	v49 =	vld [tilespmem:s18+$0x15E60]  }
0x230: {  	v50 =	vld [tilespmem:s18+$0x15E70];
	v16 =	vadd.f32 v16, v17  }
0x231: {  	v17 =	vld [tilespmem:s18+$0x15E80]  }
0x232: {  	[tilespmem:$0x18A78] =	vst v16  }
0x233: {  	v16 =	vld [tilespmem:s18+$0x13690]  }
0x234: {  	v51 =	vld [tilespmem:s18+$0x136A0]  }
0x235: {  	v20 =	vmul.bf16 v48, v42;
	v18 =	vmul.bf16 v49, v43;
	v52 =	vld [tilespmem:s18+$0x136B0]  }
0x236: {  	v19 =	vmul.bf16 v50, v44;
	v53 =	vld [tilespmem:s18+$0x136C0];
	v17 =	vmul.bf16 v17, v46  }
0x237: {  	v18 =	vadd.bf16 v18, v20;
	v54 =	vld [tilespmem:s18+$0x15E90]  }
0x238: {  	v55 =	vld [tilespmem:s18+$0x15EA0];
	v17 =	vadd.bf16 v17, v19  }
0x239: {  	v56 =	vld [tilespmem:s18+$0x15EB0];
	v57 =	vunpack.i.u.bf16.f32 v18  }
0x23a: {  	v58 =	vld [tilespmem:s18+$0x15EC0];
	v18 =	vunpack.i.l.bf16.f32 v18;
	v59 =	vunpack.i.u.bf16.f32 v17;
	v17 =	vunpack.i.l.bf16.f32 v17  }
0x23b: {  	v18 =	vadd.f32 v18, v57;
	v17 =	vadd.f32 v17, v59;
	_ =	sdelay $0x1  }
0x23c: {  	v17 =	vadd.f32 v17, v18  }
0x23d: {  	v16 =	vmul.bf16 v54, v16;
	v60 =	vmul.bf16 v55, v51  }
0x23e: {  	v61 =	vmul.bf16 v58, v53;
	[tilespmem:$0x18A90] =	vst v17;
	v17 =	vmul.bf16 v56, v52  }
0x23f: {  	v16 =	vadd.bf16 v60, v16;
	v62 =	vld [tilespmem:s18+$0x136D0]  }
0x240: {  	v63 =	vld [tilespmem:s18+$0x136E0];
	v17 =	vadd.bf16 v61, v17  }
0x241: {  	v29 =	vunpack.i.u.bf16.f32 v16;
	v28 =	vld [tilespmem:s18+$0x136F0]  }
0x242: {  	v16 =	vunpack.i.l.bf16.f32 v16;
	v30 =	vld [tilespmem:s18+$0x13700];
	v31 =	vunpack.i.u.bf16.f32 v17;
	v17 =	vunpack.i.l.bf16.f32 v17  }
0x243: {  	v16 =	vadd.f32 v16, v29;
	v32 =	vld [tilespmem:s18+$0x15ED0];
	v17 =	vadd.f32 v17, v31  }
0x244: {  	v33 =	vld [tilespmem:s18+$0x15EE0]  }
0x245: {  	v34 =	vld [tilespmem:s18+$0x15EF0];
	v16 =	vadd.f32 v17, v16  }
0x246: {  	v17 =	vld [tilespmem:s18+$0x15F00]  }
0x247: {  	[tilespmem:$0x18AA8] =	vst v16  }
0x248: {  	v16 =	vld [tilespmem:s18+$0x13710]  }
0x249: {  	v35 =	vld [tilespmem:s18+$0x13720]  }
0x24a: {  	v20 =	vmul.bf16 v32, v62;
	v18 =	vmul.bf16 v33, v63;
	v36 =	vld [tilespmem:s18+$0x13730]  }
0x24b: {  	v19 =	vmul.bf16 v34, v28;
	v37 =	vld [tilespmem:s18+$0x13740];
	v17 =	vmul.bf16 v17, v30  }
0x24c: {  	v18 =	vadd.bf16 v18, v20;
	v38 =	vld [tilespmem:s18+$0x15F10]  }
0x24d: {  	v39 =	vld [tilespmem:s18+$0x15F20];
	v17 =	vadd.bf16 v17, v19  }
0x24e: {  	v40 =	vld [tilespmem:s18+$0x15F30];
	v41 =	vunpack.i.u.bf16.f32 v18  }
0x24f: {  	v42 =	vld [tilespmem:s18+$0x15F40];
	v18 =	vunpack.i.l.bf16.f32 v18;
	v43 =	vunpack.i.u.bf16.f32 v17;
	v17 =	vunpack.i.l.bf16.f32 v17  }
0x250: {  	v18 =	vadd.f32 v18, v41;
	v17 =	vadd.f32 v17, v43;
	_ =	sdelay $0x1  }
0x251: {  	v17 =	vadd.f32 v17, v18  }
0x252: {  	v16 =	vmul.bf16 v38, v16;
	v44 =	vmul.bf16 v39, v35  }
0x253: {  	v45 =	vmul.bf16 v42, v37;
	[tilespmem:$0x18AC0] =	vst v17;
	v17 =	vmul.bf16 v40, v36  }
0x254: {  	v16 =	vadd.bf16 v44, v16;
	v46 =	vld [tilespmem:s18+$0x13750]  }
0x255: {  	v47 =	vld [tilespmem:s18+$0x13760];
	v17 =	vadd.bf16 v45, v17  }
0x256: {  	v49 =	vunpack.i.u.bf16.f32 v16;
	v48 =	vld [tilespmem:s18+$0x13770]  }
0x257: {  	v16 =	vunpack.i.l.bf16.f32 v16;
	v50 =	vld [tilespmem:s18+$0x13780];
	v51 =	vunpack.i.u.bf16.f32 v17;
	v17 =	vunpack.i.l.bf16.f32 v17  }
0x258: {  	v16 =	vadd.f32 v16, v49;
	v52 =	vld [tilespmem:s18+$0x15F50];
	v17 =	vadd.f32 v17, v51  }
0x259: {  	v53 =	vld [tilespmem:s18+$0x15F60]  }
0x25a: {  	v54 =	vld [tilespmem:s18+$0x15F70];
	v16 =	vadd.f32 v17, v16  }
0x25b: {  	v17 =	vld [tilespmem:s18+$0x15F80]  }
0x25c: {  	[tilespmem:$0x18AD8] =	vst v16  }
0x25d: {  	v16 =	vld [tilespmem:s18+$0x13790]  }
0x25e: {  	v55 =	vld [tilespmem:s18+$0x137A0]  }
0x25f: {  	v20 =	vmul.bf16 v52, v46;
	v18 =	vmul.bf16 v53, v47;
	v56 =	vld [tilespmem:s18+$0x137B0]  }
0x260: {  	v19 =	vmul.bf16 v54, v48;
	v57 =	vld [tilespmem:s18+$0x137C0];
	v17 =	vmul.bf16 v17, v50  }
0x261: {  	v18 =	vadd.bf16 v18, v20;
	v58 =	vld [tilespmem:s18+$0x15F90]  }
0x262: {  	v59 =	vld [tilespmem:s18+$0x15FA0];
	v17 =	vadd.bf16 v17, v19  }
0x263: {  	v60 =	vld [tilespmem:s18+$0x15FB0];
	v61 =	vunpack.i.u.bf16.f32 v18  }
0x264: {  	v62 =	vld [tilespmem:s18+$0x15FC0];
	v18 =	vunpack.i.l.bf16.f32 v18;
	v63 =	vunpack.i.u.bf16.f32 v17;
	v17 =	vunpack.i.l.bf16.f32 v17  }
0x265: {  	v18 =	vadd.f32 v18, v61;
	v17 =	vadd.f32 v17, v63;
	_ =	sdelay $0x1  }
0x266: {  	v17 =	vadd.f32 v17, v18  }
0x267: {  	v16 =	vmul.bf16 v58, v16;
	v27 =	vmul.bf16 v59, v55  }
0x268: {  	v28 =	vmul.bf16 v62, v57;
	[tilespmem:$0x18AF0] =	vst v17;
	v17 =	vmul.bf16 v60, v56  }
0x269: {  	v16 =	vadd.bf16 v27, v16;
	v29 =	vld [tilespmem:s18+$0x137D0]  }
0x26a: {  	v30 =	vld [tilespmem:s18+$0x137E0];
	v17 =	vadd.bf16 v28, v17  }
0x26b: {  	v32 =	vunpack.i.u.bf16.f32 v16;
	v31 =	vld [tilespmem:s18+$0x137F0]  }
0x26c: {  	v16 =	vunpack.i.l.bf16.f32 v16;
	v33 =	vld [tilespmem:s18+$0x13800];
	v34 =	vunpack.i.u.bf16.f32 v17;
	v17 =	vunpack.i.l.bf16.f32 v17  }
0x26d: {  	v16 =	vadd.f32 v16, v32;
	v35 =	vld [tilespmem:s18+$0x15FD0];
	v17 =	vadd.f32 v17, v34  }
0x26e: {  	v36 =	vld [tilespmem:s18+$0x15FE0]  }
0x26f: {  	v37 =	vld [tilespmem:s18+$0x15FF0];
	v16 =	vadd.f32 v17, v16  }
0x270: {  	v17 =	vld [tilespmem:s18+$0x16000]  }
0x271: {  	[tilespmem:$0x18B08] =	vst v16  }
0x272: {  	v16 =	vld [tilespmem:s18+$0x13810]  }
0x273: {  	v38 =	vld [tilespmem:s18+$0x13820]  }
0x274: {  	v20 =	vmul.bf16 v35, v29;
	v18 =	vmul.bf16 v36, v30;
	v39 =	vld [tilespmem:s18+$0x13830]  }
0x275: {  	v19 =	vmul.bf16 v37, v31;
	v40 =	vld [tilespmem:s18+$0x13840];
	v17 =	vmul.bf16 v17, v33  }
0x276: {  	v18 =	vadd.bf16 v18, v20;
	v41 =	vld [tilespmem:s18+$0x16010]  }
0x277: {  	v42 =	vld [tilespmem:s18+$0x16020];
	v17 =	vadd.bf16 v17, v19  }
0x278: {  	v43 =	vld [tilespmem:s18+$0x16030];
	v44 =	vunpack.i.u.bf16.f32 v18  }
0x279: {  	v45 =	vld [tilespmem:s18+$0x16040];
	v18 =	vunpack.i.l.bf16.f32 v18;
	v46 =	vunpack.i.u.bf16.f32 v17;
	v17 =	vunpack.i.l.bf16.f32 v17  }
0x27a: {  	v18 =	vadd.f32 v18, v44;
	v17 =	vadd.f32 v17, v46;
	_ =	sdelay $0x1  }
0x27b: {  	v17 =	vadd.f32 v17, v18  }
0x27c: {  	v16 =	vmul.bf16 v41, v16;
	v47 =	vmul.bf16 v42, v38  }
0x27d: {  	v48 =	vmul.bf16 v45, v40;
	[tilespmem:$0x18B20] =	vst v17;
	v17 =	vmul.bf16 v43, v39  }
0x27e: {  	v16 =	vadd.bf16 v47, v16;
	v49 =	vld [tilespmem:s18+$0x13850]  }
0x27f: {  	v50 =	vld [tilespmem:s18+$0x13860];
	v17 =	vadd.bf16 v48, v17  }
0x280: {  	v52 =	vunpack.i.u.bf16.f32 v16;
	v51 =	vld [tilespmem:s18+$0x13870]  }
0x281: {  	v16 =	vunpack.i.l.bf16.f32 v16;
	v53 =	vld [tilespmem:s18+$0x13880];
	v54 =	vunpack.i.u.bf16.f32 v17;
	v17 =	vunpack.i.l.bf16.f32 v17  }
0x282: {  	v16 =	vadd.f32 v16, v52;
	v55 =	vld [tilespmem:s18+$0x16050];
	v17 =	vadd.f32 v17, v54  }
0x283: {  	v56 =	vld [tilespmem:s18+$0x16060]  }
0x284: {  	v57 =	vld [tilespmem:s18+$0x16070];
	v16 =	vadd.f32 v17, v16  }
0x285: {  	v17 =	vld [tilespmem:s18+$0x16080]  }
0x286: {  	[tilespmem:$0x18B38] =	vst v16  }
0x287: {  	v16 =	vld [tilespmem:s18+$0x13890]  }
0x288: {  	v58 =	vld [tilespmem:s18+$0x138A0]  }
0x289: {  	v20 =	vmul.bf16 v55, v49;
	v18 =	vmul.bf16 v56, v50;
	v59 =	vld [tilespmem:s18+$0x138B0]  }
0x28a: {  	v19 =	vmul.bf16 v57, v51;
	v60 =	vld [tilespmem:s18+$0x138C0];
	v17 =	vmul.bf16 v17, v53  }
0x28b: {  	v18 =	vadd.bf16 v18, v20;
	v61 =	vld [tilespmem:s18+$0x16090]  }
0x28c: {  	v62 =	vld [tilespmem:s18+$0x160A0];
	v17 =	vadd.bf16 v17, v19  }
0x28d: {  	v63 =	vld [tilespmem:s18+$0x160B0];
	v30 =	vunpack.i.u.bf16.f32 v18  }
0x28e: {  	v31 =	vld [tilespmem:s18+$0x160C0];
	v18 =	vunpack.i.l.bf16.f32 v18;
	v32 =	vunpack.i.u.bf16.f32 v17;
	v17 =	vunpack.i.l.bf16.f32 v17  }
0x28f: {  	v18 =	vadd.f32 v18, v30;
	v17 =	vadd.f32 v17, v32;
	_ =	sdelay $0x1  }
0x290: {  	v17 =	vadd.f32 v17, v18  }
0x291: {  	v16 =	vmul.bf16 v61, v16;
	v33 =	vmul.bf16 v62, v58  }
0x292: {  	v34 =	vmul.bf16 v31, v60;
	[tilespmem:$0x18B50] =	vst v17;
	v17 =	vmul.bf16 v63, v59  }
0x293: {  	v16 =	vadd.bf16 v33, v16;
	v35 =	vld [tilespmem:s18+$0x138D0]  }
0x294: {  	v36 =	vld [tilespmem:s18+$0x138E0];
	v17 =	vadd.bf16 v34, v17  }
0x295: {  	v38 =	vunpack.i.u.bf16.f32 v16;
	v37 =	vld [tilespmem:s18+$0x138F0]  }
0x296: {  	v16 =	vunpack.i.l.bf16.f32 v16;
	v39 =	vld [tilespmem:s18+$0x13900];
	v40 =	vunpack.i.u.bf16.f32 v17;
	v17 =	vunpack.i.l.bf16.f32 v17  }
0x297: {  	v16 =	vadd.f32 v16, v38;
	v41 =	vld [tilespmem:s18+$0x160D0];
	v17 =	vadd.f32 v17, v40  }
0x298: {  	v42 =	vld [tilespmem:s18+$0x160E0]  }
0x299: {  	v43 =	vld [tilespmem:s18+$0x160F0];
	v16 =	vadd.f32 v17, v16  }
0x29a: {  	v17 =	vld [tilespmem:s18+$0x16100]  }
0x29b: {  	[tilespmem:$0x18B68] =	vst v16  }
0x29c: {  	v16 =	vld [tilespmem:s18+$0x13910]  }
0x29d: {  	v44 =	vld [tilespmem:s18+$0x13920]  }
0x29e: {  	v20 =	vmul.bf16 v41, v35;
	v18 =	vmul.bf16 v42, v36;
	v45 =	vld [tilespmem:s18+$0x13930]  }
0x29f: {  	v19 =	vmul.bf16 v43, v37;
	v46 =	vld [tilespmem:s18+$0x13940];
	v17 =	vmul.bf16 v17, v39  }
0x2a0: {  	v18 =	vadd.bf16 v18, v20;
	v47 =	vld [tilespmem:s18+$0x16110]  }
0x2a1: {  	v48 =	vld [tilespmem:s18+$0x16120];
	v17 =	vadd.bf16 v17, v19  }
0x2a2: {  	v49 =	vld [tilespmem:s18+$0x16130];
	v50 =	vunpack.i.u.bf16.f32 v18  }
0x2a3: {  	v51 =	vld [tilespmem:s18+$0x16140];
	v18 =	vunpack.i.l.bf16.f32 v18;
	v52 =	vunpack.i.u.bf16.f32 v17;
	v17 =	vunpack.i.l.bf16.f32 v17  }
0x2a4: {  	v18 =	vadd.f32 v18, v50;
	v17 =	vadd.f32 v17, v52;
	_ =	sdelay $0x1  }
0x2a5: {  	v17 =	vadd.f32 v17, v18  }
0x2a6: {  	v16 =	vmul.bf16 v47, v16;
	v53 =	vmul.bf16 v48, v44  }
0x2a7: {  	v54 =	vmul.bf16 v51, v46;
	[tilespmem:$0x18B80] =	vst v17;
	v17 =	vmul.bf16 v49, v45  }
0x2a8: {  	v16 =	vadd.bf16 v53, v16  }
0x2a9: {  	v55 =	vld [tilespmem:s18+$0x13950];
	v17 =	vadd.bf16 v54, v17  }
0x2aa: {  	v58 =	vunpack.i.u.bf16.f32 v16;
	v56 =	vld [tilespmem:s18+$0x13960]  }
0x2ab: {  	v16 =	vunpack.i.l.bf16.f32 v16;
	v57 =	vld [tilespmem:s18+$0x13970];
	v60 =	vunpack.i.u.bf16.f32 v17;
	v17 =	vunpack.i.l.bf16.f32 v17  }
0x2ac: {  	v16 =	vadd.f32 v16, v58;
	v59 =	vld [tilespmem:s18+$0x13980];
	v17 =	vadd.f32 v17, v60  }
0x2ad: {  	v61 =	vld [tilespmem:s18+$0x16150]  }
0x2ae: {  	v62 =	vld [tilespmem:s18+$0x16160];
	v16 =	vadd.f32 v17, v16  }
0x2af: {  	v63 =	vld [tilespmem:s18+$0x16170]  }
0x2b0: {  	v17 =	vld [tilespmem:s18+$0x16180];
	[tilespmem:$0x18B98] =	vst v16  }
0x2b1: {  	v16 =	vld [tilespmem:s18+$0x13990]  }
0x2b2: {  	v33 =	vld [tilespmem:s18+$0x139A0]  }
0x2b3: {  	v34 =	vld [tilespmem:s18+$0x139B0]  }
0x2b4: {  	v35 =	vld [tilespmem:s18+$0x139C0]  }
0x2b5: {  	v28 =	vld [tilespmem:s18+$0x16190]  }
0x2b6: {  	v29 =	vld [tilespmem:s18+$0x161A0]  }
0x2b7: {  	v30 =	vld [tilespmem:s18+$0x161B0]  }
0x2b8: {  	v31 =	vld [tilespmem:s18+$0x161C0];
	_ =	sdelay $0x1  }
0x2b9: {  	v20 =	vmul.bf16 v61, v55;
	v18 =	vmul.bf16 v62, v56  }
0x2ba: {  	v19 =	vmul.bf16 v63, v57;
	v17 =	vmul.bf16 v17, v59  }
0x2bb: {  	v18 =	vadd.bf16 v18, v20;
	v16 =	vmul.bf16 v28, v16;
	v36 =	vmul.bf16 v29, v33  }
0x2bc: {  	v17 =	vadd.bf16 v17, v19;
	v37 =	vmul.bf16 v30, v34;
	v38 =	vmul.bf16 v31, v35  }
0x2bd: {  	v39 =	vunpack.i.u.bf16.f32 v18;
	v18 =	vunpack.i.l.bf16.f32 v18;
	v16 =	vadd.bf16 v36, v16  }
0x2be: {  	v40 =	vunpack.i.u.bf16.f32 v17;
	v17 =	vunpack.i.l.bf16.f32 v17;
	v19 =	vadd.bf16 v38, v37  }
0x2bf: {  	v18 =	vadd.f32 v18, v39;
	v17 =	vadd.f32 v17, v40;
	v41 =	vunpack.i.u.bf16.f32 v16  }
0x2c0: {  	v16 =	vunpack.i.l.bf16.f32 v16;
	v21 =	vunpack.i.u.bf16.f32 v19;
	v19 =	vunpack.i.l.bf16.f32 v19  }
0x2c1: {  	v16 =	vadd.f32 v16, v41;
	v19 =	vadd.f32 v19, v21  }
0x2c2: {  	v17 =	vadd.f32 v17, v18  }
0x2c3: {  	v16 =	vadd.f32 v19, v16  }
0x2c4: {  	[tilespmem:$0x18BB0] =	vst v17  }
0x2c5: {  	[tilespmem:$0x18BC8] =	vst v16  }
0x2c6: {  	v16 =	vld.idx.msk [tilespmem:v0+s6+$0x0], $0xffff  }
0x2c7: {  	v17 =	vld.idx.msk [tilespmem:v1+s6+$0x0], $0xffff  }
0x2c8: {  	v42 =	vld.idx.msk [tilespmem:v2+s6+$0x0], $0xffff  }
0x2c9: {  	v43 =	vld.idx.msk [tilespmem:v3+s6+$0x0], $0xffff  }
0x2ca: {  	v44 =	vld.idx.msk [tilespmem:v4+s6+$0x0], $0xffff  }
0x2cb: {  	v45 =	vld.idx.msk [tilespmem:v5+s6+$0x0], $0xffff  }
0x2cc: {  	v46 =	vld.idx.msk [tilespmem:v6+s6+$0x0], $0xffff  }
0x2cd: {  	v47 =	vld.idx.msk [tilespmem:v7+s6+$0x0], $0xffff  }
0x2ce: {  	v48 =	vld.idx.msk [tilespmem:v8+s6+$0x0], $0xffff  }
0x2cf: {  	v49 =	vld.idx.msk [tilespmem:v9+s6+$0x0], $0xffff  }
0x2d0: {  	v50 =	vld.idx.msk [tilespmem:v10+s6+$0x0], $0xffff  }
0x2d1: {  	v51 =	vld.idx.msk [tilespmem:v11+s6+$0x0], $0xffff  }
0x2d2: {  	v52 =	vld.idx.msk [tilespmem:v12+s6+$0x0], $0xffff  }
0x2d3: {  	v53 =	vld.idx.msk [tilespmem:v13+s6+$0x0], $0xffff  }
0x2d4: {  	v54 =	vld.idx.msk [tilespmem:v14+s6+$0x0], $0xffff  }
0x2d5: {  	v55 =	vld.idx.msk [tilespmem:v15+s6+$0x0], $0xffff;
	_ =	sdelay $0x1  }
0x2d6: {  	v16 =	vadd.f32 v17, v16;
	v17 =	vadd.f32 v43, v42  }
0x2d7: {  	v56 =	vadd.f32 v45, v44;
	v57 =	vadd.f32 v47, v46  }
0x2d8: {  	v58 =	vadd.f32 v49, v48;
	v59 =	vadd.f32 v51, v50  }
0x2d9: {  	v60 =	vadd.f32 v53, v52;
	v61 =	vadd.f32 v55, v54  }
0x2da: {  	v16 =	vadd.f32 v17, v16;
	v17 =	vadd.f32 v57, v56  }
0x2db: {  	v62 =	vadd.f32 v59, v58;
	v63 =	vadd.f32 v61, v60  }
0x2dc: {  	p1 =	sne.s32 s14, $0x4FC0  }
.Ltmp3:
0x2dd: {  	v16 =	vadd.f32 v17, v16;
	v17 =	vadd.f32 v63, v62;
	(pc) =	sbr.rel @p1 .LBB2_8-.Ltmp3, $3  }
0x2de: {  	_ = 	snop  }
0x2df: {  	v16 =	vadd.f32 v17, v16;
	_ =	sdelay $0x1  }
0x2e0: {  	s14 =	sadd.s32 $0x1000, s14;
	[tilespmem:s17+$0x0] =	vst v16;
	s17 =	sadd.s32 $0x10, s17  }
0x2e1: {  	s14 =	rddreg [dreg:$0xa];
	s20 =	simm.s32 $0x7  }
0x2e2: {  	[hbm4b:s14+s5] =	stream.linear.scatter [tilespmem:s11], [sflag:$0x6], $0x50, $0x38;
	[tilespmem:$0x18BE0] =	vst v63  }
0x2e3: {  	_ =	swait.ge [sflag:s20], $0x50  }
0x2e4: {  	[sflag:s20] =	ssyncset.done $0x0  }
0x2e5: {  	[sflag:s20] =	ssyncadd.s32 $0xFFFFFFB0  }
0x2e6: {  	_ =	swait.ge [sflag:s19], $0x50  }
0x2e7: {  	s17 =	rddreg [dreg:$0xe]  }
0x2e8: {  	s31 =	rddreg [dreg:$0xb];
	s17 =	sadd.s32 $0x1, s17  }
0x2e9: {  	p1 =	sne.s32 s17, s31  }
.Ltmp4:
0x2ea: {  	_ = 	snop;
	(pc) =	sbr.rel @p1 .LBB2_1-.Ltmp4, $3  }
0x2eb: {  	_ =	sdelay $0x1  }
0x2ec: {  	[sflag:s19] =	ssyncset.done $0x0  }
0x2ed: {  	[sflag:s19] =	ssyncadd.s32 $0xFFFFFFB0  }
0x2ee: {  	_ =	sfence.sel $0x180000  }
0x2ef: {  	[bflag:$0x0] =	sbarrier.arrive $0xFFFF  }
0x2f0: {  	_ =	strace $0x90000047  }
0x2f1: {  	[bflag:$0x2] =	sbarrier.arrive $0xFFFF  }
0x2f2: {  	s0 =	rddreg [dreg:$0x4]  }
0x2f3: {  	s0 =	sadd.s32 @!p0 $0x100000, s0  }
0x2f4: {  	[sflag:s0] =	ssyncadd.tile.s32 @!p0 $0x1;
	_ =	shalt  }
.Lfunc_end2:
_tile_overlayer_lowered:
.L_overlay_start_2:
0x2f5: {  	(tag) =	ssettag $0x2  }
0x2f6: {  	s0 =	rddreg [dreg:$0x0];
	s2 =	stileid.u32  }
0x2f7: {  	s1 =	rddreg [dreg:$0x1];
	p0 =	sne.s32 s2, $0x0  }
0x2f8: {  	s3 =	rddreg [dreg:$0x2];
	[bflag:$0x3] =	sbarrier.arrive $0xFFFF;
	s2 =	simm.s32 @!p0 $0x1C08  }
0x2f9: {  	[timem:s3], [sflag:s2] =	dma.local @!p0 [hbm:s0], s1  }
0x2fa: {  	s0 =	simm.s32 @!p0 $0x8  }
0x2fb: {  	_ =	swait.ge @!p0 [sflag:s0], s1  }
0x2fc: {  	s1 =	ssub.s32 @!p0 $0x0, s1;
	[sflag:s0] =	ssyncset.done @!p0 $0x0  }
0x2fd: {  	[sflag:s0] =	ssyncadd.s32 @!p0 s1  }
0x2fe: {  	[bflag:$0x3] =	sbarrier.arrive $0xFFFF  }
0x2ff: {  	_ =	shalt  }

</sc_bundles>
